<compile_context>
chip_gen: v7x
topology: tpu7x:2x2x1
jax: 0.10.2.dev20260603
libtpu: 0.0.44.dev20260713+nightly
codegen_flags: <defaults>
</compile_context>

<pallas_src>
import functools

import jax
import jax.numpy as jnp
from jax import lax
from jax.experimental import pallas as pl
from jax.experimental.pallas import tpu as pltpu
from jax.experimental.pallas import tpu_sc as plsc

N_DEV = 50000
N_CHAN = 512
E = 800000
EMB = 16
CARDS = [50, 4, 30, 200, 300, 500, 100]
PAD8 = [56, 8, 32, 200, 304, 504, 104]
OFF8 = [0, 56, 64, 96, 296, 600, 1104]
KTOT = 1280

NC, NS = 2, 16
NW = NC * NS

CE = 128
NCHE = E // CE
CPW = NCHE // NW
CREM = NCHE - CPW * NW

CNT_COL = 48

_MESH = plsc.VectorSubcoreMesh(core_axis_name="c", subcore_axis_name="s")


@functools.partial(
    pl.kernel,
    out_type=(
        jax.ShapeDtypeStruct((NC, N_CHAN, 128), jnp.float32),
        jax.ShapeDtypeStruct((E // 2, 128), jnp.float32),
    ),
    mesh=_MESH,
    scratch_types=[
        pltpu.VMEM((4 * CE,), jnp.int32),
        pltpu.VMEM((4, CE), jnp.int32),
        pltpu.VMEM((4, CE, 128), jnp.float32),
        pltpu.VMEM((4, CE // 2, 128), jnp.float32),
        pltpu.VMEM_SHARED((N_CHAN, 128), jnp.float32),
        pltpu.SemaphoreType.DMA,
        pltpu.SemaphoreType.DMA,
        pltpu.SemaphoreType.DMA,
    ],
)
def _sc_edges(di_ref, ci_ref, g_ref, zeros_ref, acc_ref, out_ref,
              di_v, ci_v, rows_v, w_v, acc_sh, gsem, ssem, osem):
    cidx = lax.axis_index("c")
    sid = lax.axis_index("s")
    wid = sid * NC + cidx

    @pl.when(sid == 0)
    def _():
        pltpu.sync_copy(zeros_ref, acc_sh)

    plsc.subcore_barrier()

    start = wid * CPW + jnp.minimum(wid, CREM)
    nchunks = CPW + jnp.where(wid < CREM, 1, 0)
    nfull = nchunks // 4

    def pack_chunk(j):
        def prow(p, c):
            for half in range(2):
                for cg in range(4):
                    w_v[j, p, pl.ds(64 * half + 16 * cg, 16)] = (
                        rows_v[j, 2 * p + half, pl.ds(64 + 16 * cg, 16)])
            return c
        lax.fori_loop(0, CE // 2, prow, 0)

    def full_iter(m, carry):
        cb = start + 4 * m
        base_e = cb * CE
        pltpu.sync_copy(di_ref.at[pl.ds(base_e, 4 * CE)], di_v)
        gcps = [
            pltpu.async_copy(
                g_ref.at[di_v.at[pl.ds(j * CE, CE)]], rows_v.at[j], gsem)
            for j in range(4)
        ]
        for j in range(4):
            pltpu.sync_copy(ci_ref.at[pl.ds(base_e + j * CE, CE)],
                            ci_v.at[j])
        scps = []
        ocps = []
        for j in range(4):
            gcps[j].wait()
            scps.append(pltpu.async_copy(
                rows_v.at[j], acc_sh.at[ci_v.at[j]], ssem, add=True))
            pack_chunk(j)
            ob = pl.multiple_of((cb + j) * (CE // 2), 8)
            ocps.append(pltpu.async_copy(
                w_v.at[j], out_ref.at[pl.ds(ob, CE // 2)], osem))
        for cp in scps:
            cp.wait()
        for cp in ocps:
            cp.wait()
        return carry

    lax.fori_loop(0, nfull, full_iter, 0)

    rem = nchunks - 4 * nfull
    for j in range(3):
        @pl.when(j < rem)
        def _():
            c = start + 4 * nfull + j
            base_e = c * CE
            pltpu.sync_copy(di_ref.at[pl.ds(base_e, CE)],
                            di_v.at[pl.ds(0, CE)])
            pltpu.async_copy(
                g_ref.at[di_v.at[pl.ds(0, CE)]], rows_v.at[0], gsem).wait()
            pltpu.sync_copy(ci_ref.at[pl.ds(base_e, CE)], ci_v.at[0])
            scp = pltpu.async_copy(
                rows_v.at[0], acc_sh.at[ci_v.at[0]], ssem, add=True)
            pack_chunk(0)
            ob = pl.multiple_of(c * (CE // 2), 8)
            pltpu.async_copy(
                w_v.at[0], out_ref.at[pl.ds(ob, CE // 2)], osem).wait()
            scp.wait()

    plsc.subcore_barrier()

    @pl.when(sid == 0)
    def _():
        pltpu.sync_copy(acc_sh, acc_ref.at[cidx])


def _tc0_body(emb_ref, wmp_ref, wd1_ref, wf1b_ref, tmp2_ref, td1_ref):
    zpad = jnp.zeros((KTOT - OFF8[-1] - PAD8[-1], 128), jnp.float32)

    def fold(w_ref):
        pieces = []
        for j in range(7):
            pieces.append(jnp.dot(
                emb_ref[pl.ds(OFF8[j], PAD8[j]), :],
                w_ref[pl.ds(16 * j, 16), :],
                preferred_element_type=jnp.float32))
        pieces.append(zpad)
        return jnp.concatenate(pieces, axis=0)

    tmp = fold(wmp_ref)
    tmp2_ref[...] = jnp.dot(tmp, wf1b_ref[...],
                            preferred_element_type=jnp.float32)
    td1_ref[...] = fold(wd1_ref)


def _tc1_body(cat_ref, cont_ref, tmp2_ref, td1_ref, wmp0f_ref, wd10_ref,
              bd1_ref, wd2_ref, bd2_ref, wc1d_ref, g_ref):
    cat = cat_ref[...]
    cont = cont_ref[...]
    lanes = lax.broadcasted_iota(jnp.int32, (cat.shape[0], KTOT), 1)
    hit = (lanes == cat[:, 0:1] + OFF8[0])
    for j in range(1, 7):
        hit = hit | (lanes == cat[:, j:j + 1] + OFF8[j])
    mh = hit.astype(jnp.bfloat16)
    p2 = jnp.dot(mh, tmp2_ref[...], preferred_element_type=jnp.float32)
    p2 = p2 + cont * wmp0f_ref[...]
    lane64 = lax.broadcasted_iota(jnp.int32, p2.shape, 1)
    p2 = jnp.where(lane64 == CNT_COL, 1.0, p2)
    h1 = jnp.dot(mh, td1_ref[...], preferred_element_type=jnp.float32)
    h1 = jnp.maximum(h1 + cont * wd10_ref[...] + bd1_ref[...], 0.0)
    h2 = jnp.maximum(
        jnp.dot(h1, wd2_ref[...], preferred_element_type=jnp.float32)
        + bd2_ref[...], 0.0)
    hc = jnp.dot(h2, wc1d_ref[...], preferred_element_type=jnp.float32)
    g_ref[:, 0:64] = p2
    g_ref[:, 64:128] = hc


def _tc2_body(part_ref, chin_ref, wcl_ref, bcl_ref, wf1a_ref, bf1t_ref,
              wc1a_ref, bc1_ref, fc_ref):
    s = part_ref[0] + part_ref[1]
    cnt = s[:, CNT_COL:CNT_COL + 1]
    inv = 1.0 / jnp.maximum(cnt, 1.0)
    hch = jnp.dot(chin_ref[...], wcl_ref[...],
                  preferred_element_type=jnp.float32) + bcl_ref[...]
    f = jnp.maximum(
        jnp.dot(hch, wf1a_ref[...], preferred_element_type=jnp.float32)
        + s[:, 0:64] * inv + bf1t_ref[...], 0.0)
    fc_ref[...] = jnp.dot(f, wc1a_ref[...],
                          preferred_element_type=jnp.float32) + bc1_ref[...]


def _tc3_body(x_ref, cie_ref, fc_ref, wc2_ref, bc2_ref, w3a_ref, w3b_ref,
              b3_ref, out_ref):
    x = x_ref[...]
    cie = cie_ref[...]
    lanes = lax.broadcasted_iota(jnp.int32, (x.shape[0], N_CHAN), 1)
    oe = jnp.where(lanes == cie[:, 0:1], 1.0, 0.0).astype(jnp.bfloat16)
    oo = jnp.where(lanes == cie[:, 1:2], 1.0, 0.0).astype(jnp.bfloat16)
    fc = fc_ref[...]
    fce = jnp.dot(oe, fc, preferred_element_type=jnp.float32)
    fco = jnp.dot(oo, fc, preferred_element_type=jnp.float32)
    se = jnp.maximum(x[:, 0:64] + fce, 0.0)
    so = jnp.maximum(x[:, 64:128] + fco, 0.0)
    wc2 = wc2_ref[...]
    bc2 = bc2_ref[...]
    h2e = jnp.maximum(
        jnp.dot(se, wc2, preferred_element_type=jnp.float32) + bc2, 0.0)
    h2o = jnp.maximum(
        jnp.dot(so, wc2, preferred_element_type=jnp.float32) + bc2, 0.0)
    out_ref[...] = (
        jnp.dot(h2e, w3a_ref[...], preferred_element_type=jnp.float32)
        + jnp.dot(h2o, w3b_ref[...], preferred_element_type=jnp.float32)
        + b3_ref[...])


def _pad2(a, r, c):
    return jnp.pad(a, ((0, r - a.shape[0]), (0, c - a.shape[1])))


def kernel(device_idx, channel_idx, device_cat, channel_id, device_cont,
           channel_cont, emb_lang, emb_plat, emb_os, emb_country,
           emb_carrier, emb_brand, emb_platos, emb_chan_id,
           W_cl1, b_cl1, W_mp1, b_mp1, W_f1, b_f1, W_d1, b_d1, W_d2, b_d2,
           W_c1, b_c1, W_c2, b_c2, W_c3, b_c3):
    f32 = jnp.float32
    di = device_idx.astype(jnp.int32)
    ci = channel_idx.astype(jnp.int32)

    tabs = [emb_lang, emb_plat, emb_os, emb_country, emb_carrier, emb_brand,
            emb_platos]
    emb_cat = jnp.concatenate(
        [_pad2(t.astype(f32), p, EMB) for t, p in zip(tabs, PAD8)],
        axis=0)
    emb_cat = _pad2(emb_cat, KTOT, EMB)
    wmp_r = _pad2(W_mp1[1:, :], 112, 128)
    wd1_r = _pad2(W_d1[1:, :], 112, 128)
    wf1b = _pad2(W_f1[14:, :], 128, 64)

    tmp2, td1 = pl.pallas_call(
        _tc0_body,
        out_shape=[
            jax.ShapeDtypeStruct((KTOT, 64), f32),
            jax.ShapeDtypeStruct((KTOT, 128), f32),
        ],
    )(emb_cat, wmp_r, wd1_r, wf1b)

    wmp0f = _pad2(W_mp1[0:1, :] @ W_f1[14:, :], 1, 64)
    wd10 = _pad2(W_d1[0:1, :], 1, 128)
    bd1 = _pad2(b_d1[None, :], 1, 128)
    wd2 = _pad2(W_d2, 128, 128)
    bd2 = _pad2(b_d2[None, :], 1, 128)
    wc1d = _pad2(W_c1[48:, :], 128, 64)
    B1 = 2000
    g1 = N_DEV // B1
    g_tab = pl.pallas_call(
        _tc1_body,
        grid=(g1,),
        in_specs=[
            pl.BlockSpec((B1, 7), lambda i: (i, 0)),
            pl.BlockSpec((B1, 1), lambda i: (i, 0)),
            pl.BlockSpec((KTOT, 64), lambda i: (0, 0)),
            pl.BlockSpec((KTOT, 128), lambda i: (0, 0)),
            pl.BlockSpec((1, 64), lambda i: (0, 0)),
            pl.BlockSpec((1, 128), lambda i: (0, 0)),
            pl.BlockSpec((1, 128), lambda i: (0, 0)),
            pl.BlockSpec((128, 128), lambda i: (0, 0)),
            pl.BlockSpec((1, 128), lambda i: (0, 0)),
            pl.BlockSpec((128, 64), lambda i: (0, 0)),
        ],
        out_specs=pl.BlockSpec((B1, 128), lambda i: (i, 0)),
        out_shape=jax.ShapeDtypeStruct((N_DEV, 128), f32),
    )(device_cat.astype(jnp.int32), device_cont.astype(f32),
      tmp2.astype(jnp.bfloat16), td1.astype(jnp.bfloat16),
      wmp0f, wd10, bd1, wd2, bd2, wc1d)

    zeros = jnp.zeros((N_CHAN, 128), f32)
    partial, packed = _sc_edges(di, ci, g_tab, zeros)

    chin = _pad2(jnp.concatenate(
        [channel_cont.astype(f32), emb_chan_id.astype(f32)], axis=1),
        N_CHAN, 32)
    wcl = _pad2(W_cl1, 32, 16)
    bcl = _pad2(b_cl1[None, :], 1, 16)
    wf1a = _pad2(W_f1[:14, :], 16, 64)
    bf1t = _pad2((b_f1 + b_mp1 @ W_f1[14:, :])[None, :], 1, 64)
    wc1a = _pad2(W_c1[:48, :], 64, 64)
    bc1 = _pad2(b_c1[None, :], 1, 64)
    fc_tab = pl.pallas_call(
        _tc2_body,
        out_shape=jax.ShapeDtypeStruct((N_CHAN, 64), f32),
    )(partial, chin, wcl, bcl, wf1a, bf1t, wc1a, bc1)

    cie = ci.reshape(E // 2, 2)
    wc2p = _pad2(W_c2, 64, 32)
    bc2p = _pad2(b_c2[None, :], 1, 32)
    w3p = _pad2(W_c3, 32, 8)
    w3a = w3p
    w3b = jnp.zeros((32, 8), f32).at[:, 1:2].set(w3p[:, 0:1])
    b3 = _pad2(jnp.broadcast_to(b_c3[None, :], (1, 2)), 1, 8)
    B3 = 2000
    g3 = (E // 2) // B3
    out = pl.pallas_call(
        _tc3_body,
        grid=(g3,),
        in_specs=[
            pl.BlockSpec((B3, 128), lambda i: (i, 0)),
            pl.BlockSpec((B3, 2), lambda i: (i, 0)),
            pl.BlockSpec((N_CHAN, 64), lambda i: (0, 0)),
            pl.BlockSpec((64, 32), lambda i: (0, 0)),
            pl.BlockSpec((1, 32), lambda i: (0, 0)),
            pl.BlockSpec((32, 8), lambda i: (0, 0)),
            pl.BlockSpec((32, 8), lambda i: (0, 0)),
            pl.BlockSpec((1, 8), lambda i: (0, 0)),
        ],
        out_specs=pl.BlockSpec((B3, 8), lambda i: (i, 0)),
        out_shape=jax.ShapeDtypeStruct((E // 2, 8), f32),
    )(packed, cie, fc_tab.astype(jnp.bfloat16), wc2p, bc2p, w3a, w3b, b3)
    return out[:, 0:2].reshape(E)

# --- scband reference (transcript-rebuilt; emitter-appended) ---
"""Pipeline reference for scband-bot-spot-28020366639117 (READ-ONLY COPY).

The authoritative reference and input builder live on the scoring server;
editing this copy changes nothing except your own understanding.
"""

import jax, jax.numpy as jnp
import numpy as np

N_DEV = 50000
N_CHAN = 512
E = 800000
EMB = 16
CARDS = [50, 4, 30, 200, 300, 500, 100]  # lang, plat, os, country, carrier, brand, plat_os
N_DEV_FEAT = EMB * 7 + 1           # 113
N_CHAN_FEAT = 8 + EMB              # 24
D1 = int(0.6 * N_DEV_FEAT)         # 67
D2 = int(0.75 * 0.6 * N_DEV_FEAT)  # 50
C1 = int(0.6 * N_CHAN_FEAT)        # 14
FIN = C1 + D1                      # 81
F1 = int(0.6 * FIN)                # 48
CIN = F1 + D2                      # 98
K1 = int(0.6 * CIN)                # 58
K2 = int(0.5 * 0.6 * CIN)          # 29

CAT_NAMES = ["emb_lang", "emb_plat", "emb_os", "emb_country", "emb_carrier", "emb_brand", "emb_platos"]
INT_KEYS = ["device_idx", "channel_idx", "device_cat", "channel_id"]


def _lin(key, fan_in, fan_out):
    k1, k2 = jax.random.split(key)
    lim = 1.0 / np.sqrt(fan_in)
    W = jax.random.uniform(k1, (fan_in, fan_out), jnp.float32, -lim, lim)
    b = jax.random.uniform(k2, (fan_out,), jnp.float32, -lim, lim)
    return W, b


def setup_inputs(seed=0) -> dict:
    key = jax.random.key(seed)
    ks = jax.random.split(key, 24)
    inp = {}
    inp["device_idx"] = jax.random.randint(ks[0], (E,), 0, N_DEV)
    inp["channel_idx"] = jax.random.randint(ks[1], (E,), 0, N_CHAN)
    cat_cols = [jax.random.randint(jax.random.fold_in(ks[2], j), (N_DEV,), 0, CARDS[j]) for j in range(7)]
    inp["device_cat"] = jnp.stack(cat_cols, axis=1)
    inp["channel_id"] = jnp.arange(N_CHAN)
    inp["device_cont"] = jax.random.normal(ks[3], (N_DEV, 1), jnp.float32)
    inp["channel_cont"] = jax.random.normal(ks[4], (N_CHAN, 8), jnp.float32)
    for j, nm in enumerate(CAT_NAMES):
        inp[nm] = jax.random.normal(ks[5 + j], (CARDS[j], EMB), jnp.float32) * 0.02
    inp["emb_chan_id"] = jax.random.normal(ks[12], (N_CHAN, EMB), jnp.float32) * 0.02
    inp["W_cl1"], inp["b_cl1"] = _lin(ks[13], N_CHAN_FEAT, C1)
    inp["W_mp1"], inp["b_mp1"] = _lin(ks[14], N_DEV_FEAT, D1)
    inp["W_f1"], inp["b_f1"] = _lin(ks[15], FIN, F1)
    inp["W_d1"], inp["b_d1"] = _lin(ks[16], N_DEV_FEAT, D1)
    inp["W_d2"], inp["b_d2"] = _lin(ks[17], D1, D2)
    inp["W_c1"], inp["b_c1"] = _lin(ks[18], CIN, K1)
    inp["W_c2"], inp["b_c2"] = _lin(ks[19], K1, K2)
    inp["W_c3"], inp["b_c3"] = _lin(ks[20], K2, 1)
    return inp


def _forward(device_idx, channel_idx, device_cat, channel_id, p):
    # to_emb: dense embeddings for all high-cardinality device features + continuous col
    dev_emb = jnp.concatenate([
        p["device_cont"],
        p["emb_lang"][device_cat[:, 0]],
        p["emb_plat"][device_cat[:, 1]],
        p["emb_os"][device_cat[:, 2]],
        p["emb_country"][device_cat[:, 3]],
        p["emb_carrier"][device_cat[:, 4]],
        p["emb_brand"][device_cat[:, 5]],
        p["emb_platos"][device_cat[:, 6]],
    ], axis=1)  # [N_DEV, 113]
    chan_emb = jnp.concatenate([p["channel_cont"], p["emb_chan_id"][channel_id]], axis=1)  # [N_CHAN, 24]
    # message passing: mean-aggregate device-neighbor features per channel node
    msgs = dev_emb[device_idx]  # [E, 113] gather
    agg = jax.ops.segment_sum(msgs, channel_idx, num_segments=N_CHAN)
    cnt = jax.ops.segment_sum(jnp.ones((E, 1), jnp.float32), channel_idx, num_segments=N_CHAN)
    agg = agg / jnp.maximum(cnt, 1.0)
    h_chan = chan_emb @ p["W_cl1"] + p["b_cl1"]          # [N_CHAN, 14]
    h_msg = agg @ p["W_mp1"] + p["b_mp1"]                # [N_CHAN, 67]
    fusion_in = jnp.concatenate([h_chan, h_msg], axis=1)[channel_idx]  # [E, 81] gather
    fusion = jax.nn.relu(fusion_in @ p["W_f1"] + p["b_f1"])  # [E, 48]; dropout is identity at eval
    h_dev = jax.nn.relu(msgs @ p["W_d1"] + p["b_d1"])        # [E, 67]
    h_dev = jax.nn.relu(h_dev @ p["W_d2"] + p["b_d2"])       # [E, 50]
    cat = jnp.concatenate([fusion, h_dev], axis=1)            # [E, 98]
    h = jax.nn.relu(cat @ p["W_c1"] + p["b_c1"])
    h = jax.nn.relu(h @ p["W_c2"] + p["b_c2"])
    logits = (h @ p["W_c3"] + p["b_c3"]).squeeze(-1)          # [E]
    return logits


def reference(device_idx, channel_idx, device_cat, channel_id,
              device_cont, channel_cont,
              emb_lang, emb_plat, emb_os, emb_country, emb_carrier, emb_brand, emb_platos,
              emb_chan_id,
              W_cl1, b_cl1, W_mp1, b_mp1, W_f1, b_f1,
              W_d1, b_d1, W_d2, b_d2,
              W_c1, b_c1, W_c2, b_c2, W_c3, b_c3):
    p = {
        "device_cont": device_cont,
        "channel_cont": channel_cont,
        "emb_lang": emb_lang,
        "emb_plat": emb_plat,
        "emb_os": emb_os,
        "emb_country": emb_country,
        "emb_carrier": emb_carrier,
        "emb_brand": emb_brand,
        "emb_platos": emb_platos,
        "emb_chan_id": emb_chan_id,
        "W_cl1": W_cl1, "b_cl1": b_cl1,
        "W_mp1": W_mp1, "b_mp1": b_mp1,
        "W_f1": W_f1, "b_f1": b_f1,
        "W_d1": W_d1, "b_d1": b_d1,
        "W_d2": W_d2, "b_d2": b_d2,
        "W_c1": W_c1, "b_c1": b_c1,
        "W_c2": W_c2, "b_c2": b_c2,
        "W_c3": W_c3, "b_c3": b_c3,
    }
    return _forward(device_idx, channel_idx, device_cat, channel_id, p)

if __name__ == "__main__":
    import jax
    _d = setup_inputs()
    print(jax.jit(kernel)(*tuple(_d.values())))

</pallas_src>

<mosaic_0001>
#map = affine_map<(d0, d1) -> (0)>
#map1 = affine_map<(d0, d1) -> (0, 0)>
#map2 = affine_map<(d0, d1) -> (0, 0, 0)>
module attributes {stable_mosaic.version = 14 : i64} {
  func.func @_sc_edges(%arg0: i32, %arg1: i32, %arg2: memref<800000xi32, #tpu.memory_space<hbm>>, %arg3: memref<800000xi32, #tpu.memory_space<hbm>>, %arg4: memref<50000x128xf32, #tpu.memory_space<hbm>>, %arg5: memref<512x128xf32, #tpu.memory_space<hbm>>, %arg6: memref<2x512x128xf32, #tpu.memory_space<hbm>>, %arg7: memref<400000x128xf32, #tpu.memory_space<hbm>>, %arg8: memref<512xi32, #tpu.memory_space<vmem>>, %arg9: memref<4x128xi32, #tpu.memory_space<vmem>>, %arg10: memref<4x128x128xf32, #tpu.memory_space<vmem>>, %arg11: memref<4x64x128xf32, #tpu.memory_space<vmem>>, %arg12: memref<512x128xf32, #tpu.memory_space<vmem_shared>>, %arg13: memref<!tpu.dma_semaphore, #tpu.memory_space<semaphore_mem>>, %arg14: memref<!tpu.dma_semaphore, #tpu.memory_space<semaphore_mem>>, %arg15: memref<!tpu.dma_semaphore, #tpu.memory_space<semaphore_mem>>) attributes {dimension_semantics = [#tpu.dimension_semantics<core_parallel>, #tpu.dimension_semantics<subcore_parallel>], iteration_bounds = array<i64: 2, 16>, scalar_prefetch = 0 : i64, scratch_operands = 8 : i64, tpu.core_type = #tpu.core_type<sc_vector_subcore>, window_params = [{transform_indices = #map}, {transform_indices = #map}, {transform_indices = #map1}, {transform_indices = #map1}, {transform_indices = #map2}, {transform_indices = #map1}]} {
    %mul3A = arith.constant 2 : i32
    %mul3A_0 = arith.muli %arg1, %mul3A : i32
    %add3A = arith.addi %mul3A_0, %arg0 : i32
    %eq3A = arith.constant 0 : i32
    %eq3A_1 = arith.cmpi eq, %arg1, %eq3A : i32
    %convert_element_type3A = arith.extui %eq3A_1 : i1 to i32
    %cond3A = arith.constant 0 : i32
    %cond3A_2 = arith.cmpi ne, %convert_element_type3A, %cond3A : i32
    scf.if %cond3A_2 {
      "tpu.region"() ({
        %run_scoped3A = tpu.sem_alloc : memref<!tpu.dma_semaphore, #tpu.memory_space<semaphore_mem>>
        tpu.enqueue_dma source(%arg5 : memref<512x128xf32, #tpu.memory_space<hbm>>) target(%arg12 : memref<512x128xf32, #tpu.memory_space<vmem_shared>>) target_semaphore(%run_scoped3A : memref<!tpu.dma_semaphore, #tpu.memory_space<semaphore_mem>>)
        tpu.wait_dma2 semaphore(%run_scoped3A : memref<!tpu.dma_semaphore, #tpu.memory_space<semaphore_mem>>) src(%arg5 : memref<512x128xf32, #tpu.memory_space<hbm>>) dst(%arg12 : memref<512x128xf32, #tpu.memory_space<vmem_shared>>)
        tpu.yield
      }) : () -> ()
    } else {
    }
    %barrier3A = arith.constant 0 : index
    tpu.barrier barrier_id(%barrier3A)
    %mul3A_3 = arith.constant 195 : i32
    %mul3A_4 = arith.muli %add3A, %mul3A_3 : i32
    %min3A = arith.constant 10 : i32
    %min3A_5 = arith.minsi %add3A, %min3A : i32
    %add3A_6 = arith.addi %mul3A_4, %min3A_5 : i32
    %lt3A = arith.constant 10 : i32
    %lt3A_7 = arith.cmpi slt, %add3A, %lt3A : i32
    %jit3A = arith.constant 1 : i32
    %jit3A_8 = arith.constant 0 : i32
    %select_n3A = arith.select %lt3A_7, %jit3A, %jit3A_8 : i32
    %add3A_9 = arith.constant 195 : i32
    %add3A_10 = arith.addi %add3A_9, %select_n3A : i32
    %jit3A_11 = arith.constant 4 : i32
    %div3A = arith.divsi %add3A_10, %jit3A_11 : i32
    %sign3A = arith.constant 0 : i32
    %sign3A_12 = arith.cmpi sgt, %add3A_10, %sign3A : i32
    %sign3A_13 = arith.extui %sign3A_12 : i1 to i32
    %sign3A_14 = arith.constant 0 : i32
    %sign3A_15 = arith.cmpi slt, %add3A_10, %sign3A_14 : i32
    %sign3A_16 = arith.extui %sign3A_15 : i1 to i32
    %sign3A_17 = arith.subi %sign3A_13, %sign3A_16 : i32
    %sign3A_18 = arith.constant 0 : i32
    %sign3A_19 = arith.cmpi sgt, %jit3A_11, %sign3A_18 : i32
    %sign3A_20 = arith.extui %sign3A_19 : i1 to i32
    %sign3A_21 = arith.constant 0 : i32
    %sign3A_22 = arith.cmpi slt, %jit3A_11, %sign3A_21 : i32
    %sign3A_23 = arith.extui %sign3A_22 : i1 to i32
    %sign3A_24 = arith.subi %sign3A_20, %sign3A_23 : i32
    %ne3A = arith.cmpi ne, %sign3A_17, %sign3A_24 : i32
    %rem3A = arith.remsi %add3A_10, %jit3A_11 : i32
    %ne3A_25 = arith.constant 0 : i32
    %ne3A_26 = arith.cmpi ne, %rem3A, %ne3A_25 : i32
    %and3A = arith.andi %ne3A, %ne3A_26 : i1
    %sub3A = arith.constant 1 : i32
    %sub3A_27 = arith.subi %div3A, %sub3A : i32
    %select_n3A_28 = arith.select %and3A, %sub3A_27, %div3A : i32
    %while3A = arith.constant 0 : i32
    %while3A_29 = arith.constant 0 : i32
    %while3A_30 = arith.subi %select_n3A_28, %while3A_29 : i32
    %while3A_31 = arith.addi %while3A_29, %while3A_30 : i32
    %while3A_32 = arith.constant 1 : i32
    %while3A_33 = arith.divsi %while3A_30, %while3A_32 : i32
    %while3A_34 = arith.muli %while3A_33, %while3A_32 : i32
    %while3A_35 = arith.addi %while3A_29, %while3A_34 : i32
    %while3A_36 = arith.constant 1 : i32
    scf.for %while3A_61 = %while3A_29 to %while3A_35 step %while3A_36  : i32 {
      %mul3A_62 = arith.constant 4 : i32
      %mul3A_63 = arith.muli %mul3A_62, %while3A_61 : i32
      %add3A_64 = arith.addi %add3A_6, %mul3A_63 : i32
      %mul3A_65 = arith.constant 128 : i32
      %mul3A_66 = arith.muli %add3A_64, %mul3A_65 : i32
      "tpu.region"() ({
        %run_scoped3A_398 = tpu.sem_alloc : memref<!tpu.dma_semaphore, #tpu.memory_space<semaphore_mem>>
        %dma_start3A_399 = tpu.memref_slice %arg2[%mul3A_66] : memref<800000xi32, #tpu.memory_space<hbm>> -> memref<512xi32, #tpu.memory_space<hbm>>
        %dma_start3A_400 = tpu.memref_slice %arg2[%mul3A_66] : memref<800000xi32, #tpu.memory_space<hbm>> -> memref<512xi32, #tpu.memory_space<hbm>>
        tpu.enqueue_dma source(%dma_start3A_400 : memref<512xi32, #tpu.memory_space<hbm>>) target(%arg8 : memref<512xi32, #tpu.memory_space<vmem>>) target_semaphore(%run_scoped3A_398 : memref<!tpu.dma_semaphore, #tpu.memory_space<semaphore_mem>>)
        %dma_wait3A_401 = tpu.memref_slice %arg2[%mul3A_66] : memref<800000xi32, #tpu.memory_space<hbm>> -> memref<512xi32, #tpu.memory_space<hbm>>
        %dma_wait3A_402 = tpu.memref_slice %arg2[%mul3A_66] : memref<800000xi32, #tpu.memory_space<hbm>> -> memref<512xi32, #tpu.memory_space<hbm>>
        tpu.wait_dma2 semaphore(%run_scoped3A_398 : memref<!tpu.dma_semaphore, #tpu.memory_space<semaphore_mem>>) src(%dma_wait3A_402 : memref<512xi32, #tpu.memory_space<hbm>>) dst(%arg8 : memref<512xi32, #tpu.memory_space<vmem>>)
        tpu.yield
      }) : () -> ()
      %dma_start3A = arith.constant 0 : i32
      %dma_start3A_67 = arith.constant 0 : i32
      %dma_start3A_68 = arith.constant 0 : i32
      %dma_start3A_69 = tpu.memref_slice %arg10[%dma_start3A, %dma_start3A_67, %dma_start3A_68] : memref<4x128x128xf32, #tpu.memory_space<vmem>> -> memref<1x128x128xf32, #tpu.memory_space<vmem>>
      %dma_start3A_70 = tpu.memref_squeeze %dma_start3A_69 : memref<1x128x128xf32, #tpu.memory_space<vmem>> -> memref<128x128xf32, #tpu.memory_space<vmem>>
      %dma_start3A_71 = arith.constant 0 : i32
      %dma_start3A_72 = tpu.memref_slice %arg8[%dma_start3A_71] : memref<512xi32, #tpu.memory_space<vmem>> -> memref<128xi32, #tpu.memory_space<vmem>>
      %dma_start3A_73 = arith.constant 0 : i32
      %dma_start3A_74 = arith.constant 0 : i32
      %dma_start3A_75 = tpu.memref_slice %arg4[%dma_start3A_73, %dma_start3A_74] : memref<50000x128xf32, #tpu.memory_space<hbm>> -> memref<50000x128xf32, #tpu.memory_space<hbm>>
      tpu.enqueue_indirect_dma source(%dma_start3A_75 : memref<50000x128xf32, #tpu.memory_space<hbm>>) target(%dma_start3A_70 : memref<128x128xf32, #tpu.memory_space<vmem>>) offsets(%dma_start3A_72 : memref<128xi32, #tpu.memory_space<vmem>>) semaphore(%arg13 : memref<!tpu.dma_semaphore, #tpu.memory_space<semaphore_mem>>)
      %dma_start3A_76 = arith.constant 1 : i32
      %dma_start3A_77 = arith.constant 0 : i32
      %dma_start3A_78 = arith.constant 0 : i32
      %dma_start3A_79 = tpu.memref_slice %arg10[%dma_start3A_76, %dma_start3A_77, %dma_start3A_78] : memref<4x128x128xf32, #tpu.memory_space<vmem>> -> memref<1x128x128xf32, #tpu.memory_space<vmem>>
      %dma_start3A_80 = tpu.memref_squeeze %dma_start3A_79 : memref<1x128x128xf32, #tpu.memory_space<vmem>> -> memref<128x128xf32, #tpu.memory_space<vmem>>
      %dma_start3A_81 = arith.constant 128 : i32
      %dma_start3A_82 = tpu.memref_slice %arg8[%dma_start3A_81] : memref<512xi32, #tpu.memory_space<vmem>> -> memref<128xi32, #tpu.memory_space<vmem>>
      %dma_start3A_83 = arith.constant 0 : i32
      %dma_start3A_84 = arith.constant 0 : i32
      %dma_start3A_85 = tpu.memref_slice %arg4[%dma_start3A_83, %dma_start3A_84] : memref<50000x128xf32, #tpu.memory_space<hbm>> -> memref<50000x128xf32, #tpu.memory_space<hbm>>
      tpu.enqueue_indirect_dma source(%dma_start3A_85 : memref<50000x128xf32, #tpu.memory_space<hbm>>) target(%dma_start3A_80 : memref<128x128xf32, #tpu.memory_space<vmem>>) offsets(%dma_start3A_82 : memref<128xi32, #tpu.memory_space<vmem>>) semaphore(%arg13 : memref<!tpu.dma_semaphore, #tpu.memory_space<semaphore_mem>>)
      %dma_start3A_86 = arith.constant 2 : i32
      %dma_start3A_87 = arith.constant 0 : i32
      %dma_start3A_88 = arith.constant 0 : i32
      %dma_start3A_89 = tpu.memref_slice %arg10[%dma_start3A_86, %dma_start3A_87, %dma_start3A_88] : memref<4x128x128xf32, #tpu.memory_space<vmem>> -> memref<1x128x128xf32, #tpu.memory_space<vmem>>
      %dma_start3A_90 = tpu.memref_squeeze %dma_start3A_89 : memref<1x128x128xf32, #tpu.memory_space<vmem>> -> memref<128x128xf32, #tpu.memory_space<vmem>>
      %dma_start3A_91 = arith.constant 256 : i32
      %dma_start3A_92 = tpu.memref_slice %arg8[%dma_start3A_91] : memref<512xi32, #tpu.memory_space<vmem>> -> memref<128xi32, #tpu.memory_space<vmem>>
      %dma_start3A_93 = arith.constant 0 : i32
      %dma_start3A_94 = arith.constant 0 : i32
      %dma_start3A_95 = tpu.memref_slice %arg4[%dma_start3A_93, %dma_start3A_94] : memref<50000x128xf32, #tpu.memory_space<hbm>> -> memref<50000x128xf32, #tpu.memory_space<hbm>>
      tpu.enqueue_indirect_dma source(%dma_start3A_95 : memref<50000x128xf32, #tpu.memory_space<hbm>>) target(%dma_start3A_90 : memref<128x128xf32, #tpu.memory_space<vmem>>) offsets(%dma_start3A_92 : memref<128xi32, #tpu.memory_space<vmem>>) semaphore(%arg13 : memref<!tpu.dma_semaphore, #tpu.memory_space<semaphore_mem>>)
      %dma_start3A_96 = arith.constant 3 : i32
      %dma_start3A_97 = arith.constant 0 : i32
      %dma_start3A_98 = arith.constant 0 : i32
      %dma_start3A_99 = tpu.memref_slice %arg10[%dma_start3A_96, %dma_start3A_97, %dma_start3A_98] : memref<4x128x128xf32, #tpu.memory_space<vmem>> -> memref<1x128x128xf32, #tpu.memory_space<vmem>>
      %dma_start3A_100 = tpu.memref_squeeze %dma_start3A_99 : memref<1x128x128xf32, #tpu.memory_space<vmem>> -> memref<128x128xf32, #tpu.memory_space<vmem>>
      %dma_start3A_101 = arith.constant 384 : i32
      %dma_start3A_102 = tpu.memref_slice %arg8[%dma_start3A_101] : memref<512xi32, #tpu.memory_space<vmem>> -> memref<128xi32, #tpu.memory_space<vmem>>
      %dma_start3A_103 = arith.constant 0 : i32
      %dma_start3A_104 = arith.constant 0 : i32
      %dma_start3A_105 = tpu.memref_slice %arg4[%dma_start3A_103, %dma_start3A_104] : memref<50000x128xf32, #tpu.memory_space<hbm>> -> memref<50000x128xf32, #tpu.memory_space<hbm>>
      tpu.enqueue_indirect_dma source(%dma_start3A_105 : memref<50000x128xf32, #tpu.memory_space<hbm>>) target(%dma_start3A_100 : memref<128x128xf32, #tpu.memory_space<vmem>>) offsets(%dma_start3A_102 : memref<128xi32, #tpu.memory_space<vmem>>) semaphore(%arg13 : memref<!tpu.dma_semaphore, #tpu.memory_space<semaphore_mem>>)
      %add3A_106 = arith.constant 0 : i32
      %add3A_107 = arith.addi %mul3A_66, %add3A_106 : i32
      %run_scoped3A = arith.constant 0 : i32
      "tpu.region"() ({
        %run_scoped3A_398 = tpu.sem_alloc : memref<!tpu.dma_semaphore, #tpu.memory_space<semaphore_mem>>
        %dma_start3A_399 = arith.constant 0 : i32
        %dma_start3A_400 = tpu.memref_slice %arg9[%run_scoped3A, %dma_start3A_399] : memref<4x128xi32, #tpu.memory_space<vmem>> -> memref<1x128xi32, #tpu.memory_space<vmem>>
        %dma_start3A_401 = tpu.memref_squeeze %dma_start3A_400 : memref<1x128xi32, #tpu.memory_space<vmem>> -> memref<128xi32, #tpu.memory_space<vmem>>
        %dma_start3A_402 = tpu.memref_slice %arg3[%add3A_107] : memref<800000xi32, #tpu.memory_space<hbm>> -> memref<128xi32, #tpu.memory_space<hbm>>
        %dma_start3A_403 = arith.constant 0 : i32
        %dma_start3A_404 = tpu.memref_slice %arg9[%run_scoped3A, %dma_start3A_403] : memref<4x128xi32, #tpu.memory_space<vmem>> -> memref<1x128xi32, #tpu.memory_space<vmem>>
        %dma_start3A_405 = tpu.memref_squeeze %dma_start3A_404 : memref<1x128xi32, #tpu.memory_space<vmem>> -> memref<128xi32, #tpu.memory_space<vmem>>
        %dma_start3A_406 = tpu.memref_slice %arg3[%add3A_107] : memref<800000xi32, #tpu.memory_space<hbm>> -> memref<128xi32, #tpu.memory_space<hbm>>
        tpu.enqueue_dma source(%dma_start3A_406 : memref<128xi32, #tpu.memory_space<hbm>>) target(%dma_start3A_405 : memref<128xi32, #tpu.memory_space<vmem>>) target_semaphore(%run_scoped3A_398 : memref<!tpu.dma_semaphore, #tpu.memory_space<semaphore_mem>>)
        %dma_wait3A_407 = arith.constant 0 : i32
        %dma_wait3A_408 = tpu.memref_slice %arg9[%run_scoped3A, %dma_wait3A_407] : memref<4x128xi32, #tpu.memory_space<vmem>> -> memref<1x128xi32, #tpu.memory_space<vmem>>
        %dma_wait3A_409 = tpu.memref_squeeze %dma_wait3A_408 : memref<1x128xi32, #tpu.memory_space<vmem>> -> memref<128xi32, #tpu.memory_space<vmem>>
        %dma_wait3A_410 = tpu.memref_slice %arg3[%add3A_107] : memref<800000xi32, #tpu.memory_space<hbm>> -> memref<128xi32, #tpu.memory_space<hbm>>
        %dma_wait3A_411 = arith.constant 0 : i32
        %dma_wait3A_412 = tpu.memref_slice %arg9[%run_scoped3A, %dma_wait3A_411] : memref<4x128xi32, #tpu.memory_space<vmem>> -> memref<1x128xi32, #tpu.memory_space<vmem>>
        %dma_wait3A_413 = tpu.memref_squeeze %dma_wait3A_412 : memref<1x128xi32, #tpu.memory_space<vmem>> -> memref<128xi32, #tpu.memory_space<vmem>>
        %dma_wait3A_414 = tpu.memref_slice %arg3[%add3A_107] : memref<800000xi32, #tpu.memory_space<hbm>> -> memref<128xi32, #tpu.memory_space<hbm>>
        tpu.wait_dma2 semaphore(%run_scoped3A_398 : memref<!tpu.dma_semaphore, #tpu.memory_space<semaphore_mem>>) src(%dma_wait3A_414 : memref<128xi32, #tpu.memory_space<hbm>>) dst(%dma_wait3A_413 : memref<128xi32, #tpu.memory_space<vmem>>)
        tpu.yield
      }) : () -> ()
      %add3A_108 = arith.constant 128 : i32
      %add3A_109 = arith.addi %mul3A_66, %add3A_108 : i32
      %run_scoped3A_110 = arith.constant 1 : i32
      "tpu.region"() ({
        %run_scoped3A_398 = tpu.sem_alloc : memref<!tpu.dma_semaphore, #tpu.memory_space<semaphore_mem>>
        %dma_start3A_399 = arith.constant 0 : i32
        %dma_start3A_400 = tpu.memref_slice %arg9[%run_scoped3A_110, %dma_start3A_399] : memref<4x128xi32, #tpu.memory_space<vmem>> -> memref<1x128xi32, #tpu.memory_space<vmem>>
        %dma_start3A_401 = tpu.memref_squeeze %dma_start3A_400 : memref<1x128xi32, #tpu.memory_space<vmem>> -> memref<128xi32, #tpu.memory_space<vmem>>
        %dma_start3A_402 = tpu.memref_slice %arg3[%add3A_109] : memref<800000xi32, #tpu.memory_space<hbm>> -> memref<128xi32, #tpu.memory_space<hbm>>
        %dma_start3A_403 = arith.constant 0 : i32
        %dma_start3A_404 = tpu.memref_slice %arg9[%run_scoped3A_110, %dma_start3A_403] : memref<4x128xi32, #tpu.memory_space<vmem>> -> memref<1x128xi32, #tpu.memory_space<vmem>>
        %dma_start3A_405 = tpu.memref_squeeze %dma_start3A_404 : memref<1x128xi32, #tpu.memory_space<vmem>> -> memref<128xi32, #tpu.memory_space<vmem>>
        %dma_start3A_406 = tpu.memref_slice %arg3[%add3A_109] : memref<800000xi32, #tpu.memory_space<hbm>> -> memref<128xi32, #tpu.memory_space<hbm>>
        tpu.enqueue_dma source(%dma_start3A_406 : memref<128xi32, #tpu.memory_space<hbm>>) target(%dma_start3A_405 : memref<128xi32, #tpu.memory_space<vmem>>) target_semaphore(%run_scoped3A_398 : memref<!tpu.dma_semaphore, #tpu.memory_space<semaphore_mem>>)
        %dma_wait3A_407 = arith.constant 0 : i32
        %dma_wait3A_408 = tpu.memref_slice %arg9[%run_scoped3A_110, %dma_wait3A_407] : memref<4x128xi32, #tpu.memory_space<vmem>> -> memref<1x128xi32, #tpu.memory_space<vmem>>
        %dma_wait3A_409 = tpu.memref_squeeze %dma_wait3A_408 : memref<1x128xi32, #tpu.memory_space<vmem>> -> memref<128xi32, #tpu.memory_space<vmem>>
        %dma_wait3A_410 = tpu.memref_slice %arg3[%add3A_109] : memref<800000xi32, #tpu.memory_space<hbm>> -> memref<128xi32, #tpu.memory_space<hbm>>
        %dma_wait3A_411 = arith.constant 0 : i32
        %dma_wait3A_412 = tpu.memref_slice %arg9[%run_scoped3A_110, %dma_wait3A_411] : memref<4x128xi32, #tpu.memory_space<vmem>> -> memref<1x128xi32, #tpu.memory_space<vmem>>
        %dma_wait3A_413 = tpu.memref_squeeze %dma_wait3A_412 : memref<1x128xi32, #tpu.memory_space<vmem>> -> memref<128xi32, #tpu.memory_space<vmem>>
        %dma_wait3A_414 = tpu.memref_slice %arg3[%add3A_109] : memref<800000xi32, #tpu.memory_space<hbm>> -> memref<128xi32, #tpu.memory_space<hbm>>
        tpu.wait_dma2 semaphore(%run_scoped3A_398 : memref<!tpu.dma_semaphore, #tpu.memory_space<semaphore_mem>>) src(%dma_wait3A_414 : memref<128xi32, #tpu.memory_space<hbm>>) dst(%dma_wait3A_413 : memref<128xi32, #tpu.memory_space<vmem>>)
        tpu.yield
      }) : () -> ()
      %add3A_111 = arith.constant 256 : i32
      %add3A_112 = arith.addi %mul3A_66, %add3A_111 : i32
      %run_scoped3A_113 = arith.constant 2 : i32
      "tpu.region"() ({
        %run_scoped3A_398 = tpu.sem_alloc : memref<!tpu.dma_semaphore, #tpu.memory_space<semaphore_mem>>
        %dma_start3A_399 = arith.constant 0 : i32
        %dma_start3A_400 = tpu.memref_slice %arg9[%run_scoped3A_113, %dma_start3A_399] : memref<4x128xi32, #tpu.memory_space<vmem>> -> memref<1x128xi32, #tpu.memory_space<vmem>>
        %dma_start3A_401 = tpu.memref_squeeze %dma_start3A_400 : memref<1x128xi32, #tpu.memory_space<vmem>> -> memref<128xi32, #tpu.memory_space<vmem>>
        %dma_start3A_402 = tpu.memref_slice %arg3[%add3A_112] : memref<800000xi32, #tpu.memory_space<hbm>> -> memref<128xi32, #tpu.memory_space<hbm>>
        %dma_start3A_403 = arith.constant 0 : i32
        %dma_start3A_404 = tpu.memref_slice %arg9[%run_scoped3A_113, %dma_start3A_403] : memref<4x128xi32, #tpu.memory_space<vmem>> -> memref<1x128xi32, #tpu.memory_space<vmem>>
        %dma_start3A_405 = tpu.memref_squeeze %dma_start3A_404 : memref<1x128xi32, #tpu.memory_space<vmem>> -> memref<128xi32, #tpu.memory_space<vmem>>
        %dma_start3A_406 = tpu.memref_slice %arg3[%add3A_112] : memref<800000xi32, #tpu.memory_space<hbm>> -> memref<128xi32, #tpu.memory_space<hbm>>
        tpu.enqueue_dma source(%dma_start3A_406 : memref<128xi32, #tpu.memory_space<hbm>>) target(%dma_start3A_405 : memref<128xi32, #tpu.memory_space<vmem>>) target_semaphore(%run_scoped3A_398 : memref<!tpu.dma_semaphore, #tpu.memory_space<semaphore_mem>>)
        %dma_wait3A_407 = arith.constant 0 : i32
        %dma_wait3A_408 = tpu.memref_slice %arg9[%run_scoped3A_113, %dma_wait3A_407] : memref<4x128xi32, #tpu.memory_space<vmem>> -> memref<1x128xi32, #tpu.memory_space<vmem>>
        %dma_wait3A_409 = tpu.memref_squeeze %dma_wait3A_408 : memref<1x128xi32, #tpu.memory_space<vmem>> -> memref<128xi32, #tpu.memory_space<vmem>>
        %dma_wait3A_410 = tpu.memref_slice %arg3[%add3A_112] : memref<800000xi32, #tpu.memory_space<hbm>> -> memref<128xi32, #tpu.memory_space<hbm>>
        %dma_wait3A_411 = arith.constant 0 : i32
        %dma_wait3A_412 = tpu.memref_slice %arg9[%run_scoped3A_113, %dma_wait3A_411] : memref<4x128xi32, #tpu.memory_space<vmem>> -> memref<1x128xi32, #tpu.memory_space<vmem>>
        %dma_wait3A_413 = tpu.memref_squeeze %dma_wait3A_412 : memref<1x128xi32, #tpu.memory_space<vmem>> -> memref<128xi32, #tpu.memory_space<vmem>>
        %dma_wait3A_414 = tpu.memref_slice %arg3[%add3A_112] : memref<800000xi32, #tpu.memory_space<hbm>> -> memref<128xi32, #tpu.memory_space<hbm>>
        tpu.wait_dma2 semaphore(%run_scoped3A_398 : memref<!tpu.dma_semaphore, #tpu.memory_space<semaphore_mem>>) src(%dma_wait3A_414 : memref<128xi32, #tpu.memory_space<hbm>>) dst(%dma_wait3A_413 : memref<128xi32, #tpu.memory_space<vmem>>)
        tpu.yield
      }) : () -> ()
      %add3A_114 = arith.constant 384 : i32
      %add3A_115 = arith.addi %mul3A_66, %add3A_114 : i32
      %run_scoped3A_116 = arith.constant 3 : i32
      "tpu.region"() ({
        %run_scoped3A_398 = tpu.sem_alloc : memref<!tpu.dma_semaphore, #tpu.memory_space<semaphore_mem>>
        %dma_start3A_399 = arith.constant 0 : i32
        %dma_start3A_400 = tpu.memref_slice %arg9[%run_scoped3A_116, %dma_start3A_399] : memref<4x128xi32, #tpu.memory_space<vmem>> -> memref<1x128xi32, #tpu.memory_space<vmem>>
        %dma_start3A_401 = tpu.memref_squeeze %dma_start3A_400 : memref<1x128xi32, #tpu.memory_space<vmem>> -> memref<128xi32, #tpu.memory_space<vmem>>
        %dma_start3A_402 = tpu.memref_slice %arg3[%add3A_115] : memref<800000xi32, #tpu.memory_space<hbm>> -> memref<128xi32, #tpu.memory_space<hbm>>
        %dma_start3A_403 = arith.constant 0 : i32
        %dma_start3A_404 = tpu.memref_slice %arg9[%run_scoped3A_116, %dma_start3A_403] : memref<4x128xi32, #tpu.memory_space<vmem>> -> memref<1x128xi32, #tpu.memory_space<vmem>>
        %dma_start3A_405 = tpu.memref_squeeze %dma_start3A_404 : memref<1x128xi32, #tpu.memory_space<vmem>> -> memref<128xi32, #tpu.memory_space<vmem>>
        %dma_start3A_406 = tpu.memref_slice %arg3[%add3A_115] : memref<800000xi32, #tpu.memory_space<hbm>> -> memref<128xi32, #tpu.memory_space<hbm>>
        tpu.enqueue_dma source(%dma_start3A_406 : memref<128xi32, #tpu.memory_space<hbm>>) target(%dma_start3A_405 : memref<128xi32, #tpu.memory_space<vmem>>) target_semaphore(%run_scoped3A_398 : memref<!tpu.dma_semaphore, #tpu.memory_space<semaphore_mem>>)
        %dma_wait3A_407 = arith.constant 0 : i32
        %dma_wait3A_408 = tpu.memref_slice %arg9[%run_scoped3A_116, %dma_wait3A_407] : memref<4x128xi32, #tpu.memory_space<vmem>> -> memref<1x128xi32, #tpu.memory_space<vmem>>
        %dma_wait3A_409 = tpu.memref_squeeze %dma_wait3A_408 : memref<1x128xi32, #tpu.memory_space<vmem>> -> memref<128xi32, #tpu.memory_space<vmem>>
        %dma_wait3A_410 = tpu.memref_slice %arg3[%add3A_115] : memref<800000xi32, #tpu.memory_space<hbm>> -> memref<128xi32, #tpu.memory_space<hbm>>
        %dma_wait3A_411 = arith.constant 0 : i32
        %dma_wait3A_412 = tpu.memref_slice %arg9[%run_scoped3A_116, %dma_wait3A_411] : memref<4x128xi32, #tpu.memory_space<vmem>> -> memref<1x128xi32, #tpu.memory_space<vmem>>
        %dma_wait3A_413 = tpu.memref_squeeze %dma_wait3A_412 : memref<1x128xi32, #tpu.memory_space<vmem>> -> memref<128xi32, #tpu.memory_space<vmem>>
        %dma_wait3A_414 = tpu.memref_slice %arg3[%add3A_115] : memref<800000xi32, #tpu.memory_space<hbm>> -> memref<128xi32, #tpu.memory_space<hbm>>
        tpu.wait_dma2 semaphore(%run_scoped3A_398 : memref<!tpu.dma_semaphore, #tpu.memory_space<semaphore_mem>>) src(%dma_wait3A_414 : memref<128xi32, #tpu.memory_space<hbm>>) dst(%dma_wait3A_413 : memref<128xi32, #tpu.memory_space<vmem>>)
        tpu.yield
      }) : () -> ()
      %dma_wait3A = arith.constant 0 : i32
      %dma_wait3A_117 = arith.constant 0 : i32
      %dma_wait3A_118 = arith.constant 0 : i32
      %dma_wait3A_119 = tpu.memref_slice %arg10[%dma_wait3A, %dma_wait3A_117, %dma_wait3A_118] : memref<4x128x128xf32, #tpu.memory_space<vmem>> -> memref<1x128x128xf32, #tpu.memory_space<vmem>>
      %dma_wait3A_120 = tpu.memref_squeeze %dma_wait3A_119 : memref<1x128x128xf32, #tpu.memory_space<vmem>> -> memref<128x128xf32, #tpu.memory_space<vmem>>
      %dma_wait3A_121 = arith.constant 0 : i32
      %dma_wait3A_122 = tpu.memref_slice %arg8[%dma_wait3A_121] : memref<512xi32, #tpu.memory_space<vmem>> -> memref<128xi32, #tpu.memory_space<vmem>>
      %dma_wait3A_123 = arith.constant 0 : i32
      %dma_wait3A_124 = arith.constant 0 : i32
      %dma_wait3A_125 = tpu.memref_slice %arg4[%dma_wait3A_123, %dma_wait3A_124] : memref<50000x128xf32, #tpu.memory_space<hbm>> -> memref<50000x128xf32, #tpu.memory_space<hbm>>
      tpu.wait_indirect_dma semaphore(%arg13 : memref<!tpu.dma_semaphore, #tpu.memory_space<semaphore_mem>>) src(%dma_wait3A_125 : memref<50000x128xf32, #tpu.memory_space<hbm>>) dst(%dma_wait3A_120 : memref<128x128xf32, #tpu.memory_space<vmem>>)
      %dma_start3A_126 = arith.constant 0 : i32
      %dma_start3A_127 = arith.constant 0 : i32
      %dma_start3A_128 = arith.constant 0 : i32
      %dma_start3A_129 = arith.constant 0 : i32
      %dma_start3A_130 = tpu.memref_slice %arg10[%dma_start3A_126, %dma_start3A_128, %dma_start3A_129] : memref<4x128x128xf32, #tpu.memory_space<vmem>> -> memref<1x128x128xf32, #tpu.memory_space<vmem>>
      %dma_start3A_131 = tpu.memref_squeeze %dma_start3A_130 : memref<1x128x128xf32, #tpu.memory_space<vmem>> -> memref<128x128xf32, #tpu.memory_space<vmem>>
      %dma_start3A_132 = arith.constant 0 : i32
      %dma_start3A_133 = tpu.memref_slice %arg9[%dma_start3A_127, %dma_start3A_132] : memref<4x128xi32, #tpu.memory_space<vmem>> -> memref<1x128xi32, #tpu.memory_space<vmem>>
      %dma_start3A_134 = tpu.memref_squeeze %dma_start3A_133 : memref<1x128xi32, #tpu.memory_space<vmem>> -> memref<128xi32, #tpu.memory_space<vmem>>
      %dma_start3A_135 = arith.constant 0 : i32
      %dma_start3A_136 = arith.constant 0 : i32
      %dma_start3A_137 = tpu.memref_slice %arg12[%dma_start3A_135, %dma_start3A_136] : memref<512x128xf32, #tpu.memory_space<vmem_shared>> -> memref<512x128xf32, #tpu.memory_space<vmem_shared>>
      tpu.enqueue_indirect_dma source(%dma_start3A_131 : memref<128x128xf32, #tpu.memory_space<vmem>>) target(%dma_start3A_137 : memref<512x128xf32, #tpu.memory_space<vmem_shared>>) offsets(%dma_start3A_134 : memref<128xi32, #tpu.memory_space<vmem>>) semaphore(%arg14 : memref<!tpu.dma_semaphore, #tpu.memory_space<semaphore_mem>>) {add = true}
      %scan3A = arith.constant 0 : i32
      %scan3A_138 = arith.constant 0 : i32
      %scan3A_139 = arith.constant 64 : i32
      %scan3A_140 = arith.addi %scan3A_138, %scan3A_139 : i32
      %scan3A_141 = arith.constant 1 : i32
      scf.for %scan3A_398 = %scan3A_138 to %scan3A_140 step %scan3A_141  : i32 {
        %mul3A_399 = arith.constant 2 : i32
        %mul3A_400 = arith.muli %mul3A_399, %scan3A_398 : i32
        %add3A_401 = arith.constant 0 : i32
        %add3A_402 = arith.addi %mul3A_400, %add3A_401 : i32
        %get3A = arith.constant 0 : i32
        %get3A_403 = arith.index_cast %get3A : i32 to index
        %get3A_404 = arith.index_cast %add3A_402 : i32 to index
        %get3A_405 = arith.constant 64 : index
        %get3A_406 = tpu.vector_load %arg10[%get3A_403, %get3A_404, %get3A_405] {strides = array<i32>} : memref<4x128x128xf32, #tpu.memory_space<vmem>>, vector<1x1x16xf32>,
        %get3A_407 = vector.shape_cast %get3A_406 : vector<1x1x16xf32> to vector<16xf32>
        %swap3A = arith.constant 0 : i32
        %swap3A_408 = arith.index_cast %swap3A : i32 to index
        %swap3A_409 = arith.index_cast %scan3A_398 : i32 to index
        %swap3A_410 = arith.constant 0 : index
        %swap3A_411 = tpu.vector_load %arg11[%swap3A_408, %swap3A_409, %swap3A_410] {strides = array<i32>} : memref<4x64x128xf32, #tpu.memory_space<vmem>>, vector<1x1x16xf32>,
        %swap3A_412 = vector.shape_cast %swap3A_411 : vector<1x1x16xf32> to vector<16xf32>
        %swap3A_413 = vector.shape_cast %get3A_407 : vector<16xf32> to vector<1x1x16xf32>
        tpu.vector_store %arg11[%swap3A_408, %swap3A_409, %swap3A_410], %swap3A_413 {strides = array<i32>} : memref<4x64x128xf32, #tpu.memory_space<vmem>>, vector<1x1x16xf32>,
        %mul3A_414 = arith.constant 2 : i32
        %mul3A_415 = arith.muli %mul3A_414, %scan3A_398 : i32
        %add3A_416 = arith.constant 0 : i32
        %add3A_417 = arith.addi %mul3A_415, %add3A_416 : i32
        %get3A_418 = arith.constant 0 : i32
        %get3A_419 = arith.index_cast %get3A_418 : i32 to index
        %get3A_420 = arith.index_cast %add3A_417 : i32 to index
        %get3A_421 = arith.constant 80 : index
        %get3A_422 = tpu.vector_load %arg10[%get3A_419, %get3A_420, %get3A_421] {strides = array<i32>} : memref<4x128x128xf32, #tpu.memory_space<vmem>>, vector<1x1x16xf32>,
        %get3A_423 = vector.shape_cast %get3A_422 : vector<1x1x16xf32> to vector<16xf32>
        %swap3A_424 = arith.constant 0 : i32
        %swap3A_425 = arith.index_cast %swap3A_424 : i32 to index
        %swap3A_426 = arith.index_cast %scan3A_398 : i32 to index
        %swap3A_427 = arith.constant 16 : index
        %swap3A_428 = tpu.vector_load %arg11[%swap3A_425, %swap3A_426, %swap3A_427] {strides = array<i32>} : memref<4x64x128xf32, #tpu.memory_space<vmem>>, vector<1x1x16xf32>,
        %swap3A_429 = vector.shape_cast %swap3A_428 : vector<1x1x16xf32> to vector<16xf32>
        %swap3A_430 = vector.shape_cast %get3A_423 : vector<16xf32> to vector<1x1x16xf32>
        tpu.vector_store %arg11[%swap3A_425, %swap3A_426, %swap3A_427], %swap3A_430 {strides = array<i32>} : memref<4x64x128xf32, #tpu.memory_space<vmem>>, vector<1x1x16xf32>,
        %mul3A_431 = arith.constant 2 : i32
        %mul3A_432 = arith.muli %mul3A_431, %scan3A_398 : i32
        %add3A_433 = arith.constant 0 : i32
        %add3A_434 = arith.addi %mul3A_432, %add3A_433 : i32
        %get3A_435 = arith.constant 0 : i32
        %get3A_436 = arith.index_cast %get3A_435 : i32 to index
        %get3A_437 = arith.index_cast %add3A_434 : i32 to index
        %get3A_438 = arith.constant 96 : index
        %get3A_439 = tpu.vector_load %arg10[%get3A_436, %get3A_437, %get3A_438] {strides = array<i32>} : memref<4x128x128xf32, #tpu.memory_space<vmem>>, vector<1x1x16xf32>,
        %get3A_440 = vector.shape_cast %get3A_439 : vector<1x1x16xf32> to vector<16xf32>
        %swap3A_441 = arith.constant 0 : i32
        %swap3A_442 = arith.index_cast %swap3A_441 : i32 to index
        %swap3A_443 = arith.index_cast %scan3A_398 : i32 to index
        %swap3A_444 = arith.constant 32 : index
        %swap3A_445 = tpu.vector_load %arg11[%swap3A_442, %swap3A_443, %swap3A_444] {strides = array<i32>} : memref<4x64x128xf32, #tpu.memory_space<vmem>>, vector<1x1x16xf32>,
        %swap3A_446 = vector.shape_cast %swap3A_445 : vector<1x1x16xf32> to vector<16xf32>
        %swap3A_447 = vector.shape_cast %get3A_440 : vector<16xf32> to vector<1x1x16xf32>
        tpu.vector_store %arg11[%swap3A_442, %swap3A_443, %swap3A_444], %swap3A_447 {strides = array<i32>} : memref<4x64x128xf32, #tpu.memory_space<vmem>>, vector<1x1x16xf32>,
        %mul3A_448 = arith.constant 2 : i32
        %mul3A_449 = arith.muli %mul3A_448, %scan3A_398 : i32
        %add3A_450 = arith.constant 0 : i32
        %add3A_451 = arith.addi %mul3A_449, %add3A_450 : i32
        %get3A_452 = arith.constant 0 : i32
        %get3A_453 = arith.index_cast %get3A_452 : i32 to index
        %get3A_454 = arith.index_cast %add3A_451 : i32 to index
        %get3A_455 = arith.constant 112 : index
        %get3A_456 = tpu.vector_load %arg10[%get3A_453, %get3A_454, %get3A_455] {strides = array<i32>} : memref<4x128x128xf32, #tpu.memory_space<vmem>>, vector<1x1x16xf32>,
        %get3A_457 = vector.shape_cast %get3A_456 : vector<1x1x16xf32> to vector<16xf32>
        %swap3A_458 = arith.constant 0 : i32
        %swap3A_459 = arith.index_cast %swap3A_458 : i32 to index
        %swap3A_460 = arith.index_cast %scan3A_398 : i32 to index
        %swap3A_461 = arith.constant 48 : index
        %swap3A_462 = tpu.vector_load %arg11[%swap3A_459, %swap3A_460, %swap3A_461] {strides = array<i32>} : memref<4x64x128xf32, #tpu.memory_space<vmem>>, vector<1x1x16xf32>,
        %swap3A_463 = vector.shape_cast %swap3A_462 : vector<1x1x16xf32> to vector<16xf32>
        %swap3A_464 = vector.shape_cast %get3A_457 : vector<16xf32> to vector<1x1x16xf32>
        tpu.vector_store %arg11[%swap3A_459, %swap3A_460, %swap3A_461], %swap3A_464 {strides = array<i32>} : memref<4x64x128xf32, #tpu.memory_space<vmem>>, vector<1x1x16xf32>,
        %mul3A_465 = arith.constant 2 : i32
        %mul3A_466 = arith.muli %mul3A_465, %scan3A_398 : i32
        %add3A_467 = arith.constant 1 : i32
        %add3A_468 = arith.addi %mul3A_466, %add3A_467 : i32
        %get3A_469 = arith.constant 0 : i32
        %get3A_470 = arith.index_cast %get3A_469 : i32 to index
        %get3A_471 = arith.index_cast %add3A_468 : i32 to index
        %get3A_472 = arith.constant 64 : index
        %get3A_473 = tpu.vector_load %arg10[%get3A_470, %get3A_471, %get3A_472] {strides = array<i32>} : memref<4x128x128xf32, #tpu.memory_space<vmem>>, vector<1x1x16xf32>,
        %get3A_474 = vector.shape_cast %get3A_473 : vector<1x1x16xf32> to vector<16xf32>
        %swap3A_475 = arith.constant 0 : i32
        %swap3A_476 = arith.index_cast %swap3A_475 : i32 to index
        %swap3A_477 = arith.index_cast %scan3A_398 : i32 to index
        %swap3A_478 = arith.constant 64 : index
        %swap3A_479 = tpu.vector_load %arg11[%swap3A_476, %swap3A_477, %swap3A_478] {strides = array<i32>} : memref<4x64x128xf32, #tpu.memory_space<vmem>>, vector<1x1x16xf32>,
        %swap3A_480 = vector.shape_cast %swap3A_479 : vector<1x1x16xf32> to vector<16xf32>
        %swap3A_481 = vector.shape_cast %get3A_474 : vector<16xf32> to vector<1x1x16xf32>
        tpu.vector_store %arg11[%swap3A_476, %swap3A_477, %swap3A_478], %swap3A_481 {strides = array<i32>} : memref<4x64x128xf32, #tpu.memory_space<vmem>>, vector<1x1x16xf32>,
        %mul3A_482 = arith.constant 2 : i32
        %mul3A_483 = arith.muli %mul3A_482, %scan3A_398 : i32
        %add3A_484 = arith.constant 1 : i32
        %add3A_485 = arith.addi %mul3A_483, %add3A_484 : i32
        %get3A_486 = arith.constant 0 : i32
        %get3A_487 = arith.index_cast %get3A_486 : i32 to index
        %get3A_488 = arith.index_cast %add3A_485 : i32 to index
        %get3A_489 = arith.constant 80 : index
        %get3A_490 = tpu.vector_load %arg10[%get3A_487, %get3A_488, %get3A_489] {strides = array<i32>} : memref<4x128x128xf32, #tpu.memory_space<vmem>>, vector<1x1x16xf32>,
        %get3A_491 = vector.shape_cast %get3A_490 : vector<1x1x16xf32> to vector<16xf32>
        %swap3A_492 = arith.constant 0 : i32
        %swap3A_493 = arith.index_cast %swap3A_492 : i32 to index
        %swap3A_494 = arith.index_cast %scan3A_398 : i32 to index
        %swap3A_495 = arith.constant 80 : index
        %swap3A_496 = tpu.vector_load %arg11[%swap3A_493, %swap3A_494, %swap3A_495] {strides = array<i32>} : memref<4x64x128xf32, #tpu.memory_space<vmem>>, vector<1x1x16xf32>,
        %swap3A_497 = vector.shape_cast %swap3A_496 : vector<1x1x16xf32> to vector<16xf32>
        %swap3A_498 = vector.shape_cast %get3A_491 : vector<16xf32> to vector<1x1x16xf32>
        tpu.vector_store %arg11[%swap3A_493, %swap3A_494, %swap3A_495], %swap3A_498 {strides = array<i32>} : memref<4x64x128xf32, #tpu.memory_space<vmem>>, vector<1x1x16xf32>,
        %mul3A_499 = arith.constant 2 : i32
        %mul3A_500 = arith.muli %mul3A_499, %scan3A_398 : i32
        %add3A_501 = arith.constant 1 : i32
        %add3A_502 = arith.addi %mul3A_500, %add3A_501 : i32
        %get3A_503 = arith.constant 0 : i32
        %get3A_504 = arith.index_cast %get3A_503 : i32 to index
        %get3A_505 = arith.index_cast %add3A_502 : i32 to index
        %get3A_506 = arith.constant 96 : index
        %get3A_507 = tpu.vector_load %arg10[%get3A_504, %get3A_505, %get3A_506] {strides = array<i32>} : memref<4x128x128xf32, #tpu.memory_space<vmem>>, vector<1x1x16xf32>,
        %get3A_508 = vector.shape_cast %get3A_507 : vector<1x1x16xf32> to vector<16xf32>
        %swap3A_509 = arith.constant 0 : i32
        %swap3A_510 = arith.index_cast %swap3A_509 : i32 to index
        %swap3A_511 = arith.index_cast %scan3A_398 : i32 to index
        %swap3A_512 = arith.constant 96 : index
        %swap3A_513 = tpu.vector_load %arg11[%swap3A_510, %swap3A_511, %swap3A_512] {strides = array<i32>} : memref<4x64x128xf32, #tpu.memory_space<vmem>>, vector<1x1x16xf32>,
        %swap3A_514 = vector.shape_cast %swap3A_513 : vector<1x1x16xf32> to vector<16xf32>
        %swap3A_515 = vector.shape_cast %get3A_508 : vector<16xf32> to vector<1x1x16xf32>
        tpu.vector_store %arg11[%swap3A_510, %swap3A_511, %swap3A_512], %swap3A_515 {strides = array<i32>} : memref<4x64x128xf32, #tpu.memory_space<vmem>>, vector<1x1x16xf32>,
        %mul3A_516 = arith.constant 2 : i32
        %mul3A_517 = arith.muli %mul3A_516, %scan3A_398 : i32
        %add3A_518 = arith.constant 1 : i32
        %add3A_519 = arith.addi %mul3A_517, %add3A_518 : i32
        %get3A_520 = arith.constant 0 : i32
        %get3A_521 = arith.index_cast %get3A_520 : i32 to index
        %get3A_522 = arith.index_cast %add3A_519 : i32 to index
        %get3A_523 = arith.constant 112 : index
        %get3A_524 = tpu.vector_load %arg10[%get3A_521, %get3A_522, %get3A_523] {strides = array<i32>} : memref<4x128x128xf32, #tpu.memory_space<vmem>>, vector<1x1x16xf32>,
        %get3A_525 = vector.shape_cast %get3A_524 : vector<1x1x16xf32> to vector<16xf32>
        %swap3A_526 = arith.constant 0 : i32
        %swap3A_527 = arith.index_cast %swap3A_526 : i32 to index
        %swap3A_528 = arith.index_cast %scan3A_398 : i32 to index
        %swap3A_529 = arith.constant 112 : index
        %swap3A_530 = tpu.vector_load %arg11[%swap3A_527, %swap3A_528, %swap3A_529] {strides = array<i32>} : memref<4x64x128xf32, #tpu.memory_space<vmem>>, vector<1x1x16xf32>,
        %swap3A_531 = vector.shape_cast %swap3A_530 : vector<1x1x16xf32> to vector<16xf32>
        %swap3A_532 = vector.shape_cast %get3A_525 : vector<16xf32> to vector<1x1x16xf32>
        tpu.vector_store %arg11[%swap3A_527, %swap3A_528, %swap3A_529], %swap3A_532 {strides = array<i32>} : memref<4x64x128xf32, #tpu.memory_space<vmem>>, vector<1x1x16xf32>,
      }
      %scan3A_142 = arith.constant 64 : i32
      %add3A_143 = arith.constant 0 : i32
      %add3A_144 = arith.addi %add3A_64, %add3A_143 : i32
      %mul3A_145 = arith.constant 64 : i32
      %mul3A_146 = arith.muli %add3A_144, %mul3A_145 : i32
      %multiple_of3A = tpu.assume_multiple %mul3A_146, 8 : i32
      %dma_start3A_147 = arith.constant 0 : i32
      %dma_start3A_148 = arith.constant 0 : i32
      %dma_start3A_149 = arith.constant 0 : i32
      %dma_start3A_150 = tpu.memref_slice %arg11[%dma_start3A_147, %dma_start3A_148, %dma_start3A_149] : memref<4x64x128xf32, #tpu.memory_space<vmem>> -> memref<1x64x128xf32, #tpu.memory_space<vmem>>
      %dma_start3A_151 = tpu.memref_squeeze %dma_start3A_150 : memref<1x64x128xf32, #tpu.memory_space<vmem>> -> memref<64x128xf32, #tpu.memory_space<vmem>>
      %dma_start3A_152 = arith.constant 0 : i32
      %dma_start3A_153 = tpu.memref_slice %arg7[%multiple_of3A, %dma_start3A_152] : memref<400000x128xf32, #tpu.memory_space<hbm>> -> memref<64x128xf32, #tpu.memory_space<hbm>>
      %dma_start3A_154 = arith.constant 0 : i32
      %dma_start3A_155 = tpu.memref_slice %arg7[%multiple_of3A, %dma_start3A_154] : memref<400000x128xf32, #tpu.memory_space<hbm>> -> memref<64x128xf32, #tpu.memory_space<hbm>>
      %dma_start3A_156 = arith.constant 0 : i32
      %dma_start3A_157 = arith.constant 0 : i32
      %dma_start3A_158 = tpu.memref_slice %arg11[%dma_start3A_147, %dma_start3A_156, %dma_start3A_157] : memref<4x64x128xf32, #tpu.memory_space<vmem>> -> memref<1x64x128xf32, #tpu.memory_space<vmem>>
      %dma_start3A_159 = tpu.memref_squeeze %dma_start3A_158 : memref<1x64x128xf32, #tpu.memory_space<vmem>> -> memref<64x128xf32, #tpu.memory_space<vmem>>
      tpu.enqueue_dma source(%dma_start3A_159 : memref<64x128xf32, #tpu.memory_space<vmem>>) target(%dma_start3A_155 : memref<64x128xf32, #tpu.memory_space<hbm>>) target_semaphore(%arg15 : memref<!tpu.dma_semaphore, #tpu.memory_space<semaphore_mem>>)
      %dma_wait3A_160 = arith.constant 1 : i32
      %dma_wait3A_161 = arith.constant 0 : i32
      %dma_wait3A_162 = arith.constant 0 : i32
      %dma_wait3A_163 = tpu.memref_slice %arg10[%dma_wait3A_160, %dma_wait3A_161, %dma_wait3A_162] : memref<4x128x128xf32, #tpu.memory_space<vmem>> -> memref<1x128x128xf32, #tpu.memory_space<vmem>>
      %dma_wait3A_164 = tpu.memref_squeeze %dma_wait3A_163 : memref<1x128x128xf32, #tpu.memory_space<vmem>> -> memref<128x128xf32, #tpu.memory_space<vmem>>
      %dma_wait3A_165 = arith.constant 128 : i32
      %dma_wait3A_166 = tpu.memref_slice %arg8[%dma_wait3A_165] : memref<512xi32, #tpu.memory_space<vmem>> -> memref<128xi32, #tpu.memory_space<vmem>>
      %dma_wait3A_167 = arith.constant 0 : i32
      %dma_wait3A_168 = arith.constant 0 : i32
      %dma_wait3A_169 = tpu.memref_slice %arg4[%dma_wait3A_167, %dma_wait3A_168] : memref<50000x128xf32, #tpu.memory_space<hbm>> -> memref<50000x128xf32, #tpu.memory_space<hbm>>
      tpu.wait_indirect_dma semaphore(%arg13 : memref<!tpu.dma_semaphore, #tpu.memory_space<semaphore_mem>>) src(%dma_wait3A_169 : memref<50000x128xf32, #tpu.memory_space<hbm>>) dst(%dma_wait3A_164 : memref<128x128xf32, #tpu.memory_space<vmem>>)
      %dma_start3A_170 = arith.constant 1 : i32
      %dma_start3A_171 = arith.constant 1 : i32
      %dma_start3A_172 = arith.constant 0 : i32
      %dma_start3A_173 = arith.constant 0 : i32
      %dma_start3A_174 = tpu.memref_slice %arg10[%dma_start3A_170, %dma_start3A_172, %dma_start3A_173] : memref<4x128x128xf32, #tpu.memory_space<vmem>> -> memref<1x128x128xf32, #tpu.memory_space<vmem>>
      %dma_start3A_175 = tpu.memref_squeeze %dma_start3A_174 : memref<1x128x128xf32, #tpu.memory_space<vmem>> -> memref<128x128xf32, #tpu.memory_space<vmem>>
      %dma_start3A_176 = arith.constant 0 : i32
      %dma_start3A_177 = tpu.memref_slice %arg9[%dma_start3A_171, %dma_start3A_176] : memref<4x128xi32, #tpu.memory_space<vmem>> -> memref<1x128xi32, #tpu.memory_space<vmem>>
      %dma_start3A_178 = tpu.memref_squeeze %dma_start3A_177 : memref<1x128xi32, #tpu.memory_space<vmem>> -> memref<128xi32, #tpu.memory_space<vmem>>
      %dma_start3A_179 = arith.constant 0 : i32
      %dma_start3A_180 = arith.constant 0 : i32
      %dma_start3A_181 = tpu.memref_slice %arg12[%dma_start3A_179, %dma_start3A_180] : memref<512x128xf32, #tpu.memory_space<vmem_shared>> -> memref<512x128xf32, #tpu.memory_space<vmem_shared>>
      tpu.enqueue_indirect_dma source(%dma_start3A_175 : memref<128x128xf32, #tpu.memory_space<vmem>>) target(%dma_start3A_181 : memref<512x128xf32, #tpu.memory_space<vmem_shared>>) offsets(%dma_start3A_178 : memref<128xi32, #tpu.memory_space<vmem>>) semaphore(%arg14 : memref<!tpu.dma_semaphore, #tpu.memory_space<semaphore_mem>>) {add = true}
      %scan3A_182 = arith.constant 0 : i32
      %scan3A_183 = arith.constant 0 : i32
      %scan3A_184 = arith.constant 64 : i32
      %scan3A_185 = arith.addi %scan3A_183, %scan3A_184 : i32
      %scan3A_186 = arith.constant 1 : i32
      scf.for %scan3A_398 = %scan3A_183 to %scan3A_185 step %scan3A_186  : i32 {
        %mul3A_399 = arith.constant 2 : i32
        %mul3A_400 = arith.muli %mul3A_399, %scan3A_398 : i32
        %add3A_401 = arith.constant 0 : i32
        %add3A_402 = arith.addi %mul3A_400, %add3A_401 : i32
        %get3A = arith.constant 1 : i32
        %get3A_403 = arith.index_cast %get3A : i32 to index
        %get3A_404 = arith.index_cast %add3A_402 : i32 to index
        %get3A_405 = arith.constant 64 : index
        %get3A_406 = tpu.vector_load %arg10[%get3A_403, %get3A_404, %get3A_405] {strides = array<i32>} : memref<4x128x128xf32, #tpu.memory_space<vmem>>, vector<1x1x16xf32>,
        %get3A_407 = vector.shape_cast %get3A_406 : vector<1x1x16xf32> to vector<16xf32>
        %swap3A = arith.constant 1 : i32
        %swap3A_408 = arith.index_cast %swap3A : i32 to index
        %swap3A_409 = arith.index_cast %scan3A_398 : i32 to index
        %swap3A_410 = arith.constant 0 : index
        %swap3A_411 = tpu.vector_load %arg11[%swap3A_408, %swap3A_409, %swap3A_410] {strides = array<i32>} : memref<4x64x128xf32, #tpu.memory_space<vmem>>, vector<1x1x16xf32>,
        %swap3A_412 = vector.shape_cast %swap3A_411 : vector<1x1x16xf32> to vector<16xf32>
        %swap3A_413 = vector.shape_cast %get3A_407 : vector<16xf32> to vector<1x1x16xf32>
        tpu.vector_store %arg11[%swap3A_408, %swap3A_409, %swap3A_410], %swap3A_413 {strides = array<i32>} : memref<4x64x128xf32, #tpu.memory_space<vmem>>, vector<1x1x16xf32>,
        %mul3A_414 = arith.constant 2 : i32
        %mul3A_415 = arith.muli %mul3A_414, %scan3A_398 : i32
        %add3A_416 = arith.constant 0 : i32
        %add3A_417 = arith.addi %mul3A_415, %add3A_416 : i32
        %get3A_418 = arith.constant 1 : i32
        %get3A_419 = arith.index_cast %get3A_418 : i32 to index
        %get3A_420 = arith.index_cast %add3A_417 : i32 to index
        %get3A_421 = arith.constant 80 : index
        %get3A_422 = tpu.vector_load %arg10[%get3A_419, %get3A_420, %get3A_421] {strides = array<i32>} : memref<4x128x128xf32, #tpu.memory_space<vmem>>, vector<1x1x16xf32>,
        %get3A_423 = vector.shape_cast %get3A_422 : vector<1x1x16xf32> to vector<16xf32>
        %swap3A_424 = arith.constant 1 : i32
        %swap3A_425 = arith.index_cast %swap3A_424 : i32 to index
        %swap3A_426 = arith.index_cast %scan3A_398 : i32 to index
        %swap3A_427 = arith.constant 16 : index
        %swap3A_428 = tpu.vector_load %arg11[%swap3A_425, %swap3A_426, %swap3A_427] {strides = array<i32>} : memref<4x64x128xf32, #tpu.memory_space<vmem>>, vector<1x1x16xf32>,
        %swap3A_429 = vector.shape_cast %swap3A_428 : vector<1x1x16xf32> to vector<16xf32>
        %swap3A_430 = vector.shape_cast %get3A_423 : vector<16xf32> to vector<1x1x16xf32>
        tpu.vector_store %arg11[%swap3A_425, %swap3A_426, %swap3A_427], %swap3A_430 {strides = array<i32>} : memref<4x64x128xf32, #tpu.memory_space<vmem>>, vector<1x1x16xf32>,
        %mul3A_431 = arith.constant 2 : i32
        %mul3A_432 = arith.muli %mul3A_431, %scan3A_398 : i32
        %add3A_433 = arith.constant 0 : i32
        %add3A_434 = arith.addi %mul3A_432, %add3A_433 : i32
        %get3A_435 = arith.constant 1 : i32
        %get3A_436 = arith.index_cast %get3A_435 : i32 to index
        %get3A_437 = arith.index_cast %add3A_434 : i32 to index
        %get3A_438 = arith.constant 96 : index
        %get3A_439 = tpu.vector_load %arg10[%get3A_436, %get3A_437, %get3A_438] {strides = array<i32>} : memref<4x128x128xf32, #tpu.memory_space<vmem>>, vector<1x1x16xf32>,
        %get3A_440 = vector.shape_cast %get3A_439 : vector<1x1x16xf32> to vector<16xf32>
        %swap3A_441 = arith.constant 1 : i32
        %swap3A_442 = arith.index_cast %swap3A_441 : i32 to index
        %swap3A_443 = arith.index_cast %scan3A_398 : i32 to index
        %swap3A_444 = arith.constant 32 : index
        %swap3A_445 = tpu.vector_load %arg11[%swap3A_442, %swap3A_443, %swap3A_444] {strides = array<i32>} : memref<4x64x128xf32, #tpu.memory_space<vmem>>, vector<1x1x16xf32>,
        %swap3A_446 = vector.shape_cast %swap3A_445 : vector<1x1x16xf32> to vector<16xf32>
        %swap3A_447 = vector.shape_cast %get3A_440 : vector<16xf32> to vector<1x1x16xf32>
        tpu.vector_store %arg11[%swap3A_442, %swap3A_443, %swap3A_444], %swap3A_447 {strides = array<i32>} : memref<4x64x128xf32, #tpu.memory_space<vmem>>, vector<1x1x16xf32>,
        %mul3A_448 = arith.constant 2 : i32
        %mul3A_449 = arith.muli %mul3A_448, %scan3A_398 : i32
        %add3A_450 = arith.constant 0 : i32
        %add3A_451 = arith.addi %mul3A_449, %add3A_450 : i32
        %get3A_452 = arith.constant 1 : i32
        %get3A_453 = arith.index_cast %get3A_452 : i32 to index
        %get3A_454 = arith.index_cast %add3A_451 : i32 to index
        %get3A_455 = arith.constant 112 : index
        %get3A_456 = tpu.vector_load %arg10[%get3A_453, %get3A_454, %get3A_455] {strides = array<i32>} : memref<4x128x128xf32, #tpu.memory_space<vmem>>, vector<1x1x16xf32>,
        %get3A_457 = vector.shape_cast %get3A_456 : vector<1x1x16xf32> to vector<16xf32>
        %swap3A_458 = arith.constant 1 : i32
        %swap3A_459 = arith.index_cast %swap3A_458 : i32 to index
        %swap3A_460 = arith.index_cast %scan3A_398 : i32 to index
        %swap3A_461 = arith.constant 48 : index
        %swap3A_462 = tpu.vector_load %arg11[%swap3A_459, %swap3A_460, %swap3A_461] {strides = array<i32>} : memref<4x64x128xf32, #tpu.memory_space<vmem>>, vector<1x1x16xf32>,
        %swap3A_463 = vector.shape_cast %swap3A_462 : vector<1x1x16xf32> to vector<16xf32>
        %swap3A_464 = vector.shape_cast %get3A_457 : vector<16xf32> to vector<1x1x16xf32>
        tpu.vector_store %arg11[%swap3A_459, %swap3A_460, %swap3A_461], %swap3A_464 {strides = array<i32>} : memref<4x64x128xf32, #tpu.memory_space<vmem>>, vector<1x1x16xf32>,
        %mul3A_465 = arith.constant 2 : i32
        %mul3A_466 = arith.muli %mul3A_465, %scan3A_398 : i32
        %add3A_467 = arith.constant 1 : i32
        %add3A_468 = arith.addi %mul3A_466, %add3A_467 : i32
        %get3A_469 = arith.constant 1 : i32
        %get3A_470 = arith.index_cast %get3A_469 : i32 to index
        %get3A_471 = arith.index_cast %add3A_468 : i32 to index
        %get3A_472 = arith.constant 64 : index
        %get3A_473 = tpu.vector_load %arg10[%get3A_470, %get3A_471, %get3A_472] {strides = array<i32>} : memref<4x128x128xf32, #tpu.memory_space<vmem>>, vector<1x1x16xf32>,
        %get3A_474 = vector.shape_cast %get3A_473 : vector<1x1x16xf32> to vector<16xf32>
        %swap3A_475 = arith.constant 1 : i32
        %swap3A_476 = arith.index_cast %swap3A_475 : i32 to index
        %swap3A_477 = arith.index_cast %scan3A_398 : i32 to index
        %swap3A_478 = arith.constant 64 : index
        %swap3A_479 = tpu.vector_load %arg11[%swap3A_476, %swap3A_477, %swap3A_478] {strides = array<i32>} : memref<4x64x128xf32, #tpu.memory_space<vmem>>, vector<1x1x16xf32>,
        %swap3A_480 = vector.shape_cast %swap3A_479 : vector<1x1x16xf32> to vector<16xf32>
        %swap3A_481 = vector.shape_cast %get3A_474 : vector<16xf32> to vector<1x1x16xf32>
        tpu.vector_store %arg11[%swap3A_476, %swap3A_477, %swap3A_478], %swap3A_481 {strides = array<i32>} : memref<4x64x128xf32, #tpu.memory_space<vmem>>, vector<1x1x16xf32>,
        %mul3A_482 = arith.constant 2 : i32
        %mul3A_483 = arith.muli %mul3A_482, %scan3A_398 : i32
        %add3A_484 = arith.constant 1 : i32
        %add3A_485 = arith.addi %mul3A_483, %add3A_484 : i32
        %get3A_486 = arith.constant 1 : i32
        %get3A_487 = arith.index_cast %get3A_486 : i32 to index
        %get3A_488 = arith.index_cast %add3A_485 : i32 to index
        %get3A_489 = arith.constant 80 : index
        %get3A_490 = tpu.vector_load %arg10[%get3A_487, %get3A_488, %get3A_489] {strides = array<i32>} : memref<4x128x128xf32, #tpu.memory_space<vmem>>, vector<1x1x16xf32>,
        %get3A_491 = vector.shape_cast %get3A_490 : vector<1x1x16xf32> to vector<16xf32>
        %swap3A_492 = arith.constant 1 : i32
        %swap3A_493 = arith.index_cast %swap3A_492 : i32 to index
        %swap3A_494 = arith.index_cast %scan3A_398 : i32 to index
        %swap3A_495 = arith.constant 80 : index
        %swap3A_496 = tpu.vector_load %arg11[%swap3A_493, %swap3A_494, %swap3A_495] {strides = array<i32>} : memref<4x64x128xf32, #tpu.memory_space<vmem>>, vector<1x1x16xf32>,
        %swap3A_497 = vector.shape_cast %swap3A_496 : vector<1x1x16xf32> to vector<16xf32>
        %swap3A_498 = vector.shape_cast %get3A_491 : vector<16xf32> to vector<1x1x16xf32>
        tpu.vector_store %arg11[%swap3A_493, %swap3A_494, %swap3A_495], %swap3A_498 {strides = array<i32>} : memref<4x64x128xf32, #tpu.memory_space<vmem>>, vector<1x1x16xf32>,
        %mul3A_499 = arith.constant 2 : i32
        %mul3A_500 = arith.muli %mul3A_499, %scan3A_398 : i32
        %add3A_501 = arith.constant 1 : i32
        %add3A_502 = arith.addi %mul3A_500, %add3A_501 : i32
        %get3A_503 = arith.constant 1 : i32
        %get3A_504 = arith.index_cast %get3A_503 : i32 to index
        %get3A_505 = arith.index_cast %add3A_502 : i32 to index
        %get3A_506 = arith.constant 96 : index
        %get3A_507 = tpu.vector_load %arg10[%get3A_504, %get3A_505, %get3A_506] {strides = array<i32>} : memref<4x128x128xf32, #tpu.memory_space<vmem>>, vector<1x1x16xf32>,
        %get3A_508 = vector.shape_cast %get3A_507 : vector<1x1x16xf32> to vector<16xf32>
        %swap3A_509 = arith.constant 1 : i32
        %swap3A_510 = arith.index_cast %swap3A_509 : i32 to index
        %swap3A_511 = arith.index_cast %scan3A_398 : i32 to index
        %swap3A_512 = arith.constant 96 : index
        %swap3A_513 = tpu.vector_load %arg11[%swap3A_510, %swap3A_511, %swap3A_512] {strides = array<i32>} : memref<4x64x128xf32, #tpu.memory_space<vmem>>, vector<1x1x16xf32>,
        %swap3A_514 = vector.shape_cast %swap3A_513 : vector<1x1x16xf32> to vector<16xf32>
        %swap3A_515 = vector.shape_cast %get3A_508 : vector<16xf32> to vector<1x1x16xf32>
        tpu.vector_store %arg11[%swap3A_510, %swap3A_511, %swap3A_512], %swap3A_515 {strides = array<i32>} : memref<4x64x128xf32, #tpu.memory_space<vmem>>, vector<1x1x16xf32>,
        %mul3A_516 = arith.constant 2 : i32
        %mul3A_517 = arith.muli %mul3A_516, %scan3A_398 : i32
        %add3A_518 = arith.constant 1 : i32
        %add3A_519 = arith.addi %mul3A_517, %add3A_518 : i32
        %get3A_520 = arith.constant 1 : i32
        %get3A_521 = arith.index_cast %get3A_520 : i32 to index
        %get3A_522 = arith.index_cast %add3A_519 : i32 to index
        %get3A_523 = arith.constant 112 : index
        %get3A_524 = tpu.vector_load %arg10[%get3A_521, %get3A_522, %get3A_523] {strides = array<i32>} : memref<4x128x128xf32, #tpu.memory_space<vmem>>, vector<1x1x16xf32>,
        %get3A_525 = vector.shape_cast %get3A_524 : vector<1x1x16xf32> to vector<16xf32>
        %swap3A_526 = arith.constant 1 : i32
        %swap3A_527 = arith.index_cast %swap3A_526 : i32 to index
        %swap3A_528 = arith.index_cast %scan3A_398 : i32 to index
        %swap3A_529 = arith.constant 112 : index
        %swap3A_530 = tpu.vector_load %arg11[%swap3A_527, %swap3A_528, %swap3A_529] {strides = array<i32>} : memref<4x64x128xf32, #tpu.memory_space<vmem>>, vector<1x1x16xf32>,
        %swap3A_531 = vector.shape_cast %swap3A_530 : vector<1x1x16xf32> to vector<16xf32>
        %swap3A_532 = vector.shape_cast %get3A_525 : vector<16xf32> to vector<1x1x16xf32>
        tpu.vector_store %arg11[%swap3A_527, %swap3A_528, %swap3A_529], %swap3A_532 {strides = array<i32>} : memref<4x64x128xf32, #tpu.memory_space<vmem>>, vector<1x1x16xf32>,
      }
      %scan3A_187 = arith.constant 64 : i32
      %add3A_188 = arith.constant 1 : i32
      %add3A_189 = arith.addi %add3A_64, %add3A_188 : i32
      %mul3A_190 = arith.constant 64 : i32
      %mul3A_191 = arith.muli %add3A_189, %mul3A_190 : i32
      %multiple_of3A_192 = tpu.assume_multiple %mul3A_191, 8 : i32
      %dma_start3A_193 = arith.constant 1 : i32
      %dma_start3A_194 = arith.constant 0 : i32
      %dma_start3A_195 = arith.constant 0 : i32
      %dma_start3A_196 = tpu.memref_slice %arg11[%dma_start3A_193, %dma_start3A_194, %dma_start3A_195] : memref<4x64x128xf32, #tpu.memory_space<vmem>> -> memref<1x64x128xf32, #tpu.memory_space<vmem>>
      %dma_start3A_197 = tpu.memref_squeeze %dma_start3A_196 : memref<1x64x128xf32, #tpu.memory_space<vmem>> -> memref<64x128xf32, #tpu.memory_space<vmem>>
      %dma_start3A_198 = arith.constant 0 : i32
      %dma_start3A_199 = tpu.memref_slice %arg7[%multiple_of3A_192, %dma_start3A_198] : memref<400000x128xf32, #tpu.memory_space<hbm>> -> memref<64x128xf32, #tpu.memory_space<hbm>>
      %dma_start3A_200 = arith.constant 0 : i32
      %dma_start3A_201 = tpu.memref_slice %arg7[%multiple_of3A_192, %dma_start3A_200] : memref<400000x128xf32, #tpu.memory_space<hbm>> -> memref<64x128xf32, #tpu.memory_space<hbm>>
      %dma_start3A_202 = arith.constant 0 : i32
      %dma_start3A_203 = arith.constant 0 : i32
      %dma_start3A_204 = tpu.memref_slice %arg11[%dma_start3A_193, %dma_start3A_202, %dma_start3A_203] : memref<4x64x128xf32, #tpu.memory_space<vmem>> -> memref<1x64x128xf32, #tpu.memory_space<vmem>>
      %dma_start3A_205 = tpu.memref_squeeze %dma_start3A_204 : memref<1x64x128xf32, #tpu.memory_space<vmem>> -> memref<64x128xf32, #tpu.memory_space<vmem>>
      tpu.enqueue_dma source(%dma_start3A_205 : memref<64x128xf32, #tpu.memory_space<vmem>>) target(%dma_start3A_201 : memref<64x128xf32, #tpu.memory_space<hbm>>) target_semaphore(%arg15 : memref<!tpu.dma_semaphore, #tpu.memory_space<semaphore_mem>>)
      %dma_wait3A_206 = arith.constant 2 : i32
      %dma_wait3A_207 = arith.constant 0 : i32
      %dma_wait3A_208 = arith.constant 0 : i32
      %dma_wait3A_209 = tpu.memref_slice %arg10[%dma_wait3A_206, %dma_wait3A_207, %dma_wait3A_208] : memref<4x128x128xf32, #tpu.memory_space<vmem>> -> memref<1x128x128xf32, #tpu.memory_space<vmem>>
      %dma_wait3A_210 = tpu.memref_squeeze %dma_wait3A_209 : memref<1x128x128xf32, #tpu.memory_space<vmem>> -> memref<128x128xf32, #tpu.memory_space<vmem>>
      %dma_wait3A_211 = arith.constant 256 : i32
      %dma_wait3A_212 = tpu.memref_slice %arg8[%dma_wait3A_211] : memref<512xi32, #tpu.memory_space<vmem>> -> memref<128xi32, #tpu.memory_space<vmem>>
      %dma_wait3A_213 = arith.constant 0 : i32
      %dma_wait3A_214 = arith.constant 0 : i32
      %dma_wait3A_215 = tpu.memref_slice %arg4[%dma_wait3A_213, %dma_wait3A_214] : memref<50000x128xf32, #tpu.memory_space<hbm>> -> memref<50000x128xf32, #tpu.memory_space<hbm>>
      tpu.wait_indirect_dma semaphore(%arg13 : memref<!tpu.dma_semaphore, #tpu.memory_space<semaphore_mem>>) src(%dma_wait3A_215 : memref<50000x128xf32, #tpu.memory_space<hbm>>) dst(%dma_wait3A_210 : memref<128x128xf32, #tpu.memory_space<vmem>>)
      %dma_start3A_216 = arith.constant 2 : i32
      %dma_start3A_217 = arith.constant 2 : i32
      %dma_start3A_218 = arith.constant 0 : i32
      %dma_start3A_219 = arith.constant 0 : i32
      %dma_start3A_220 = tpu.memref_slice %arg10[%dma_start3A_216, %dma_start3A_218, %dma_start3A_219] : memref<4x128x128xf32, #tpu.memory_space<vmem>> -> memref<1x128x128xf32, #tpu.memory_space<vmem>>
      %dma_start3A_221 = tpu.memref_squeeze %dma_start3A_220 : memref<1x128x128xf32, #tpu.memory_space<vmem>> -> memref<128x128xf32, #tpu.memory_space<vmem>>
      %dma_start3A_222 = arith.constant 0 : i32
      %dma_start3A_223 = tpu.memref_slice %arg9[%dma_start3A_217, %dma_start3A_222] : memref<4x128xi32, #tpu.memory_space<vmem>> -> memref<1x128xi32, #tpu.memory_space<vmem>>
      %dma_start3A_224 = tpu.memref_squeeze %dma_start3A_223 : memref<1x128xi32, #tpu.memory_space<vmem>> -> memref<128xi32, #tpu.memory_space<vmem>>
      %dma_start3A_225 = arith.constant 0 : i32
      %dma_start3A_226 = arith.constant 0 : i32
      %dma_start3A_227 = tpu.memref_slice %arg12[%dma_start3A_225, %dma_start3A_226] : memref<512x128xf32, #tpu.memory_space<vmem_shared>> -> memref<512x128xf32, #tpu.memory_space<vmem_shared>>
      tpu.enqueue_indirect_dma source(%dma_start3A_221 : memref<128x128xf32, #tpu.memory_space<vmem>>) target(%dma_start3A_227 : memref<512x128xf32, #tpu.memory_space<vmem_shared>>) offsets(%dma_start3A_224 : memref<128xi32, #tpu.memory_space<vmem>>) semaphore(%arg14 : memref<!tpu.dma_semaphore, #tpu.memory_space<semaphore_mem>>) {add = true}
      %scan3A_228 = arith.constant 0 : i32
      %scan3A_229 = arith.constant 0 : i32
      %scan3A_230 = arith.constant 64 : i32
      %scan3A_231 = arith.addi %scan3A_229, %scan3A_230 : i32
      %scan3A_232 = arith.constant 1 : i32
      scf.for %scan3A_398 = %scan3A_229 to %scan3A_231 step %scan3A_232  : i32 {
        %mul3A_399 = arith.constant 2 : i32
        %mul3A_400 = arith.muli %mul3A_399, %scan3A_398 : i32
        %add3A_401 = arith.constant 0 : i32
        %add3A_402 = arith.addi %mul3A_400, %add3A_401 : i32
        %get3A = arith.constant 2 : i32
        %get3A_403 = arith.index_cast %get3A : i32 to index
        %get3A_404 = arith.index_cast %add3A_402 : i32 to index
        %get3A_405 = arith.constant 64 : index
        %get3A_406 = tpu.vector_load %arg10[%get3A_403, %get3A_404, %get3A_405] {strides = array<i32>} : memref<4x128x128xf32, #tpu.memory_space<vmem>>, vector<1x1x16xf32>,
        %get3A_407 = vector.shape_cast %get3A_406 : vector<1x1x16xf32> to vector<16xf32>
        %swap3A = arith.constant 2 : i32
        %swap3A_408 = arith.index_cast %swap3A : i32 to index
        %swap3A_409 = arith.index_cast %scan3A_398 : i32 to index
        %swap3A_410 = arith.constant 0 : index
        %swap3A_411 = tpu.vector_load %arg11[%swap3A_408, %swap3A_409, %swap3A_410] {strides = array<i32>} : memref<4x64x128xf32, #tpu.memory_space<vmem>>, vector<1x1x16xf32>,
        %swap3A_412 = vector.shape_cast %swap3A_411 : vector<1x1x16xf32> to vector<16xf32>
        %swap3A_413 = vector.shape_cast %get3A_407 : vector<16xf32> to vector<1x1x16xf32>
        tpu.vector_store %arg11[%swap3A_408, %swap3A_409, %swap3A_410], %swap3A_413 {strides = array<i32>} : memref<4x64x128xf32, #tpu.memory_space<vmem>>, vector<1x1x16xf32>,
        %mul3A_414 = arith.constant 2 : i32
        %mul3A_415 = arith.muli %mul3A_414, %scan3A_398 : i32
        %add3A_416 = arith.constant 0 : i32
        %add3A_417 = arith.addi %mul3A_415, %add3A_416 : i32
        %get3A_418 = arith.constant 2 : i32
        %get3A_419 = arith.index_cast %get3A_418 : i32 to index
        %get3A_420 = arith.index_cast %add3A_417 : i32 to index
        %get3A_421 = arith.constant 80 : index
        %get3A_422 = tpu.vector_load %arg10[%get3A_419, %get3A_420, %get3A_421] {strides = array<i32>} : memref<4x128x128xf32, #tpu.memory_space<vmem>>, vector<1x1x16xf32>,
        %get3A_423 = vector.shape_cast %get3A_422 : vector<1x1x16xf32> to vector<16xf32>
        %swap3A_424 = arith.constant 2 : i32
        %swap3A_425 = arith.index_cast %swap3A_424 : i32 to index
        %swap3A_426 = arith.index_cast %scan3A_398 : i32 to index
        %swap3A_427 = arith.constant 16 : index
        %swap3A_428 = tpu.vector_load %arg11[%swap3A_425, %swap3A_426, %swap3A_427] {strides = array<i32>} : memref<4x64x128xf32, #tpu.memory_space<vmem>>, vector<1x1x16xf32>,
        %swap3A_429 = vector.shape_cast %swap3A_428 : vector<1x1x16xf32> to vector<16xf32>
        %swap3A_430 = vector.shape_cast %get3A_423 : vector<16xf32> to vector<1x1x16xf32>
        tpu.vector_store %arg11[%swap3A_425, %swap3A_426, %swap3A_427], %swap3A_430 {strides = array<i32>} : memref<4x64x128xf32, #tpu.memory_space<vmem>>, vector<1x1x16xf32>,
        %mul3A_431 = arith.constant 2 : i32
        %mul3A_432 = arith.muli %mul3A_431, %scan3A_398 : i32
        %add3A_433 = arith.constant 0 : i32
        %add3A_434 = arith.addi %mul3A_432, %add3A_433 : i32
        %get3A_435 = arith.constant 2 : i32
        %get3A_436 = arith.index_cast %get3A_435 : i32 to index
        %get3A_437 = arith.index_cast %add3A_434 : i32 to index
        %get3A_438 = arith.constant 96 : index
        %get3A_439 = tpu.vector_load %arg10[%get3A_436, %get3A_437, %get3A_438] {strides = array<i32>} : memref<4x128x128xf32, #tpu.memory_space<vmem>>, vector<1x1x16xf32>,
        %get3A_440 = vector.shape_cast %get3A_439 : vector<1x1x16xf32> to vector<16xf32>
        %swap3A_441 = arith.constant 2 : i32
        %swap3A_442 = arith.index_cast %swap3A_441 : i32 to index
        %swap3A_443 = arith.index_cast %scan3A_398 : i32 to index
        %swap3A_444 = arith.constant 32 : index
        %swap3A_445 = tpu.vector_load %arg11[%swap3A_442, %swap3A_443, %swap3A_444] {strides = array<i32>} : memref<4x64x128xf32, #tpu.memory_space<vmem>>, vector<1x1x16xf32>,
        %swap3A_446 = vector.shape_cast %swap3A_445 : vector<1x1x16xf32> to vector<16xf32>
        %swap3A_447 = vector.shape_cast %get3A_440 : vector<16xf32> to vector<1x1x16xf32>
        tpu.vector_store %arg11[%swap3A_442, %swap3A_443, %swap3A_444], %swap3A_447 {strides = array<i32>} : memref<4x64x128xf32, #tpu.memory_space<vmem>>, vector<1x1x16xf32>,
        %mul3A_448 = arith.constant 2 : i32
        %mul3A_449 = arith.muli %mul3A_448, %scan3A_398 : i32
        %add3A_450 = arith.constant 0 : i32
        %add3A_451 = arith.addi %mul3A_449, %add3A_450 : i32
        %get3A_452 = arith.constant 2 : i32
        %get3A_453 = arith.index_cast %get3A_452 : i32 to index
        %get3A_454 = arith.index_cast %add3A_451 : i32 to index
        %get3A_455 = arith.constant 112 : index
        %get3A_456 = tpu.vector_load %arg10[%get3A_453, %get3A_454, %get3A_455] {strides = array<i32>} : memref<4x128x128xf32, #tpu.memory_space<vmem>>, vector<1x1x16xf32>,
        %get3A_457 = vector.shape_cast %get3A_456 : vector<1x1x16xf32> to vector<16xf32>
        %swap3A_458 = arith.constant 2 : i32
        %swap3A_459 = arith.index_cast %swap3A_458 : i32 to index
        %swap3A_460 = arith.index_cast %scan3A_398 : i32 to index
        %swap3A_461 = arith.constant 48 : index
        %swap3A_462 = tpu.vector_load %arg11[%swap3A_459, %swap3A_460, %swap3A_461] {strides = array<i32>} : memref<4x64x128xf32, #tpu.memory_space<vmem>>, vector<1x1x16xf32>,
        %swap3A_463 = vector.shape_cast %swap3A_462 : vector<1x1x16xf32> to vector<16xf32>
        %swap3A_464 = vector.shape_cast %get3A_457 : vector<16xf32> to vector<1x1x16xf32>
        tpu.vector_store %arg11[%swap3A_459, %swap3A_460, %swap3A_461], %swap3A_464 {strides = array<i32>} : memref<4x64x128xf32, #tpu.memory_space<vmem>>, vector<1x1x16xf32>,
        %mul3A_465 = arith.constant 2 : i32
        %mul3A_466 = arith.muli %mul3A_465, %scan3A_398 : i32
        %add3A_467 = arith.constant 1 : i32
        %add3A_468 = arith.addi %mul3A_466, %add3A_467 : i32
        %get3A_469 = arith.constant 2 : i32
        %get3A_470 = arith.index_cast %get3A_469 : i32 to index
        %get3A_471 = arith.index_cast %add3A_468 : i32 to index
        %get3A_472 = arith.constant 64 : index
        %get3A_473 = tpu.vector_load %arg10[%get3A_470, %get3A_471, %get3A_472] {strides = array<i32>} : memref<4x128x128xf32, #tpu.memory_space<vmem>>, vector<1x1x16xf32>,
        %get3A_474 = vector.shape_cast %get3A_473 : vector<1x1x16xf32> to vector<16xf32>
        %swap3A_475 = arith.constant 2 : i32
        %swap3A_476 = arith.index_cast %swap3A_475 : i32 to index
        %swap3A_477 = arith.index_cast %scan3A_398 : i32 to index
        %swap3A_478 = arith.constant 64 : index
        %swap3A_479 = tpu.vector_load %arg11[%swap3A_476, %swap3A_477, %swap3A_478] {strides = array<i32>} : memref<4x64x128xf32, #tpu.memory_space<vmem>>, vector<1x1x16xf32>,
        %swap3A_480 = vector.shape_cast %swap3A_479 : vector<1x1x16xf32> to vector<16xf32>
        %swap3A_481 = vector.shape_cast %get3A_474 : vector<16xf32> to vector<1x1x16xf32>
        tpu.vector_store %arg11[%swap3A_476, %swap3A_477, %swap3A_478], %swap3A_481 {strides = array<i32>} : memref<4x64x128xf32, #tpu.memory_space<vmem>>, vector<1x1x16xf32>,
        %mul3A_482 = arith.constant 2 : i32
        %mul3A_483 = arith.muli %mul3A_482, %scan3A_398 : i32
        %add3A_484 = arith.constant 1 : i32
        %add3A_485 = arith.addi %mul3A_483, %add3A_484 : i32
        %get3A_486 = arith.constant 2 : i32
        %get3A_487 = arith.index_cast %get3A_486 : i32 to index
        %get3A_488 = arith.index_cast %add3A_485 : i32 to index
        %get3A_489 = arith.constant 80 : index
        %get3A_490 = tpu.vector_load %arg10[%get3A_487, %get3A_488, %get3A_489] {strides = array<i32>} : memref<4x128x128xf32, #tpu.memory_space<vmem>>, vector<1x1x16xf32>,
        %get3A_491 = vector.shape_cast %get3A_490 : vector<1x1x16xf32> to vector<16xf32>
        %swap3A_492 = arith.constant 2 : i32
        %swap3A_493 = arith.index_cast %swap3A_492 : i32 to index
        %swap3A_494 = arith.index_cast %scan3A_398 : i32 to index
        %swap3A_495 = arith.constant 80 : index
        %swap3A_496 = tpu.vector_load %arg11[%swap3A_493, %swap3A_494, %swap3A_495] {strides = array<i32>} : memref<4x64x128xf32, #tpu.memory_space<vmem>>, vector<1x1x16xf32>,
        %swap3A_497 = vector.shape_cast %swap3A_496 : vector<1x1x16xf32> to vector<16xf32>
        %swap3A_498 = vector.shape_cast %get3A_491 : vector<16xf32> to vector<1x1x16xf32>
        tpu.vector_store %arg11[%swap3A_493, %swap3A_494, %swap3A_495], %swap3A_498 {strides = array<i32>} : memref<4x64x128xf32, #tpu.memory_space<vmem>>, vector<1x1x16xf32>,
        %mul3A_499 = arith.constant 2 : i32
        %mul3A_500 = arith.muli %mul3A_499, %scan3A_398 : i32
        %add3A_501 = arith.constant 1 : i32
        %add3A_502 = arith.addi %mul3A_500, %add3A_501 : i32
        %get3A_503 = arith.constant 2 : i32
        %get3A_504 = arith.index_cast %get3A_503 : i32 to index
        %get3A_505 = arith.index_cast %add3A_502 : i32 to index
        %get3A_506 = arith.constant 96 : index
        %get3A_507 = tpu.vector_load %arg10[%get3A_504, %get3A_505, %get3A_506] {strides = array<i32>} : memref<4x128x128xf32, #tpu.memory_space<vmem>>, vector<1x1x16xf32>,
        %get3A_508 = vector.shape_cast %get3A_507 : vector<1x1x16xf32> to vector<16xf32>
        %swap3A_509 = arith.constant 2 : i32
        %swap3A_510 = arith.index_cast %swap3A_509 : i32 to index
        %swap3A_511 = arith.index_cast %scan3A_398 : i32 to index
        %swap3A_512 = arith.constant 96 : index
        %swap3A_513 = tpu.vector_load %arg11[%swap3A_510, %swap3A_511, %swap3A_512] {strides = array<i32>} : memref<4x64x128xf32, #tpu.memory_space<vmem>>, vector<1x1x16xf32>,
        %swap3A_514 = vector.shape_cast %swap3A_513 : vector<1x1x16xf32> to vector<16xf32>
        %swap3A_515 = vector.shape_cast %get3A_508 : vector<16xf32> to vector<1x1x16xf32>
        tpu.vector_store %arg11[%swap3A_510, %swap3A_511, %swap3A_512], %swap3A_515 {strides = array<i32>} : memref<4x64x128xf32, #tpu.memory_space<vmem>>, vector<1x1x16xf32>,
        %mul3A_516 = arith.constant 2 : i32
        %mul3A_517 = arith.muli %mul3A_516, %scan3A_398 : i32
        %add3A_518 = arith.constant 1 : i32
        %add3A_519 = arith.addi %mul3A_517, %add3A_518 : i32
        %get3A_520 = arith.constant 2 : i32
        %get3A_521 = arith.index_cast %get3A_520 : i32 to index
        %get3A_522 = arith.index_cast %add3A_519 : i32 to index
        %get3A_523 = arith.constant 112 : index
        %get3A_524 = tpu.vector_load %arg10[%get3A_521, %get3A_522, %get3A_523] {strides = array<i32>} : memref<4x128x128xf32, #tpu.memory_space<vmem>>, vector<1x1x16xf32>,
        %get3A_525 = vector.shape_cast %get3A_524 : vector<1x1x16xf32> to vector<16xf32>
        %swap3A_526 = arith.constant 2 : i32
        %swap3A_527 = arith.index_cast %swap3A_526 : i32 to index
        %swap3A_528 = arith.index_cast %scan3A_398 : i32 to index
        %swap3A_529 = arith.constant 112 : index
        %swap3A_530 = tpu.vector_load %arg11[%swap3A_527, %swap3A_528, %swap3A_529] {strides = array<i32>} : memref<4x64x128xf32, #tpu.memory_space<vmem>>, vector<1x1x16xf32>,
        %swap3A_531 = vector.shape_cast %swap3A_530 : vector<1x1x16xf32> to vector<16xf32>
        %swap3A_532 = vector.shape_cast %get3A_525 : vector<16xf32> to vector<1x1x16xf32>
        tpu.vector_store %arg11[%swap3A_527, %swap3A_528, %swap3A_529], %swap3A_532 {strides = array<i32>} : memref<4x64x128xf32, #tpu.memory_space<vmem>>, vector<1x1x16xf32>,
      }
      %scan3A_233 = arith.constant 64 : i32
      %add3A_234 = arith.constant 2 : i32
      %add3A_235 = arith.addi %add3A_64, %add3A_234 : i32
      %mul3A_236 = arith.constant 64 : i32
      %mul3A_237 = arith.muli %add3A_235, %mul3A_236 : i32
      %multiple_of3A_238 = tpu.assume_multiple %mul3A_237, 8 : i32
      %dma_start3A_239 = arith.constant 2 : i32
      %dma_start3A_240 = arith.constant 0 : i32
      %dma_start3A_241 = arith.constant 0 : i32
      %dma_start3A_242 = tpu.memref_slice %arg11[%dma_start3A_239, %dma_start3A_240, %dma_start3A_241] : memref<4x64x128xf32, #tpu.memory_space<vmem>> -> memref<1x64x128xf32, #tpu.memory_space<vmem>>
      %dma_start3A_243 = tpu.memref_squeeze %dma_start3A_242 : memref<1x64x128xf32, #tpu.memory_space<vmem>> -> memref<64x128xf32, #tpu.memory_space<vmem>>
      %dma_start3A_244 = arith.constant 0 : i32
      %dma_start3A_245 = tpu.memref_slice %arg7[%multiple_of3A_238, %dma_start3A_244] : memref<400000x128xf32, #tpu.memory_space<hbm>> -> memref<64x128xf32, #tpu.memory_space<hbm>>
      %dma_start3A_246 = arith.constant 0 : i32
      %dma_start3A_247 = tpu.memref_slice %arg7[%multiple_of3A_238, %dma_start3A_246] : memref<400000x128xf32, #tpu.memory_space<hbm>> -> memref<64x128xf32, #tpu.memory_space<hbm>>
      %dma_start3A_248 = arith.constant 0 : i32
      %dma_start3A_249 = arith.constant 0 : i32
      %dma_start3A_250 = tpu.memref_slice %arg11[%dma_start3A_239, %dma_start3A_248, %dma_start3A_249] : memref<4x64x128xf32, #tpu.memory_space<vmem>> -> memref<1x64x128xf32, #tpu.memory_space<vmem>>
      %dma_start3A_251 = tpu.memref_squeeze %dma_start3A_250 : memref<1x64x128xf32, #tpu.memory_space<vmem>> -> memref<64x128xf32, #tpu.memory_space<vmem>>
      tpu.enqueue_dma source(%dma_start3A_251 : memref<64x128xf32, #tpu.memory_space<vmem>>) target(%dma_start3A_247 : memref<64x128xf32, #tpu.memory_space<hbm>>) target_semaphore(%arg15 : memref<!tpu.dma_semaphore, #tpu.memory_space<semaphore_mem>>)
      %dma_wait3A_252 = arith.constant 3 : i32
      %dma_wait3A_253 = arith.constant 0 : i32
      %dma_wait3A_254 = arith.constant 0 : i32
      %dma_wait3A_255 = tpu.memref_slice %arg10[%dma_wait3A_252, %dma_wait3A_253, %dma_wait3A_254] : memref<4x128x128xf32, #tpu.memory_space<vmem>> -> memref<1x128x128xf32, #tpu.memory_space<vmem>>
      %dma_wait3A_256 = tpu.memref_squeeze %dma_wait3A_255 : memref<1x128x128xf32, #tpu.memory_space<vmem>> -> memref<128x128xf32, #tpu.memory_space<vmem>>
      %dma_wait3A_257 = arith.constant 384 : i32
      %dma_wait3A_258 = tpu.memref_slice %arg8[%dma_wait3A_257] : memref<512xi32, #tpu.memory_space<vmem>> -> memref<128xi32, #tpu.memory_space<vmem>>
      %dma_wait3A_259 = arith.constant 0 : i32
      %dma_wait3A_260 = arith.constant 0 : i32
      %dma_wait3A_261 = tpu.memref_slice %arg4[%dma_wait3A_259, %dma_wait3A_260] : memref<50000x128xf32, #tpu.memory_space<hbm>> -> memref<50000x128xf32, #tpu.memory_space<hbm>>
      tpu.wait_indirect_dma semaphore(%arg13 : memref<!tpu.dma_semaphore, #tpu.memory_space<semaphore_mem>>) src(%dma_wait3A_261 : memref<50000x128xf32, #tpu.memory_space<hbm>>) dst(%dma_wait3A_256 : memref<128x128xf32, #tpu.memory_space<vmem>>)
      %dma_start3A_262 = arith.constant 3 : i32
      %dma_start3A_263 = arith.constant 3 : i32
      %dma_start3A_264 = arith.constant 0 : i32
      %dma_start3A_265 = arith.constant 0 : i32
      %dma_start3A_266 = tpu.memref_slice %arg10[%dma_start3A_262, %dma_start3A_264, %dma_start3A_265] : memref<4x128x128xf32, #tpu.memory_space<vmem>> -> memref<1x128x128xf32, #tpu.memory_space<vmem>>
      %dma_start3A_267 = tpu.memref_squeeze %dma_start3A_266 : memref<1x128x128xf32, #tpu.memory_space<vmem>> -> memref<128x128xf32, #tpu.memory_space<vmem>>
      %dma_start3A_268 = arith.constant 0 : i32
      %dma_start3A_269 = tpu.memref_slice %arg9[%dma_start3A_263, %dma_start3A_268] : memref<4x128xi32, #tpu.memory_space<vmem>> -> memref<1x128xi32, #tpu.memory_space<vmem>>
      %dma_start3A_270 = tpu.memref_squeeze %dma_start3A_269 : memref<1x128xi32, #tpu.memory_space<vmem>> -> memref<128xi32, #tpu.memory_space<vmem>>
      %dma_start3A_271 = arith.constant 0 : i32
      %dma_start3A_272 = arith.constant 0 : i32
      %dma_start3A_273 = tpu.memref_slice %arg12[%dma_start3A_271, %dma_start3A_272] : memref<512x128xf32, #tpu.memory_space<vmem_shared>> -> memref<512x128xf32, #tpu.memory_space<vmem_shared>>
      tpu.enqueue_indirect_dma source(%dma_start3A_267 : memref<128x128xf32, #tpu.memory_space<vmem>>) target(%dma_start3A_273 : memref<512x128xf32, #tpu.memory_space<vmem_shared>>) offsets(%dma_start3A_270 : memref<128xi32, #tpu.memory_space<vmem>>) semaphore(%arg14 : memref<!tpu.dma_semaphore, #tpu.memory_space<semaphore_mem>>) {add = true}
      %scan3A_274 = arith.constant 0 : i32
      %scan3A_275 = arith.constant 0 : i32
      %scan3A_276 = arith.constant 64 : i32
      %scan3A_277 = arith.addi %scan3A_275, %scan3A_276 : i32
      %scan3A_278 = arith.constant 1 : i32
      scf.for %scan3A_398 = %scan3A_275 to %scan3A_277 step %scan3A_278  : i32 {
        %mul3A_399 = arith.constant 2 : i32
        %mul3A_400 = arith.muli %mul3A_399, %scan3A_398 : i32
        %add3A_401 = arith.constant 0 : i32
        %add3A_402 = arith.addi %mul3A_400, %add3A_401 : i32
        %get3A = arith.constant 3 : i32
        %get3A_403 = arith.index_cast %get3A : i32 to index
        %get3A_404 = arith.index_cast %add3A_402 : i32 to index
        %get3A_405 = arith.constant 64 : index
        %get3A_406 = tpu.vector_load %arg10[%get3A_403, %get3A_404, %get3A_405] {strides = array<i32>} : memref<4x128x128xf32, #tpu.memory_space<vmem>>, vector<1x1x16xf32>,
        %get3A_407 = vector.shape_cast %get3A_406 : vector<1x1x16xf32> to vector<16xf32>
        %swap3A = arith.constant 3 : i32
        %swap3A_408 = arith.index_cast %swap3A : i32 to index
        %swap3A_409 = arith.index_cast %scan3A_398 : i32 to index
        %swap3A_410 = arith.constant 0 : index
        %swap3A_411 = tpu.vector_load %arg11[%swap3A_408, %swap3A_409, %swap3A_410] {strides = array<i32>} : memref<4x64x128xf32, #tpu.memory_space<vmem>>, vector<1x1x16xf32>,
        %swap3A_412 = vector.shape_cast %swap3A_411 : vector<1x1x16xf32> to vector<16xf32>
        %swap3A_413 = vector.shape_cast %get3A_407 : vector<16xf32> to vector<1x1x16xf32>
        tpu.vector_store %arg11[%swap3A_408, %swap3A_409, %swap3A_410], %swap3A_413 {strides = array<i32>} : memref<4x64x128xf32, #tpu.memory_space<vmem>>, vector<1x1x16xf32>,
        %mul3A_414 = arith.constant 2 : i32
        %mul3A_415 = arith.muli %mul3A_414, %scan3A_398 : i32
        %add3A_416 = arith.constant 0 : i32
        %add3A_417 = arith.addi %mul3A_415, %add3A_416 : i32
        %get3A_418 = arith.constant 3 : i32
        %get3A_419 = arith.index_cast %get3A_418 : i32 to index
        %get3A_420 = arith.index_cast %add3A_417 : i32 to index
        %get3A_421 = arith.constant 80 : index
        %get3A_422 = tpu.vector_load %arg10[%get3A_419, %get3A_420, %get3A_421] {strides = array<i32>} : memref<4x128x128xf32, #tpu.memory_space<vmem>>, vector<1x1x16xf32>,
        %get3A_423 = vector.shape_cast %get3A_422 : vector<1x1x16xf32> to vector<16xf32>
        %swap3A_424 = arith.constant 3 : i32
        %swap3A_425 = arith.index_cast %swap3A_424 : i32 to index
        %swap3A_426 = arith.index_cast %scan3A_398 : i32 to index
        %swap3A_427 = arith.constant 16 : index
        %swap3A_428 = tpu.vector_load %arg11[%swap3A_425, %swap3A_426, %swap3A_427] {strides = array<i32>} : memref<4x64x128xf32, #tpu.memory_space<vmem>>, vector<1x1x16xf32>,
        %swap3A_429 = vector.shape_cast %swap3A_428 : vector<1x1x16xf32> to vector<16xf32>
        %swap3A_430 = vector.shape_cast %get3A_423 : vector<16xf32> to vector<1x1x16xf32>
        tpu.vector_store %arg11[%swap3A_425, %swap3A_426, %swap3A_427], %swap3A_430 {strides = array<i32>} : memref<4x64x128xf32, #tpu.memory_space<vmem>>, vector<1x1x16xf32>,
        %mul3A_431 = arith.constant 2 : i32
        %mul3A_432 = arith.muli %mul3A_431, %scan3A_398 : i32
        %add3A_433 = arith.constant 0 : i32
        %add3A_434 = arith.addi %mul3A_432, %add3A_433 : i32
        %get3A_435 = arith.constant 3 : i32
        %get3A_436 = arith.index_cast %get3A_435 : i32 to index
        %get3A_437 = arith.index_cast %add3A_434 : i32 to index
        %get3A_438 = arith.constant 96 : index
        %get3A_439 = tpu.vector_load %arg10[%get3A_436, %get3A_437, %get3A_438] {strides = array<i32>} : memref<4x128x128xf32, #tpu.memory_space<vmem>>, vector<1x1x16xf32>,
        %get3A_440 = vector.shape_cast %get3A_439 : vector<1x1x16xf32> to vector<16xf32>
        %swap3A_441 = arith.constant 3 : i32
        %swap3A_442 = arith.index_cast %swap3A_441 : i32 to index
        %swap3A_443 = arith.index_cast %scan3A_398 : i32 to index
        %swap3A_444 = arith.constant 32 : index
        %swap3A_445 = tpu.vector_load %arg11[%swap3A_442, %swap3A_443, %swap3A_444] {strides = array<i32>} : memref<4x64x128xf32, #tpu.memory_space<vmem>>, vector<1x1x16xf32>,
        %swap3A_446 = vector.shape_cast %swap3A_445 : vector<1x1x16xf32> to vector<16xf32>
        %swap3A_447 = vector.shape_cast %get3A_440 : vector<16xf32> to vector<1x1x16xf32>
        tpu.vector_store %arg11[%swap3A_442, %swap3A_443, %swap3A_444], %swap3A_447 {strides = array<i32>} : memref<4x64x128xf32, #tpu.memory_space<vmem>>, vector<1x1x16xf32>,
        %mul3A_448 = arith.constant 2 : i32
        %mul3A_449 = arith.muli %mul3A_448, %scan3A_398 : i32
        %add3A_450 = arith.constant 0 : i32
        %add3A_451 = arith.addi %mul3A_449, %add3A_450 : i32
        %get3A_452 = arith.constant 3 : i32
        %get3A_453 = arith.index_cast %get3A_452 : i32 to index
        %get3A_454 = arith.index_cast %add3A_451 : i32 to index
        %get3A_455 = arith.constant 112 : index
        %get3A_456 = tpu.vector_load %arg10[%get3A_453, %get3A_454, %get3A_455] {strides = array<i32>} : memref<4x128x128xf32, #tpu.memory_space<vmem>>, vector<1x1x16xf32>,
        %get3A_457 = vector.shape_cast %get3A_456 : vector<1x1x16xf32> to vector<16xf32>
        %swap3A_458 = arith.constant 3 : i32
        %swap3A_459 = arith.index_cast %swap3A_458 : i32 to index
        %swap3A_460 = arith.index_cast %scan3A_398 : i32 to index
        %swap3A_461 = arith.constant 48 : index
        %swap3A_462 = tpu.vector_load %arg11[%swap3A_459, %swap3A_460, %swap3A_461] {strides = array<i32>} : memref<4x64x128xf32, #tpu.memory_space<vmem>>, vector<1x1x16xf32>,
        %swap3A_463 = vector.shape_cast %swap3A_462 : vector<1x1x16xf32> to vector<16xf32>
        %swap3A_464 = vector.shape_cast %get3A_457 : vector<16xf32> to vector<1x1x16xf32>
        tpu.vector_store %arg11[%swap3A_459, %swap3A_460, %swap3A_461], %swap3A_464 {strides = array<i32>} : memref<4x64x128xf32, #tpu.memory_space<vmem>>, vector<1x1x16xf32>,
        %mul3A_465 = arith.constant 2 : i32
        %mul3A_466 = arith.muli %mul3A_465, %scan3A_398 : i32
        %add3A_467 = arith.constant 1 : i32
        %add3A_468 = arith.addi %mul3A_466, %add3A_467 : i32
        %get3A_469 = arith.constant 3 : i32
        %get3A_470 = arith.index_cast %get3A_469 : i32 to index
        %get3A_471 = arith.index_cast %add3A_468 : i32 to index
        %get3A_472 = arith.constant 64 : index
        %get3A_473 = tpu.vector_load %arg10[%get3A_470, %get3A_471, %get3A_472] {strides = array<i32>} : memref<4x128x128xf32, #tpu.memory_space<vmem>>, vector<1x1x16xf32>,
        %get3A_474 = vector.shape_cast %get3A_473 : vector<1x1x16xf32> to vector<16xf32>
        %swap3A_475 = arith.constant 3 : i32
        %swap3A_476 = arith.index_cast %swap3A_475 : i32 to index
        %swap3A_477 = arith.index_cast %scan3A_398 : i32 to index
        %swap3A_478 = arith.constant 64 : index
        %swap3A_479 = tpu.vector_load %arg11[%swap3A_476, %swap3A_477, %swap3A_478] {strides = array<i32>} : memref<4x64x128xf32, #tpu.memory_space<vmem>>, vector<1x1x16xf32>,
        %swap3A_480 = vector.shape_cast %swap3A_479 : vector<1x1x16xf32> to vector<16xf32>
        %swap3A_481 = vector.shape_cast %get3A_474 : vector<16xf32> to vector<1x1x16xf32>
        tpu.vector_store %arg11[%swap3A_476, %swap3A_477, %swap3A_478], %swap3A_481 {strides = array<i32>} : memref<4x64x128xf32, #tpu.memory_space<vmem>>, vector<1x1x16xf32>,
        %mul3A_482 = arith.constant 2 : i32
        %mul3A_483 = arith.muli %mul3A_482, %scan3A_398 : i32
        %add3A_484 = arith.constant 1 : i32
        %add3A_485 = arith.addi %mul3A_483, %add3A_484 : i32
        %get3A_486 = arith.constant 3 : i32
        %get3A_487 = arith.index_cast %get3A_486 : i32 to index
        %get3A_488 = arith.index_cast %add3A_485 : i32 to index
        %get3A_489 = arith.constant 80 : index
        %get3A_490 = tpu.vector_load %arg10[%get3A_487, %get3A_488, %get3A_489] {strides = array<i32>} : memref<4x128x128xf32, #tpu.memory_space<vmem>>, vector<1x1x16xf32>,
        %get3A_491 = vector.shape_cast %get3A_490 : vector<1x1x16xf32> to vector<16xf32>
        %swap3A_492 = arith.constant 3 : i32
        %swap3A_493 = arith.index_cast %swap3A_492 : i32 to index
        %swap3A_494 = arith.index_cast %scan3A_398 : i32 to index
        %swap3A_495 = arith.constant 80 : index
        %swap3A_496 = tpu.vector_load %arg11[%swap3A_493, %swap3A_494, %swap3A_495] {strides = array<i32>} : memref<4x64x128xf32, #tpu.memory_space<vmem>>, vector<1x1x16xf32>,
        %swap3A_497 = vector.shape_cast %swap3A_496 : vector<1x1x16xf32> to vector<16xf32>
        %swap3A_498 = vector.shape_cast %get3A_491 : vector<16xf32> to vector<1x1x16xf32>
        tpu.vector_store %arg11[%swap3A_493, %swap3A_494, %swap3A_495], %swap3A_498 {strides = array<i32>} : memref<4x64x128xf32, #tpu.memory_space<vmem>>, vector<1x1x16xf32>,
        %mul3A_499 = arith.constant 2 : i32
        %mul3A_500 = arith.muli %mul3A_499, %scan3A_398 : i32
        %add3A_501 = arith.constant 1 : i32
        %add3A_502 = arith.addi %mul3A_500, %add3A_501 : i32
        %get3A_503 = arith.constant 3 : i32
        %get3A_504 = arith.index_cast %get3A_503 : i32 to index
        %get3A_505 = arith.index_cast %add3A_502 : i32 to index
        %get3A_506 = arith.constant 96 : index
        %get3A_507 = tpu.vector_load %arg10[%get3A_504, %get3A_505, %get3A_506] {strides = array<i32>} : memref<4x128x128xf32, #tpu.memory_space<vmem>>, vector<1x1x16xf32>,
        %get3A_508 = vector.shape_cast %get3A_507 : vector<1x1x16xf32> to vector<16xf32>
        %swap3A_509 = arith.constant 3 : i32
        %swap3A_510 = arith.index_cast %swap3A_509 : i32 to index
        %swap3A_511 = arith.index_cast %scan3A_398 : i32 to index
        %swap3A_512 = arith.constant 96 : index
        %swap3A_513 = tpu.vector_load %arg11[%swap3A_510, %swap3A_511, %swap3A_512] {strides = array<i32>} : memref<4x64x128xf32, #tpu.memory_space<vmem>>, vector<1x1x16xf32>,
        %swap3A_514 = vector.shape_cast %swap3A_513 : vector<1x1x16xf32> to vector<16xf32>
        %swap3A_515 = vector.shape_cast %get3A_508 : vector<16xf32> to vector<1x1x16xf32>
        tpu.vector_store %arg11[%swap3A_510, %swap3A_511, %swap3A_512], %swap3A_515 {strides = array<i32>} : memref<4x64x128xf32, #tpu.memory_space<vmem>>, vector<1x1x16xf32>,
        %mul3A_516 = arith.constant 2 : i32
        %mul3A_517 = arith.muli %mul3A_516, %scan3A_398 : i32
        %add3A_518 = arith.constant 1 : i32
        %add3A_519 = arith.addi %mul3A_517, %add3A_518 : i32
        %get3A_520 = arith.constant 3 : i32
        %get3A_521 = arith.index_cast %get3A_520 : i32 to index
        %get3A_522 = arith.index_cast %add3A_519 : i32 to index
        %get3A_523 = arith.constant 112 : index
        %get3A_524 = tpu.vector_load %arg10[%get3A_521, %get3A_522, %get3A_523] {strides = array<i32>} : memref<4x128x128xf32, #tpu.memory_space<vmem>>, vector<1x1x16xf32>,
        %get3A_525 = vector.shape_cast %get3A_524 : vector<1x1x16xf32> to vector<16xf32>
        %swap3A_526 = arith.constant 3 : i32
        %swap3A_527 = arith.index_cast %swap3A_526 : i32 to index
        %swap3A_528 = arith.index_cast %scan3A_398 : i32 to index
        %swap3A_529 = arith.constant 112 : index
        %swap3A_530 = tpu.vector_load %arg11[%swap3A_527, %swap3A_528, %swap3A_529] {strides = array<i32>} : memref<4x64x128xf32, #tpu.memory_space<vmem>>, vector<1x1x16xf32>,
        %swap3A_531 = vector.shape_cast %swap3A_530 : vector<1x1x16xf32> to vector<16xf32>
        %swap3A_532 = vector.shape_cast %get3A_525 : vector<16xf32> to vector<1x1x16xf32>
        tpu.vector_store %arg11[%swap3A_527, %swap3A_528, %swap3A_529], %swap3A_532 {strides = array<i32>} : memref<4x64x128xf32, #tpu.memory_space<vmem>>, vector<1x1x16xf32>,
      }
      %scan3A_279 = arith.constant 64 : i32
      %add3A_280 = arith.constant 3 : i32
      %add3A_281 = arith.addi %add3A_64, %add3A_280 : i32
      %mul3A_282 = arith.constant 64 : i32
      %mul3A_283 = arith.muli %add3A_281, %mul3A_282 : i32
      %multiple_of3A_284 = tpu.assume_multiple %mul3A_283, 8 : i32
      %dma_start3A_285 = arith.constant 3 : i32
      %dma_start3A_286 = arith.constant 0 : i32
      %dma_start3A_287 = arith.constant 0 : i32
      %dma_start3A_288 = tpu.memref_slice %arg11[%dma_start3A_285, %dma_start3A_286, %dma_start3A_287] : memref<4x64x128xf32, #tpu.memory_space<vmem>> -> memref<1x64x128xf32, #tpu.memory_space<vmem>>
      %dma_start3A_289 = tpu.memref_squeeze %dma_start3A_288 : memref<1x64x128xf32, #tpu.memory_space<vmem>> -> memref<64x128xf32, #tpu.memory_space<vmem>>
      %dma_start3A_290 = arith.constant 0 : i32
      %dma_start3A_291 = tpu.memref_slice %arg7[%multiple_of3A_284, %dma_start3A_290] : memref<400000x128xf32, #tpu.memory_space<hbm>> -> memref<64x128xf32, #tpu.memory_space<hbm>>
      %dma_start3A_292 = arith.constant 0 : i32
      %dma_start3A_293 = tpu.memref_slice %arg7[%multiple_of3A_284, %dma_start3A_292] : memref<400000x128xf32, #tpu.memory_space<hbm>> -> memref<64x128xf32, #tpu.memory_space<hbm>>
      %dma_start3A_294 = arith.constant 0 : i32
      %dma_start3A_295 = arith.constant 0 : i32
      %dma_start3A_296 = tpu.memref_slice %arg11[%dma_start3A_285, %dma_start3A_294, %dma_start3A_295] : memref<4x64x128xf32, #tpu.memory_space<vmem>> -> memref<1x64x128xf32, #tpu.memory_space<vmem>>
      %dma_start3A_297 = tpu.memref_squeeze %dma_start3A_296 : memref<1x64x128xf32, #tpu.memory_space<vmem>> -> memref<64x128xf32, #tpu.memory_space<vmem>>
      tpu.enqueue_dma source(%dma_start3A_297 : memref<64x128xf32, #tpu.memory_space<vmem>>) target(%dma_start3A_293 : memref<64x128xf32, #tpu.memory_space<hbm>>) target_semaphore(%arg15 : memref<!tpu.dma_semaphore, #tpu.memory_space<semaphore_mem>>)
      %dma_wait3A_298 = arith.constant 0 : i32
      %dma_wait3A_299 = arith.constant 0 : i32
      %dma_wait3A_300 = arith.constant 0 : i32
      %dma_wait3A_301 = arith.constant 0 : i32
      %dma_wait3A_302 = tpu.memref_slice %arg10[%dma_wait3A_298, %dma_wait3A_300, %dma_wait3A_301] : memref<4x128x128xf32, #tpu.memory_space<vmem>> -> memref<1x128x128xf32, #tpu.memory_space<vmem>>
      %dma_wait3A_303 = tpu.memref_squeeze %dma_wait3A_302 : memref<1x128x128xf32, #tpu.memory_space<vmem>> -> memref<128x128xf32, #tpu.memory_space<vmem>>
      %dma_wait3A_304 = arith.constant 0 : i32
      %dma_wait3A_305 = tpu.memref_slice %arg9[%dma_wait3A_299, %dma_wait3A_304] : memref<4x128xi32, #tpu.memory_space<vmem>> -> memref<1x128xi32, #tpu.memory_space<vmem>>
      %dma_wait3A_306 = tpu.memref_squeeze %dma_wait3A_305 : memref<1x128xi32, #tpu.memory_space<vmem>> -> memref<128xi32, #tpu.memory_space<vmem>>
      %dma_wait3A_307 = arith.constant 0 : i32
      %dma_wait3A_308 = arith.constant 0 : i32
      %dma_wait3A_309 = tpu.memref_slice %arg12[%dma_wait3A_307, %dma_wait3A_308] : memref<512x128xf32, #tpu.memory_space<vmem_shared>> -> memref<512x128xf32, #tpu.memory_space<vmem_shared>>
      tpu.wait_indirect_dma semaphore(%arg14 : memref<!tpu.dma_semaphore, #tpu.memory_space<semaphore_mem>>) src(%dma_wait3A_303 : memref<128x128xf32, #tpu.memory_space<vmem>>) dst(%dma_wait3A_309 : memref<512x128xf32, #tpu.memory_space<vmem_shared>>)
      %dma_wait3A_310 = arith.constant 1 : i32
      %dma_wait3A_311 = arith.constant 1 : i32
      %dma_wait3A_312 = arith.constant 0 : i32
      %dma_wait3A_313 = arith.constant 0 : i32
      %dma_wait3A_314 = tpu.memref_slice %arg10[%dma_wait3A_310, %dma_wait3A_312, %dma_wait3A_313] : memref<4x128x128xf32, #tpu.memory_space<vmem>> -> memref<1x128x128xf32, #tpu.memory_space<vmem>>
      %dma_wait3A_315 = tpu.memref_squeeze %dma_wait3A_314 : memref<1x128x128xf32, #tpu.memory_space<vmem>> -> memref<128x128xf32, #tpu.memory_space<vmem>>
      %dma_wait3A_316 = arith.constant 0 : i32
      %dma_wait3A_317 = tpu.memref_slice %arg9[%dma_wait3A_311, %dma_wait3A_316] : memref<4x128xi32, #tpu.memory_space<vmem>> -> memref<1x128xi32, #tpu.memory_space<vmem>>
      %dma_wait3A_318 = tpu.memref_squeeze %dma_wait3A_317 : memref<1x128xi32, #tpu.memory_space<vmem>> -> memref<128xi32, #tpu.memory_space<vmem>>
      %dma_wait3A_319 = arith.constant 0 : i32
      %dma_wait3A_320 = arith.constant 0 : i32
      %dma_wait3A_321 = tpu.memref_slice %arg12[%dma_wait3A_319, %dma_wait3A_320] : memref<512x128xf32, #tpu.memory_space<vmem_shared>> -> memref<512x128xf32, #tpu.memory_space<vmem_shared>>
      tpu.wait_indirect_dma semaphore(%arg14 : memref<!tpu.dma_semaphore, #tpu.memory_space<semaphore_mem>>) src(%dma_wait3A_315 : memref<128x128xf32, #tpu.memory_space<vmem>>) dst(%dma_wait3A_321 : memref<512x128xf32, #tpu.memory_space<vmem_shared>>)
      %dma_wait3A_322 = arith.constant 2 : i32
      %dma_wait3A_323 = arith.constant 2 : i32
      %dma_wait3A_324 = arith.constant 0 : i32
      %dma_wait3A_325 = arith.constant 0 : i32
      %dma_wait3A_326 = tpu.memref_slice %arg10[%dma_wait3A_322, %dma_wait3A_324, %dma_wait3A_325] : memref<4x128x128xf32, #tpu.memory_space<vmem>> -> memref<1x128x128xf32, #tpu.memory_space<vmem>>
      %dma_wait3A_327 = tpu.memref_squeeze %dma_wait3A_326 : memref<1x128x128xf32, #tpu.memory_space<vmem>> -> memref<128x128xf32, #tpu.memory_space<vmem>>
      %dma_wait3A_328 = arith.constant 0 : i32
      %dma_wait3A_329 = tpu.memref_slice %arg9[%dma_wait3A_323, %dma_wait3A_328] : memref<4x128xi32, #tpu.memory_space<vmem>> -> memref<1x128xi32, #tpu.memory_space<vmem>>
      %dma_wait3A_330 = tpu.memref_squeeze %dma_wait3A_329 : memref<1x128xi32, #tpu.memory_space<vmem>> -> memref<128xi32, #tpu.memory_space<vmem>>
      %dma_wait3A_331 = arith.constant 0 : i32
      %dma_wait3A_332 = arith.constant 0 : i32
      %dma_wait3A_333 = tpu.memref_slice %arg12[%dma_wait3A_331, %dma_wait3A_332] : memref<512x128xf32, #tpu.memory_space<vmem_shared>> -> memref<512x128xf32, #tpu.memory_space<vmem_shared>>
      tpu.wait_indirect_dma semaphore(%arg14 : memref<!tpu.dma_semaphore, #tpu.memory_space<semaphore_mem>>) src(%dma_wait3A_327 : memref<128x128xf32, #tpu.memory_space<vmem>>) dst(%dma_wait3A_333 : memref<512x128xf32, #tpu.memory_space<vmem_shared>>)
      %dma_wait3A_334 = arith.constant 3 : i32
      %dma_wait3A_335 = arith.constant 3 : i32
      %dma_wait3A_336 = arith.constant 0 : i32
      %dma_wait3A_337 = arith.constant 0 : i32
      %dma_wait3A_338 = tpu.memref_slice %arg10[%dma_wait3A_334, %dma_wait3A_336, %dma_wait3A_337] : memref<4x128x128xf32, #tpu.memory_space<vmem>> -> memref<1x128x128xf32, #tpu.memory_space<vmem>>
      %dma_wait3A_339 = tpu.memref_squeeze %dma_wait3A_338 : memref<1x128x128xf32, #tpu.memory_space<vmem>> -> memref<128x128xf32, #tpu.memory_space<vmem>>
      %dma_wait3A_340 = arith.constant 0 : i32
      %dma_wait3A_341 = tpu.memref_slice %arg9[%dma_wait3A_335, %dma_wait3A_340] : memref<4x128xi32, #tpu.memory_space<vmem>> -> memref<1x128xi32, #tpu.memory_space<vmem>>
      %dma_wait3A_342 = tpu.memref_squeeze %dma_wait3A_341 : memref<1x128xi32, #tpu.memory_space<vmem>> -> memref<128xi32, #tpu.memory_space<vmem>>
      %dma_wait3A_343 = arith.constant 0 : i32
      %dma_wait3A_344 = arith.constant 0 : i32
      %dma_wait3A_345 = tpu.memref_slice %arg12[%dma_wait3A_343, %dma_wait3A_344] : memref<512x128xf32, #tpu.memory_space<vmem_shared>> -> memref<512x128xf32, #tpu.memory_space<vmem_shared>>
      tpu.wait_indirect_dma semaphore(%arg14 : memref<!tpu.dma_semaphore, #tpu.memory_space<semaphore_mem>>) src(%dma_wait3A_339 : memref<128x128xf32, #tpu.memory_space<vmem>>) dst(%dma_wait3A_345 : memref<512x128xf32, #tpu.memory_space<vmem_shared>>)
      %dma_wait3A_346 = arith.constant 0 : i32
      %dma_wait3A_347 = arith.constant 0 : i32
      %dma_wait3A_348 = arith.constant 0 : i32
      %dma_wait3A_349 = tpu.memref_slice %arg11[%dma_wait3A_346, %dma_wait3A_347, %dma_wait3A_348] : memref<4x64x128xf32, #tpu.memory_space<vmem>> -> memref<1x64x128xf32, #tpu.memory_space<vmem>>
      %dma_wait3A_350 = tpu.memref_squeeze %dma_wait3A_349 : memref<1x64x128xf32, #tpu.memory_space<vmem>> -> memref<64x128xf32, #tpu.memory_space<vmem>>
      %dma_wait3A_351 = arith.constant 0 : i32
      %dma_wait3A_352 = tpu.memref_slice %arg7[%multiple_of3A, %dma_wait3A_351] : memref<400000x128xf32, #tpu.memory_space<hbm>> -> memref<64x128xf32, #tpu.memory_space<hbm>>
      %dma_wait3A_353 = arith.constant 0 : i32
      %dma_wait3A_354 = tpu.memref_slice %arg7[%multiple_of3A, %dma_wait3A_353] : memref<400000x128xf32, #tpu.memory_space<hbm>> -> memref<64x128xf32, #tpu.memory_space<hbm>>
      %dma_wait3A_355 = arith.constant 0 : i32
      %dma_wait3A_356 = arith.constant 0 : i32
      %dma_wait3A_357 = tpu.memref_slice %arg11[%dma_wait3A_346, %dma_wait3A_355, %dma_wait3A_356] : memref<4x64x128xf32, #tpu.memory_space<vmem>> -> memref<1x64x128xf32, #tpu.memory_space<vmem>>
      %dma_wait3A_358 = tpu.memref_squeeze %dma_wait3A_357 : memref<1x64x128xf32, #tpu.memory_space<vmem>> -> memref<64x128xf32, #tpu.memory_space<vmem>>
      tpu.wait_dma2 semaphore(%arg15 : memref<!tpu.dma_semaphore, #tpu.memory_space<semaphore_mem>>) src(%dma_wait3A_358 : memref<64x128xf32, #tpu.memory_space<vmem>>) dst(%dma_wait3A_354 : memref<64x128xf32, #tpu.memory_space<hbm>>)
      %dma_wait3A_359 = arith.constant 1 : i32
      %dma_wait3A_360 = arith.constant 0 : i32
      %dma_wait3A_361 = arith.constant 0 : i32
      %dma_wait3A_362 = tpu.memref_slice %arg11[%dma_wait3A_359, %dma_wait3A_360, %dma_wait3A_361] : memref<4x64x128xf32, #tpu.memory_space<vmem>> -> memref<1x64x128xf32, #tpu.memory_space<vmem>>
      %dma_wait3A_363 = tpu.memref_squeeze %dma_wait3A_362 : memref<1x64x128xf32, #tpu.memory_space<vmem>> -> memref<64x128xf32, #tpu.memory_space<vmem>>
      %dma_wait3A_364 = arith.constant 0 : i32
      %dma_wait3A_365 = tpu.memref_slice %arg7[%multiple_of3A_192, %dma_wait3A_364] : memref<400000x128xf32, #tpu.memory_space<hbm>> -> memref<64x128xf32, #tpu.memory_space<hbm>>
      %dma_wait3A_366 = arith.constant 0 : i32
      %dma_wait3A_367 = tpu.memref_slice %arg7[%multiple_of3A_192, %dma_wait3A_366] : memref<400000x128xf32, #tpu.memory_space<hbm>> -> memref<64x128xf32, #tpu.memory_space<hbm>>
      %dma_wait3A_368 = arith.constant 0 : i32
      %dma_wait3A_369 = arith.constant 0 : i32
      %dma_wait3A_370 = tpu.memref_slice %arg11[%dma_wait3A_359, %dma_wait3A_368, %dma_wait3A_369] : memref<4x64x128xf32, #tpu.memory_space<vmem>> -> memref<1x64x128xf32, #tpu.memory_space<vmem>>
      %dma_wait3A_371 = tpu.memref_squeeze %dma_wait3A_370 : memref<1x64x128xf32, #tpu.memory_space<vmem>> -> memref<64x128xf32, #tpu.memory_space<vmem>>
      tpu.wait_dma2 semaphore(%arg15 : memref<!tpu.dma_semaphore, #tpu.memory_space<semaphore_mem>>) src(%dma_wait3A_371 : memref<64x128xf32, #tpu.memory_space<vmem>>) dst(%dma_wait3A_367 : memref<64x128xf32, #tpu.memory_space<hbm>>)
      %dma_wait3A_372 = arith.constant 2 : i32
      %dma_wait3A_373 = arith.constant 0 : i32
      %dma_wait3A_374 = arith.constant 0 : i32
      %dma_wait3A_375 = tpu.memref_slice %arg11[%dma_wait3A_372, %dma_wait3A_373, %dma_wait3A_374] : memref<4x64x128xf32, #tpu.memory_space<vmem>> -> memref<1x64x128xf32, #tpu.memory_space<vmem>>
      %dma_wait3A_376 = tpu.memref_squeeze %dma_wait3A_375 : memref<1x64x128xf32, #tpu.memory_space<vmem>> -> memref<64x128xf32, #tpu.memory_space<vmem>>
      %dma_wait3A_377 = arith.constant 0 : i32
      %dma_wait3A_378 = tpu.memref_slice %arg7[%multiple_of3A_238, %dma_wait3A_377] : memref<400000x128xf32, #tpu.memory_space<hbm>> -> memref<64x128xf32, #tpu.memory_space<hbm>>
      %dma_wait3A_379 = arith.constant 0 : i32
      %dma_wait3A_380 = tpu.memref_slice %arg7[%multiple_of3A_238, %dma_wait3A_379] : memref<400000x128xf32, #tpu.memory_space<hbm>> -> memref<64x128xf32, #tpu.memory_space<hbm>>
      %dma_wait3A_381 = arith.constant 0 : i32
      %dma_wait3A_382 = arith.constant 0 : i32
      %dma_wait3A_383 = tpu.memref_slice %arg11[%dma_wait3A_372, %dma_wait3A_381, %dma_wait3A_382] : memref<4x64x128xf32, #tpu.memory_space<vmem>> -> memref<1x64x128xf32, #tpu.memory_space<vmem>>
      %dma_wait3A_384 = tpu.memref_squeeze %dma_wait3A_383 : memref<1x64x128xf32, #tpu.memory_space<vmem>> -> memref<64x128xf32, #tpu.memory_space<vmem>>
      tpu.wait_dma2 semaphore(%arg15 : memref<!tpu.dma_semaphore, #tpu.memory_space<semaphore_mem>>) src(%dma_wait3A_384 : memref<64x128xf32, #tpu.memory_space<vmem>>) dst(%dma_wait3A_380 : memref<64x128xf32, #tpu.memory_space<hbm>>)
      %dma_wait3A_385 = arith.constant 3 : i32
      %dma_wait3A_386 = arith.constant 0 : i32
      %dma_wait3A_387 = arith.constant 0 : i32
      %dma_wait3A_388 = tpu.memref_slice %arg11[%dma_wait3A_385, %dma_wait3A_386, %dma_wait3A_387] : memref<4x64x128xf32, #tpu.memory_space<vmem>> -> memref<1x64x128xf32, #tpu.memory_space<vmem>>
      %dma_wait3A_389 = tpu.memref_squeeze %dma_wait3A_388 : memref<1x64x128xf32, #tpu.memory_space<vmem>> -> memref<64x128xf32, #tpu.memory_space<vmem>>
      %dma_wait3A_390 = arith.constant 0 : i32
      %dma_wait3A_391 = tpu.memref_slice %arg7[%multiple_of3A_284, %dma_wait3A_390] : memref<400000x128xf32, #tpu.memory_space<hbm>> -> memref<64x128xf32, #tpu.memory_space<hbm>>
      %dma_wait3A_392 = arith.constant 0 : i32
      %dma_wait3A_393 = tpu.memref_slice %arg7[%multiple_of3A_284, %dma_wait3A_392] : memref<400000x128xf32, #tpu.memory_space<hbm>> -> memref<64x128xf32, #tpu.memory_space<hbm>>
      %dma_wait3A_394 = arith.constant 0 : i32
      %dma_wait3A_395 = arith.constant 0 : i32
      %dma_wait3A_396 = tpu.memref_slice %arg11[%dma_wait3A_385, %dma_wait3A_394, %dma_wait3A_395] : memref<4x64x128xf32, #tpu.memory_space<vmem>> -> memref<1x64x128xf32, #tpu.memory_space<vmem>>
      %dma_wait3A_397 = tpu.memref_squeeze %dma_wait3A_396 : memref<1x64x128xf32, #tpu.memory_space<vmem>> -> memref<64x128xf32, #tpu.memory_space<vmem>>
      tpu.wait_dma2 semaphore(%arg15 : memref<!tpu.dma_semaphore, #tpu.memory_space<semaphore_mem>>) src(%dma_wait3A_397 : memref<64x128xf32, #tpu.memory_space<vmem>>) dst(%dma_wait3A_393 : memref<64x128xf32, #tpu.memory_space<hbm>>)
    }
    %while3A_37 = arith.constant 1 : i32
    scf.for %while3A_61 = %while3A_35 to %while3A_31 step %while3A_37  : i32 {
      %mul3A_62 = arith.constant 4 : i32
      %mul3A_63 = arith.muli %mul3A_62, %while3A_61 : i32
      %add3A_64 = arith.addi %add3A_6, %mul3A_63 : i32
      %mul3A_65 = arith.constant 128 : i32
      %mul3A_66 = arith.muli %add3A_64, %mul3A_65 : i32
      "tpu.region"() ({
        %run_scoped3A_398 = tpu.sem_alloc : memref<!tpu.dma_semaphore, #tpu.memory_space<semaphore_mem>>
        %dma_start3A_399 = tpu.memref_slice %arg2[%mul3A_66] : memref<800000xi32, #tpu.memory_space<hbm>> -> memref<512xi32, #tpu.memory_space<hbm>>
        %dma_start3A_400 = tpu.memref_slice %arg2[%mul3A_66] : memref<800000xi32, #tpu.memory_space<hbm>> -> memref<512xi32, #tpu.memory_space<hbm>>
        tpu.enqueue_dma source(%dma_start3A_400 : memref<512xi32, #tpu.memory_space<hbm>>) target(%arg8 : memref<512xi32, #tpu.memory_space<vmem>>) target_semaphore(%run_scoped3A_398 : memref<!tpu.dma_semaphore, #tpu.memory_space<semaphore_mem>>)
        %dma_wait3A_401 = tpu.memref_slice %arg2[%mul3A_66] : memref<800000xi32, #tpu.memory_space<hbm>> -> memref<512xi32, #tpu.memory_space<hbm>>
        %dma_wait3A_402 = tpu.memref_slice %arg2[%mul3A_66] : memref<800000xi32, #tpu.memory_space<hbm>> -> memref<512xi32, #tpu.memory_space<hbm>>
        tpu.wait_dma2 semaphore(%run_scoped3A_398 : memref<!tpu.dma_semaphore, #tpu.memory_space<semaphore_mem>>) src(%dma_wait3A_402 : memref<512xi32, #tpu.memory_space<hbm>>) dst(%arg8 : memref<512xi32, #tpu.memory_space<vmem>>)
        tpu.yield
      }) : () -> ()
      %dma_start3A = arith.constant 0 : i32
      %dma_start3A_67 = arith.constant 0 : i32
      %dma_start3A_68 = arith.constant 0 : i32
      %dma_start3A_69 = tpu.memref_slice %arg10[%dma_start3A, %dma_start3A_67, %dma_start3A_68] : memref<4x128x128xf32, #tpu.memory_space<vmem>> -> memref<1x128x128xf32, #tpu.memory_space<vmem>>
      %dma_start3A_70 = tpu.memref_squeeze %dma_start3A_69 : memref<1x128x128xf32, #tpu.memory_space<vmem>> -> memref<128x128xf32, #tpu.memory_space<vmem>>
      %dma_start3A_71 = arith.constant 0 : i32
      %dma_start3A_72 = tpu.memref_slice %arg8[%dma_start3A_71] : memref<512xi32, #tpu.memory_space<vmem>> -> memref<128xi32, #tpu.memory_space<vmem>>
      %dma_start3A_73 = arith.constant 0 : i32
      %dma_start3A_74 = arith.constant 0 : i32
      %dma_start3A_75 = tpu.memref_slice %arg4[%dma_start3A_73, %dma_start3A_74] : memref<50000x128xf32, #tpu.memory_space<hbm>> -> memref<50000x128xf32, #tpu.memory_space<hbm>>
      tpu.enqueue_indirect_dma source(%dma_start3A_75 : memref<50000x128xf32, #tpu.memory_space<hbm>>) target(%dma_start3A_70 : memref<128x128xf32, #tpu.memory_space<vmem>>) offsets(%dma_start3A_72 : memref<128xi32, #tpu.memory_space<vmem>>) semaphore(%arg13 : memref<!tpu.dma_semaphore, #tpu.memory_space<semaphore_mem>>)
      %dma_start3A_76 = arith.constant 1 : i32
      %dma_start3A_77 = arith.constant 0 : i32
      %dma_start3A_78 = arith.constant 0 : i32
      %dma_start3A_79 = tpu.memref_slice %arg10[%dma_start3A_76, %dma_start3A_77, %dma_start3A_78] : memref<4x128x128xf32, #tpu.memory_space<vmem>> -> memref<1x128x128xf32, #tpu.memory_space<vmem>>
      %dma_start3A_80 = tpu.memref_squeeze %dma_start3A_79 : memref<1x128x128xf32, #tpu.memory_space<vmem>> -> memref<128x128xf32, #tpu.memory_space<vmem>>
      %dma_start3A_81 = arith.constant 128 : i32
      %dma_start3A_82 = tpu.memref_slice %arg8[%dma_start3A_81] : memref<512xi32, #tpu.memory_space<vmem>> -> memref<128xi32, #tpu.memory_space<vmem>>
      %dma_start3A_83 = arith.constant 0 : i32
      %dma_start3A_84 = arith.constant 0 : i32
      %dma_start3A_85 = tpu.memref_slice %arg4[%dma_start3A_83, %dma_start3A_84] : memref<50000x128xf32, #tpu.memory_space<hbm>> -> memref<50000x128xf32, #tpu.memory_space<hbm>>
      tpu.enqueue_indirect_dma source(%dma_start3A_85 : memref<50000x128xf32, #tpu.memory_space<hbm>>) target(%dma_start3A_80 : memref<128x128xf32, #tpu.memory_space<vmem>>) offsets(%dma_start3A_82 : memref<128xi32, #tpu.memory_space<vmem>>) semaphore(%arg13 : memref<!tpu.dma_semaphore, #tpu.memory_space<semaphore_mem>>)
      %dma_start3A_86 = arith.constant 2 : i32
      %dma_start3A_87 = arith.constant 0 : i32
      %dma_start3A_88 = arith.constant 0 : i32
      %dma_start3A_89 = tpu.memref_slice %arg10[%dma_start3A_86, %dma_start3A_87, %dma_start3A_88] : memref<4x128x128xf32, #tpu.memory_space<vmem>> -> memref<1x128x128xf32, #tpu.memory_space<vmem>>
      %dma_start3A_90 = tpu.memref_squeeze %dma_start3A_89 : memref<1x128x128xf32, #tpu.memory_space<vmem>> -> memref<128x128xf32, #tpu.memory_space<vmem>>
      %dma_start3A_91 = arith.constant 256 : i32
      %dma_start3A_92 = tpu.memref_slice %arg8[%dma_start3A_91] : memref<512xi32, #tpu.memory_space<vmem>> -> memref<128xi32, #tpu.memory_space<vmem>>
      %dma_start3A_93 = arith.constant 0 : i32
      %dma_start3A_94 = arith.constant 0 : i32
      %dma_start3A_95 = tpu.memref_slice %arg4[%dma_start3A_93, %dma_start3A_94] : memref<50000x128xf32, #tpu.memory_space<hbm>> -> memref<50000x128xf32, #tpu.memory_space<hbm>>
      tpu.enqueue_indirect_dma source(%dma_start3A_95 : memref<50000x128xf32, #tpu.memory_space<hbm>>) target(%dma_start3A_90 : memref<128x128xf32, #tpu.memory_space<vmem>>) offsets(%dma_start3A_92 : memref<128xi32, #tpu.memory_space<vmem>>) semaphore(%arg13 : memref<!tpu.dma_semaphore, #tpu.memory_space<semaphore_mem>>)
      %dma_start3A_96 = arith.constant 3 : i32
      %dma_start3A_97 = arith.constant 0 : i32
      %dma_start3A_98 = arith.constant 0 : i32
      %dma_start3A_99 = tpu.memref_slice %arg10[%dma_start3A_96, %dma_start3A_97, %dma_start3A_98] : memref<4x128x128xf32, #tpu.memory_space<vmem>> -> memref<1x128x128xf32, #tpu.memory_space<vmem>>
      %dma_start3A_100 = tpu.memref_squeeze %dma_start3A_99 : memref<1x128x128xf32, #tpu.memory_space<vmem>> -> memref<128x128xf32, #tpu.memory_space<vmem>>
      %dma_start3A_101 = arith.constant 384 : i32
      %dma_start3A_102 = tpu.memref_slice %arg8[%dma_start3A_101] : memref<512xi32, #tpu.memory_space<vmem>> -> memref<128xi32, #tpu.memory_space<vmem>>
      %dma_start3A_103 = arith.constant 0 : i32
      %dma_start3A_104 = arith.constant 0 : i32
      %dma_start3A_105 = tpu.memref_slice %arg4[%dma_start3A_103, %dma_start3A_104] : memref<50000x128xf32, #tpu.memory_space<hbm>> -> memref<50000x128xf32, #tpu.memory_space<hbm>>
      tpu.enqueue_indirect_dma source(%dma_start3A_105 : memref<50000x128xf32, #tpu.memory_space<hbm>>) target(%dma_start3A_100 : memref<128x128xf32, #tpu.memory_space<vmem>>) offsets(%dma_start3A_102 : memref<128xi32, #tpu.memory_space<vmem>>) semaphore(%arg13 : memref<!tpu.dma_semaphore, #tpu.memory_space<semaphore_mem>>)
      %add3A_106 = arith.constant 0 : i32
      %add3A_107 = arith.addi %mul3A_66, %add3A_106 : i32
      %run_scoped3A = arith.constant 0 : i32
      "tpu.region"() ({
        %run_scoped3A_398 = tpu.sem_alloc : memref<!tpu.dma_semaphore, #tpu.memory_space<semaphore_mem>>
        %dma_start3A_399 = arith.constant 0 : i32
        %dma_start3A_400 = tpu.memref_slice %arg9[%run_scoped3A, %dma_start3A_399] : memref<4x128xi32, #tpu.memory_space<vmem>> -> memref<1x128xi32, #tpu.memory_space<vmem>>
        %dma_start3A_401 = tpu.memref_squeeze %dma_start3A_400 : memref<1x128xi32, #tpu.memory_space<vmem>> -> memref<128xi32, #tpu.memory_space<vmem>>
        %dma_start3A_402 = tpu.memref_slice %arg3[%add3A_107] : memref<800000xi32, #tpu.memory_space<hbm>> -> memref<128xi32, #tpu.memory_space<hbm>>
        %dma_start3A_403 = arith.constant 0 : i32
        %dma_start3A_404 = tpu.memref_slice %arg9[%run_scoped3A, %dma_start3A_403] : memref<4x128xi32, #tpu.memory_space<vmem>> -> memref<1x128xi32, #tpu.memory_space<vmem>>
        %dma_start3A_405 = tpu.memref_squeeze %dma_start3A_404 : memref<1x128xi32, #tpu.memory_space<vmem>> -> memref<128xi32, #tpu.memory_space<vmem>>
        %dma_start3A_406 = tpu.memref_slice %arg3[%add3A_107] : memref<800000xi32, #tpu.memory_space<hbm>> -> memref<128xi32, #tpu.memory_space<hbm>>
        tpu.enqueue_dma source(%dma_start3A_406 : memref<128xi32, #tpu.memory_space<hbm>>) target(%dma_start3A_405 : memref<128xi32, #tpu.memory_space<vmem>>) target_semaphore(%run_scoped3A_398 : memref<!tpu.dma_semaphore, #tpu.memory_space<semaphore_mem>>)
        %dma_wait3A_407 = arith.constant 0 : i32
        %dma_wait3A_408 = tpu.memref_slice %arg9[%run_scoped3A, %dma_wait3A_407] : memref<4x128xi32, #tpu.memory_space<vmem>> -> memref<1x128xi32, #tpu.memory_space<vmem>>
        %dma_wait3A_409 = tpu.memref_squeeze %dma_wait3A_408 : memref<1x128xi32, #tpu.memory_space<vmem>> -> memref<128xi32, #tpu.memory_space<vmem>>
        %dma_wait3A_410 = tpu.memref_slice %arg3[%add3A_107] : memref<800000xi32, #tpu.memory_space<hbm>> -> memref<128xi32, #tpu.memory_space<hbm>>
        %dma_wait3A_411 = arith.constant 0 : i32
        %dma_wait3A_412 = tpu.memref_slice %arg9[%run_scoped3A, %dma_wait3A_411] : memref<4x128xi32, #tpu.memory_space<vmem>> -> memref<1x128xi32, #tpu.memory_space<vmem>>
        %dma_wait3A_413 = tpu.memref_squeeze %dma_wait3A_412 : memref<1x128xi32, #tpu.memory_space<vmem>> -> memref<128xi32, #tpu.memory_space<vmem>>
        %dma_wait3A_414 = tpu.memref_slice %arg3[%add3A_107] : memref<800000xi32, #tpu.memory_space<hbm>> -> memref<128xi32, #tpu.memory_space<hbm>>
        tpu.wait_dma2 semaphore(%run_scoped3A_398 : memref<!tpu.dma_semaphore, #tpu.memory_space<semaphore_mem>>) src(%dma_wait3A_414 : memref<128xi32, #tpu.memory_space<hbm>>) dst(%dma_wait3A_413 : memref<128xi32, #tpu.memory_space<vmem>>)
        tpu.yield
      }) : () -> ()
      %add3A_108 = arith.constant 128 : i32
      %add3A_109 = arith.addi %mul3A_66, %add3A_108 : i32
      %run_scoped3A_110 = arith.constant 1 : i32
      "tpu.region"() ({
        %run_scoped3A_398 = tpu.sem_alloc : memref<!tpu.dma_semaphore, #tpu.memory_space<semaphore_mem>>
        %dma_start3A_399 = arith.constant 0 : i32
        %dma_start3A_400 = tpu.memref_slice %arg9[%run_scoped3A_110, %dma_start3A_399] : memref<4x128xi32, #tpu.memory_space<vmem>> -> memref<1x128xi32, #tpu.memory_space<vmem>>
        %dma_start3A_401 = tpu.memref_squeeze %dma_start3A_400 : memref<1x128xi32, #tpu.memory_space<vmem>> -> memref<128xi32, #tpu.memory_space<vmem>>
        %dma_start3A_402 = tpu.memref_slice %arg3[%add3A_109] : memref<800000xi32, #tpu.memory_space<hbm>> -> memref<128xi32, #tpu.memory_space<hbm>>
        %dma_start3A_403 = arith.constant 0 : i32
        %dma_start3A_404 = tpu.memref_slice %arg9[%run_scoped3A_110, %dma_start3A_403] : memref<4x128xi32, #tpu.memory_space<vmem>> -> memref<1x128xi32, #tpu.memory_space<vmem>>
        %dma_start3A_405 = tpu.memref_squeeze %dma_start3A_404 : memref<1x128xi32, #tpu.memory_space<vmem>> -> memref<128xi32, #tpu.memory_space<vmem>>
        %dma_start3A_406 = tpu.memref_slice %arg3[%add3A_109] : memref<800000xi32, #tpu.memory_space<hbm>> -> memref<128xi32, #tpu.memory_space<hbm>>
        tpu.enqueue_dma source(%dma_start3A_406 : memref<128xi32, #tpu.memory_space<hbm>>) target(%dma_start3A_405 : memref<128xi32, #tpu.memory_space<vmem>>) target_semaphore(%run_scoped3A_398 : memref<!tpu.dma_semaphore, #tpu.memory_space<semaphore_mem>>)
        %dma_wait3A_407 = arith.constant 0 : i32
        %dma_wait3A_408 = tpu.memref_slice %arg9[%run_scoped3A_110, %dma_wait3A_407] : memref<4x128xi32, #tpu.memory_space<vmem>> -> memref<1x128xi32, #tpu.memory_space<vmem>>
        %dma_wait3A_409 = tpu.memref_squeeze %dma_wait3A_408 : memref<1x128xi32, #tpu.memory_space<vmem>> -> memref<128xi32, #tpu.memory_space<vmem>>
        %dma_wait3A_410 = tpu.memref_slice %arg3[%add3A_109] : memref<800000xi32, #tpu.memory_space<hbm>> -> memref<128xi32, #tpu.memory_space<hbm>>
        %dma_wait3A_411 = arith.constant 0 : i32
        %dma_wait3A_412 = tpu.memref_slice %arg9[%run_scoped3A_110, %dma_wait3A_411] : memref<4x128xi32, #tpu.memory_space<vmem>> -> memref<1x128xi32, #tpu.memory_space<vmem>>
        %dma_wait3A_413 = tpu.memref_squeeze %dma_wait3A_412 : memref<1x128xi32, #tpu.memory_space<vmem>> -> memref<128xi32, #tpu.memory_space<vmem>>
        %dma_wait3A_414 = tpu.memref_slice %arg3[%add3A_109] : memref<800000xi32, #tpu.memory_space<hbm>> -> memref<128xi32, #tpu.memory_space<hbm>>
        tpu.wait_dma2 semaphore(%run_scoped3A_398 : memref<!tpu.dma_semaphore, #tpu.memory_space<semaphore_mem>>) src(%dma_wait3A_414 : memref<128xi32, #tpu.memory_space<hbm>>) dst(%dma_wait3A_413 : memref<128xi32, #tpu.memory_space<vmem>>)
        tpu.yield
      }) : () -> ()
      %add3A_111 = arith.constant 256 : i32
      %add3A_112 = arith.addi %mul3A_66, %add3A_111 : i32
      %run_scoped3A_113 = arith.constant 2 : i32
      "tpu.region"() ({
        %run_scoped3A_398 = tpu.sem_alloc : memref<!tpu.dma_semaphore, #tpu.memory_space<semaphore_mem>>
        %dma_start3A_399 = arith.constant 0 : i32
        %dma_start3A_400 = tpu.memref_slice %arg9[%run_scoped3A_113, %dma_start3A_399] : memref<4x128xi32, #tpu.memory_space<vmem>> -> memref<1x128xi32, #tpu.memory_space<vmem>>
        %dma_start3A_401 = tpu.memref_squeeze %dma_start3A_400 : memref<1x128xi32, #tpu.memory_space<vmem>> -> memref<128xi32, #tpu.memory_space<vmem>>
        %dma_start3A_402 = tpu.memref_slice %arg3[%add3A_112] : memref<800000xi32, #tpu.memory_space<hbm>> -> memref<128xi32, #tpu.memory_space<hbm>>
        %dma_start3A_403 = arith.constant 0 : i32
        %dma_start3A_404 = tpu.memref_slice %arg9[%run_scoped3A_113, %dma_start3A_403] : memref<4x128xi32, #tpu.memory_space<vmem>> -> memref<1x128xi32, #tpu.memory_space<vmem>>
        %dma_start3A_405 = tpu.memref_squeeze %dma_start3A_404 : memref<1x128xi32, #tpu.memory_space<vmem>> -> memref<128xi32, #tpu.memory_space<vmem>>
        %dma_start3A_406 = tpu.memref_slice %arg3[%add3A_112] : memref<800000xi32, #tpu.memory_space<hbm>> -> memref<128xi32, #tpu.memory_space<hbm>>
        tpu.enqueue_dma source(%dma_start3A_406 : memref<128xi32, #tpu.memory_space<hbm>>) target(%dma_start3A_405 : memref<128xi32, #tpu.memory_space<vmem>>) target_semaphore(%run_scoped3A_398 : memref<!tpu.dma_semaphore, #tpu.memory_space<semaphore_mem>>)
        %dma_wait3A_407 = arith.constant 0 : i32
        %dma_wait3A_408 = tpu.memref_slice %arg9[%run_scoped3A_113, %dma_wait3A_407] : memref<4x128xi32, #tpu.memory_space<vmem>> -> memref<1x128xi32, #tpu.memory_space<vmem>>
        %dma_wait3A_409 = tpu.memref_squeeze %dma_wait3A_408 : memref<1x128xi32, #tpu.memory_space<vmem>> -> memref<128xi32, #tpu.memory_space<vmem>>
        %dma_wait3A_410 = tpu.memref_slice %arg3[%add3A_112] : memref<800000xi32, #tpu.memory_space<hbm>> -> memref<128xi32, #tpu.memory_space<hbm>>
        %dma_wait3A_411 = arith.constant 0 : i32
        %dma_wait3A_412 = tpu.memref_slice %arg9[%run_scoped3A_113, %dma_wait3A_411] : memref<4x128xi32, #tpu.memory_space<vmem>> -> memref<1x128xi32, #tpu.memory_space<vmem>>
        %dma_wait3A_413 = tpu.memref_squeeze %dma_wait3A_412 : memref<1x128xi32, #tpu.memory_space<vmem>> -> memref<128xi32, #tpu.memory_space<vmem>>
        %dma_wait3A_414 = tpu.memref_slice %arg3[%add3A_112] : memref<800000xi32, #tpu.memory_space<hbm>> -> memref<128xi32, #tpu.memory_space<hbm>>
        tpu.wait_dma2 semaphore(%run_scoped3A_398 : memref<!tpu.dma_semaphore, #tpu.memory_space<semaphore_mem>>) src(%dma_wait3A_414 : memref<128xi32, #tpu.memory_space<hbm>>) dst(%dma_wait3A_413 : memref<128xi32, #tpu.memory_space<vmem>>)
        tpu.yield
      }) : () -> ()
      %add3A_114 = arith.constant 384 : i32
      %add3A_115 = arith.addi %mul3A_66, %add3A_114 : i32
      %run_scoped3A_116 = arith.constant 3 : i32
      "tpu.region"() ({
        %run_scoped3A_398 = tpu.sem_alloc : memref<!tpu.dma_semaphore, #tpu.memory_space<semaphore_mem>>
        %dma_start3A_399 = arith.constant 0 : i32
        %dma_start3A_400 = tpu.memref_slice %arg9[%run_scoped3A_116, %dma_start3A_399] : memref<4x128xi32, #tpu.memory_space<vmem>> -> memref<1x128xi32, #tpu.memory_space<vmem>>
        %dma_start3A_401 = tpu.memref_squeeze %dma_start3A_400 : memref<1x128xi32, #tpu.memory_space<vmem>> -> memref<128xi32, #tpu.memory_space<vmem>>
        %dma_start3A_402 = tpu.memref_slice %arg3[%add3A_115] : memref<800000xi32, #tpu.memory_space<hbm>> -> memref<128xi32, #tpu.memory_space<hbm>>
        %dma_start3A_403 = arith.constant 0 : i32
        %dma_start3A_404 = tpu.memref_slice %arg9[%run_scoped3A_116, %dma_start3A_403] : memref<4x128xi32, #tpu.memory_space<vmem>> -> memref<1x128xi32, #tpu.memory_space<vmem>>
        %dma_start3A_405 = tpu.memref_squeeze %dma_start3A_404 : memref<1x128xi32, #tpu.memory_space<vmem>> -> memref<128xi32, #tpu.memory_space<vmem>>
        %dma_start3A_406 = tpu.memref_slice %arg3[%add3A_115] : memref<800000xi32, #tpu.memory_space<hbm>> -> memref<128xi32, #tpu.memory_space<hbm>>
        tpu.enqueue_dma source(%dma_start3A_406 : memref<128xi32, #tpu.memory_space<hbm>>) target(%dma_start3A_405 : memref<128xi32, #tpu.memory_space<vmem>>) target_semaphore(%run_scoped3A_398 : memref<!tpu.dma_semaphore, #tpu.memory_space<semaphore_mem>>)
        %dma_wait3A_407 = arith.constant 0 : i32
        %dma_wait3A_408 = tpu.memref_slice %arg9[%run_scoped3A_116, %dma_wait3A_407] : memref<4x128xi32, #tpu.memory_space<vmem>> -> memref<1x128xi32, #tpu.memory_space<vmem>>
        %dma_wait3A_409 = tpu.memref_squeeze %dma_wait3A_408 : memref<1x128xi32, #tpu.memory_space<vmem>> -> memref<128xi32, #tpu.memory_space<vmem>>
        %dma_wait3A_410 = tpu.memref_slice %arg3[%add3A_115] : memref<800000xi32, #tpu.memory_space<hbm>> -> memref<128xi32, #tpu.memory_space<hbm>>
        %dma_wait3A_411 = arith.constant 0 : i32
        %dma_wait3A_412 = tpu.memref_slice %arg9[%run_scoped3A_116, %dma_wait3A_411] : memref<4x128xi32, #tpu.memory_space<vmem>> -> memref<1x128xi32, #tpu.memory_space<vmem>>
        %dma_wait3A_413 = tpu.memref_squeeze %dma_wait3A_412 : memref<1x128xi32, #tpu.memory_space<vmem>> -> memref<128xi32, #tpu.memory_space<vmem>>
        %dma_wait3A_414 = tpu.memref_slice %arg3[%add3A_115] : memref<800000xi32, #tpu.memory_space<hbm>> -> memref<128xi32, #tpu.memory_space<hbm>>
        tpu.wait_dma2 semaphore(%run_scoped3A_398 : memref<!tpu.dma_semaphore, #tpu.memory_space<semaphore_mem>>) src(%dma_wait3A_414 : memref<128xi32, #tpu.memory_space<hbm>>) dst(%dma_wait3A_413 : memref<128xi32, #tpu.memory_space<vmem>>)
        tpu.yield
      }) : () -> ()
      %dma_wait3A = arith.constant 0 : i32
      %dma_wait3A_117 = arith.constant 0 : i32
      %dma_wait3A_118 = arith.constant 0 : i32
      %dma_wait3A_119 = tpu.memref_slice %arg10[%dma_wait3A, %dma_wait3A_117, %dma_wait3A_118] : memref<4x128x128xf32, #tpu.memory_space<vmem>> -> memref<1x128x128xf32, #tpu.memory_space<vmem>>
      %dma_wait3A_120 = tpu.memref_squeeze %dma_wait3A_119 : memref<1x128x128xf32, #tpu.memory_space<vmem>> -> memref<128x128xf32, #tpu.memory_space<vmem>>
      %dma_wait3A_121 = arith.constant 0 : i32
      %dma_wait3A_122 = tpu.memref_slice %arg8[%dma_wait3A_121] : memref<512xi32, #tpu.memory_space<vmem>> -> memref<128xi32, #tpu.memory_space<vmem>>
      %dma_wait3A_123 = arith.constant 0 : i32
      %dma_wait3A_124 = arith.constant 0 : i32
      %dma_wait3A_125 = tpu.memref_slice %arg4[%dma_wait3A_123, %dma_wait3A_124] : memref<50000x128xf32, #tpu.memory_space<hbm>> -> memref<50000x128xf32, #tpu.memory_space<hbm>>
      tpu.wait_indirect_dma semaphore(%arg13 : memref<!tpu.dma_semaphore, #tpu.memory_space<semaphore_mem>>) src(%dma_wait3A_125 : memref<50000x128xf32, #tpu.memory_space<hbm>>) dst(%dma_wait3A_120 : memref<128x128xf32, #tpu.memory_space<vmem>>)
      %dma_start3A_126 = arith.constant 0 : i32
      %dma_start3A_127 = arith.constant 0 : i32
      %dma_start3A_128 = arith.constant 0 : i32
      %dma_start3A_129 = arith.constant 0 : i32
      %dma_start3A_130 = tpu.memref_slice %arg10[%dma_start3A_126, %dma_start3A_128, %dma_start3A_129] : memref<4x128x128xf32, #tpu.memory_space<vmem>> -> memref<1x128x128xf32, #tpu.memory_space<vmem>>
      %dma_start3A_131 = tpu.memref_squeeze %dma_start3A_130 : memref<1x128x128xf32, #tpu.memory_space<vmem>> -> memref<128x128xf32, #tpu.memory_space<vmem>>
      %dma_start3A_132 = arith.constant 0 : i32
      %dma_start3A_133 = tpu.memref_slice %arg9[%dma_start3A_127, %dma_start3A_132] : memref<4x128xi32, #tpu.memory_space<vmem>> -> memref<1x128xi32, #tpu.memory_space<vmem>>
      %dma_start3A_134 = tpu.memref_squeeze %dma_start3A_133 : memref<1x128xi32, #tpu.memory_space<vmem>> -> memref<128xi32, #tpu.memory_space<vmem>>
      %dma_start3A_135 = arith.constant 0 : i32
      %dma_start3A_136 = arith.constant 0 : i32
      %dma_start3A_137 = tpu.memref_slice %arg12[%dma_start3A_135, %dma_start3A_136] : memref<512x128xf32, #tpu.memory_space<vmem_shared>> -> memref<512x128xf32, #tpu.memory_space<vmem_shared>>
      tpu.enqueue_indirect_dma source(%dma_start3A_131 : memref<128x128xf32, #tpu.memory_space<vmem>>) target(%dma_start3A_137 : memref<512x128xf32, #tpu.memory_space<vmem_shared>>) offsets(%dma_start3A_134 : memref<128xi32, #tpu.memory_space<vmem>>) semaphore(%arg14 : memref<!tpu.dma_semaphore, #tpu.memory_space<semaphore_mem>>) {add = true}
      %scan3A = arith.constant 0 : i32
      %scan3A_138 = arith.constant 0 : i32
      %scan3A_139 = arith.constant 64 : i32
      %scan3A_140 = arith.addi %scan3A_138, %scan3A_139 : i32
      %scan3A_141 = arith.constant 1 : i32
      scf.for %scan3A_398 = %scan3A_138 to %scan3A_140 step %scan3A_141  : i32 {
        %mul3A_399 = arith.constant 2 : i32
        %mul3A_400 = arith.muli %mul3A_399, %scan3A_398 : i32
        %add3A_401 = arith.constant 0 : i32
        %add3A_402 = arith.addi %mul3A_400, %add3A_401 : i32
        %get3A = arith.constant 0 : i32
        %get3A_403 = arith.index_cast %get3A : i32 to index
        %get3A_404 = arith.index_cast %add3A_402 : i32 to index
        %get3A_405 = arith.constant 64 : index
        %get3A_406 = tpu.vector_load %arg10[%get3A_403, %get3A_404, %get3A_405] {strides = array<i32>} : memref<4x128x128xf32, #tpu.memory_space<vmem>>, vector<1x1x16xf32>,
        %get3A_407 = vector.shape_cast %get3A_406 : vector<1x1x16xf32> to vector<16xf32>
        %swap3A = arith.constant 0 : i32
        %swap3A_408 = arith.index_cast %swap3A : i32 to index
        %swap3A_409 = arith.index_cast %scan3A_398 : i32 to index
        %swap3A_410 = arith.constant 0 : index
        %swap3A_411 = tpu.vector_load %arg11[%swap3A_408, %swap3A_409, %swap3A_410] {strides = array<i32>} : memref<4x64x128xf32, #tpu.memory_space<vmem>>, vector<1x1x16xf32>,
        %swap3A_412 = vector.shape_cast %swap3A_411 : vector<1x1x16xf32> to vector<16xf32>
        %swap3A_413 = vector.shape_cast %get3A_407 : vector<16xf32> to vector<1x1x16xf32>
        tpu.vector_store %arg11[%swap3A_408, %swap3A_409, %swap3A_410], %swap3A_413 {strides = array<i32>} : memref<4x64x128xf32, #tpu.memory_space<vmem>>, vector<1x1x16xf32>,
        %mul3A_414 = arith.constant 2 : i32
        %mul3A_415 = arith.muli %mul3A_414, %scan3A_398 : i32
        %add3A_416 = arith.constant 0 : i32
        %add3A_417 = arith.addi %mul3A_415, %add3A_416 : i32
        %get3A_418 = arith.constant 0 : i32
        %get3A_419 = arith.index_cast %get3A_418 : i32 to index
        %get3A_420 = arith.index_cast %add3A_417 : i32 to index
        %get3A_421 = arith.constant 80 : index
        %get3A_422 = tpu.vector_load %arg10[%get3A_419, %get3A_420, %get3A_421] {strides = array<i32>} : memref<4x128x128xf32, #tpu.memory_space<vmem>>, vector<1x1x16xf32>,
        %get3A_423 = vector.shape_cast %get3A_422 : vector<1x1x16xf32> to vector<16xf32>
        %swap3A_424 = arith.constant 0 : i32
        %swap3A_425 = arith.index_cast %swap3A_424 : i32 to index
        %swap3A_426 = arith.index_cast %scan3A_398 : i32 to index
        %swap3A_427 = arith.constant 16 : index
        %swap3A_428 = tpu.vector_load %arg11[%swap3A_425, %swap3A_426, %swap3A_427] {strides = array<i32>} : memref<4x64x128xf32, #tpu.memory_space<vmem>>, vector<1x1x16xf32>,
        %swap3A_429 = vector.shape_cast %swap3A_428 : vector<1x1x16xf32> to vector<16xf32>
        %swap3A_430 = vector.shape_cast %get3A_423 : vector<16xf32> to vector<1x1x16xf32>
        tpu.vector_store %arg11[%swap3A_425, %swap3A_426, %swap3A_427], %swap3A_430 {strides = array<i32>} : memref<4x64x128xf32, #tpu.memory_space<vmem>>, vector<1x1x16xf32>,
        %mul3A_431 = arith.constant 2 : i32
        %mul3A_432 = arith.muli %mul3A_431, %scan3A_398 : i32
        %add3A_433 = arith.constant 0 : i32
        %add3A_434 = arith.addi %mul3A_432, %add3A_433 : i32
        %get3A_435 = arith.constant 0 : i32
        %get3A_436 = arith.index_cast %get3A_435 : i32 to index
        %get3A_437 = arith.index_cast %add3A_434 : i32 to index
        %get3A_438 = arith.constant 96 : index
        %get3A_439 = tpu.vector_load %arg10[%get3A_436, %get3A_437, %get3A_438] {strides = array<i32>} : memref<4x128x128xf32, #tpu.memory_space<vmem>>, vector<1x1x16xf32>,
        %get3A_440 = vector.shape_cast %get3A_439 : vector<1x1x16xf32> to vector<16xf32>
        %swap3A_441 = arith.constant 0 : i32
        %swap3A_442 = arith.index_cast %swap3A_441 : i32 to index
        %swap3A_443 = arith.index_cast %scan3A_398 : i32 to index
        %swap3A_444 = arith.constant 32 : index
        %swap3A_445 = tpu.vector_load %arg11[%swap3A_442, %swap3A_443, %swap3A_444] {strides = array<i32>} : memref<4x64x128xf32, #tpu.memory_space<vmem>>, vector<1x1x16xf32>,
        %swap3A_446 = vector.shape_cast %swap3A_445 : vector<1x1x16xf32> to vector<16xf32>
        %swap3A_447 = vector.shape_cast %get3A_440 : vector<16xf32> to vector<1x1x16xf32>
        tpu.vector_store %arg11[%swap3A_442, %swap3A_443, %swap3A_444], %swap3A_447 {strides = array<i32>} : memref<4x64x128xf32, #tpu.memory_space<vmem>>, vector<1x1x16xf32>,
        %mul3A_448 = arith.constant 2 : i32
        %mul3A_449 = arith.muli %mul3A_448, %scan3A_398 : i32
        %add3A_450 = arith.constant 0 : i32
        %add3A_451 = arith.addi %mul3A_449, %add3A_450 : i32
        %get3A_452 = arith.constant 0 : i32
        %get3A_453 = arith.index_cast %get3A_452 : i32 to index
        %get3A_454 = arith.index_cast %add3A_451 : i32 to index
        %get3A_455 = arith.constant 112 : index
        %get3A_456 = tpu.vector_load %arg10[%get3A_453, %get3A_454, %get3A_455] {strides = array<i32>} : memref<4x128x128xf32, #tpu.memory_space<vmem>>, vector<1x1x16xf32>,
        %get3A_457 = vector.shape_cast %get3A_456 : vector<1x1x16xf32> to vector<16xf32>
        %swap3A_458 = arith.constant 0 : i32
        %swap3A_459 = arith.index_cast %swap3A_458 : i32 to index
        %swap3A_460 = arith.index_cast %scan3A_398 : i32 to index
        %swap3A_461 = arith.constant 48 : index
        %swap3A_462 = tpu.vector_load %arg11[%swap3A_459, %swap3A_460, %swap3A_461] {strides = array<i32>} : memref<4x64x128xf32, #tpu.memory_space<vmem>>, vector<1x1x16xf32>,
        %swap3A_463 = vector.shape_cast %swap3A_462 : vector<1x1x16xf32> to vector<16xf32>
        %swap3A_464 = vector.shape_cast %get3A_457 : vector<16xf32> to vector<1x1x16xf32>
        tpu.vector_store %arg11[%swap3A_459, %swap3A_460, %swap3A_461], %swap3A_464 {strides = array<i32>} : memref<4x64x128xf32, #tpu.memory_space<vmem>>, vector<1x1x16xf32>,
        %mul3A_465 = arith.constant 2 : i32
        %mul3A_466 = arith.muli %mul3A_465, %scan3A_398 : i32
        %add3A_467 = arith.constant 1 : i32
        %add3A_468 = arith.addi %mul3A_466, %add3A_467 : i32
        %get3A_469 = arith.constant 0 : i32
        %get3A_470 = arith.index_cast %get3A_469 : i32 to index
        %get3A_471 = arith.index_cast %add3A_468 : i32 to index
        %get3A_472 = arith.constant 64 : index
        %get3A_473 = tpu.vector_load %arg10[%get3A_470, %get3A_471, %get3A_472] {strides = array<i32>} : memref<4x128x128xf32, #tpu.memory_space<vmem>>, vector<1x1x16xf32>,
        %get3A_474 = vector.shape_cast %get3A_473 : vector<1x1x16xf32> to vector<16xf32>
        %swap3A_475 = arith.constant 0 : i32
        %swap3A_476 = arith.index_cast %swap3A_475 : i32 to index
        %swap3A_477 = arith.index_cast %scan3A_398 : i32 to index
        %swap3A_478 = arith.constant 64 : index
        %swap3A_479 = tpu.vector_load %arg11[%swap3A_476, %swap3A_477, %swap3A_478] {strides = array<i32>} : memref<4x64x128xf32, #tpu.memory_space<vmem>>, vector<1x1x16xf32>,
        %swap3A_480 = vector.shape_cast %swap3A_479 : vector<1x1x16xf32> to vector<16xf32>
        %swap3A_481 = vector.shape_cast %get3A_474 : vector<16xf32> to vector<1x1x16xf32>
        tpu.vector_store %arg11[%swap3A_476, %swap3A_477, %swap3A_478], %swap3A_481 {strides = array<i32>} : memref<4x64x128xf32, #tpu.memory_space<vmem>>, vector<1x1x16xf32>,
        %mul3A_482 = arith.constant 2 : i32
        %mul3A_483 = arith.muli %mul3A_482, %scan3A_398 : i32
        %add3A_484 = arith.constant 1 : i32
        %add3A_485 = arith.addi %mul3A_483, %add3A_484 : i32
        %get3A_486 = arith.constant 0 : i32
        %get3A_487 = arith.index_cast %get3A_486 : i32 to index
        %get3A_488 = arith.index_cast %add3A_485 : i32 to index
        %get3A_489 = arith.constant 80 : index
        %get3A_490 = tpu.vector_load %arg10[%get3A_487, %get3A_488, %get3A_489] {strides = array<i32>} : memref<4x128x128xf32, #tpu.memory_space<vmem>>, vector<1x1x16xf32>,
        %get3A_491 = vector.shape_cast %get3A_490 : vector<1x1x16xf32> to vector<16xf32>
        %swap3A_492 = arith.constant 0 : i32
        %swap3A_493 = arith.index_cast %swap3A_492 : i32 to index
        %swap3A_494 = arith.index_cast %scan3A_398 : i32 to index
        %swap3A_495 = arith.constant 80 : index
        %swap3A_496 = tpu.vector_load %arg11[%swap3A_493, %swap3A_494, %swap3A_495] {strides = array<i32>} : memref<4x64x128xf32, #tpu.memory_space<vmem>>, vector<1x1x16xf32>,
        %swap3A_497 = vector.shape_cast %swap3A_496 : vector<1x1x16xf32> to vector<16xf32>
        %swap3A_498 = vector.shape_cast %get3A_491 : vector<16xf32> to vector<1x1x16xf32>
        tpu.vector_store %arg11[%swap3A_493, %swap3A_494, %swap3A_495], %swap3A_498 {strides = array<i32>} : memref<4x64x128xf32, #tpu.memory_space<vmem>>, vector<1x1x16xf32>,
        %mul3A_499 = arith.constant 2 : i32
        %mul3A_500 = arith.muli %mul3A_499, %scan3A_398 : i32
        %add3A_501 = arith.constant 1 : i32
        %add3A_502 = arith.addi %mul3A_500, %add3A_501 : i32
        %get3A_503 = arith.constant 0 : i32
        %get3A_504 = arith.index_cast %get3A_503 : i32 to index
        %get3A_505 = arith.index_cast %add3A_502 : i32 to index
        %get3A_506 = arith.constant 96 : index
        %get3A_507 = tpu.vector_load %arg10[%get3A_504, %get3A_505, %get3A_506] {strides = array<i32>} : memref<4x128x128xf32, #tpu.memory_space<vmem>>, vector<1x1x16xf32>,
        %get3A_508 = vector.shape_cast %get3A_507 : vector<1x1x16xf32> to vector<16xf32>
        %swap3A_509 = arith.constant 0 : i32
        %swap3A_510 = arith.index_cast %swap3A_509 : i32 to index
        %swap3A_511 = arith.index_cast %scan3A_398 : i32 to index
        %swap3A_512 = arith.constant 96 : index
        %swap3A_513 = tpu.vector_load %arg11[%swap3A_510, %swap3A_511, %swap3A_512] {strides = array<i32>} : memref<4x64x128xf32, #tpu.memory_space<vmem>>, vector<1x1x16xf32>,
        %swap3A_514 = vector.shape_cast %swap3A_513 : vector<1x1x16xf32> to vector<16xf32>
        %swap3A_515 = vector.shape_cast %get3A_508 : vector<16xf32> to vector<1x1x16xf32>
        tpu.vector_store %arg11[%swap3A_510, %swap3A_511, %swap3A_512], %swap3A_515 {strides = array<i32>} : memref<4x64x128xf32, #tpu.memory_space<vmem>>, vector<1x1x16xf32>,
        %mul3A_516 = arith.constant 2 : i32
        %mul3A_517 = arith.muli %mul3A_516, %scan3A_398 : i32
        %add3A_518 = arith.constant 1 : i32
        %add3A_519 = arith.addi %mul3A_517, %add3A_518 : i32
        %get3A_520 = arith.constant 0 : i32
        %get3A_521 = arith.index_cast %get3A_520 : i32 to index
        %get3A_522 = arith.index_cast %add3A_519 : i32 to index
        %get3A_523 = arith.constant 112 : index
        %get3A_524 = tpu.vector_load %arg10[%get3A_521, %get3A_522, %get3A_523] {strides = array<i32>} : memref<4x128x128xf32, #tpu.memory_space<vmem>>, vector<1x1x16xf32>,
        %get3A_525 = vector.shape_cast %get3A_524 : vector<1x1x16xf32> to vector<16xf32>
        %swap3A_526 = arith.constant 0 : i32
        %swap3A_527 = arith.index_cast %swap3A_526 : i32 to index
        %swap3A_528 = arith.index_cast %scan3A_398 : i32 to index
        %swap3A_529 = arith.constant 112 : index
        %swap3A_530 = tpu.vector_load %arg11[%swap3A_527, %swap3A_528, %swap3A_529] {strides = array<i32>} : memref<4x64x128xf32, #tpu.memory_space<vmem>>, vector<1x1x16xf32>,
        %swap3A_531 = vector.shape_cast %swap3A_530 : vector<1x1x16xf32> to vector<16xf32>
        %swap3A_532 = vector.shape_cast %get3A_525 : vector<16xf32> to vector<1x1x16xf32>
        tpu.vector_store %arg11[%swap3A_527, %swap3A_528, %swap3A_529], %swap3A_532 {strides = array<i32>} : memref<4x64x128xf32, #tpu.memory_space<vmem>>, vector<1x1x16xf32>,
      }
      %scan3A_142 = arith.constant 64 : i32
      %add3A_143 = arith.constant 0 : i32
      %add3A_144 = arith.addi %add3A_64, %add3A_143 : i32
      %mul3A_145 = arith.constant 64 : i32
      %mul3A_146 = arith.muli %add3A_144, %mul3A_145 : i32
      %multiple_of3A = tpu.assume_multiple %mul3A_146, 8 : i32
      %dma_start3A_147 = arith.constant 0 : i32
      %dma_start3A_148 = arith.constant 0 : i32
      %dma_start3A_149 = arith.constant 0 : i32
      %dma_start3A_150 = tpu.memref_slice %arg11[%dma_start3A_147, %dma_start3A_148, %dma_start3A_149] : memref<4x64x128xf32, #tpu.memory_space<vmem>> -> memref<1x64x128xf32, #tpu.memory_space<vmem>>
      %dma_start3A_151 = tpu.memref_squeeze %dma_start3A_150 : memref<1x64x128xf32, #tpu.memory_space<vmem>> -> memref<64x128xf32, #tpu.memory_space<vmem>>
      %dma_start3A_152 = arith.constant 0 : i32
      %dma_start3A_153 = tpu.memref_slice %arg7[%multiple_of3A, %dma_start3A_152] : memref<400000x128xf32, #tpu.memory_space<hbm>> -> memref<64x128xf32, #tpu.memory_space<hbm>>
      %dma_start3A_154 = arith.constant 0 : i32
      %dma_start3A_155 = tpu.memref_slice %arg7[%multiple_of3A, %dma_start3A_154] : memref<400000x128xf32, #tpu.memory_space<hbm>> -> memref<64x128xf32, #tpu.memory_space<hbm>>
      %dma_start3A_156 = arith.constant 0 : i32
      %dma_start3A_157 = arith.constant 0 : i32
      %dma_start3A_158 = tpu.memref_slice %arg11[%dma_start3A_147, %dma_start3A_156, %dma_start3A_157] : memref<4x64x128xf32, #tpu.memory_space<vmem>> -> memref<1x64x128xf32, #tpu.memory_space<vmem>>
      %dma_start3A_159 = tpu.memref_squeeze %dma_start3A_158 : memref<1x64x128xf32, #tpu.memory_space<vmem>> -> memref<64x128xf32, #tpu.memory_space<vmem>>
      tpu.enqueue_dma source(%dma_start3A_159 : memref<64x128xf32, #tpu.memory_space<vmem>>) target(%dma_start3A_155 : memref<64x128xf32, #tpu.memory_space<hbm>>) target_semaphore(%arg15 : memref<!tpu.dma_semaphore, #tpu.memory_space<semaphore_mem>>)
      %dma_wait3A_160 = arith.constant 1 : i32
      %dma_wait3A_161 = arith.constant 0 : i32
      %dma_wait3A_162 = arith.constant 0 : i32
      %dma_wait3A_163 = tpu.memref_slice %arg10[%dma_wait3A_160, %dma_wait3A_161, %dma_wait3A_162] : memref<4x128x128xf32, #tpu.memory_space<vmem>> -> memref<1x128x128xf32, #tpu.memory_space<vmem>>
      %dma_wait3A_164 = tpu.memref_squeeze %dma_wait3A_163 : memref<1x128x128xf32, #tpu.memory_space<vmem>> -> memref<128x128xf32, #tpu.memory_space<vmem>>
      %dma_wait3A_165 = arith.constant 128 : i32
      %dma_wait3A_166 = tpu.memref_slice %arg8[%dma_wait3A_165] : memref<512xi32, #tpu.memory_space<vmem>> -> memref<128xi32, #tpu.memory_space<vmem>>
      %dma_wait3A_167 = arith.constant 0 : i32
      %dma_wait3A_168 = arith.constant 0 : i32
      %dma_wait3A_169 = tpu.memref_slice %arg4[%dma_wait3A_167, %dma_wait3A_168] : memref<50000x128xf32, #tpu.memory_space<hbm>> -> memref<50000x128xf32, #tpu.memory_space<hbm>>
      tpu.wait_indirect_dma semaphore(%arg13 : memref<!tpu.dma_semaphore, #tpu.memory_space<semaphore_mem>>) src(%dma_wait3A_169 : memref<50000x128xf32, #tpu.memory_space<hbm>>) dst(%dma_wait3A_164 : memref<128x128xf32, #tpu.memory_space<vmem>>)
      %dma_start3A_170 = arith.constant 1 : i32
      %dma_start3A_171 = arith.constant 1 : i32
      %dma_start3A_172 = arith.constant 0 : i32
      %dma_start3A_173 = arith.constant 0 : i32
      %dma_start3A_174 = tpu.memref_slice %arg10[%dma_start3A_170, %dma_start3A_172, %dma_start3A_173] : memref<4x128x128xf32, #tpu.memory_space<vmem>> -> memref<1x128x128xf32, #tpu.memory_space<vmem>>
      %dma_start3A_175 = tpu.memref_squeeze %dma_start3A_174 : memref<1x128x128xf32, #tpu.memory_space<vmem>> -> memref<128x128xf32, #tpu.memory_space<vmem>>
      %dma_start3A_176 = arith.constant 0 : i32
      %dma_start3A_177 = tpu.memref_slice %arg9[%dma_start3A_171, %dma_start3A_176] : memref<4x128xi32, #tpu.memory_space<vmem>> -> memref<1x128xi32, #tpu.memory_space<vmem>>
      %dma_start3A_178 = tpu.memref_squeeze %dma_start3A_177 : memref<1x128xi32, #tpu.memory_space<vmem>> -> memref<128xi32, #tpu.memory_space<vmem>>
      %dma_start3A_179 = arith.constant 0 : i32
      %dma_start3A_180 = arith.constant 0 : i32
      %dma_start3A_181 = tpu.memref_slice %arg12[%dma_start3A_179, %dma_start3A_180] : memref<512x128xf32, #tpu.memory_space<vmem_shared>> -> memref<512x128xf32, #tpu.memory_space<vmem_shared>>
      tpu.enqueue_indirect_dma source(%dma_start3A_175 : memref<128x128xf32, #tpu.memory_space<vmem>>) target(%dma_start3A_181 : memref<512x128xf32, #tpu.memory_space<vmem_shared>>) offsets(%dma_start3A_178 : memref<128xi32, #tpu.memory_space<vmem>>) semaphore(%arg14 : memref<!tpu.dma_semaphore, #tpu.memory_space<semaphore_mem>>) {add = true}
      %scan3A_182 = arith.constant 0 : i32
      %scan3A_183 = arith.constant 0 : i32
      %scan3A_184 = arith.constant 64 : i32
      %scan3A_185 = arith.addi %scan3A_183, %scan3A_184 : i32
      %scan3A_186 = arith.constant 1 : i32
      scf.for %scan3A_398 = %scan3A_183 to %scan3A_185 step %scan3A_186  : i32 {
        %mul3A_399 = arith.constant 2 : i32
        %mul3A_400 = arith.muli %mul3A_399, %scan3A_398 : i32
        %add3A_401 = arith.constant 0 : i32
        %add3A_402 = arith.addi %mul3A_400, %add3A_401 : i32
        %get3A = arith.constant 1 : i32
        %get3A_403 = arith.index_cast %get3A : i32 to index
        %get3A_404 = arith.index_cast %add3A_402 : i32 to index
        %get3A_405 = arith.constant 64 : index
        %get3A_406 = tpu.vector_load %arg10[%get3A_403, %get3A_404, %get3A_405] {strides = array<i32>} : memref<4x128x128xf32, #tpu.memory_space<vmem>>, vector<1x1x16xf32>,
        %get3A_407 = vector.shape_cast %get3A_406 : vector<1x1x16xf32> to vector<16xf32>
        %swap3A = arith.constant 1 : i32
        %swap3A_408 = arith.index_cast %swap3A : i32 to index
        %swap3A_409 = arith.index_cast %scan3A_398 : i32 to index
        %swap3A_410 = arith.constant 0 : index
        %swap3A_411 = tpu.vector_load %arg11[%swap3A_408, %swap3A_409, %swap3A_410] {strides = array<i32>} : memref<4x64x128xf32, #tpu.memory_space<vmem>>, vector<1x1x16xf32>,
        %swap3A_412 = vector.shape_cast %swap3A_411 : vector<1x1x16xf32> to vector<16xf32>
        %swap3A_413 = vector.shape_cast %get3A_407 : vector<16xf32> to vector<1x1x16xf32>
        tpu.vector_store %arg11[%swap3A_408, %swap3A_409, %swap3A_410], %swap3A_413 {strides = array<i32>} : memref<4x64x128xf32, #tpu.memory_space<vmem>>, vector<1x1x16xf32>,
        %mul3A_414 = arith.constant 2 : i32
        %mul3A_415 = arith.muli %mul3A_414, %scan3A_398 : i32
        %add3A_416 = arith.constant 0 : i32
        %add3A_417 = arith.addi %mul3A_415, %add3A_416 : i32
        %get3A_418 = arith.constant 1 : i32
        %get3A_419 = arith.index_cast %get3A_418 : i32 to index
        %get3A_420 = arith.index_cast %add3A_417 : i32 to index
        %get3A_421 = arith.constant 80 : index
        %get3A_422 = tpu.vector_load %arg10[%get3A_419, %get3A_420, %get3A_421] {strides = array<i32>} : memref<4x128x128xf32, #tpu.memory_space<vmem>>, vector<1x1x16xf32>,
        %get3A_423 = vector.shape_cast %get3A_422 : vector<1x1x16xf32> to vector<16xf32>
        %swap3A_424 = arith.constant 1 : i32
        %swap3A_425 = arith.index_cast %swap3A_424 : i32 to index
        %swap3A_426 = arith.index_cast %scan3A_398 : i32 to index
        %swap3A_427 = arith.constant 16 : index
        %swap3A_428 = tpu.vector_load %arg11[%swap3A_425, %swap3A_426, %swap3A_427] {strides = array<i32>} : memref<4x64x128xf32, #tpu.memory_space<vmem>>, vector<1x1x16xf32>,
        %swap3A_429 = vector.shape_cast %swap3A_428 : vector<1x1x16xf32> to vector<16xf32>
        %swap3A_430 = vector.shape_cast %get3A_423 : vector<16xf32> to vector<1x1x16xf32>
        tpu.vector_store %arg11[%swap3A_425, %swap3A_426, %swap3A_427], %swap3A_430 {strides = array<i32>} : memref<4x64x128xf32, #tpu.memory_space<vmem>>, vector<1x1x16xf32>,
        %mul3A_431 = arith.constant 2 : i32
        %mul3A_432 = arith.muli %mul3A_431, %scan3A_398 : i32
        %add3A_433 = arith.constant 0 : i32
        %add3A_434 = arith.addi %mul3A_432, %add3A_433 : i32
        %get3A_435 = arith.constant 1 : i32
        %get3A_436 = arith.index_cast %get3A_435 : i32 to index
        %get3A_437 = arith.index_cast %add3A_434 : i32 to index
        %get3A_438 = arith.constant 96 : index
        %get3A_439 = tpu.vector_load %arg10[%get3A_436, %get3A_437, %get3A_438] {strides = array<i32>} : memref<4x128x128xf32, #tpu.memory_space<vmem>>, vector<1x1x16xf32>,
        %get3A_440 = vector.shape_cast %get3A_439 : vector<1x1x16xf32> to vector<16xf32>
        %swap3A_441 = arith.constant 1 : i32
        %swap3A_442 = arith.index_cast %swap3A_441 : i32 to index
        %swap3A_443 = arith.index_cast %scan3A_398 : i32 to index
        %swap3A_444 = arith.constant 32 : index
        %swap3A_445 = tpu.vector_load %arg11[%swap3A_442, %swap3A_443, %swap3A_444] {strides = array<i32>} : memref<4x64x128xf32, #tpu.memory_space<vmem>>, vector<1x1x16xf32>,
        %swap3A_446 = vector.shape_cast %swap3A_445 : vector<1x1x16xf32> to vector<16xf32>
        %swap3A_447 = vector.shape_cast %get3A_440 : vector<16xf32> to vector<1x1x16xf32>
        tpu.vector_store %arg11[%swap3A_442, %swap3A_443, %swap3A_444], %swap3A_447 {strides = array<i32>} : memref<4x64x128xf32, #tpu.memory_space<vmem>>, vector<1x1x16xf32>,
        %mul3A_448 = arith.constant 2 : i32
        %mul3A_449 = arith.muli %mul3A_448, %scan3A_398 : i32
        %add3A_450 = arith.constant 0 : i32
        %add3A_451 = arith.addi %mul3A_449, %add3A_450 : i32
        %get3A_452 = arith.constant 1 : i32
        %get3A_453 = arith.index_cast %get3A_452 : i32 to index
        %get3A_454 = arith.index_cast %add3A_451 : i32 to index
        %get3A_455 = arith.constant 112 : index
        %get3A_456 = tpu.vector_load %arg10[%get3A_453, %get3A_454, %get3A_455] {strides = array<i32>} : memref<4x128x128xf32, #tpu.memory_space<vmem>>, vector<1x1x16xf32>,
        %get3A_457 = vector.shape_cast %get3A_456 : vector<1x1x16xf32> to vector<16xf32>
        %swap3A_458 = arith.constant 1 : i32
        %swap3A_459 = arith.index_cast %swap3A_458 : i32 to index
        %swap3A_460 = arith.index_cast %scan3A_398 : i32 to index
        %swap3A_461 = arith.constant 48 : index
        %swap3A_462 = tpu.vector_load %arg11[%swap3A_459, %swap3A_460, %swap3A_461] {strides = array<i32>} : memref<4x64x128xf32, #tpu.memory_space<vmem>>, vector<1x1x16xf32>,
        %swap3A_463 = vector.shape_cast %swap3A_462 : vector<1x1x16xf32> to vector<16xf32>
        %swap3A_464 = vector.shape_cast %get3A_457 : vector<16xf32> to vector<1x1x16xf32>
        tpu.vector_store %arg11[%swap3A_459, %swap3A_460, %swap3A_461], %swap3A_464 {strides = array<i32>} : memref<4x64x128xf32, #tpu.memory_space<vmem>>, vector<1x1x16xf32>,
        %mul3A_465 = arith.constant 2 : i32
        %mul3A_466 = arith.muli %mul3A_465, %scan3A_398 : i32
        %add3A_467 = arith.constant 1 : i32
        %add3A_468 = arith.addi %mul3A_466, %add3A_467 : i32
        %get3A_469 = arith.constant 1 : i32
        %get3A_470 = arith.index_cast %get3A_469 : i32 to index
        %get3A_471 = arith.index_cast %add3A_468 : i32 to index
        %get3A_472 = arith.constant 64 : index
        %get3A_473 = tpu.vector_load %arg10[%get3A_470, %get3A_471, %get3A_472] {strides = array<i32>} : memref<4x128x128xf32, #tpu.memory_space<vmem>>, vector<1x1x16xf32>,
        %get3A_474 = vector.shape_cast %get3A_473 : vector<1x1x16xf32> to vector<16xf32>
        %swap3A_475 = arith.constant 1 : i32
        %swap3A_476 = arith.index_cast %swap3A_475 : i32 to index
        %swap3A_477 = arith.index_cast %scan3A_398 : i32 to index
        %swap3A_478 = arith.constant 64 : index
        %swap3A_479 = tpu.vector_load %arg11[%swap3A_476, %swap3A_477, %swap3A_478] {strides = array<i32>} : memref<4x64x128xf32, #tpu.memory_space<vmem>>, vector<1x1x16xf32>,
        %swap3A_480 = vector.shape_cast %swap3A_479 : vector<1x1x16xf32> to vector<16xf32>
        %swap3A_481 = vector.shape_cast %get3A_474 : vector<16xf32> to vector<1x1x16xf32>
        tpu.vector_store %arg11[%swap3A_476, %swap3A_477, %swap3A_478], %swap3A_481 {strides = array<i32>} : memref<4x64x128xf32, #tpu.memory_space<vmem>>, vector<1x1x16xf32>,
        %mul3A_482 = arith.constant 2 : i32
        %mul3A_483 = arith.muli %mul3A_482, %scan3A_398 : i32
        %add3A_484 = arith.constant 1 : i32
        %add3A_485 = arith.addi %mul3A_483, %add3A_484 : i32
        %get3A_486 = arith.constant 1 : i32
        %get3A_487 = arith.index_cast %get3A_486 : i32 to index
        %get3A_488 = arith.index_cast %add3A_485 : i32 to index
        %get3A_489 = arith.constant 80 : index
        %get3A_490 = tpu.vector_load %arg10[%get3A_487, %get3A_488, %get3A_489] {strides = array<i32>} : memref<4x128x128xf32, #tpu.memory_space<vmem>>, vector<1x1x16xf32>,
        %get3A_491 = vector.shape_cast %get3A_490 : vector<1x1x16xf32> to vector<16xf32>
        %swap3A_492 = arith.constant 1 : i32
        %swap3A_493 = arith.index_cast %swap3A_492 : i32 to index
        %swap3A_494 = arith.index_cast %scan3A_398 : i32 to index
        %swap3A_495 = arith.constant 80 : index
        %swap3A_496 = tpu.vector_load %arg11[%swap3A_493, %swap3A_494, %swap3A_495] {strides = array<i32>} : memref<4x64x128xf32, #tpu.memory_space<vmem>>, vector<1x1x16xf32>,
        %swap3A_497 = vector.shape_cast %swap3A_496 : vector<1x1x16xf32> to vector<16xf32>
        %swap3A_498 = vector.shape_cast %get3A_491 : vector<16xf32> to vector<1x1x16xf32>
        tpu.vector_store %arg11[%swap3A_493, %swap3A_494, %swap3A_495], %swap3A_498 {strides = array<i32>} : memref<4x64x128xf32, #tpu.memory_space<vmem>>, vector<1x1x16xf32>,
        %mul3A_499 = arith.constant 2 : i32
        %mul3A_500 = arith.muli %mul3A_499, %scan3A_398 : i32
        %add3A_501 = arith.constant 1 : i32
        %add3A_502 = arith.addi %mul3A_500, %add3A_501 : i32
        %get3A_503 = arith.constant 1 : i32
        %get3A_504 = arith.index_cast %get3A_503 : i32 to index
        %get3A_505 = arith.index_cast %add3A_502 : i32 to index
        %get3A_506 = arith.constant 96 : index
        %get3A_507 = tpu.vector_load %arg10[%get3A_504, %get3A_505, %get3A_506] {strides = array<i32>} : memref<4x128x128xf32, #tpu.memory_space<vmem>>, vector<1x1x16xf32>,
        %get3A_508 = vector.shape_cast %get3A_507 : vector<1x1x16xf32> to vector<16xf32>
        %swap3A_509 = arith.constant 1 : i32
        %swap3A_510 = arith.index_cast %swap3A_509 : i32 to index
        %swap3A_511 = arith.index_cast %scan3A_398 : i32 to index
        %swap3A_512 = arith.constant 96 : index
        %swap3A_513 = tpu.vector_load %arg11[%swap3A_510, %swap3A_511, %swap3A_512] {strides = array<i32>} : memref<4x64x128xf32, #tpu.memory_space<vmem>>, vector<1x1x16xf32>,
        %swap3A_514 = vector.shape_cast %swap3A_513 : vector<1x1x16xf32> to vector<16xf32>
        %swap3A_515 = vector.shape_cast %get3A_508 : vector<16xf32> to vector<1x1x16xf32>
        tpu.vector_store %arg11[%swap3A_510, %swap3A_511, %swap3A_512], %swap3A_515 {strides = array<i32>} : memref<4x64x128xf32, #tpu.memory_space<vmem>>, vector<1x1x16xf32>,
        %mul3A_516 = arith.constant 2 : i32
        %mul3A_517 = arith.muli %mul3A_516, %scan3A_398 : i32
        %add3A_518 = arith.constant 1 : i32
        %add3A_519 = arith.addi %mul3A_517, %add3A_518 : i32
        %get3A_520 = arith.constant 1 : i32
        %get3A_521 = arith.index_cast %get3A_520 : i32 to index
        %get3A_522 = arith.index_cast %add3A_519 : i32 to index
        %get3A_523 = arith.constant 112 : index
        %get3A_524 = tpu.vector_load %arg10[%get3A_521, %get3A_522, %get3A_523] {strides = array<i32>} : memref<4x128x128xf32, #tpu.memory_space<vmem>>, vector<1x1x16xf32>,
        %get3A_525 = vector.shape_cast %get3A_524 : vector<1x1x16xf32> to vector<16xf32>
        %swap3A_526 = arith.constant 1 : i32
        %swap3A_527 = arith.index_cast %swap3A_526 : i32 to index
        %swap3A_528 = arith.index_cast %scan3A_398 : i32 to index
        %swap3A_529 = arith.constant 112 : index
        %swap3A_530 = tpu.vector_load %arg11[%swap3A_527, %swap3A_528, %swap3A_529] {strides = array<i32>} : memref<4x64x128xf32, #tpu.memory_space<vmem>>, vector<1x1x16xf32>,
        %swap3A_531 = vector.shape_cast %swap3A_530 : vector<1x1x16xf32> to vector<16xf32>
        %swap3A_532 = vector.shape_cast %get3A_525 : vector<16xf32> to vector<1x1x16xf32>
        tpu.vector_store %arg11[%swap3A_527, %swap3A_528, %swap3A_529], %swap3A_532 {strides = array<i32>} : memref<4x64x128xf32, #tpu.memory_space<vmem>>, vector<1x1x16xf32>,
      }
      %scan3A_187 = arith.constant 64 : i32
      %add3A_188 = arith.constant 1 : i32
      %add3A_189 = arith.addi %add3A_64, %add3A_188 : i32
      %mul3A_190 = arith.constant 64 : i32
      %mul3A_191 = arith.muli %add3A_189, %mul3A_190 : i32
      %multiple_of3A_192 = tpu.assume_multiple %mul3A_191, 8 : i32
      %dma_start3A_193 = arith.constant 1 : i32
      %dma_start3A_194 = arith.constant 0 : i32
      %dma_start3A_195 = arith.constant 0 : i32
      %dma_start3A_196 = tpu.memref_slice %arg11[%dma_start3A_193, %dma_start3A_194, %dma_start3A_195] : memref<4x64x128xf32, #tpu.memory_space<vmem>> -> memref<1x64x128xf32, #tpu.memory_space<vmem>>
      %dma_start3A_197 = tpu.memref_squeeze %dma_start3A_196 : memref<1x64x128xf32, #tpu.memory_space<vmem>> -> memref<64x128xf32, #tpu.memory_space<vmem>>
      %dma_start3A_198 = arith.constant 0 : i32
      %dma_start3A_199 = tpu.memref_slice %arg7[%multiple_of3A_192, %dma_start3A_198] : memref<400000x128xf32, #tpu.memory_space<hbm>> -> memref<64x128xf32, #tpu.memory_space<hbm>>
      %dma_start3A_200 = arith.constant 0 : i32
      %dma_start3A_201 = tpu.memref_slice %arg7[%multiple_of3A_192, %dma_start3A_200] : memref<400000x128xf32, #tpu.memory_space<hbm>> -> memref<64x128xf32, #tpu.memory_space<hbm>>
      %dma_start3A_202 = arith.constant 0 : i32
      %dma_start3A_203 = arith.constant 0 : i32
      %dma_start3A_204 = tpu.memref_slice %arg11[%dma_start3A_193, %dma_start3A_202, %dma_start3A_203] : memref<4x64x128xf32, #tpu.memory_space<vmem>> -> memref<1x64x128xf32, #tpu.memory_space<vmem>>
      %dma_start3A_205 = tpu.memref_squeeze %dma_start3A_204 : memref<1x64x128xf32, #tpu.memory_space<vmem>> -> memref<64x128xf32, #tpu.memory_space<vmem>>
      tpu.enqueue_dma source(%dma_start3A_205 : memref<64x128xf32, #tpu.memory_space<vmem>>) target(%dma_start3A_201 : memref<64x128xf32, #tpu.memory_space<hbm>>) target_semaphore(%arg15 : memref<!tpu.dma_semaphore, #tpu.memory_space<semaphore_mem>>)
      %dma_wait3A_206 = arith.constant 2 : i32
      %dma_wait3A_207 = arith.constant 0 : i32
      %dma_wait3A_208 = arith.constant 0 : i32
      %dma_wait3A_209 = tpu.memref_slice %arg10[%dma_wait3A_206, %dma_wait3A_207, %dma_wait3A_208] : memref<4x128x128xf32, #tpu.memory_space<vmem>> -> memref<1x128x128xf32, #tpu.memory_space<vmem>>
      %dma_wait3A_210 = tpu.memref_squeeze %dma_wait3A_209 : memref<1x128x128xf32, #tpu.memory_space<vmem>> -> memref<128x128xf32, #tpu.memory_space<vmem>>
      %dma_wait3A_211 = arith.constant 256 : i32
      %dma_wait3A_212 = tpu.memref_slice %arg8[%dma_wait3A_211] : memref<512xi32, #tpu.memory_space<vmem>> -> memref<128xi32, #tpu.memory_space<vmem>>
      %dma_wait3A_213 = arith.constant 0 : i32
      %dma_wait3A_214 = arith.constant 0 : i32
      %dma_wait3A_215 = tpu.memref_slice %arg4[%dma_wait3A_213, %dma_wait3A_214] : memref<50000x128xf32, #tpu.memory_space<hbm>> -> memref<50000x128xf32, #tpu.memory_space<hbm>>
      tpu.wait_indirect_dma semaphore(%arg13 : memref<!tpu.dma_semaphore, #tpu.memory_space<semaphore_mem>>) src(%dma_wait3A_215 : memref<50000x128xf32, #tpu.memory_space<hbm>>) dst(%dma_wait3A_210 : memref<128x128xf32, #tpu.memory_space<vmem>>)
      %dma_start3A_216 = arith.constant 2 : i32
      %dma_start3A_217 = arith.constant 2 : i32
      %dma_start3A_218 = arith.constant 0 : i32
      %dma_start3A_219 = arith.constant 0 : i32
      %dma_start3A_220 = tpu.memref_slice %arg10[%dma_start3A_216, %dma_start3A_218, %dma_start3A_219] : memref<4x128x128xf32, #tpu.memory_space<vmem>> -> memref<1x128x128xf32, #tpu.memory_space<vmem>>
      %dma_start3A_221 = tpu.memref_squeeze %dma_start3A_220 : memref<1x128x128xf32, #tpu.memory_space<vmem>> -> memref<128x128xf32, #tpu.memory_space<vmem>>
      %dma_start3A_222 = arith.constant 0 : i32
      %dma_start3A_223 = tpu.memref_slice %arg9[%dma_start3A_217, %dma_start3A_222] : memref<4x128xi32, #tpu.memory_space<vmem>> -> memref<1x128xi32, #tpu.memory_space<vmem>>
      %dma_start3A_224 = tpu.memref_squeeze %dma_start3A_223 : memref<1x128xi32, #tpu.memory_space<vmem>> -> memref<128xi32, #tpu.memory_space<vmem>>
      %dma_start3A_225 = arith.constant 0 : i32
      %dma_start3A_226 = arith.constant 0 : i32
      %dma_start3A_227 = tpu.memref_slice %arg12[%dma_start3A_225, %dma_start3A_226] : memref<512x128xf32, #tpu.memory_space<vmem_shared>> -> memref<512x128xf32, #tpu.memory_space<vmem_shared>>
      tpu.enqueue_indirect_dma source(%dma_start3A_221 : memref<128x128xf32, #tpu.memory_space<vmem>>) target(%dma_start3A_227 : memref<512x128xf32, #tpu.memory_space<vmem_shared>>) offsets(%dma_start3A_224 : memref<128xi32, #tpu.memory_space<vmem>>) semaphore(%arg14 : memref<!tpu.dma_semaphore, #tpu.memory_space<semaphore_mem>>) {add = true}
      %scan3A_228 = arith.constant 0 : i32
      %scan3A_229 = arith.constant 0 : i32
      %scan3A_230 = arith.constant 64 : i32
      %scan3A_231 = arith.addi %scan3A_229, %scan3A_230 : i32
      %scan3A_232 = arith.constant 1 : i32
      scf.for %scan3A_398 = %scan3A_229 to %scan3A_231 step %scan3A_232  : i32 {
        %mul3A_399 = arith.constant 2 : i32
        %mul3A_400 = arith.muli %mul3A_399, %scan3A_398 : i32
        %add3A_401 = arith.constant 0 : i32
        %add3A_402 = arith.addi %mul3A_400, %add3A_401 : i32
        %get3A = arith.constant 2 : i32
        %get3A_403 = arith.index_cast %get3A : i32 to index
        %get3A_404 = arith.index_cast %add3A_402 : i32 to index
        %get3A_405 = arith.constant 64 : index
        %get3A_406 = tpu.vector_load %arg10[%get3A_403, %get3A_404, %get3A_405] {strides = array<i32>} : memref<4x128x128xf32, #tpu.memory_space<vmem>>, vector<1x1x16xf32>,
        %get3A_407 = vector.shape_cast %get3A_406 : vector<1x1x16xf32> to vector<16xf32>
        %swap3A = arith.constant 2 : i32
        %swap3A_408 = arith.index_cast %swap3A : i32 to index
        %swap3A_409 = arith.index_cast %scan3A_398 : i32 to index
        %swap3A_410 = arith.constant 0 : index
        %swap3A_411 = tpu.vector_load %arg11[%swap3A_408, %swap3A_409, %swap3A_410] {strides = array<i32>} : memref<4x64x128xf32, #tpu.memory_space<vmem>>, vector<1x1x16xf32>,
        %swap3A_412 = vector.shape_cast %swap3A_411 : vector<1x1x16xf32> to vector<16xf32>
        %swap3A_413 = vector.shape_cast %get3A_407 : vector<16xf32> to vector<1x1x16xf32>
        tpu.vector_store %arg11[%swap3A_408, %swap3A_409, %swap3A_410], %swap3A_413 {strides = array<i32>} : memref<4x64x128xf32, #tpu.memory_space<vmem>>, vector<1x1x16xf32>,
        %mul3A_414 = arith.constant 2 : i32
        %mul3A_415 = arith.muli %mul3A_414, %scan3A_398 : i32
        %add3A_416 = arith.constant 0 : i32
        %add3A_417 = arith.addi %mul3A_415, %add3A_416 : i32
        %get3A_418 = arith.constant 2 : i32
        %get3A_419 = arith.index_cast %get3A_418 : i32 to index
        %get3A_420 = arith.index_cast %add3A_417 : i32 to index
        %get3A_421 = arith.constant 80 : index
        %get3A_422 = tpu.vector_load %arg10[%get3A_419, %get3A_420, %get3A_421] {strides = array<i32>} : memref<4x128x128xf32, #tpu.memory_space<vmem>>, vector<1x1x16xf32>,
        %get3A_423 = vector.shape_cast %get3A_422 : vector<1x1x16xf32> to vector<16xf32>
        %swap3A_424 = arith.constant 2 : i32
        %swap3A_425 = arith.index_cast %swap3A_424 : i32 to index
        %swap3A_426 = arith.index_cast %scan3A_398 : i32 to index
        %swap3A_427 = arith.constant 16 : index
        %swap3A_428 = tpu.vector_load %arg11[%swap3A_425, %swap3A_426, %swap3A_427] {strides = array<i32>} : memref<4x64x128xf32, #tpu.memory_space<vmem>>, vector<1x1x16xf32>,
        %swap3A_429 = vector.shape_cast %swap3A_428 : vector<1x1x16xf32> to vector<16xf32>
        %swap3A_430 = vector.shape_cast %get3A_423 : vector<16xf32> to vector<1x1x16xf32>
        tpu.vector_store %arg11[%swap3A_425, %swap3A_426, %swap3A_427], %swap3A_430 {strides = array<i32>} : memref<4x64x128xf32, #tpu.memory_space<vmem>>, vector<1x1x16xf32>,
        %mul3A_431 = arith.constant 2 : i32
        %mul3A_432 = arith.muli %mul3A_431, %scan3A_398 : i32
        %add3A_433 = arith.constant 0 : i32
        %add3A_434 = arith.addi %mul3A_432, %add3A_433 : i32
        %get3A_435 = arith.constant 2 : i32
        %get3A_436 = arith.index_cast %get3A_435 : i32 to index
        %get3A_437 = arith.index_cast %add3A_434 : i32 to index
        %get3A_438 = arith.constant 96 : index
        %get3A_439 = tpu.vector_load %arg10[%get3A_436, %get3A_437, %get3A_438] {strides = array<i32>} : memref<4x128x128xf32, #tpu.memory_space<vmem>>, vector<1x1x16xf32>,
        %get3A_440 = vector.shape_cast %get3A_439 : vector<1x1x16xf32> to vector<16xf32>
        %swap3A_441 = arith.constant 2 : i32
        %swap3A_442 = arith.index_cast %swap3A_441 : i32 to index
        %swap3A_443 = arith.index_cast %scan3A_398 : i32 to index
        %swap3A_444 = arith.constant 32 : index
        %swap3A_445 = tpu.vector_load %arg11[%swap3A_442, %swap3A_443, %swap3A_444] {strides = array<i32>} : memref<4x64x128xf32, #tpu.memory_space<vmem>>, vector<1x1x16xf32>,
        %swap3A_446 = vector.shape_cast %swap3A_445 : vector<1x1x16xf32> to vector<16xf32>
        %swap3A_447 = vector.shape_cast %get3A_440 : vector<16xf32> to vector<1x1x16xf32>
        tpu.vector_store %arg11[%swap3A_442, %swap3A_443, %swap3A_444], %swap3A_447 {strides = array<i32>} : memref<4x64x128xf32, #tpu.memory_space<vmem>>, vector<1x1x16xf32>,
        %mul3A_448 = arith.constant 2 : i32
        %mul3A_449 = arith.muli %mul3A_448, %scan3A_398 : i32
        %add3A_450 = arith.constant 0 : i32
        %add3A_451 = arith.addi %mul3A_449, %add3A_450 : i32
        %get3A_452 = arith.constant 2 : i32
        %get3A_453 = arith.index_cast %get3A_452 : i32 to index
        %get3A_454 = arith.index_cast %add3A_451 : i32 to index
        %get3A_455 = arith.constant 112 : index
        %get3A_456 = tpu.vector_load %arg10[%get3A_453, %get3A_454, %get3A_455] {strides = array<i32>} : memref<4x128x128xf32, #tpu.memory_space<vmem>>, vector<1x1x16xf32>,
        %get3A_457 = vector.shape_cast %get3A_456 : vector<1x1x16xf32> to vector<16xf32>
        %swap3A_458 = arith.constant 2 : i32
        %swap3A_459 = arith.index_cast %swap3A_458 : i32 to index
        %swap3A_460 = arith.index_cast %scan3A_398 : i32 to index
        %swap3A_461 = arith.constant 48 : index
        %swap3A_462 = tpu.vector_load %arg11[%swap3A_459, %swap3A_460, %swap3A_461] {strides = array<i32>} : memref<4x64x128xf32, #tpu.memory_space<vmem>>, vector<1x1x16xf32>,
        %swap3A_463 = vector.shape_cast %swap3A_462 : vector<1x1x16xf32> to vector<16xf32>
        %swap3A_464 = vector.shape_cast %get3A_457 : vector<16xf32> to vector<1x1x16xf32>
        tpu.vector_store %arg11[%swap3A_459, %swap3A_460, %swap3A_461], %swap3A_464 {strides = array<i32>} : memref<4x64x128xf32, #tpu.memory_space<vmem>>, vector<1x1x16xf32>,
        %mul3A_465 = arith.constant 2 : i32
        %mul3A_466 = arith.muli %mul3A_465, %scan3A_398 : i32
        %add3A_467 = arith.constant 1 : i32
        %add3A_468 = arith.addi %mul3A_466, %add3A_467 : i32
        %get3A_469 = arith.constant 2 : i32
        %get3A_470 = arith.index_cast %get3A_469 : i32 to index
        %get3A_471 = arith.index_cast %add3A_468 : i32 to index
        %get3A_472 = arith.constant 64 : index
        %get3A_473 = tpu.vector_load %arg10[%get3A_470, %get3A_471, %get3A_472] {strides = array<i32>} : memref<4x128x128xf32, #tpu.memory_space<vmem>>, vector<1x1x16xf32>,
        %get3A_474 = vector.shape_cast %get3A_473 : vector<1x1x16xf32> to vector<16xf32>
        %swap3A_475 = arith.constant 2 : i32
        %swap3A_476 = arith.index_cast %swap3A_475 : i32 to index
        %swap3A_477 = arith.index_cast %scan3A_398 : i32 to index
        %swap3A_478 = arith.constant 64 : index
        %swap3A_479 = tpu.vector_load %arg11[%swap3A_476, %swap3A_477, %swap3A_478] {strides = array<i32>} : memref<4x64x128xf32, #tpu.memory_space<vmem>>, vector<1x1x16xf32>,
        %swap3A_480 = vector.shape_cast %swap3A_479 : vector<1x1x16xf32> to vector<16xf32>
        %swap3A_481 = vector.shape_cast %get3A_474 : vector<16xf32> to vector<1x1x16xf32>
        tpu.vector_store %arg11[%swap3A_476, %swap3A_477, %swap3A_478], %swap3A_481 {strides = array<i32>} : memref<4x64x128xf32, #tpu.memory_space<vmem>>, vector<1x1x16xf32>,
        %mul3A_482 = arith.constant 2 : i32
        %mul3A_483 = arith.muli %mul3A_482, %scan3A_398 : i32
        %add3A_484 = arith.constant 1 : i32
        %add3A_485 = arith.addi %mul3A_483, %add3A_484 : i32
        %get3A_486 = arith.constant 2 : i32
        %get3A_487 = arith.index_cast %get3A_486 : i32 to index
        %get3A_488 = arith.index_cast %add3A_485 : i32 to index
        %get3A_489 = arith.constant 80 : index
        %get3A_490 = tpu.vector_load %arg10[%get3A_487, %get3A_488, %get3A_489] {strides = array<i32>} : memref<4x128x128xf32, #tpu.memory_space<vmem>>, vector<1x1x16xf32>,
        %get3A_491 = vector.shape_cast %get3A_490 : vector<1x1x16xf32> to vector<16xf32>
        %swap3A_492 = arith.constant 2 : i32
        %swap3A_493 = arith.index_cast %swap3A_492 : i32 to index
        %swap3A_494 = arith.index_cast %scan3A_398 : i32 to index
        %swap3A_495 = arith.constant 80 : index
        %swap3A_496 = tpu.vector_load %arg11[%swap3A_493, %swap3A_494, %swap3A_495] {strides = array<i32>} : memref<4x64x128xf32, #tpu.memory_space<vmem>>, vector<1x1x16xf32>,
        %swap3A_497 = vector.shape_cast %swap3A_496 : vector<1x1x16xf32> to vector<16xf32>
        %swap3A_498 = vector.shape_cast %get3A_491 : vector<16xf32> to vector<1x1x16xf32>
        tpu.vector_store %arg11[%swap3A_493, %swap3A_494, %swap3A_495], %swap3A_498 {strides = array<i32>} : memref<4x64x128xf32, #tpu.memory_space<vmem>>, vector<1x1x16xf32>,
        %mul3A_499 = arith.constant 2 : i32
        %mul3A_500 = arith.muli %mul3A_499, %scan3A_398 : i32
        %add3A_501 = arith.constant 1 : i32
        %add3A_502 = arith.addi %mul3A_500, %add3A_501 : i32
        %get3A_503 = arith.constant 2 : i32
        %get3A_504 = arith.index_cast %get3A_503 : i32 to index
        %get3A_505 = arith.index_cast %add3A_502 : i32 to index
        %get3A_506 = arith.constant 96 : index
        %get3A_507 = tpu.vector_load %arg10[%get3A_504, %get3A_505, %get3A_506] {strides = array<i32>} : memref<4x128x128xf32, #tpu.memory_space<vmem>>, vector<1x1x16xf32>,
        %get3A_508 = vector.shape_cast %get3A_507 : vector<1x1x16xf32> to vector<16xf32>
        %swap3A_509 = arith.constant 2 : i32
        %swap3A_510 = arith.index_cast %swap3A_509 : i32 to index
        %swap3A_511 = arith.index_cast %scan3A_398 : i32 to index
        %swap3A_512 = arith.constant 96 : index
        %swap3A_513 = tpu.vector_load %arg11[%swap3A_510, %swap3A_511, %swap3A_512] {strides = array<i32>} : memref<4x64x128xf32, #tpu.memory_space<vmem>>, vector<1x1x16xf32>,
        %swap3A_514 = vector.shape_cast %swap3A_513 : vector<1x1x16xf32> to vector<16xf32>
        %swap3A_515 = vector.shape_cast %get3A_508 : vector<16xf32> to vector<1x1x16xf32>
        tpu.vector_store %arg11[%swap3A_510, %swap3A_511, %swap3A_512], %swap3A_515 {strides = array<i32>} : memref<4x64x128xf32, #tpu.memory_space<vmem>>, vector<1x1x16xf32>,
        %mul3A_516 = arith.constant 2 : i32
        %mul3A_517 = arith.muli %mul3A_516, %scan3A_398 : i32
        %add3A_518 = arith.constant 1 : i32
        %add3A_519 = arith.addi %mul3A_517, %add3A_518 : i32
        %get3A_520 = arith.constant 2 : i32
        %get3A_521 = arith.index_cast %get3A_520 : i32 to index
        %get3A_522 = arith.index_cast %add3A_519 : i32 to index
        %get3A_523 = arith.constant 112 : index
        %get3A_524 = tpu.vector_load %arg10[%get3A_521, %get3A_522, %get3A_523] {strides = array<i32>} : memref<4x128x128xf32, #tpu.memory_space<vmem>>, vector<1x1x16xf32>,
        %get3A_525 = vector.shape_cast %get3A_524 : vector<1x1x16xf32> to vector<16xf32>
        %swap3A_526 = arith.constant 2 : i32
        %swap3A_527 = arith.index_cast %swap3A_526 : i32 to index
        %swap3A_528 = arith.index_cast %scan3A_398 : i32 to index
        %swap3A_529 = arith.constant 112 : index
        %swap3A_530 = tpu.vector_load %arg11[%swap3A_527, %swap3A_528, %swap3A_529] {strides = array<i32>} : memref<4x64x128xf32, #tpu.memory_space<vmem>>, vector<1x1x16xf32>,
        %swap3A_531 = vector.shape_cast %swap3A_530 : vector<1x1x16xf32> to vector<16xf32>
        %swap3A_532 = vector.shape_cast %get3A_525 : vector<16xf32> to vector<1x1x16xf32>
        tpu.vector_store %arg11[%swap3A_527, %swap3A_528, %swap3A_529], %swap3A_532 {strides = array<i32>} : memref<4x64x128xf32, #tpu.memory_space<vmem>>, vector<1x1x16xf32>,
      }
      %scan3A_233 = arith.constant 64 : i32
      %add3A_234 = arith.constant 2 : i32
      %add3A_235 = arith.addi %add3A_64, %add3A_234 : i32
      %mul3A_236 = arith.constant 64 : i32
      %mul3A_237 = arith.muli %add3A_235, %mul3A_236 : i32
      %multiple_of3A_238 = tpu.assume_multiple %mul3A_237, 8 : i32
      %dma_start3A_239 = arith.constant 2 : i32
      %dma_start3A_240 = arith.constant 0 : i32
      %dma_start3A_241 = arith.constant 0 : i32
      %dma_start3A_242 = tpu.memref_slice %arg11[%dma_start3A_239, %dma_start3A_240, %dma_start3A_241] : memref<4x64x128xf32, #tpu.memory_space<vmem>> -> memref<1x64x128xf32, #tpu.memory_space<vmem>>
      %dma_start3A_243 = tpu.memref_squeeze %dma_start3A_242 : memref<1x64x128xf32, #tpu.memory_space<vmem>> -> memref<64x128xf32, #tpu.memory_space<vmem>>
      %dma_start3A_244 = arith.constant 0 : i32
      %dma_start3A_245 = tpu.memref_slice %arg7[%multiple_of3A_238, %dma_start3A_244] : memref<400000x128xf32, #tpu.memory_space<hbm>> -> memref<64x128xf32, #tpu.memory_space<hbm>>
      %dma_start3A_246 = arith.constant 0 : i32
      %dma_start3A_247 = tpu.memref_slice %arg7[%multiple_of3A_238, %dma_start3A_246] : memref<400000x128xf32, #tpu.memory_space<hbm>> -> memref<64x128xf32, #tpu.memory_space<hbm>>
      %dma_start3A_248 = arith.constant 0 : i32
      %dma_start3A_249 = arith.constant 0 : i32
      %dma_start3A_250 = tpu.memref_slice %arg11[%dma_start3A_239, %dma_start3A_248, %dma_start3A_249] : memref<4x64x128xf32, #tpu.memory_space<vmem>> -> memref<1x64x128xf32, #tpu.memory_space<vmem>>
      %dma_start3A_251 = tpu.memref_squeeze %dma_start3A_250 : memref<1x64x128xf32, #tpu.memory_space<vmem>> -> memref<64x128xf32, #tpu.memory_space<vmem>>
      tpu.enqueue_dma source(%dma_start3A_251 : memref<64x128xf32, #tpu.memory_space<vmem>>) target(%dma_start3A_247 : memref<64x128xf32, #tpu.memory_space<hbm>>) target_semaphore(%arg15 : memref<!tpu.dma_semaphore, #tpu.memory_space<semaphore_mem>>)
      %dma_wait3A_252 = arith.constant 3 : i32
      %dma_wait3A_253 = arith.constant 0 : i32
      %dma_wait3A_254 = arith.constant 0 : i32
      %dma_wait3A_255 = tpu.memref_slice %arg10[%dma_wait3A_252, %dma_wait3A_253, %dma_wait3A_254] : memref<4x128x128xf32, #tpu.memory_space<vmem>> -> memref<1x128x128xf32, #tpu.memory_space<vmem>>
      %dma_wait3A_256 = tpu.memref_squeeze %dma_wait3A_255 : memref<1x128x128xf32, #tpu.memory_space<vmem>> -> memref<128x128xf32, #tpu.memory_space<vmem>>
      %dma_wait3A_257 = arith.constant 384 : i32
      %dma_wait3A_258 = tpu.memref_slice %arg8[%dma_wait3A_257] : memref<512xi32, #tpu.memory_space<vmem>> -> memref<128xi32, #tpu.memory_space<vmem>>
      %dma_wait3A_259 = arith.constant 0 : i32
      %dma_wait3A_260 = arith.constant 0 : i32
      %dma_wait3A_261 = tpu.memref_slice %arg4[%dma_wait3A_259, %dma_wait3A_260] : memref<50000x128xf32, #tpu.memory_space<hbm>> -> memref<50000x128xf32, #tpu.memory_space<hbm>>
      tpu.wait_indirect_dma semaphore(%arg13 : memref<!tpu.dma_semaphore, #tpu.memory_space<semaphore_mem>>) src(%dma_wait3A_261 : memref<50000x128xf32, #tpu.memory_space<hbm>>) dst(%dma_wait3A_256 : memref<128x128xf32, #tpu.memory_space<vmem>>)
      %dma_start3A_262 = arith.constant 3 : i32
      %dma_start3A_263 = arith.constant 3 : i32
      %dma_start3A_264 = arith.constant 0 : i32
      %dma_start3A_265 = arith.constant 0 : i32
      %dma_start3A_266 = tpu.memref_slice %arg10[%dma_start3A_262, %dma_start3A_264, %dma_start3A_265] : memref<4x128x128xf32, #tpu.memory_space<vmem>> -> memref<1x128x128xf32, #tpu.memory_space<vmem>>
      %dma_start3A_267 = tpu.memref_squeeze %dma_start3A_266 : memref<1x128x128xf32, #tpu.memory_space<vmem>> -> memref<128x128xf32, #tpu.memory_space<vmem>>
      %dma_start3A_268 = arith.constant 0 : i32
      %dma_start3A_269 = tpu.memref_slice %arg9[%dma_start3A_263, %dma_start3A_268] : memref<4x128xi32, #tpu.memory_space<vmem>> -> memref<1x128xi32, #tpu.memory_space<vmem>>
      %dma_start3A_270 = tpu.memref_squeeze %dma_start3A_269 : memref<1x128xi32, #tpu.memory_space<vmem>> -> memref<128xi32, #tpu.memory_space<vmem>>
      %dma_start3A_271 = arith.constant 0 : i32
      %dma_start3A_272 = arith.constant 0 : i32
      %dma_start3A_273 = tpu.memref_slice %arg12[%dma_start3A_271, %dma_start3A_272] : memref<512x128xf32, #tpu.memory_space<vmem_shared>> -> memref<512x128xf32, #tpu.memory_space<vmem_shared>>
      tpu.enqueue_indirect_dma source(%dma_start3A_267 : memref<128x128xf32, #tpu.memory_space<vmem>>) target(%dma_start3A_273 : memref<512x128xf32, #tpu.memory_space<vmem_shared>>) offsets(%dma_start3A_270 : memref<128xi32, #tpu.memory_space<vmem>>) semaphore(%arg14 : memref<!tpu.dma_semaphore, #tpu.memory_space<semaphore_mem>>) {add = true}
      %scan3A_274 = arith.constant 0 : i32
      %scan3A_275 = arith.constant 0 : i32
      %scan3A_276 = arith.constant 64 : i32
      %scan3A_277 = arith.addi %scan3A_275, %scan3A_276 : i32
      %scan3A_278 = arith.constant 1 : i32
      scf.for %scan3A_398 = %scan3A_275 to %scan3A_277 step %scan3A_278  : i32 {
        %mul3A_399 = arith.constant 2 : i32
        %mul3A_400 = arith.muli %mul3A_399, %scan3A_398 : i32
        %add3A_401 = arith.constant 0 : i32
        %add3A_402 = arith.addi %mul3A_400, %add3A_401 : i32
        %get3A = arith.constant 3 : i32
        %get3A_403 = arith.index_cast %get3A : i32 to index
        %get3A_404 = arith.index_cast %add3A_402 : i32 to index
        %get3A_405 = arith.constant 64 : index
        %get3A_406 = tpu.vector_load %arg10[%get3A_403, %get3A_404, %get3A_405] {strides = array<i32>} : memref<4x128x128xf32, #tpu.memory_space<vmem>>, vector<1x1x16xf32>,
        %get3A_407 = vector.shape_cast %get3A_406 : vector<1x1x16xf32> to vector<16xf32>
        %swap3A = arith.constant 3 : i32
        %swap3A_408 = arith.index_cast %swap3A : i32 to index
        %swap3A_409 = arith.index_cast %scan3A_398 : i32 to index
        %swap3A_410 = arith.constant 0 : index
        %swap3A_411 = tpu.vector_load %arg11[%swap3A_408, %swap3A_409, %swap3A_410] {strides = array<i32>} : memref<4x64x128xf32, #tpu.memory_space<vmem>>, vector<1x1x16xf32>,
        %swap3A_412 = vector.shape_cast %swap3A_411 : vector<1x1x16xf32> to vector<16xf32>
        %swap3A_413 = vector.shape_cast %get3A_407 : vector<16xf32> to vector<1x1x16xf32>
        tpu.vector_store %arg11[%swap3A_408, %swap3A_409, %swap3A_410], %swap3A_413 {strides = array<i32>} : memref<4x64x128xf32, #tpu.memory_space<vmem>>, vector<1x1x16xf32>,
        %mul3A_414 = arith.constant 2 : i32
        %mul3A_415 = arith.muli %mul3A_414, %scan3A_398 : i32
        %add3A_416 = arith.constant 0 : i32
        %add3A_417 = arith.addi %mul3A_415, %add3A_416 : i32
        %get3A_418 = arith.constant 3 : i32
        %get3A_419 = arith.index_cast %get3A_418 : i32 to index
        %get3A_420 = arith.index_cast %add3A_417 : i32 to index
        %get3A_421 = arith.constant 80 : index
        %get3A_422 = tpu.vector_load %arg10[%get3A_419, %get3A_420, %get3A_421] {strides = array<i32>} : memref<4x128x128xf32, #tpu.memory_space<vmem>>, vector<1x1x16xf32>,
        %get3A_423 = vector.shape_cast %get3A_422 : vector<1x1x16xf32> to vector<16xf32>
        %swap3A_424 = arith.constant 3 : i32
        %swap3A_425 = arith.index_cast %swap3A_424 : i32 to index
        %swap3A_426 = arith.index_cast %scan3A_398 : i32 to index
        %swap3A_427 = arith.constant 16 : index
        %swap3A_428 = tpu.vector_load %arg11[%swap3A_425, %swap3A_426, %swap3A_427] {strides = array<i32>} : memref<4x64x128xf32, #tpu.memory_space<vmem>>, vector<1x1x16xf32>,
        %swap3A_429 = vector.shape_cast %swap3A_428 : vector<1x1x16xf32> to vector<16xf32>
        %swap3A_430 = vector.shape_cast %get3A_423 : vector<16xf32> to vector<1x1x16xf32>
        tpu.vector_store %arg11[%swap3A_425, %swap3A_426, %swap3A_427], %swap3A_430 {strides = array<i32>} : memref<4x64x128xf32, #tpu.memory_space<vmem>>, vector<1x1x16xf32>,
        %mul3A_431 = arith.constant 2 : i32
        %mul3A_432 = arith.muli %mul3A_431, %scan3A_398 : i32
        %add3A_433 = arith.constant 0 : i32
        %add3A_434 = arith.addi %mul3A_432, %add3A_433 : i32
        %get3A_435 = arith.constant 3 : i32
        %get3A_436 = arith.index_cast %get3A_435 : i32 to index
        %get3A_437 = arith.index_cast %add3A_434 : i32 to index
        %get3A_438 = arith.constant 96 : index
        %get3A_439 = tpu.vector_load %arg10[%get3A_436, %get3A_437, %get3A_438] {strides = array<i32>} : memref<4x128x128xf32, #tpu.memory_space<vmem>>, vector<1x1x16xf32>,
        %get3A_440 = vector.shape_cast %get3A_439 : vector<1x1x16xf32> to vector<16xf32>
        %swap3A_441 = arith.constant 3 : i32
        %swap3A_442 = arith.index_cast %swap3A_441 : i32 to index
        %swap3A_443 = arith.index_cast %scan3A_398 : i32 to index
        %swap3A_444 = arith.constant 32 : index
        %swap3A_445 = tpu.vector_load %arg11[%swap3A_442, %swap3A_443, %swap3A_444] {strides = array<i32>} : memref<4x64x128xf32, #tpu.memory_space<vmem>>, vector<1x1x16xf32>,
        %swap3A_446 = vector.shape_cast %swap3A_445 : vector<1x1x16xf32> to vector<16xf32>
        %swap3A_447 = vector.shape_cast %get3A_440 : vector<16xf32> to vector<1x1x16xf32>
        tpu.vector_store %arg11[%swap3A_442, %swap3A_443, %swap3A_444], %swap3A_447 {strides = array<i32>} : memref<4x64x128xf32, #tpu.memory_space<vmem>>, vector<1x1x16xf32>,
        %mul3A_448 = arith.constant 2 : i32
        %mul3A_449 = arith.muli %mul3A_448, %scan3A_398 : i32
        %add3A_450 = arith.constant 0 : i32
        %add3A_451 = arith.addi %mul3A_449, %add3A_450 : i32
        %get3A_452 = arith.constant 3 : i32
        %get3A_453 = arith.index_cast %get3A_452 : i32 to index
        %get3A_454 = arith.index_cast %add3A_451 : i32 to index
        %get3A_455 = arith.constant 112 : index
        %get3A_456 = tpu.vector_load %arg10[%get3A_453, %get3A_454, %get3A_455] {strides = array<i32>} : memref<4x128x128xf32, #tpu.memory_space<vmem>>, vector<1x1x16xf32>,
        %get3A_457 = vector.shape_cast %get3A_456 : vector<1x1x16xf32> to vector<16xf32>
        %swap3A_458 = arith.constant 3 : i32
        %swap3A_459 = arith.index_cast %swap3A_458 : i32 to index
        %swap3A_460 = arith.index_cast %scan3A_398 : i32 to index
        %swap3A_461 = arith.constant 48 : index
        %swap3A_462 = tpu.vector_load %arg11[%swap3A_459, %swap3A_460, %swap3A_461] {strides = array<i32>} : memref<4x64x128xf32, #tpu.memory_space<vmem>>, vector<1x1x16xf32>,
        %swap3A_463 = vector.shape_cast %swap3A_462 : vector<1x1x16xf32> to vector<16xf32>
        %swap3A_464 = vector.shape_cast %get3A_457 : vector<16xf32> to vector<1x1x16xf32>
        tpu.vector_store %arg11[%swap3A_459, %swap3A_460, %swap3A_461], %swap3A_464 {strides = array<i32>} : memref<4x64x128xf32, #tpu.memory_space<vmem>>, vector<1x1x16xf32>,
        %mul3A_465 = arith.constant 2 : i32
        %mul3A_466 = arith.muli %mul3A_465, %scan3A_398 : i32
        %add3A_467 = arith.constant 1 : i32
        %add3A_468 = arith.addi %mul3A_466, %add3A_467 : i32
        %get3A_469 = arith.constant 3 : i32
        %get3A_470 = arith.index_cast %get3A_469 : i32 to index
        %get3A_471 = arith.index_cast %add3A_468 : i32 to index
        %get3A_472 = arith.constant 64 : index
        %get3A_473 = tpu.vector_load %arg10[%get3A_470, %get3A_471, %get3A_472] {strides = array<i32>} : memref<4x128x128xf32, #tpu.memory_space<vmem>>, vector<1x1x16xf32>,
        %get3A_474 = vector.shape_cast %get3A_473 : vector<1x1x16xf32> to vector<16xf32>
        %swap3A_475 = arith.constant 3 : i32
        %swap3A_476 = arith.index_cast %swap3A_475 : i32 to index
        %swap3A_477 = arith.index_cast %scan3A_398 : i32 to index
        %swap3A_478 = arith.constant 64 : index
        %swap3A_479 = tpu.vector_load %arg11[%swap3A_476, %swap3A_477, %swap3A_478] {strides = array<i32>} : memref<4x64x128xf32, #tpu.memory_space<vmem>>, vector<1x1x16xf32>,
        %swap3A_480 = vector.shape_cast %swap3A_479 : vector<1x1x16xf32> to vector<16xf32>
        %swap3A_481 = vector.shape_cast %get3A_474 : vector<16xf32> to vector<1x1x16xf32>
        tpu.vector_store %arg11[%swap3A_476, %swap3A_477, %swap3A_478], %swap3A_481 {strides = array<i32>} : memref<4x64x128xf32, #tpu.memory_space<vmem>>, vector<1x1x16xf32>,
        %mul3A_482 = arith.constant 2 : i32
        %mul3A_483 = arith.muli %mul3A_482, %scan3A_398 : i32
        %add3A_484 = arith.constant 1 : i32
        %add3A_485 = arith.addi %mul3A_483, %add3A_484 : i32
        %get3A_486 = arith.constant 3 : i32
        %get3A_487 = arith.index_cast %get3A_486 : i32 to index
        %get3A_488 = arith.index_cast %add3A_485 : i32 to index
        %get3A_489 = arith.constant 80 : index
        %get3A_490 = tpu.vector_load %arg10[%get3A_487, %get3A_488, %get3A_489] {strides = array<i32>} : memref<4x128x128xf32, #tpu.memory_space<vmem>>, vector<1x1x16xf32>,
        %get3A_491 = vector.shape_cast %get3A_490 : vector<1x1x16xf32> to vector<16xf32>
        %swap3A_492 = arith.constant 3 : i32
        %swap3A_493 = arith.index_cast %swap3A_492 : i32 to index
        %swap3A_494 = arith.index_cast %scan3A_398 : i32 to index
        %swap3A_495 = arith.constant 80 : index
        %swap3A_496 = tpu.vector_load %arg11[%swap3A_493, %swap3A_494, %swap3A_495] {strides = array<i32>} : memref<4x64x128xf32, #tpu.memory_space<vmem>>, vector<1x1x16xf32>,
        %swap3A_497 = vector.shape_cast %swap3A_496 : vector<1x1x16xf32> to vector<16xf32>
        %swap3A_498 = vector.shape_cast %get3A_491 : vector<16xf32> to vector<1x1x16xf32>
        tpu.vector_store %arg11[%swap3A_493, %swap3A_494, %swap3A_495], %swap3A_498 {strides = array<i32>} : memref<4x64x128xf32, #tpu.memory_space<vmem>>, vector<1x1x16xf32>,
        %mul3A_499 = arith.constant 2 : i32
        %mul3A_500 = arith.muli %mul3A_499, %scan3A_398 : i32
        %add3A_501 = arith.constant 1 : i32
        %add3A_502 = arith.addi %mul3A_500, %add3A_501 : i32
        %get3A_503 = arith.constant 3 : i32
        %get3A_504 = arith.index_cast %get3A_503 : i32 to index
        %get3A_505 = arith.index_cast %add3A_502 : i32 to index
        %get3A_506 = arith.constant 96 : index
        %get3A_507 = tpu.vector_load %arg10[%get3A_504, %get3A_505, %get3A_506] {strides = array<i32>} : memref<4x128x128xf32, #tpu.memory_space<vmem>>, vector<1x1x16xf32>,
        %get3A_508 = vector.shape_cast %get3A_507 : vector<1x1x16xf32> to vector<16xf32>
        %swap3A_509 = arith.constant 3 : i32
        %swap3A_510 = arith.index_cast %swap3A_509 : i32 to index
        %swap3A_511 = arith.index_cast %scan3A_398 : i32 to index
        %swap3A_512 = arith.constant 96 : index
        %swap3A_513 = tpu.vector_load %arg11[%swap3A_510, %swap3A_511, %swap3A_512] {strides = array<i32>} : memref<4x64x128xf32, #tpu.memory_space<vmem>>, vector<1x1x16xf32>,
        %swap3A_514 = vector.shape_cast %swap3A_513 : vector<1x1x16xf32> to vector<16xf32>
        %swap3A_515 = vector.shape_cast %get3A_508 : vector<16xf32> to vector<1x1x16xf32>
        tpu.vector_store %arg11[%swap3A_510, %swap3A_511, %swap3A_512], %swap3A_515 {strides = array<i32>} : memref<4x64x128xf32, #tpu.memory_space<vmem>>, vector<1x1x16xf32>,
        %mul3A_516 = arith.constant 2 : i32
        %mul3A_517 = arith.muli %mul3A_516, %scan3A_398 : i32
        %add3A_518 = arith.constant 1 : i32
        %add3A_519 = arith.addi %mul3A_517, %add3A_518 : i32
        %get3A_520 = arith.constant 3 : i32
        %get3A_521 = arith.index_cast %get3A_520 : i32 to index
        %get3A_522 = arith.index_cast %add3A_519 : i32 to index
        %get3A_523 = arith.constant 112 : index
        %get3A_524 = tpu.vector_load %arg10[%get3A_521, %get3A_522, %get3A_523] {strides = array<i32>} : memref<4x128x128xf32, #tpu.memory_space<vmem>>, vector<1x1x16xf32>,
        %get3A_525 = vector.shape_cast %get3A_524 : vector<1x1x16xf32> to vector<16xf32>
        %swap3A_526 = arith.constant 3 : i32
        %swap3A_527 = arith.index_cast %swap3A_526 : i32 to index
        %swap3A_528 = arith.index_cast %scan3A_398 : i32 to index
        %swap3A_529 = arith.constant 112 : index
        %swap3A_530 = tpu.vector_load %arg11[%swap3A_527, %swap3A_528, %swap3A_529] {strides = array<i32>} : memref<4x64x128xf32, #tpu.memory_space<vmem>>, vector<1x1x16xf32>,
        %swap3A_531 = vector.shape_cast %swap3A_530 : vector<1x1x16xf32> to vector<16xf32>
        %swap3A_532 = vector.shape_cast %get3A_525 : vector<16xf32> to vector<1x1x16xf32>
        tpu.vector_store %arg11[%swap3A_527, %swap3A_528, %swap3A_529], %swap3A_532 {strides = array<i32>} : memref<4x64x128xf32, #tpu.memory_space<vmem>>, vector<1x1x16xf32>,
      }
      %scan3A_279 = arith.constant 64 : i32
      %add3A_280 = arith.constant 3 : i32
      %add3A_281 = arith.addi %add3A_64, %add3A_280 : i32
      %mul3A_282 = arith.constant 64 : i32
      %mul3A_283 = arith.muli %add3A_281, %mul3A_282 : i32
      %multiple_of3A_284 = tpu.assume_multiple %mul3A_283, 8 : i32
      %dma_start3A_285 = arith.constant 3 : i32
      %dma_start3A_286 = arith.constant 0 : i32
      %dma_start3A_287 = arith.constant 0 : i32
      %dma_start3A_288 = tpu.memref_slice %arg11[%dma_start3A_285, %dma_start3A_286, %dma_start3A_287] : memref<4x64x128xf32, #tpu.memory_space<vmem>> -> memref<1x64x128xf32, #tpu.memory_space<vmem>>
      %dma_start3A_289 = tpu.memref_squeeze %dma_start3A_288 : memref<1x64x128xf32, #tpu.memory_space<vmem>> -> memref<64x128xf32, #tpu.memory_space<vmem>>
      %dma_start3A_290 = arith.constant 0 : i32
      %dma_start3A_291 = tpu.memref_slice %arg7[%multiple_of3A_284, %dma_start3A_290] : memref<400000x128xf32, #tpu.memory_space<hbm>> -> memref<64x128xf32, #tpu.memory_space<hbm>>
      %dma_start3A_292 = arith.constant 0 : i32
      %dma_start3A_293 = tpu.memref_slice %arg7[%multiple_of3A_284, %dma_start3A_292] : memref<400000x128xf32, #tpu.memory_space<hbm>> -> memref<64x128xf32, #tpu.memory_space<hbm>>
      %dma_start3A_294 = arith.constant 0 : i32
      %dma_start3A_295 = arith.constant 0 : i32
      %dma_start3A_296 = tpu.memref_slice %arg11[%dma_start3A_285, %dma_start3A_294, %dma_start3A_295] : memref<4x64x128xf32, #tpu.memory_space<vmem>> -> memref<1x64x128xf32, #tpu.memory_space<vmem>>
      %dma_start3A_297 = tpu.memref_squeeze %dma_start3A_296 : memref<1x64x128xf32, #tpu.memory_space<vmem>> -> memref<64x128xf32, #tpu.memory_space<vmem>>
      tpu.enqueue_dma source(%dma_start3A_297 : memref<64x128xf32, #tpu.memory_space<vmem>>) target(%dma_start3A_293 : memref<64x128xf32, #tpu.memory_space<hbm>>) target_semaphore(%arg15 : memref<!tpu.dma_semaphore, #tpu.memory_space<semaphore_mem>>)
      %dma_wait3A_298 = arith.constant 0 : i32
      %dma_wait3A_299 = arith.constant 0 : i32
      %dma_wait3A_300 = arith.constant 0 : i32
      %dma_wait3A_301 = arith.constant 0 : i32
      %dma_wait3A_302 = tpu.memref_slice %arg10[%dma_wait3A_298, %dma_wait3A_300, %dma_wait3A_301] : memref<4x128x128xf32, #tpu.memory_space<vmem>> -> memref<1x128x128xf32, #tpu.memory_space<vmem>>
      %dma_wait3A_303 = tpu.memref_squeeze %dma_wait3A_302 : memref<1x128x128xf32, #tpu.memory_space<vmem>> -> memref<128x128xf32, #tpu.memory_space<vmem>>
      %dma_wait3A_304 = arith.constant 0 : i32
      %dma_wait3A_305 = tpu.memref_slice %arg9[%dma_wait3A_299, %dma_wait3A_304] : memref<4x128xi32, #tpu.memory_space<vmem>> -> memref<1x128xi32, #tpu.memory_space<vmem>>
      %dma_wait3A_306 = tpu.memref_squeeze %dma_wait3A_305 : memref<1x128xi32, #tpu.memory_space<vmem>> -> memref<128xi32, #tpu.memory_space<vmem>>
      %dma_wait3A_307 = arith.constant 0 : i32
      %dma_wait3A_308 = arith.constant 0 : i32
      %dma_wait3A_309 = tpu.memref_slice %arg12[%dma_wait3A_307, %dma_wait3A_308] : memref<512x128xf32, #tpu.memory_space<vmem_shared>> -> memref<512x128xf32, #tpu.memory_space<vmem_shared>>
      tpu.wait_indirect_dma semaphore(%arg14 : memref<!tpu.dma_semaphore, #tpu.memory_space<semaphore_mem>>) src(%dma_wait3A_303 : memref<128x128xf32, #tpu.memory_space<vmem>>) dst(%dma_wait3A_309 : memref<512x128xf32, #tpu.memory_space<vmem_shared>>)
      %dma_wait3A_310 = arith.constant 1 : i32
      %dma_wait3A_311 = arith.constant 1 : i32
      %dma_wait3A_312 = arith.constant 0 : i32
      %dma_wait3A_313 = arith.constant 0 : i32
      %dma_wait3A_314 = tpu.memref_slice %arg10[%dma_wait3A_310, %dma_wait3A_312, %dma_wait3A_313] : memref<4x128x128xf32, #tpu.memory_space<vmem>> -> memref<1x128x128xf32, #tpu.memory_space<vmem>>
      %dma_wait3A_315 = tpu.memref_squeeze %dma_wait3A_314 : memref<1x128x128xf32, #tpu.memory_space<vmem>> -> memref<128x128xf32, #tpu.memory_space<vmem>>
      %dma_wait3A_316 = arith.constant 0 : i32
      %dma_wait3A_317 = tpu.memref_slice %arg9[%dma_wait3A_311, %dma_wait3A_316] : memref<4x128xi32, #tpu.memory_space<vmem>> -> memref<1x128xi32, #tpu.memory_space<vmem>>
      %dma_wait3A_318 = tpu.memref_squeeze %dma_wait3A_317 : memref<1x128xi32, #tpu.memory_space<vmem>> -> memref<128xi32, #tpu.memory_space<vmem>>
      %dma_wait3A_319 = arith.constant 0 : i32
      %dma_wait3A_320 = arith.constant 0 : i32
      %dma_wait3A_321 = tpu.memref_slice %arg12[%dma_wait3A_319, %dma_wait3A_320] : memref<512x128xf32, #tpu.memory_space<vmem_shared>> -> memref<512x128xf32, #tpu.memory_space<vmem_shared>>
      tpu.wait_indirect_dma semaphore(%arg14 : memref<!tpu.dma_semaphore, #tpu.memory_space<semaphore_mem>>) src(%dma_wait3A_315 : memref<128x128xf32, #tpu.memory_space<vmem>>) dst(%dma_wait3A_321 : memref<512x128xf32, #tpu.memory_space<vmem_shared>>)
      %dma_wait3A_322 = arith.constant 2 : i32
      %dma_wait3A_323 = arith.constant 2 : i32
      %dma_wait3A_324 = arith.constant 0 : i32
      %dma_wait3A_325 = arith.constant 0 : i32
      %dma_wait3A_326 = tpu.memref_slice %arg10[%dma_wait3A_322, %dma_wait3A_324, %dma_wait3A_325] : memref<4x128x128xf32, #tpu.memory_space<vmem>> -> memref<1x128x128xf32, #tpu.memory_space<vmem>>
      %dma_wait3A_327 = tpu.memref_squeeze %dma_wait3A_326 : memref<1x128x128xf32, #tpu.memory_space<vmem>> -> memref<128x128xf32, #tpu.memory_space<vmem>>
      %dma_wait3A_328 = arith.constant 0 : i32
      %dma_wait3A_329 = tpu.memref_slice %arg9[%dma_wait3A_323, %dma_wait3A_328] : memref<4x128xi32, #tpu.memory_space<vmem>> -> memref<1x128xi32, #tpu.memory_space<vmem>>
      %dma_wait3A_330 = tpu.memref_squeeze %dma_wait3A_329 : memref<1x128xi32, #tpu.memory_space<vmem>> -> memref<128xi32, #tpu.memory_space<vmem>>
      %dma_wait3A_331 = arith.constant 0 : i32
      %dma_wait3A_332 = arith.constant 0 : i32
      %dma_wait3A_333 = tpu.memref_slice %arg12[%dma_wait3A_331, %dma_wait3A_332] : memref<512x128xf32, #tpu.memory_space<vmem_shared>> -> memref<512x128xf32, #tpu.memory_space<vmem_shared>>
      tpu.wait_indirect_dma semaphore(%arg14 : memref<!tpu.dma_semaphore, #tpu.memory_space<semaphore_mem>>) src(%dma_wait3A_327 : memref<128x128xf32, #tpu.memory_space<vmem>>) dst(%dma_wait3A_333 : memref<512x128xf32, #tpu.memory_space<vmem_shared>>)
      %dma_wait3A_334 = arith.constant 3 : i32
      %dma_wait3A_335 = arith.constant 3 : i32
      %dma_wait3A_336 = arith.constant 0 : i32
      %dma_wait3A_337 = arith.constant 0 : i32
      %dma_wait3A_338 = tpu.memref_slice %arg10[%dma_wait3A_334, %dma_wait3A_336, %dma_wait3A_337] : memref<4x128x128xf32, #tpu.memory_space<vmem>> -> memref<1x128x128xf32, #tpu.memory_space<vmem>>
      %dma_wait3A_339 = tpu.memref_squeeze %dma_wait3A_338 : memref<1x128x128xf32, #tpu.memory_space<vmem>> -> memref<128x128xf32, #tpu.memory_space<vmem>>
      %dma_wait3A_340 = arith.constant 0 : i32
      %dma_wait3A_341 = tpu.memref_slice %arg9[%dma_wait3A_335, %dma_wait3A_340] : memref<4x128xi32, #tpu.memory_space<vmem>> -> memref<1x128xi32, #tpu.memory_space<vmem>>
      %dma_wait3A_342 = tpu.memref_squeeze %dma_wait3A_341 : memref<1x128xi32, #tpu.memory_space<vmem>> -> memref<128xi32, #tpu.memory_space<vmem>>
      %dma_wait3A_343 = arith.constant 0 : i32
      %dma_wait3A_344 = arith.constant 0 : i32
      %dma_wait3A_345 = tpu.memref_slice %arg12[%dma_wait3A_343, %dma_wait3A_344] : memref<512x128xf32, #tpu.memory_space<vmem_shared>> -> memref<512x128xf32, #tpu.memory_space<vmem_shared>>
      tpu.wait_indirect_dma semaphore(%arg14 : memref<!tpu.dma_semaphore, #tpu.memory_space<semaphore_mem>>) src(%dma_wait3A_339 : memref<128x128xf32, #tpu.memory_space<vmem>>) dst(%dma_wait3A_345 : memref<512x128xf32, #tpu.memory_space<vmem_shared>>)
      %dma_wait3A_346 = arith.constant 0 : i32
      %dma_wait3A_347 = arith.constant 0 : i32
      %dma_wait3A_348 = arith.constant 0 : i32
      %dma_wait3A_349 = tpu.memref_slice %arg11[%dma_wait3A_346, %dma_wait3A_347, %dma_wait3A_348] : memref<4x64x128xf32, #tpu.memory_space<vmem>> -> memref<1x64x128xf32, #tpu.memory_space<vmem>>
      %dma_wait3A_350 = tpu.memref_squeeze %dma_wait3A_349 : memref<1x64x128xf32, #tpu.memory_space<vmem>> -> memref<64x128xf32, #tpu.memory_space<vmem>>
      %dma_wait3A_351 = arith.constant 0 : i32
      %dma_wait3A_352 = tpu.memref_slice %arg7[%multiple_of3A, %dma_wait3A_351] : memref<400000x128xf32, #tpu.memory_space<hbm>> -> memref<64x128xf32, #tpu.memory_space<hbm>>
      %dma_wait3A_353 = arith.constant 0 : i32
      %dma_wait3A_354 = tpu.memref_slice %arg7[%multiple_of3A, %dma_wait3A_353] : memref<400000x128xf32, #tpu.memory_space<hbm>> -> memref<64x128xf32, #tpu.memory_space<hbm>>
      %dma_wait3A_355 = arith.constant 0 : i32
      %dma_wait3A_356 = arith.constant 0 : i32
      %dma_wait3A_357 = tpu.memref_slice %arg11[%dma_wait3A_346, %dma_wait3A_355, %dma_wait3A_356] : memref<4x64x128xf32, #tpu.memory_space<vmem>> -> memref<1x64x128xf32, #tpu.memory_space<vmem>>
      %dma_wait3A_358 = tpu.memref_squeeze %dma_wait3A_357 : memref<1x64x128xf32, #tpu.memory_space<vmem>> -> memref<64x128xf32, #tpu.memory_space<vmem>>
      tpu.wait_dma2 semaphore(%arg15 : memref<!tpu.dma_semaphore, #tpu.memory_space<semaphore_mem>>) src(%dma_wait3A_358 : memref<64x128xf32, #tpu.memory_space<vmem>>) dst(%dma_wait3A_354 : memref<64x128xf32, #tpu.memory_space<hbm>>)
      %dma_wait3A_359 = arith.constant 1 : i32
      %dma_wait3A_360 = arith.constant 0 : i32
      %dma_wait3A_361 = arith.constant 0 : i32
      %dma_wait3A_362 = tpu.memref_slice %arg11[%dma_wait3A_359, %dma_wait3A_360, %dma_wait3A_361] : memref<4x64x128xf32, #tpu.memory_space<vmem>> -> memref<1x64x128xf32, #tpu.memory_space<vmem>>
      %dma_wait3A_363 = tpu.memref_squeeze %dma_wait3A_362 : memref<1x64x128xf32, #tpu.memory_space<vmem>> -> memref<64x128xf32, #tpu.memory_space<vmem>>
      %dma_wait3A_364 = arith.constant 0 : i32
      %dma_wait3A_365 = tpu.memref_slice %arg7[%multiple_of3A_192, %dma_wait3A_364] : memref<400000x128xf32, #tpu.memory_space<hbm>> -> memref<64x128xf32, #tpu.memory_space<hbm>>
      %dma_wait3A_366 = arith.constant 0 : i32
      %dma_wait3A_367 = tpu.memref_slice %arg7[%multiple_of3A_192, %dma_wait3A_366] : memref<400000x128xf32, #tpu.memory_space<hbm>> -> memref<64x128xf32, #tpu.memory_space<hbm>>
      %dma_wait3A_368 = arith.constant 0 : i32
      %dma_wait3A_369 = arith.constant 0 : i32
      %dma_wait3A_370 = tpu.memref_slice %arg11[%dma_wait3A_359, %dma_wait3A_368, %dma_wait3A_369] : memref<4x64x128xf32, #tpu.memory_space<vmem>> -> memref<1x64x128xf32, #tpu.memory_space<vmem>>
      %dma_wait3A_371 = tpu.memref_squeeze %dma_wait3A_370 : memref<1x64x128xf32, #tpu.memory_space<vmem>> -> memref<64x128xf32, #tpu.memory_space<vmem>>
      tpu.wait_dma2 semaphore(%arg15 : memref<!tpu.dma_semaphore, #tpu.memory_space<semaphore_mem>>) src(%dma_wait3A_371 : memref<64x128xf32, #tpu.memory_space<vmem>>) dst(%dma_wait3A_367 : memref<64x128xf32, #tpu.memory_space<hbm>>)
      %dma_wait3A_372 = arith.constant 2 : i32
      %dma_wait3A_373 = arith.constant 0 : i32
      %dma_wait3A_374 = arith.constant 0 : i32
      %dma_wait3A_375 = tpu.memref_slice %arg11[%dma_wait3A_372, %dma_wait3A_373, %dma_wait3A_374] : memref<4x64x128xf32, #tpu.memory_space<vmem>> -> memref<1x64x128xf32, #tpu.memory_space<vmem>>
      %dma_wait3A_376 = tpu.memref_squeeze %dma_wait3A_375 : memref<1x64x128xf32, #tpu.memory_space<vmem>> -> memref<64x128xf32, #tpu.memory_space<vmem>>
      %dma_wait3A_377 = arith.constant 0 : i32
      %dma_wait3A_378 = tpu.memref_slice %arg7[%multiple_of3A_238, %dma_wait3A_377] : memref<400000x128xf32, #tpu.memory_space<hbm>> -> memref<64x128xf32, #tpu.memory_space<hbm>>
      %dma_wait3A_379 = arith.constant 0 : i32
      %dma_wait3A_380 = tpu.memref_slice %arg7[%multiple_of3A_238, %dma_wait3A_379] : memref<400000x128xf32, #tpu.memory_space<hbm>> -> memref<64x128xf32, #tpu.memory_space<hbm>>
      %dma_wait3A_381 = arith.constant 0 : i32
      %dma_wait3A_382 = arith.constant 0 : i32
      %dma_wait3A_383 = tpu.memref_slice %arg11[%dma_wait3A_372, %dma_wait3A_381, %dma_wait3A_382] : memref<4x64x128xf32, #tpu.memory_space<vmem>> -> memref<1x64x128xf32, #tpu.memory_space<vmem>>
      %dma_wait3A_384 = tpu.memref_squeeze %dma_wait3A_383 : memref<1x64x128xf32, #tpu.memory_space<vmem>> -> memref<64x128xf32, #tpu.memory_space<vmem>>
      tpu.wait_dma2 semaphore(%arg15 : memref<!tpu.dma_semaphore, #tpu.memory_space<semaphore_mem>>) src(%dma_wait3A_384 : memref<64x128xf32, #tpu.memory_space<vmem>>) dst(%dma_wait3A_380 : memref<64x128xf32, #tpu.memory_space<hbm>>)
      %dma_wait3A_385 = arith.constant 3 : i32
      %dma_wait3A_386 = arith.constant 0 : i32
      %dma_wait3A_387 = arith.constant 0 : i32
      %dma_wait3A_388 = tpu.memref_slice %arg11[%dma_wait3A_385, %dma_wait3A_386, %dma_wait3A_387] : memref<4x64x128xf32, #tpu.memory_space<vmem>> -> memref<1x64x128xf32, #tpu.memory_space<vmem>>
      %dma_wait3A_389 = tpu.memref_squeeze %dma_wait3A_388 : memref<1x64x128xf32, #tpu.memory_space<vmem>> -> memref<64x128xf32, #tpu.memory_space<vmem>>
      %dma_wait3A_390 = arith.constant 0 : i32
      %dma_wait3A_391 = tpu.memref_slice %arg7[%multiple_of3A_284, %dma_wait3A_390] : memref<400000x128xf32, #tpu.memory_space<hbm>> -> memref<64x128xf32, #tpu.memory_space<hbm>>
      %dma_wait3A_392 = arith.constant 0 : i32
      %dma_wait3A_393 = tpu.memref_slice %arg7[%multiple_of3A_284, %dma_wait3A_392] : memref<400000x128xf32, #tpu.memory_space<hbm>> -> memref<64x128xf32, #tpu.memory_space<hbm>>
      %dma_wait3A_394 = arith.constant 0 : i32
      %dma_wait3A_395 = arith.constant 0 : i32
      %dma_wait3A_396 = tpu.memref_slice %arg11[%dma_wait3A_385, %dma_wait3A_394, %dma_wait3A_395] : memref<4x64x128xf32, #tpu.memory_space<vmem>> -> memref<1x64x128xf32, #tpu.memory_space<vmem>>
      %dma_wait3A_397 = tpu.memref_squeeze %dma_wait3A_396 : memref<1x64x128xf32, #tpu.memory_space<vmem>> -> memref<64x128xf32, #tpu.memory_space<vmem>>
      tpu.wait_dma2 semaphore(%arg15 : memref<!tpu.dma_semaphore, #tpu.memory_space<semaphore_mem>>) src(%dma_wait3A_397 : memref<64x128xf32, #tpu.memory_space<vmem>>) dst(%dma_wait3A_393 : memref<64x128xf32, #tpu.memory_space<hbm>>)
    }
    %mul3A_38 = arith.constant 4 : i32
    %mul3A_39 = arith.muli %mul3A_38, %select_n3A_28 : i32
    %sub3A_40 = arith.subi %add3A_10, %mul3A_39 : i32
    %gt3A = arith.constant 0 : i32
    %gt3A_41 = arith.cmpi sgt, %sub3A_40, %gt3A : i32
    %convert_element_type3A_42 = arith.extui %gt3A_41 : i1 to i32
    %cond3A_43 = arith.constant 0 : i32
    %cond3A_44 = arith.cmpi ne, %convert_element_type3A_42, %cond3A_43 : i32
    scf.if %cond3A_44 {
      %mul3A_61 = arith.constant 4 : i32
      %mul3A_62 = arith.muli %mul3A_61, %select_n3A_28 : i32
      %add3A_63 = arith.addi %add3A_6, %mul3A_62 : i32
      %add3A_64 = arith.constant 0 : i32
      %add3A_65 = arith.addi %add3A_63, %add3A_64 : i32
      %mul3A_66 = arith.constant 128 : i32
      %mul3A_67 = arith.muli %add3A_65, %mul3A_66 : i32
      "tpu.region"() ({
        %run_scoped3A_143 = tpu.sem_alloc : memref<!tpu.dma_semaphore, #tpu.memory_space<semaphore_mem>>
        %dma_start3A_144 = arith.constant 0 : i32
        %dma_start3A_145 = tpu.memref_slice %arg8[%dma_start3A_144] : memref<512xi32, #tpu.memory_space<vmem>> -> memref<128xi32, #tpu.memory_space<vmem>>
        %dma_start3A_146 = tpu.memref_slice %arg2[%mul3A_67] : memref<800000xi32, #tpu.memory_space<hbm>> -> memref<128xi32, #tpu.memory_space<hbm>>
        %dma_start3A_147 = arith.constant 0 : i32
        %dma_start3A_148 = tpu.memref_slice %arg8[%dma_start3A_147] : memref<512xi32, #tpu.memory_space<vmem>> -> memref<128xi32, #tpu.memory_space<vmem>>
        %dma_start3A_149 = tpu.memref_slice %arg2[%mul3A_67] : memref<800000xi32, #tpu.memory_space<hbm>> -> memref<128xi32, #tpu.memory_space<hbm>>
        tpu.enqueue_dma source(%dma_start3A_149 : memref<128xi32, #tpu.memory_space<hbm>>) target(%dma_start3A_148 : memref<128xi32, #tpu.memory_space<vmem>>) target_semaphore(%run_scoped3A_143 : memref<!tpu.dma_semaphore, #tpu.memory_space<semaphore_mem>>)
        %dma_wait3A_150 = arith.constant 0 : i32
        %dma_wait3A_151 = tpu.memref_slice %arg8[%dma_wait3A_150] : memref<512xi32, #tpu.memory_space<vmem>> -> memref<128xi32, #tpu.memory_space<vmem>>
        %dma_wait3A_152 = tpu.memref_slice %arg2[%mul3A_67] : memref<800000xi32, #tpu.memory_space<hbm>> -> memref<128xi32, #tpu.memory_space<hbm>>
        %dma_wait3A_153 = arith.constant 0 : i32
        %dma_wait3A_154 = tpu.memref_slice %arg8[%dma_wait3A_153] : memref<512xi32, #tpu.memory_space<vmem>> -> memref<128xi32, #tpu.memory_space<vmem>>
        %dma_wait3A_155 = tpu.memref_slice %arg2[%mul3A_67] : memref<800000xi32, #tpu.memory_space<hbm>> -> memref<128xi32, #tpu.memory_space<hbm>>
        tpu.wait_dma2 semaphore(%run_scoped3A_143 : memref<!tpu.dma_semaphore, #tpu.memory_space<semaphore_mem>>) src(%dma_wait3A_155 : memref<128xi32, #tpu.memory_space<hbm>>) dst(%dma_wait3A_154 : memref<128xi32, #tpu.memory_space<vmem>>)
        tpu.yield
      }) : () -> ()
      %dma_start3A = arith.constant 0 : i32
      %dma_start3A_68 = arith.constant 0 : i32
      %dma_start3A_69 = arith.constant 0 : i32
      %dma_start3A_70 = tpu.memref_slice %arg10[%dma_start3A, %dma_start3A_68, %dma_start3A_69] : memref<4x128x128xf32, #tpu.memory_space<vmem>> -> memref<1x128x128xf32, #tpu.memory_space<vmem>>
      %dma_start3A_71 = tpu.memref_squeeze %dma_start3A_70 : memref<1x128x128xf32, #tpu.memory_space<vmem>> -> memref<128x128xf32, #tpu.memory_space<vmem>>
      %dma_start3A_72 = arith.constant 0 : i32
      %dma_start3A_73 = tpu.memref_slice %arg8[%dma_start3A_72] : memref<512xi32, #tpu.memory_space<vmem>> -> memref<128xi32, #tpu.memory_space<vmem>>
      %dma_start3A_74 = arith.constant 0 : i32
      %dma_start3A_75 = arith.constant 0 : i32
      %dma_start3A_76 = tpu.memref_slice %arg4[%dma_start3A_74, %dma_start3A_75] : memref<50000x128xf32, #tpu.memory_space<hbm>> -> memref<50000x128xf32, #tpu.memory_space<hbm>>
      tpu.enqueue_indirect_dma source(%dma_start3A_76 : memref<50000x128xf32, #tpu.memory_space<hbm>>) target(%dma_start3A_71 : memref<128x128xf32, #tpu.memory_space<vmem>>) offsets(%dma_start3A_73 : memref<128xi32, #tpu.memory_space<vmem>>) semaphore(%arg13 : memref<!tpu.dma_semaphore, #tpu.memory_space<semaphore_mem>>)
      %dma_wait3A = arith.constant 0 : i32
      %dma_wait3A_77 = arith.constant 0 : i32
      %dma_wait3A_78 = arith.constant 0 : i32
      %dma_wait3A_79 = tpu.memref_slice %arg10[%dma_wait3A, %dma_wait3A_77, %dma_wait3A_78] : memref<4x128x128xf32, #tpu.memory_space<vmem>> -> memref<1x128x128xf32, #tpu.memory_space<vmem>>
      %dma_wait3A_80 = tpu.memref_squeeze %dma_wait3A_79 : memref<1x128x128xf32, #tpu.memory_space<vmem>> -> memref<128x128xf32, #tpu.memory_space<vmem>>
      %dma_wait3A_81 = arith.constant 0 : i32
      %dma_wait3A_82 = tpu.memref_slice %arg8[%dma_wait3A_81] : memref<512xi32, #tpu.memory_space<vmem>> -> memref<128xi32, #tpu.memory_space<vmem>>
      %dma_wait3A_83 = arith.constant 0 : i32
      %dma_wait3A_84 = arith.constant 0 : i32
      %dma_wait3A_85 = tpu.memref_slice %arg4[%dma_wait3A_83, %dma_wait3A_84] : memref<50000x128xf32, #tpu.memory_space<hbm>> -> memref<50000x128xf32, #tpu.memory_space<hbm>>
      tpu.wait_indirect_dma semaphore(%arg13 : memref<!tpu.dma_semaphore, #tpu.memory_space<semaphore_mem>>) src(%dma_wait3A_85 : memref<50000x128xf32, #tpu.memory_space<hbm>>) dst(%dma_wait3A_80 : memref<128x128xf32, #tpu.memory_space<vmem>>)
      %run_scoped3A = arith.constant 0 : i32
      "tpu.region"() ({
        %run_scoped3A_143 = tpu.sem_alloc : memref<!tpu.dma_semaphore, #tpu.memory_space<semaphore_mem>>
        %dma_start3A_144 = arith.constant 0 : i32
        %dma_start3A_145 = tpu.memref_slice %arg9[%run_scoped3A, %dma_start3A_144] : memref<4x128xi32, #tpu.memory_space<vmem>> -> memref<1x128xi32, #tpu.memory_space<vmem>>
        %dma_start3A_146 = tpu.memref_squeeze %dma_start3A_145 : memref<1x128xi32, #tpu.memory_space<vmem>> -> memref<128xi32, #tpu.memory_space<vmem>>
        %dma_start3A_147 = tpu.memref_slice %arg3[%mul3A_67] : memref<800000xi32, #tpu.memory_space<hbm>> -> memref<128xi32, #tpu.memory_space<hbm>>
        %dma_start3A_148 = arith.constant 0 : i32
        %dma_start3A_149 = tpu.memref_slice %arg9[%run_scoped3A, %dma_start3A_148] : memref<4x128xi32, #tpu.memory_space<vmem>> -> memref<1x128xi32, #tpu.memory_space<vmem>>
        %dma_start3A_150 = tpu.memref_squeeze %dma_start3A_149 : memref<1x128xi32, #tpu.memory_space<vmem>> -> memref<128xi32, #tpu.memory_space<vmem>>
        %dma_start3A_151 = tpu.memref_slice %arg3[%mul3A_67] : memref<800000xi32, #tpu.memory_space<hbm>> -> memref<128xi32, #tpu.memory_space<hbm>>
        tpu.enqueue_dma source(%dma_start3A_151 : memref<128xi32, #tpu.memory_space<hbm>>) target(%dma_start3A_150 : memref<128xi32, #tpu.memory_space<vmem>>) target_semaphore(%run_scoped3A_143 : memref<!tpu.dma_semaphore, #tpu.memory_space<semaphore_mem>>)
        %dma_wait3A_152 = arith.constant 0 : i32
        %dma_wait3A_153 = tpu.memref_slice %arg9[%run_scoped3A, %dma_wait3A_152] : memref<4x128xi32, #tpu.memory_space<vmem>> -> memref<1x128xi32, #tpu.memory_space<vmem>>
        %dma_wait3A_154 = tpu.memref_squeeze %dma_wait3A_153 : memref<1x128xi32, #tpu.memory_space<vmem>> -> memref<128xi32, #tpu.memory_space<vmem>>
        %dma_wait3A_155 = tpu.memref_slice %arg3[%mul3A_67] : memref<800000xi32, #tpu.memory_space<hbm>> -> memref<128xi32, #tpu.memory_space<hbm>>
        %dma_wait3A_156 = arith.constant 0 : i32
        %dma_wait3A_157 = tpu.memref_slice %arg9[%run_scoped3A, %dma_wait3A_156] : memref<4x128xi32, #tpu.memory_space<vmem>> -> memref<1x128xi32, #tpu.memory_space<vmem>>
        %dma_wait3A_158 = tpu.memref_squeeze %dma_wait3A_157 : memref<1x128xi32, #tpu.memory_space<vmem>> -> memref<128xi32, #tpu.memory_space<vmem>>
        %dma_wait3A_159 = tpu.memref_slice %arg3[%mul3A_67] : memref<800000xi32, #tpu.memory_space<hbm>> -> memref<128xi32, #tpu.memory_space<hbm>>
        tpu.wait_dma2 semaphore(%run_scoped3A_143 : memref<!tpu.dma_semaphore, #tpu.memory_space<semaphore_mem>>) src(%dma_wait3A_159 : memref<128xi32, #tpu.memory_space<hbm>>) dst(%dma_wait3A_158 : memref<128xi32, #tpu.memory_space<vmem>>)
        tpu.yield
      }) : () -> ()
      %dma_start3A_86 = arith.constant 0 : i32
      %dma_start3A_87 = arith.constant 0 : i32
      %dma_start3A_88 = arith.constant 0 : i32
      %dma_start3A_89 = arith.constant 0 : i32
      %dma_start3A_90 = tpu.memref_slice %arg10[%dma_start3A_86, %dma_start3A_88, %dma_start3A_89] : memref<4x128x128xf32, #tpu.memory_space<vmem>> -> memref<1x128x128xf32, #tpu.memory_space<vmem>>
      %dma_start3A_91 = tpu.memref_squeeze %dma_start3A_90 : memref<1x128x128xf32, #tpu.memory_space<vmem>> -> memref<128x128xf32, #tpu.memory_space<vmem>>
      %dma_start3A_92 = arith.constant 0 : i32
      %dma_start3A_93 = tpu.memref_slice %arg9[%dma_start3A_87, %dma_start3A_92] : memref<4x128xi32, #tpu.memory_space<vmem>> -> memref<1x128xi32, #tpu.memory_space<vmem>>
      %dma_start3A_94 = tpu.memref_squeeze %dma_start3A_93 : memref<1x128xi32, #tpu.memory_space<vmem>> -> memref<128xi32, #tpu.memory_space<vmem>>
      %dma_start3A_95 = arith.constant 0 : i32
      %dma_start3A_96 = arith.constant 0 : i32
      %dma_start3A_97 = tpu.memref_slice %arg12[%dma_start3A_95, %dma_start3A_96] : memref<512x128xf32, #tpu.memory_space<vmem_shared>> -> memref<512x128xf32, #tpu.memory_space<vmem_shared>>
      tpu.enqueue_indirect_dma source(%dma_start3A_91 : memref<128x128xf32, #tpu.memory_space<vmem>>) target(%dma_start3A_97 : memref<512x128xf32, #tpu.memory_space<vmem_shared>>) offsets(%dma_start3A_94 : memref<128xi32, #tpu.memory_space<vmem>>) semaphore(%arg14 : memref<!tpu.dma_semaphore, #tpu.memory_space<semaphore_mem>>) {add = true}
      %scan3A = arith.constant 0 : i32
      %scan3A_98 = arith.constant 0 : i32
      %scan3A_99 = arith.constant 64 : i32
      %scan3A_100 = arith.addi %scan3A_98, %scan3A_99 : i32
      %scan3A_101 = arith.constant 1 : i32
      scf.for %scan3A_143 = %scan3A_98 to %scan3A_100 step %scan3A_101  : i32 {
        %mul3A_144 = arith.constant 2 : i32
        %mul3A_145 = arith.muli %mul3A_144, %scan3A_143 : i32
        %add3A_146 = arith.constant 0 : i32
        %add3A_147 = arith.addi %mul3A_145, %add3A_146 : i32
        %get3A = arith.constant 0 : i32
        %get3A_148 = arith.index_cast %get3A : i32 to index
        %get3A_149 = arith.index_cast %add3A_147 : i32 to index
        %get3A_150 = arith.constant 64 : index
        %get3A_151 = tpu.vector_load %arg10[%get3A_148, %get3A_149, %get3A_150] {strides = array<i32>} : memref<4x128x128xf32, #tpu.memory_space<vmem>>, vector<1x1x16xf32>,
        %get3A_152 = vector.shape_cast %get3A_151 : vector<1x1x16xf32> to vector<16xf32>
        %swap3A = arith.constant 0 : i32
        %swap3A_153 = arith.index_cast %swap3A : i32 to index
        %swap3A_154 = arith.index_cast %scan3A_143 : i32 to index
        %swap3A_155 = arith.constant 0 : index
        %swap3A_156 = tpu.vector_load %arg11[%swap3A_153, %swap3A_154, %swap3A_155] {strides = array<i32>} : memref<4x64x128xf32, #tpu.memory_space<vmem>>, vector<1x1x16xf32>,
        %swap3A_157 = vector.shape_cast %swap3A_156 : vector<1x1x16xf32> to vector<16xf32>
        %swap3A_158 = vector.shape_cast %get3A_152 : vector<16xf32> to vector<1x1x16xf32>
        tpu.vector_store %arg11[%swap3A_153, %swap3A_154, %swap3A_155], %swap3A_158 {strides = array<i32>} : memref<4x64x128xf32, #tpu.memory_space<vmem>>, vector<1x1x16xf32>,
        %mul3A_159 = arith.constant 2 : i32
        %mul3A_160 = arith.muli %mul3A_159, %scan3A_143 : i32
        %add3A_161 = arith.constant 0 : i32
        %add3A_162 = arith.addi %mul3A_160, %add3A_161 : i32
        %get3A_163 = arith.constant 0 : i32
        %get3A_164 = arith.index_cast %get3A_163 : i32 to index
        %get3A_165 = arith.index_cast %add3A_162 : i32 to index
        %get3A_166 = arith.constant 80 : index
        %get3A_167 = tpu.vector_load %arg10[%get3A_164, %get3A_165, %get3A_166] {strides = array<i32>} : memref<4x128x128xf32, #tpu.memory_space<vmem>>, vector<1x1x16xf32>,
        %get3A_168 = vector.shape_cast %get3A_167 : vector<1x1x16xf32> to vector<16xf32>
        %swap3A_169 = arith.constant 0 : i32
        %swap3A_170 = arith.index_cast %swap3A_169 : i32 to index
        %swap3A_171 = arith.index_cast %scan3A_143 : i32 to index
        %swap3A_172 = arith.constant 16 : index
        %swap3A_173 = tpu.vector_load %arg11[%swap3A_170, %swap3A_171, %swap3A_172] {strides = array<i32>} : memref<4x64x128xf32, #tpu.memory_space<vmem>>, vector<1x1x16xf32>,
        %swap3A_174 = vector.shape_cast %swap3A_173 : vector<1x1x16xf32> to vector<16xf32>
        %swap3A_175 = vector.shape_cast %get3A_168 : vector<16xf32> to vector<1x1x16xf32>
        tpu.vector_store %arg11[%swap3A_170, %swap3A_171, %swap3A_172], %swap3A_175 {strides = array<i32>} : memref<4x64x128xf32, #tpu.memory_space<vmem>>, vector<1x1x16xf32>,
        %mul3A_176 = arith.constant 2 : i32
        %mul3A_177 = arith.muli %mul3A_176, %scan3A_143 : i32
        %add3A_178 = arith.constant 0 : i32
        %add3A_179 = arith.addi %mul3A_177, %add3A_178 : i32
        %get3A_180 = arith.constant 0 : i32
        %get3A_181 = arith.index_cast %get3A_180 : i32 to index
        %get3A_182 = arith.index_cast %add3A_179 : i32 to index
        %get3A_183 = arith.constant 96 : index
        %get3A_184 = tpu.vector_load %arg10[%get3A_181, %get3A_182, %get3A_183] {strides = array<i32>} : memref<4x128x128xf32, #tpu.memory_space<vmem>>, vector<1x1x16xf32>,
        %get3A_185 = vector.shape_cast %get3A_184 : vector<1x1x16xf32> to vector<16xf32>
        %swap3A_186 = arith.constant 0 : i32
        %swap3A_187 = arith.index_cast %swap3A_186 : i32 to index
        %swap3A_188 = arith.index_cast %scan3A_143 : i32 to index
        %swap3A_189 = arith.constant 32 : index
        %swap3A_190 = tpu.vector_load %arg11[%swap3A_187, %swap3A_188, %swap3A_189] {strides = array<i32>} : memref<4x64x128xf32, #tpu.memory_space<vmem>>, vector<1x1x16xf32>,
        %swap3A_191 = vector.shape_cast %swap3A_190 : vector<1x1x16xf32> to vector<16xf32>
        %swap3A_192 = vector.shape_cast %get3A_185 : vector<16xf32> to vector<1x1x16xf32>
        tpu.vector_store %arg11[%swap3A_187, %swap3A_188, %swap3A_189], %swap3A_192 {strides = array<i32>} : memref<4x64x128xf32, #tpu.memory_space<vmem>>, vector<1x1x16xf32>,
        %mul3A_193 = arith.constant 2 : i32
        %mul3A_194 = arith.muli %mul3A_193, %scan3A_143 : i32
        %add3A_195 = arith.constant 0 : i32
        %add3A_196 = arith.addi %mul3A_194, %add3A_195 : i32
        %get3A_197 = arith.constant 0 : i32
        %get3A_198 = arith.index_cast %get3A_197 : i32 to index
        %get3A_199 = arith.index_cast %add3A_196 : i32 to index
        %get3A_200 = arith.constant 112 : index
        %get3A_201 = tpu.vector_load %arg10[%get3A_198, %get3A_199, %get3A_200] {strides = array<i32>} : memref<4x128x128xf32, #tpu.memory_space<vmem>>, vector<1x1x16xf32>,
        %get3A_202 = vector.shape_cast %get3A_201 : vector<1x1x16xf32> to vector<16xf32>
        %swap3A_203 = arith.constant 0 : i32
        %swap3A_204 = arith.index_cast %swap3A_203 : i32 to index
        %swap3A_205 = arith.index_cast %scan3A_143 : i32 to index
        %swap3A_206 = arith.constant 48 : index
        %swap3A_207 = tpu.vector_load %arg11[%swap3A_204, %swap3A_205, %swap3A_206] {strides = array<i32>} : memref<4x64x128xf32, #tpu.memory_space<vmem>>, vector<1x1x16xf32>,
        %swap3A_208 = vector.shape_cast %swap3A_207 : vector<1x1x16xf32> to vector<16xf32>
        %swap3A_209 = vector.shape_cast %get3A_202 : vector<16xf32> to vector<1x1x16xf32>
        tpu.vector_store %arg11[%swap3A_204, %swap3A_205, %swap3A_206], %swap3A_209 {strides = array<i32>} : memref<4x64x128xf32, #tpu.memory_space<vmem>>, vector<1x1x16xf32>,
        %mul3A_210 = arith.constant 2 : i32
        %mul3A_211 = arith.muli %mul3A_210, %scan3A_143 : i32
        %add3A_212 = arith.constant 1 : i32
        %add3A_213 = arith.addi %mul3A_211, %add3A_212 : i32
        %get3A_214 = arith.constant 0 : i32
        %get3A_215 = arith.index_cast %get3A_214 : i32 to index
        %get3A_216 = arith.index_cast %add3A_213 : i32 to index
        %get3A_217 = arith.constant 64 : index
        %get3A_218 = tpu.vector_load %arg10[%get3A_215, %get3A_216, %get3A_217] {strides = array<i32>} : memref<4x128x128xf32, #tpu.memory_space<vmem>>, vector<1x1x16xf32>,
        %get3A_219 = vector.shape_cast %get3A_218 : vector<1x1x16xf32> to vector<16xf32>
        %swap3A_220 = arith.constant 0 : i32
        %swap3A_221 = arith.index_cast %swap3A_220 : i32 to index
        %swap3A_222 = arith.index_cast %scan3A_143 : i32 to index
        %swap3A_223 = arith.constant 64 : index
        %swap3A_224 = tpu.vector_load %arg11[%swap3A_221, %swap3A_222, %swap3A_223] {strides = array<i32>} : memref<4x64x128xf32, #tpu.memory_space<vmem>>, vector<1x1x16xf32>,
        %swap3A_225 = vector.shape_cast %swap3A_224 : vector<1x1x16xf32> to vector<16xf32>
        %swap3A_226 = vector.shape_cast %get3A_219 : vector<16xf32> to vector<1x1x16xf32>
        tpu.vector_store %arg11[%swap3A_221, %swap3A_222, %swap3A_223], %swap3A_226 {strides = array<i32>} : memref<4x64x128xf32, #tpu.memory_space<vmem>>, vector<1x1x16xf32>,
        %mul3A_227 = arith.constant 2 : i32
        %mul3A_228 = arith.muli %mul3A_227, %scan3A_143 : i32
        %add3A_229 = arith.constant 1 : i32
        %add3A_230 = arith.addi %mul3A_228, %add3A_229 : i32
        %get3A_231 = arith.constant 0 : i32
        %get3A_232 = arith.index_cast %get3A_231 : i32 to index
        %get3A_233 = arith.index_cast %add3A_230 : i32 to index
        %get3A_234 = arith.constant 80 : index
        %get3A_235 = tpu.vector_load %arg10[%get3A_232, %get3A_233, %get3A_234] {strides = array<i32>} : memref<4x128x128xf32, #tpu.memory_space<vmem>>, vector<1x1x16xf32>,
        %get3A_236 = vector.shape_cast %get3A_235 : vector<1x1x16xf32> to vector<16xf32>
        %swap3A_237 = arith.constant 0 : i32
        %swap3A_238 = arith.index_cast %swap3A_237 : i32 to index
        %swap3A_239 = arith.index_cast %scan3A_143 : i32 to index
        %swap3A_240 = arith.constant 80 : index
        %swap3A_241 = tpu.vector_load %arg11[%swap3A_238, %swap3A_239, %swap3A_240] {strides = array<i32>} : memref<4x64x128xf32, #tpu.memory_space<vmem>>, vector<1x1x16xf32>,
        %swap3A_242 = vector.shape_cast %swap3A_241 : vector<1x1x16xf32> to vector<16xf32>
        %swap3A_243 = vector.shape_cast %get3A_236 : vector<16xf32> to vector<1x1x16xf32>
        tpu.vector_store %arg11[%swap3A_238, %swap3A_239, %swap3A_240], %swap3A_243 {strides = array<i32>} : memref<4x64x128xf32, #tpu.memory_space<vmem>>, vector<1x1x16xf32>,
        %mul3A_244 = arith.constant 2 : i32
        %mul3A_245 = arith.muli %mul3A_244, %scan3A_143 : i32
        %add3A_246 = arith.constant 1 : i32
        %add3A_247 = arith.addi %mul3A_245, %add3A_246 : i32
        %get3A_248 = arith.constant 0 : i32
        %get3A_249 = arith.index_cast %get3A_248 : i32 to index
        %get3A_250 = arith.index_cast %add3A_247 : i32 to index
        %get3A_251 = arith.constant 96 : index
        %get3A_252 = tpu.vector_load %arg10[%get3A_249, %get3A_250, %get3A_251] {strides = array<i32>} : memref<4x128x128xf32, #tpu.memory_space<vmem>>, vector<1x1x16xf32>,
        %get3A_253 = vector.shape_cast %get3A_252 : vector<1x1x16xf32> to vector<16xf32>
        %swap3A_254 = arith.constant 0 : i32
        %swap3A_255 = arith.index_cast %swap3A_254 : i32 to index
        %swap3A_256 = arith.index_cast %scan3A_143 : i32 to index
        %swap3A_257 = arith.constant 96 : index
        %swap3A_258 = tpu.vector_load %arg11[%swap3A_255, %swap3A_256, %swap3A_257] {strides = array<i32>} : memref<4x64x128xf32, #tpu.memory_space<vmem>>, vector<1x1x16xf32>,
        %swap3A_259 = vector.shape_cast %swap3A_258 : vector<1x1x16xf32> to vector<16xf32>
        %swap3A_260 = vector.shape_cast %get3A_253 : vector<16xf32> to vector<1x1x16xf32>
        tpu.vector_store %arg11[%swap3A_255, %swap3A_256, %swap3A_257], %swap3A_260 {strides = array<i32>} : memref<4x64x128xf32, #tpu.memory_space<vmem>>, vector<1x1x16xf32>,
        %mul3A_261 = arith.constant 2 : i32
        %mul3A_262 = arith.muli %mul3A_261, %scan3A_143 : i32
        %add3A_263 = arith.constant 1 : i32
        %add3A_264 = arith.addi %mul3A_262, %add3A_263 : i32
        %get3A_265 = arith.constant 0 : i32
        %get3A_266 = arith.index_cast %get3A_265 : i32 to index
        %get3A_267 = arith.index_cast %add3A_264 : i32 to index
        %get3A_268 = arith.constant 112 : index
        %get3A_269 = tpu.vector_load %arg10[%get3A_266, %get3A_267, %get3A_268] {strides = array<i32>} : memref<4x128x128xf32, #tpu.memory_space<vmem>>, vector<1x1x16xf32>,
        %get3A_270 = vector.shape_cast %get3A_269 : vector<1x1x16xf32> to vector<16xf32>
        %swap3A_271 = arith.constant 0 : i32
        %swap3A_272 = arith.index_cast %swap3A_271 : i32 to index
        %swap3A_273 = arith.index_cast %scan3A_143 : i32 to index
        %swap3A_274 = arith.constant 112 : index
        %swap3A_275 = tpu.vector_load %arg11[%swap3A_272, %swap3A_273, %swap3A_274] {strides = array<i32>} : memref<4x64x128xf32, #tpu.memory_space<vmem>>, vector<1x1x16xf32>,
        %swap3A_276 = vector.shape_cast %swap3A_275 : vector<1x1x16xf32> to vector<16xf32>
        %swap3A_277 = vector.shape_cast %get3A_270 : vector<16xf32> to vector<1x1x16xf32>
        tpu.vector_store %arg11[%swap3A_272, %swap3A_273, %swap3A_274], %swap3A_277 {strides = array<i32>} : memref<4x64x128xf32, #tpu.memory_space<vmem>>, vector<1x1x16xf32>,
      }
      %scan3A_102 = arith.constant 64 : i32
      %mul3A_103 = arith.constant 64 : i32
      %mul3A_104 = arith.muli %add3A_65, %mul3A_103 : i32
      %multiple_of3A = tpu.assume_multiple %mul3A_104, 8 : i32
      %dma_start3A_105 = arith.constant 0 : i32
      %dma_start3A_106 = arith.constant 0 : i32
      %dma_start3A_107 = arith.constant 0 : i32
      %dma_start3A_108 = tpu.memref_slice %arg11[%dma_start3A_105, %dma_start3A_106, %dma_start3A_107] : memref<4x64x128xf32, #tpu.memory_space<vmem>> -> memref<1x64x128xf32, #tpu.memory_space<vmem>>
      %dma_start3A_109 = tpu.memref_squeeze %dma_start3A_108 : memref<1x64x128xf32, #tpu.memory_space<vmem>> -> memref<64x128xf32, #tpu.memory_space<vmem>>
      %dma_start3A_110 = arith.constant 0 : i32
      %dma_start3A_111 = tpu.memref_slice %arg7[%multiple_of3A, %dma_start3A_110] : memref<400000x128xf32, #tpu.memory_space<hbm>> -> memref<64x128xf32, #tpu.memory_space<hbm>>
      %dma_start3A_112 = arith.constant 0 : i32
      %dma_start3A_113 = tpu.memref_slice %arg7[%multiple_of3A, %dma_start3A_112] : memref<400000x128xf32, #tpu.memory_space<hbm>> -> memref<64x128xf32, #tpu.memory_space<hbm>>
      %dma_start3A_114 = arith.constant 0 : i32
      %dma_start3A_115 = arith.constant 0 : i32
      %dma_start3A_116 = tpu.memref_slice %arg11[%dma_start3A_105, %dma_start3A_114, %dma_start3A_115] : memref<4x64x128xf32, #tpu.memory_space<vmem>> -> memref<1x64x128xf32, #tpu.memory_space<vmem>>
      %dma_start3A_117 = tpu.memref_squeeze %dma_start3A_116 : memref<1x64x128xf32, #tpu.memory_space<vmem>> -> memref<64x128xf32, #tpu.memory_space<vmem>>
      tpu.enqueue_dma source(%dma_start3A_117 : memref<64x128xf32, #tpu.memory_space<vmem>>) target(%dma_start3A_113 : memref<64x128xf32, #tpu.memory_space<hbm>>) target_semaphore(%arg15 : memref<!tpu.dma_semaphore, #tpu.memory_space<semaphore_mem>>)
      %dma_wait3A_118 = arith.constant 0 : i32
      %dma_wait3A_119 = arith.constant 0 : i32
      %dma_wait3A_120 = arith.constant 0 : i32
      %dma_wait3A_121 = tpu.memref_slice %arg11[%dma_wait3A_118, %dma_wait3A_119, %dma_wait3A_120] : memref<4x64x128xf32, #tpu.memory_space<vmem>> -> memref<1x64x128xf32, #tpu.memory_space<vmem>>
      %dma_wait3A_122 = tpu.memref_squeeze %dma_wait3A_121 : memref<1x64x128xf32, #tpu.memory_space<vmem>> -> memref<64x128xf32, #tpu.memory_space<vmem>>
      %dma_wait3A_123 = arith.constant 0 : i32
      %dma_wait3A_124 = tpu.memref_slice %arg7[%multiple_of3A, %dma_wait3A_123] : memref<400000x128xf32, #tpu.memory_space<hbm>> -> memref<64x128xf32, #tpu.memory_space<hbm>>
      %dma_wait3A_125 = arith.constant 0 : i32
      %dma_wait3A_126 = tpu.memref_slice %arg7[%multiple_of3A, %dma_wait3A_125] : memref<400000x128xf32, #tpu.memory_space<hbm>> -> memref<64x128xf32, #tpu.memory_space<hbm>>
      %dma_wait3A_127 = arith.constant 0 : i32
      %dma_wait3A_128 = arith.constant 0 : i32
      %dma_wait3A_129 = tpu.memref_slice %arg11[%dma_wait3A_118, %dma_wait3A_127, %dma_wait3A_128] : memref<4x64x128xf32, #tpu.memory_space<vmem>> -> memref<1x64x128xf32, #tpu.memory_space<vmem>>
      %dma_wait3A_130 = tpu.memref_squeeze %dma_wait3A_129 : memref<1x64x128xf32, #tpu.memory_space<vmem>> -> memref<64x128xf32, #tpu.memory_space<vmem>>
      tpu.wait_dma2 semaphore(%arg15 : memref<!tpu.dma_semaphore, #tpu.memory_space<semaphore_mem>>) src(%dma_wait3A_130 : memref<64x128xf32, #tpu.memory_space<vmem>>) dst(%dma_wait3A_126 : memref<64x128xf32, #tpu.memory_space<hbm>>)
      %dma_wait3A_131 = arith.constant 0 : i32
      %dma_wait3A_132 = arith.constant 0 : i32
      %dma_wait3A_133 = arith.constant 0 : i32
      %dma_wait3A_134 = arith.constant 0 : i32
      %dma_wait3A_135 = tpu.memref_slice %arg10[%dma_wait3A_131, %dma_wait3A_133, %dma_wait3A_134] : memref<4x128x128xf32, #tpu.memory_space<vmem>> -> memref<1x128x128xf32, #tpu.memory_space<vmem>>
      %dma_wait3A_136 = tpu.memref_squeeze %dma_wait3A_135 : memref<1x128x128xf32, #tpu.memory_space<vmem>> -> memref<128x128xf32, #tpu.memory_space<vmem>>
      %dma_wait3A_137 = arith.constant 0 : i32
      %dma_wait3A_138 = tpu.memref_slice %arg9[%dma_wait3A_132, %dma_wait3A_137] : memref<4x128xi32, #tpu.memory_space<vmem>> -> memref<1x128xi32, #tpu.memory_space<vmem>>
      %dma_wait3A_139 = tpu.memref_squeeze %dma_wait3A_138 : memref<1x128xi32, #tpu.memory_space<vmem>> -> memref<128xi32, #tpu.memory_space<vmem>>
      %dma_wait3A_140 = arith.constant 0 : i32
      %dma_wait3A_141 = arith.constant 0 : i32
      %dma_wait3A_142 = tpu.memref_slice %arg12[%dma_wait3A_140, %dma_wait3A_141] : memref<512x128xf32, #tpu.memory_space<vmem_shared>> -> memref<512x128xf32, #tpu.memory_space<vmem_shared>>
      tpu.wait_indirect_dma semaphore(%arg14 : memref<!tpu.dma_semaphore, #tpu.memory_space<semaphore_mem>>) src(%dma_wait3A_136 : memref<128x128xf32, #tpu.memory_space<vmem>>) dst(%dma_wait3A_142 : memref<512x128xf32, #tpu.memory_space<vmem_shared>>)
    } else {
    }
    %gt3A_45 = arith.constant 1 : i32
    %gt3A_46 = arith.cmpi sgt, %sub3A_40, %gt3A_45 : i32
    %convert_element_type3A_47 = arith.extui %gt3A_46 : i1 to i32
    %cond3A_48 = arith.constant 0 : i32
    %cond3A_49 = arith.cmpi ne, %convert_element_type3A_47, %cond3A_48 : i32
    scf.if %cond3A_49 {
      %mul3A_61 = arith.constant 4 : i32
      %mul3A_62 = arith.muli %mul3A_61, %select_n3A_28 : i32
      %add3A_63 = arith.addi %add3A_6, %mul3A_62 : i32
      %add3A_64 = arith.constant 1 : i32
      %add3A_65 = arith.addi %add3A_63, %add3A_64 : i32
      %mul3A_66 = arith.constant 128 : i32
      %mul3A_67 = arith.muli %add3A_65, %mul3A_66 : i32
      "tpu.region"() ({
        %run_scoped3A_143 = tpu.sem_alloc : memref<!tpu.dma_semaphore, #tpu.memory_space<semaphore_mem>>
        %dma_start3A_144 = arith.constant 0 : i32
        %dma_start3A_145 = tpu.memref_slice %arg8[%dma_start3A_144] : memref<512xi32, #tpu.memory_space<vmem>> -> memref<128xi32, #tpu.memory_space<vmem>>
        %dma_start3A_146 = tpu.memref_slice %arg2[%mul3A_67] : memref<800000xi32, #tpu.memory_space<hbm>> -> memref<128xi32, #tpu.memory_space<hbm>>
        %dma_start3A_147 = arith.constant 0 : i32
        %dma_start3A_148 = tpu.memref_slice %arg8[%dma_start3A_147] : memref<512xi32, #tpu.memory_space<vmem>> -> memref<128xi32, #tpu.memory_space<vmem>>
        %dma_start3A_149 = tpu.memref_slice %arg2[%mul3A_67] : memref<800000xi32, #tpu.memory_space<hbm>> -> memref<128xi32, #tpu.memory_space<hbm>>
        tpu.enqueue_dma source(%dma_start3A_149 : memref<128xi32, #tpu.memory_space<hbm>>) target(%dma_start3A_148 : memref<128xi32, #tpu.memory_space<vmem>>) target_semaphore(%run_scoped3A_143 : memref<!tpu.dma_semaphore, #tpu.memory_space<semaphore_mem>>)
        %dma_wait3A_150 = arith.constant 0 : i32
        %dma_wait3A_151 = tpu.memref_slice %arg8[%dma_wait3A_150] : memref<512xi32, #tpu.memory_space<vmem>> -> memref<128xi32, #tpu.memory_space<vmem>>
        %dma_wait3A_152 = tpu.memref_slice %arg2[%mul3A_67] : memref<800000xi32, #tpu.memory_space<hbm>> -> memref<128xi32, #tpu.memory_space<hbm>>
        %dma_wait3A_153 = arith.constant 0 : i32
        %dma_wait3A_154 = tpu.memref_slice %arg8[%dma_wait3A_153] : memref<512xi32, #tpu.memory_space<vmem>> -> memref<128xi32, #tpu.memory_space<vmem>>
        %dma_wait3A_155 = tpu.memref_slice %arg2[%mul3A_67] : memref<800000xi32, #tpu.memory_space<hbm>> -> memref<128xi32, #tpu.memory_space<hbm>>
        tpu.wait_dma2 semaphore(%run_scoped3A_143 : memref<!tpu.dma_semaphore, #tpu.memory_space<semaphore_mem>>) src(%dma_wait3A_155 : memref<128xi32, #tpu.memory_space<hbm>>) dst(%dma_wait3A_154 : memref<128xi32, #tpu.memory_space<vmem>>)
        tpu.yield
      }) : () -> ()
      %dma_start3A = arith.constant 0 : i32
      %dma_start3A_68 = arith.constant 0 : i32
      %dma_start3A_69 = arith.constant 0 : i32
      %dma_start3A_70 = tpu.memref_slice %arg10[%dma_start3A, %dma_start3A_68, %dma_start3A_69] : memref<4x128x128xf32, #tpu.memory_space<vmem>> -> memref<1x128x128xf32, #tpu.memory_space<vmem>>
      %dma_start3A_71 = tpu.memref_squeeze %dma_start3A_70 : memref<1x128x128xf32, #tpu.memory_space<vmem>> -> memref<128x128xf32, #tpu.memory_space<vmem>>
      %dma_start3A_72 = arith.constant 0 : i32
      %dma_start3A_73 = tpu.memref_slice %arg8[%dma_start3A_72] : memref<512xi32, #tpu.memory_space<vmem>> -> memref<128xi32, #tpu.memory_space<vmem>>
      %dma_start3A_74 = arith.constant 0 : i32
      %dma_start3A_75 = arith.constant 0 : i32
      %dma_start3A_76 = tpu.memref_slice %arg4[%dma_start3A_74, %dma_start3A_75] : memref<50000x128xf32, #tpu.memory_space<hbm>> -> memref<50000x128xf32, #tpu.memory_space<hbm>>
      tpu.enqueue_indirect_dma source(%dma_start3A_76 : memref<50000x128xf32, #tpu.memory_space<hbm>>) target(%dma_start3A_71 : memref<128x128xf32, #tpu.memory_space<vmem>>) offsets(%dma_start3A_73 : memref<128xi32, #tpu.memory_space<vmem>>) semaphore(%arg13 : memref<!tpu.dma_semaphore, #tpu.memory_space<semaphore_mem>>)
      %dma_wait3A = arith.constant 0 : i32
      %dma_wait3A_77 = arith.constant 0 : i32
      %dma_wait3A_78 = arith.constant 0 : i32
      %dma_wait3A_79 = tpu.memref_slice %arg10[%dma_wait3A, %dma_wait3A_77, %dma_wait3A_78] : memref<4x128x128xf32, #tpu.memory_space<vmem>> -> memref<1x128x128xf32, #tpu.memory_space<vmem>>
      %dma_wait3A_80 = tpu.memref_squeeze %dma_wait3A_79 : memref<1x128x128xf32, #tpu.memory_space<vmem>> -> memref<128x128xf32, #tpu.memory_space<vmem>>
      %dma_wait3A_81 = arith.constant 0 : i32
      %dma_wait3A_82 = tpu.memref_slice %arg8[%dma_wait3A_81] : memref<512xi32, #tpu.memory_space<vmem>> -> memref<128xi32, #tpu.memory_space<vmem>>
      %dma_wait3A_83 = arith.constant 0 : i32
      %dma_wait3A_84 = arith.constant 0 : i32
      %dma_wait3A_85 = tpu.memref_slice %arg4[%dma_wait3A_83, %dma_wait3A_84] : memref<50000x128xf32, #tpu.memory_space<hbm>> -> memref<50000x128xf32, #tpu.memory_space<hbm>>
      tpu.wait_indirect_dma semaphore(%arg13 : memref<!tpu.dma_semaphore, #tpu.memory_space<semaphore_mem>>) src(%dma_wait3A_85 : memref<50000x128xf32, #tpu.memory_space<hbm>>) dst(%dma_wait3A_80 : memref<128x128xf32, #tpu.memory_space<vmem>>)
      %run_scoped3A = arith.constant 0 : i32
      "tpu.region"() ({
        %run_scoped3A_143 = tpu.sem_alloc : memref<!tpu.dma_semaphore, #tpu.memory_space<semaphore_mem>>
        %dma_start3A_144 = arith.constant 0 : i32
        %dma_start3A_145 = tpu.memref_slice %arg9[%run_scoped3A, %dma_start3A_144] : memref<4x128xi32, #tpu.memory_space<vmem>> -> memref<1x128xi32, #tpu.memory_space<vmem>>
        %dma_start3A_146 = tpu.memref_squeeze %dma_start3A_145 : memref<1x128xi32, #tpu.memory_space<vmem>> -> memref<128xi32, #tpu.memory_space<vmem>>
        %dma_start3A_147 = tpu.memref_slice %arg3[%mul3A_67] : memref<800000xi32, #tpu.memory_space<hbm>> -> memref<128xi32, #tpu.memory_space<hbm>>
        %dma_start3A_148 = arith.constant 0 : i32
        %dma_start3A_149 = tpu.memref_slice %arg9[%run_scoped3A, %dma_start3A_148] : memref<4x128xi32, #tpu.memory_space<vmem>> -> memref<1x128xi32, #tpu.memory_space<vmem>>
        %dma_start3A_150 = tpu.memref_squeeze %dma_start3A_149 : memref<1x128xi32, #tpu.memory_space<vmem>> -> memref<128xi32, #tpu.memory_space<vmem>>
        %dma_start3A_151 = tpu.memref_slice %arg3[%mul3A_67] : memref<800000xi32, #tpu.memory_space<hbm>> -> memref<128xi32, #tpu.memory_space<hbm>>
        tpu.enqueue_dma source(%dma_start3A_151 : memref<128xi32, #tpu.memory_space<hbm>>) target(%dma_start3A_150 : memref<128xi32, #tpu.memory_space<vmem>>) target_semaphore(%run_scoped3A_143 : memref<!tpu.dma_semaphore, #tpu.memory_space<semaphore_mem>>)
        %dma_wait3A_152 = arith.constant 0 : i32
        %dma_wait3A_153 = tpu.memref_slice %arg9[%run_scoped3A, %dma_wait3A_152] : memref<4x128xi32, #tpu.memory_space<vmem>> -> memref<1x128xi32, #tpu.memory_space<vmem>>
        %dma_wait3A_154 = tpu.memref_squeeze %dma_wait3A_153 : memref<1x128xi32, #tpu.memory_space<vmem>> -> memref<128xi32, #tpu.memory_space<vmem>>
        %dma_wait3A_155 = tpu.memref_slice %arg3[%mul3A_67] : memref<800000xi32, #tpu.memory_space<hbm>> -> memref<128xi32, #tpu.memory_space<hbm>>
        %dma_wait3A_156 = arith.constant 0 : i32
        %dma_wait3A_157 = tpu.memref_slice %arg9[%run_scoped3A, %dma_wait3A_156] : memref<4x128xi32, #tpu.memory_space<vmem>> -> memref<1x128xi32, #tpu.memory_space<vmem>>
        %dma_wait3A_158 = tpu.memref_squeeze %dma_wait3A_157 : memref<1x128xi32, #tpu.memory_space<vmem>> -> memref<128xi32, #tpu.memory_space<vmem>>
        %dma_wait3A_159 = tpu.memref_slice %arg3[%mul3A_67] : memref<800000xi32, #tpu.memory_space<hbm>> -> memref<128xi32, #tpu.memory_space<hbm>>
        tpu.wait_dma2 semaphore(%run_scoped3A_143 : memref<!tpu.dma_semaphore, #tpu.memory_space<semaphore_mem>>) src(%dma_wait3A_159 : memref<128xi32, #tpu.memory_space<hbm>>) dst(%dma_wait3A_158 : memref<128xi32, #tpu.memory_space<vmem>>)
        tpu.yield
      }) : () -> ()
      %dma_start3A_86 = arith.constant 0 : i32
      %dma_start3A_87 = arith.constant 0 : i32
      %dma_start3A_88 = arith.constant 0 : i32
      %dma_start3A_89 = arith.constant 0 : i32
      %dma_start3A_90 = tpu.memref_slice %arg10[%dma_start3A_86, %dma_start3A_88, %dma_start3A_89] : memref<4x128x128xf32, #tpu.memory_space<vmem>> -> memref<1x128x128xf32, #tpu.memory_space<vmem>>
      %dma_start3A_91 = tpu.memref_squeeze %dma_start3A_90 : memref<1x128x128xf32, #tpu.memory_space<vmem>> -> memref<128x128xf32, #tpu.memory_space<vmem>>
      %dma_start3A_92 = arith.constant 0 : i32
      %dma_start3A_93 = tpu.memref_slice %arg9[%dma_start3A_87, %dma_start3A_92] : memref<4x128xi32, #tpu.memory_space<vmem>> -> memref<1x128xi32, #tpu.memory_space<vmem>>
      %dma_start3A_94 = tpu.memref_squeeze %dma_start3A_93 : memref<1x128xi32, #tpu.memory_space<vmem>> -> memref<128xi32, #tpu.memory_space<vmem>>
      %dma_start3A_95 = arith.constant 0 : i32
      %dma_start3A_96 = arith.constant 0 : i32
      %dma_start3A_97 = tpu.memref_slice %arg12[%dma_start3A_95, %dma_start3A_96] : memref<512x128xf32, #tpu.memory_space<vmem_shared>> -> memref<512x128xf32, #tpu.memory_space<vmem_shared>>
      tpu.enqueue_indirect_dma source(%dma_start3A_91 : memref<128x128xf32, #tpu.memory_space<vmem>>) target(%dma_start3A_97 : memref<512x128xf32, #tpu.memory_space<vmem_shared>>) offsets(%dma_start3A_94 : memref<128xi32, #tpu.memory_space<vmem>>) semaphore(%arg14 : memref<!tpu.dma_semaphore, #tpu.memory_space<semaphore_mem>>) {add = true}
      %scan3A = arith.constant 0 : i32
      %scan3A_98 = arith.constant 0 : i32
      %scan3A_99 = arith.constant 64 : i32
      %scan3A_100 = arith.addi %scan3A_98, %scan3A_99 : i32
      %scan3A_101 = arith.constant 1 : i32
      scf.for %scan3A_143 = %scan3A_98 to %scan3A_100 step %scan3A_101  : i32 {
        %mul3A_144 = arith.constant 2 : i32
        %mul3A_145 = arith.muli %mul3A_144, %scan3A_143 : i32
        %add3A_146 = arith.constant 0 : i32
        %add3A_147 = arith.addi %mul3A_145, %add3A_146 : i32
        %get3A = arith.constant 0 : i32
        %get3A_148 = arith.index_cast %get3A : i32 to index
        %get3A_149 = arith.index_cast %add3A_147 : i32 to index
        %get3A_150 = arith.constant 64 : index
        %get3A_151 = tpu.vector_load %arg10[%get3A_148, %get3A_149, %get3A_150] {strides = array<i32>} : memref<4x128x128xf32, #tpu.memory_space<vmem>>, vector<1x1x16xf32>,
        %get3A_152 = vector.shape_cast %get3A_151 : vector<1x1x16xf32> to vector<16xf32>
        %swap3A = arith.constant 0 : i32
        %swap3A_153 = arith.index_cast %swap3A : i32 to index
        %swap3A_154 = arith.index_cast %scan3A_143 : i32 to index
        %swap3A_155 = arith.constant 0 : index
        %swap3A_156 = tpu.vector_load %arg11[%swap3A_153, %swap3A_154, %swap3A_155] {strides = array<i32>} : memref<4x64x128xf32, #tpu.memory_space<vmem>>, vector<1x1x16xf32>,
        %swap3A_157 = vector.shape_cast %swap3A_156 : vector<1x1x16xf32> to vector<16xf32>
        %swap3A_158 = vector.shape_cast %get3A_152 : vector<16xf32> to vector<1x1x16xf32>
        tpu.vector_store %arg11[%swap3A_153, %swap3A_154, %swap3A_155], %swap3A_158 {strides = array<i32>} : memref<4x64x128xf32, #tpu.memory_space<vmem>>, vector<1x1x16xf32>,
        %mul3A_159 = arith.constant 2 : i32
        %mul3A_160 = arith.muli %mul3A_159, %scan3A_143 : i32
        %add3A_161 = arith.constant 0 : i32
        %add3A_162 = arith.addi %mul3A_160, %add3A_161 : i32
        %get3A_163 = arith.constant 0 : i32
        %get3A_164 = arith.index_cast %get3A_163 : i32 to index
        %get3A_165 = arith.index_cast %add3A_162 : i32 to index
        %get3A_166 = arith.constant 80 : index
        %get3A_167 = tpu.vector_load %arg10[%get3A_164, %get3A_165, %get3A_166] {strides = array<i32>} : memref<4x128x128xf32, #tpu.memory_space<vmem>>, vector<1x1x16xf32>,
        %get3A_168 = vector.shape_cast %get3A_167 : vector<1x1x16xf32> to vector<16xf32>
        %swap3A_169 = arith.constant 0 : i32
        %swap3A_170 = arith.index_cast %swap3A_169 : i32 to index
        %swap3A_171 = arith.index_cast %scan3A_143 : i32 to index
        %swap3A_172 = arith.constant 16 : index
        %swap3A_173 = tpu.vector_load %arg11[%swap3A_170, %swap3A_171, %swap3A_172] {strides = array<i32>} : memref<4x64x128xf32, #tpu.memory_space<vmem>>, vector<1x1x16xf32>,
        %swap3A_174 = vector.shape_cast %swap3A_173 : vector<1x1x16xf32> to vector<16xf32>
        %swap3A_175 = vector.shape_cast %get3A_168 : vector<16xf32> to vector<1x1x16xf32>
        tpu.vector_store %arg11[%swap3A_170, %swap3A_171, %swap3A_172], %swap3A_175 {strides = array<i32>} : memref<4x64x128xf32, #tpu.memory_space<vmem>>, vector<1x1x16xf32>,
        %mul3A_176 = arith.constant 2 : i32
        %mul3A_177 = arith.muli %mul3A_176, %scan3A_143 : i32
        %add3A_178 = arith.constant 0 : i32
        %add3A_179 = arith.addi %mul3A_177, %add3A_178 : i32
        %get3A_180 = arith.constant 0 : i32
        %get3A_181 = arith.index_cast %get3A_180 : i32 to index
        %get3A_182 = arith.index_cast %add3A_179 : i32 to index
        %get3A_183 = arith.constant 96 : index
        %get3A_184 = tpu.vector_load %arg10[%get3A_181, %get3A_182, %get3A_183] {strides = array<i32>} : memref<4x128x128xf32, #tpu.memory_space<vmem>>, vector<1x1x16xf32>,
        %get3A_185 = vector.shape_cast %get3A_184 : vector<1x1x16xf32> to vector<16xf32>
        %swap3A_186 = arith.constant 0 : i32
        %swap3A_187 = arith.index_cast %swap3A_186 : i32 to index
        %swap3A_188 = arith.index_cast %scan3A_143 : i32 to index
        %swap3A_189 = arith.constant 32 : index
        %swap3A_190 = tpu.vector_load %arg11[%swap3A_187, %swap3A_188, %swap3A_189] {strides = array<i32>} : memref<4x64x128xf32, #tpu.memory_space<vmem>>, vector<1x1x16xf32>,
        %swap3A_191 = vector.shape_cast %swap3A_190 : vector<1x1x16xf32> to vector<16xf32>
        %swap3A_192 = vector.shape_cast %get3A_185 : vector<16xf32> to vector<1x1x16xf32>
        tpu.vector_store %arg11[%swap3A_187, %swap3A_188, %swap3A_189], %swap3A_192 {strides = array<i32>} : memref<4x64x128xf32, #tpu.memory_space<vmem>>, vector<1x1x16xf32>,
        %mul3A_193 = arith.constant 2 : i32
        %mul3A_194 = arith.muli %mul3A_193, %scan3A_143 : i32
        %add3A_195 = arith.constant 0 : i32
        %add3A_196 = arith.addi %mul3A_194, %add3A_195 : i32
        %get3A_197 = arith.constant 0 : i32
        %get3A_198 = arith.index_cast %get3A_197 : i32 to index
        %get3A_199 = arith.index_cast %add3A_196 : i32 to index
        %get3A_200 = arith.constant 112 : index
        %get3A_201 = tpu.vector_load %arg10[%get3A_198, %get3A_199, %get3A_200] {strides = array<i32>} : memref<4x128x128xf32, #tpu.memory_space<vmem>>, vector<1x1x16xf32>,
        %get3A_202 = vector.shape_cast %get3A_201 : vector<1x1x16xf32> to vector<16xf32>
        %swap3A_203 = arith.constant 0 : i32
        %swap3A_204 = arith.index_cast %swap3A_203 : i32 to index
        %swap3A_205 = arith.index_cast %scan3A_143 : i32 to index
        %swap3A_206 = arith.constant 48 : index
        %swap3A_207 = tpu.vector_load %arg11[%swap3A_204, %swap3A_205, %swap3A_206] {strides = array<i32>} : memref<4x64x128xf32, #tpu.memory_space<vmem>>, vector<1x1x16xf32>,
        %swap3A_208 = vector.shape_cast %swap3A_207 : vector<1x1x16xf32> to vector<16xf32>
        %swap3A_209 = vector.shape_cast %get3A_202 : vector<16xf32> to vector<1x1x16xf32>
        tpu.vector_store %arg11[%swap3A_204, %swap3A_205, %swap3A_206], %swap3A_209 {strides = array<i32>} : memref<4x64x128xf32, #tpu.memory_space<vmem>>, vector<1x1x16xf32>,
        %mul3A_210 = arith.constant 2 : i32
        %mul3A_211 = arith.muli %mul3A_210, %scan3A_143 : i32
        %add3A_212 = arith.constant 1 : i32
        %add3A_213 = arith.addi %mul3A_211, %add3A_212 : i32
        %get3A_214 = arith.constant 0 : i32
        %get3A_215 = arith.index_cast %get3A_214 : i32 to index
        %get3A_216 = arith.index_cast %add3A_213 : i32 to index
        %get3A_217 = arith.constant 64 : index
        %get3A_218 = tpu.vector_load %arg10[%get3A_215, %get3A_216, %get3A_217] {strides = array<i32>} : memref<4x128x128xf32, #tpu.memory_space<vmem>>, vector<1x1x16xf32>,
        %get3A_219 = vector.shape_cast %get3A_218 : vector<1x1x16xf32> to vector<16xf32>
        %swap3A_220 = arith.constant 0 : i32
        %swap3A_221 = arith.index_cast %swap3A_220 : i32 to index
        %swap3A_222 = arith.index_cast %scan3A_143 : i32 to index
        %swap3A_223 = arith.constant 64 : index
        %swap3A_224 = tpu.vector_load %arg11[%swap3A_221, %swap3A_222, %swap3A_223] {strides = array<i32>} : memref<4x64x128xf32, #tpu.memory_space<vmem>>, vector<1x1x16xf32>,
        %swap3A_225 = vector.shape_cast %swap3A_224 : vector<1x1x16xf32> to vector<16xf32>
        %swap3A_226 = vector.shape_cast %get3A_219 : vector<16xf32> to vector<1x1x16xf32>
        tpu.vector_store %arg11[%swap3A_221, %swap3A_222, %swap3A_223], %swap3A_226 {strides = array<i32>} : memref<4x64x128xf32, #tpu.memory_space<vmem>>, vector<1x1x16xf32>,
        %mul3A_227 = arith.constant 2 : i32
        %mul3A_228 = arith.muli %mul3A_227, %scan3A_143 : i32
        %add3A_229 = arith.constant 1 : i32
        %add3A_230 = arith.addi %mul3A_228, %add3A_229 : i32
        %get3A_231 = arith.constant 0 : i32
        %get3A_232 = arith.index_cast %get3A_231 : i32 to index
        %get3A_233 = arith.index_cast %add3A_230 : i32 to index
        %get3A_234 = arith.constant 80 : index
        %get3A_235 = tpu.vector_load %arg10[%get3A_232, %get3A_233, %get3A_234] {strides = array<i32>} : memref<4x128x128xf32, #tpu.memory_space<vmem>>, vector<1x1x16xf32>,
        %get3A_236 = vector.shape_cast %get3A_235 : vector<1x1x16xf32> to vector<16xf32>
        %swap3A_237 = arith.constant 0 : i32
        %swap3A_238 = arith.index_cast %swap3A_237 : i32 to index
        %swap3A_239 = arith.index_cast %scan3A_143 : i32 to index
        %swap3A_240 = arith.constant 80 : index
        %swap3A_241 = tpu.vector_load %arg11[%swap3A_238, %swap3A_239, %swap3A_240] {strides = array<i32>} : memref<4x64x128xf32, #tpu.memory_space<vmem>>, vector<1x1x16xf32>,
        %swap3A_242 = vector.shape_cast %swap3A_241 : vector<1x1x16xf32> to vector<16xf32>
        %swap3A_243 = vector.shape_cast %get3A_236 : vector<16xf32> to vector<1x1x16xf32>
        tpu.vector_store %arg11[%swap3A_238, %swap3A_239, %swap3A_240], %swap3A_243 {strides = array<i32>} : memref<4x64x128xf32, #tpu.memory_space<vmem>>, vector<1x1x16xf32>,
        %mul3A_244 = arith.constant 2 : i32
        %mul3A_245 = arith.muli %mul3A_244, %scan3A_143 : i32
        %add3A_246 = arith.constant 1 : i32
        %add3A_247 = arith.addi %mul3A_245, %add3A_246 : i32
        %get3A_248 = arith.constant 0 : i32
        %get3A_249 = arith.index_cast %get3A_248 : i32 to index
        %get3A_250 = arith.index_cast %add3A_247 : i32 to index
        %get3A_251 = arith.constant 96 : index
        %get3A_252 = tpu.vector_load %arg10[%get3A_249, %get3A_250, %get3A_251] {strides = array<i32>} : memref<4x128x128xf32, #tpu.memory_space<vmem>>, vector<1x1x16xf32>,
        %get3A_253 = vector.shape_cast %get3A_252 : vector<1x1x16xf32> to vector<16xf32>
        %swap3A_254 = arith.constant 0 : i32
        %swap3A_255 = arith.index_cast %swap3A_254 : i32 to index
        %swap3A_256 = arith.index_cast %scan3A_143 : i32 to index
        %swap3A_257 = arith.constant 96 : index
        %swap3A_258 = tpu.vector_load %arg11[%swap3A_255, %swap3A_256, %swap3A_257] {strides = array<i32>} : memref<4x64x128xf32, #tpu.memory_space<vmem>>, vector<1x1x16xf32>,
        %swap3A_259 = vector.shape_cast %swap3A_258 : vector<1x1x16xf32> to vector<16xf32>
        %swap3A_260 = vector.shape_cast %get3A_253 : vector<16xf32> to vector<1x1x16xf32>
        tpu.vector_store %arg11[%swap3A_255, %swap3A_256, %swap3A_257], %swap3A_260 {strides = array<i32>} : memref<4x64x128xf32, #tpu.memory_space<vmem>>, vector<1x1x16xf32>,
        %mul3A_261 = arith.constant 2 : i32
        %mul3A_262 = arith.muli %mul3A_261, %scan3A_143 : i32
        %add3A_263 = arith.constant 1 : i32
        %add3A_264 = arith.addi %mul3A_262, %add3A_263 : i32
        %get3A_265 = arith.constant 0 : i32
        %get3A_266 = arith.index_cast %get3A_265 : i32 to index
        %get3A_267 = arith.index_cast %add3A_264 : i32 to index
        %get3A_268 = arith.constant 112 : index
        %get3A_269 = tpu.vector_load %arg10[%get3A_266, %get3A_267, %get3A_268] {strides = array<i32>} : memref<4x128x128xf32, #tpu.memory_space<vmem>>, vector<1x1x16xf32>,
        %get3A_270 = vector.shape_cast %get3A_269 : vector<1x1x16xf32> to vector<16xf32>
        %swap3A_271 = arith.constant 0 : i32
        %swap3A_272 = arith.index_cast %swap3A_271 : i32 to index
        %swap3A_273 = arith.index_cast %scan3A_143 : i32 to index
        %swap3A_274 = arith.constant 112 : index
        %swap3A_275 = tpu.vector_load %arg11[%swap3A_272, %swap3A_273, %swap3A_274] {strides = array<i32>} : memref<4x64x128xf32, #tpu.memory_space<vmem>>, vector<1x1x16xf32>,
        %swap3A_276 = vector.shape_cast %swap3A_275 : vector<1x1x16xf32> to vector<16xf32>
        %swap3A_277 = vector.shape_cast %get3A_270 : vector<16xf32> to vector<1x1x16xf32>
        tpu.vector_store %arg11[%swap3A_272, %swap3A_273, %swap3A_274], %swap3A_277 {strides = array<i32>} : memref<4x64x128xf32, #tpu.memory_space<vmem>>, vector<1x1x16xf32>,
      }
      %scan3A_102 = arith.constant 64 : i32
      %mul3A_103 = arith.constant 64 : i32
      %mul3A_104 = arith.muli %add3A_65, %mul3A_103 : i32
      %multiple_of3A = tpu.assume_multiple %mul3A_104, 8 : i32
      %dma_start3A_105 = arith.constant 0 : i32
      %dma_start3A_106 = arith.constant 0 : i32
      %dma_start3A_107 = arith.constant 0 : i32
      %dma_start3A_108 = tpu.memref_slice %arg11[%dma_start3A_105, %dma_start3A_106, %dma_start3A_107] : memref<4x64x128xf32, #tpu.memory_space<vmem>> -> memref<1x64x128xf32, #tpu.memory_space<vmem>>
      %dma_start3A_109 = tpu.memref_squeeze %dma_start3A_108 : memref<1x64x128xf32, #tpu.memory_space<vmem>> -> memref<64x128xf32, #tpu.memory_space<vmem>>
      %dma_start3A_110 = arith.constant 0 : i32
      %dma_start3A_111 = tpu.memref_slice %arg7[%multiple_of3A, %dma_start3A_110] : memref<400000x128xf32, #tpu.memory_space<hbm>> -> memref<64x128xf32, #tpu.memory_space<hbm>>
      %dma_start3A_112 = arith.constant 0 : i32
      %dma_start3A_113 = tpu.memref_slice %arg7[%multiple_of3A, %dma_start3A_112] : memref<400000x128xf32, #tpu.memory_space<hbm>> -> memref<64x128xf32, #tpu.memory_space<hbm>>
      %dma_start3A_114 = arith.constant 0 : i32
      %dma_start3A_115 = arith.constant 0 : i32
      %dma_start3A_116 = tpu.memref_slice %arg11[%dma_start3A_105, %dma_start3A_114, %dma_start3A_115] : memref<4x64x128xf32, #tpu.memory_space<vmem>> -> memref<1x64x128xf32, #tpu.memory_space<vmem>>
      %dma_start3A_117 = tpu.memref_squeeze %dma_start3A_116 : memref<1x64x128xf32, #tpu.memory_space<vmem>> -> memref<64x128xf32, #tpu.memory_space<vmem>>
      tpu.enqueue_dma source(%dma_start3A_117 : memref<64x128xf32, #tpu.memory_space<vmem>>) target(%dma_start3A_113 : memref<64x128xf32, #tpu.memory_space<hbm>>) target_semaphore(%arg15 : memref<!tpu.dma_semaphore, #tpu.memory_space<semaphore_mem>>)
      %dma_wait3A_118 = arith.constant 0 : i32
      %dma_wait3A_119 = arith.constant 0 : i32
      %dma_wait3A_120 = arith.constant 0 : i32
      %dma_wait3A_121 = tpu.memref_slice %arg11[%dma_wait3A_118, %dma_wait3A_119, %dma_wait3A_120] : memref<4x64x128xf32, #tpu.memory_space<vmem>> -> memref<1x64x128xf32, #tpu.memory_space<vmem>>
      %dma_wait3A_122 = tpu.memref_squeeze %dma_wait3A_121 : memref<1x64x128xf32, #tpu.memory_space<vmem>> -> memref<64x128xf32, #tpu.memory_space<vmem>>
      %dma_wait3A_123 = arith.constant 0 : i32
      %dma_wait3A_124 = tpu.memref_slice %arg7[%multiple_of3A, %dma_wait3A_123] : memref<400000x128xf32, #tpu.memory_space<hbm>> -> memref<64x128xf32, #tpu.memory_space<hbm>>
      %dma_wait3A_125 = arith.constant 0 : i32
      %dma_wait3A_126 = tpu.memref_slice %arg7[%multiple_of3A, %dma_wait3A_125] : memref<400000x128xf32, #tpu.memory_space<hbm>> -> memref<64x128xf32, #tpu.memory_space<hbm>>
      %dma_wait3A_127 = arith.constant 0 : i32
      %dma_wait3A_128 = arith.constant 0 : i32
      %dma_wait3A_129 = tpu.memref_slice %arg11[%dma_wait3A_118, %dma_wait3A_127, %dma_wait3A_128] : memref<4x64x128xf32, #tpu.memory_space<vmem>> -> memref<1x64x128xf32, #tpu.memory_space<vmem>>
      %dma_wait3A_130 = tpu.memref_squeeze %dma_wait3A_129 : memref<1x64x128xf32, #tpu.memory_space<vmem>> -> memref<64x128xf32, #tpu.memory_space<vmem>>
      tpu.wait_dma2 semaphore(%arg15 : memref<!tpu.dma_semaphore, #tpu.memory_space<semaphore_mem>>) src(%dma_wait3A_130 : memref<64x128xf32, #tpu.memory_space<vmem>>) dst(%dma_wait3A_126 : memref<64x128xf32, #tpu.memory_space<hbm>>)
      %dma_wait3A_131 = arith.constant 0 : i32
      %dma_wait3A_132 = arith.constant 0 : i32
      %dma_wait3A_133 = arith.constant 0 : i32
      %dma_wait3A_134 = arith.constant 0 : i32
      %dma_wait3A_135 = tpu.memref_slice %arg10[%dma_wait3A_131, %dma_wait3A_133, %dma_wait3A_134] : memref<4x128x128xf32, #tpu.memory_space<vmem>> -> memref<1x128x128xf32, #tpu.memory_space<vmem>>
      %dma_wait3A_136 = tpu.memref_squeeze %dma_wait3A_135 : memref<1x128x128xf32, #tpu.memory_space<vmem>> -> memref<128x128xf32, #tpu.memory_space<vmem>>
      %dma_wait3A_137 = arith.constant 0 : i32
      %dma_wait3A_138 = tpu.memref_slice %arg9[%dma_wait3A_132, %dma_wait3A_137] : memref<4x128xi32, #tpu.memory_space<vmem>> -> memref<1x128xi32, #tpu.memory_space<vmem>>
      %dma_wait3A_139 = tpu.memref_squeeze %dma_wait3A_138 : memref<1x128xi32, #tpu.memory_space<vmem>> -> memref<128xi32, #tpu.memory_space<vmem>>
      %dma_wait3A_140 = arith.constant 0 : i32
      %dma_wait3A_141 = arith.constant 0 : i32
      %dma_wait3A_142 = tpu.memref_slice %arg12[%dma_wait3A_140, %dma_wait3A_141] : memref<512x128xf32, #tpu.memory_space<vmem_shared>> -> memref<512x128xf32, #tpu.memory_space<vmem_shared>>
      tpu.wait_indirect_dma semaphore(%arg14 : memref<!tpu.dma_semaphore, #tpu.memory_space<semaphore_mem>>) src(%dma_wait3A_136 : memref<128x128xf32, #tpu.memory_space<vmem>>) dst(%dma_wait3A_142 : memref<512x128xf32, #tpu.memory_space<vmem_shared>>)
    } else {
    }
    %gt3A_50 = arith.constant 2 : i32
    %gt3A_51 = arith.cmpi sgt, %sub3A_40, %gt3A_50 : i32
    %convert_element_type3A_52 = arith.extui %gt3A_51 : i1 to i32
    %cond3A_53 = arith.constant 0 : i32
    %cond3A_54 = arith.cmpi ne, %convert_element_type3A_52, %cond3A_53 : i32
    scf.if %cond3A_54 {
      %mul3A_61 = arith.constant 4 : i32
      %mul3A_62 = arith.muli %mul3A_61, %select_n3A_28 : i32
      %add3A_63 = arith.addi %add3A_6, %mul3A_62 : i32
      %add3A_64 = arith.constant 2 : i32
      %add3A_65 = arith.addi %add3A_63, %add3A_64 : i32
      %mul3A_66 = arith.constant 128 : i32
      %mul3A_67 = arith.muli %add3A_65, %mul3A_66 : i32
      "tpu.region"() ({
        %run_scoped3A_143 = tpu.sem_alloc : memref<!tpu.dma_semaphore, #tpu.memory_space<semaphore_mem>>
        %dma_start3A_144 = arith.constant 0 : i32
        %dma_start3A_145 = tpu.memref_slice %arg8[%dma_start3A_144] : memref<512xi32, #tpu.memory_space<vmem>> -> memref<128xi32, #tpu.memory_space<vmem>>
        %dma_start3A_146 = tpu.memref_slice %arg2[%mul3A_67] : memref<800000xi32, #tpu.memory_space<hbm>> -> memref<128xi32, #tpu.memory_space<hbm>>
        %dma_start3A_147 = arith.constant 0 : i32
        %dma_start3A_148 = tpu.memref_slice %arg8[%dma_start3A_147] : memref<512xi32, #tpu.memory_space<vmem>> -> memref<128xi32, #tpu.memory_space<vmem>>
        %dma_start3A_149 = tpu.memref_slice %arg2[%mul3A_67] : memref<800000xi32, #tpu.memory_space<hbm>> -> memref<128xi32, #tpu.memory_space<hbm>>
        tpu.enqueue_dma source(%dma_start3A_149 : memref<128xi32, #tpu.memory_space<hbm>>) target(%dma_start3A_148 : memref<128xi32, #tpu.memory_space<vmem>>) target_semaphore(%run_scoped3A_143 : memref<!tpu.dma_semaphore, #tpu.memory_space<semaphore_mem>>)
        %dma_wait3A_150 = arith.constant 0 : i32
        %dma_wait3A_151 = tpu.memref_slice %arg8[%dma_wait3A_150] : memref<512xi32, #tpu.memory_space<vmem>> -> memref<128xi32, #tpu.memory_space<vmem>>
        %dma_wait3A_152 = tpu.memref_slice %arg2[%mul3A_67] : memref<800000xi32, #tpu.memory_space<hbm>> -> memref<128xi32, #tpu.memory_space<hbm>>
        %dma_wait3A_153 = arith.constant 0 : i32
        %dma_wait3A_154 = tpu.memref_slice %arg8[%dma_wait3A_153] : memref<512xi32, #tpu.memory_space<vmem>> -> memref<128xi32, #tpu.memory_space<vmem>>
        %dma_wait3A_155 = tpu.memref_slice %arg2[%mul3A_67] : memref<800000xi32, #tpu.memory_space<hbm>> -> memref<128xi32, #tpu.memory_space<hbm>>
        tpu.wait_dma2 semaphore(%run_scoped3A_143 : memref<!tpu.dma_semaphore, #tpu.memory_space<semaphore_mem>>) src(%dma_wait3A_155 : memref<128xi32, #tpu.memory_space<hbm>>) dst(%dma_wait3A_154 : memref<128xi32, #tpu.memory_space<vmem>>)
        tpu.yield
      }) : () -> ()
      %dma_start3A = arith.constant 0 : i32
      %dma_start3A_68 = arith.constant 0 : i32
      %dma_start3A_69 = arith.constant 0 : i32
      %dma_start3A_70 = tpu.memref_slice %arg10[%dma_start3A, %dma_start3A_68, %dma_start3A_69] : memref<4x128x128xf32, #tpu.memory_space<vmem>> -> memref<1x128x128xf32, #tpu.memory_space<vmem>>
      %dma_start3A_71 = tpu.memref_squeeze %dma_start3A_70 : memref<1x128x128xf32, #tpu.memory_space<vmem>> -> memref<128x128xf32, #tpu.memory_space<vmem>>
      %dma_start3A_72 = arith.constant 0 : i32
      %dma_start3A_73 = tpu.memref_slice %arg8[%dma_start3A_72] : memref<512xi32, #tpu.memory_space<vmem>> -> memref<128xi32, #tpu.memory_space<vmem>>
      %dma_start3A_74 = arith.constant 0 : i32
      %dma_start3A_75 = arith.constant 0 : i32
      %dma_start3A_76 = tpu.memref_slice %arg4[%dma_start3A_74, %dma_start3A_75] : memref<50000x128xf32, #tpu.memory_space<hbm>> -> memref<50000x128xf32, #tpu.memory_space<hbm>>
      tpu.enqueue_indirect_dma source(%dma_start3A_76 : memref<50000x128xf32, #tpu.memory_space<hbm>>) target(%dma_start3A_71 : memref<128x128xf32, #tpu.memory_space<vmem>>) offsets(%dma_start3A_73 : memref<128xi32, #tpu.memory_space<vmem>>) semaphore(%arg13 : memref<!tpu.dma_semaphore, #tpu.memory_space<semaphore_mem>>)
      %dma_wait3A = arith.constant 0 : i32
      %dma_wait3A_77 = arith.constant 0 : i32
      %dma_wait3A_78 = arith.constant 0 : i32
      %dma_wait3A_79 = tpu.memref_slice %arg10[%dma_wait3A, %dma_wait3A_77, %dma_wait3A_78] : memref<4x128x128xf32, #tpu.memory_space<vmem>> -> memref<1x128x128xf32, #tpu.memory_space<vmem>>
      %dma_wait3A_80 = tpu.memref_squeeze %dma_wait3A_79 : memref<1x128x128xf32, #tpu.memory_space<vmem>> -> memref<128x128xf32, #tpu.memory_space<vmem>>
      %dma_wait3A_81 = arith.constant 0 : i32
      %dma_wait3A_82 = tpu.memref_slice %arg8[%dma_wait3A_81] : memref<512xi32, #tpu.memory_space<vmem>> -> memref<128xi32, #tpu.memory_space<vmem>>
      %dma_wait3A_83 = arith.constant 0 : i32
      %dma_wait3A_84 = arith.constant 0 : i32
      %dma_wait3A_85 = tpu.memref_slice %arg4[%dma_wait3A_83, %dma_wait3A_84] : memref<50000x128xf32, #tpu.memory_space<hbm>> -> memref<50000x128xf32, #tpu.memory_space<hbm>>
      tpu.wait_indirect_dma semaphore(%arg13 : memref<!tpu.dma_semaphore, #tpu.memory_space<semaphore_mem>>) src(%dma_wait3A_85 : memref<50000x128xf32, #tpu.memory_space<hbm>>) dst(%dma_wait3A_80 : memref<128x128xf32, #tpu.memory_space<vmem>>)
      %run_scoped3A = arith.constant 0 : i32
      "tpu.region"() ({
        %run_scoped3A_143 = tpu.sem_alloc : memref<!tpu.dma_semaphore, #tpu.memory_space<semaphore_mem>>
        %dma_start3A_144 = arith.constant 0 : i32
        %dma_start3A_145 = tpu.memref_slice %arg9[%run_scoped3A, %dma_start3A_144] : memref<4x128xi32, #tpu.memory_space<vmem>> -> memref<1x128xi32, #tpu.memory_space<vmem>>
        %dma_start3A_146 = tpu.memref_squeeze %dma_start3A_145 : memref<1x128xi32, #tpu.memory_space<vmem>> -> memref<128xi32, #tpu.memory_space<vmem>>
        %dma_start3A_147 = tpu.memref_slice %arg3[%mul3A_67] : memref<800000xi32, #tpu.memory_space<hbm>> -> memref<128xi32, #tpu.memory_space<hbm>>
        %dma_start3A_148 = arith.constant 0 : i32
        %dma_start3A_149 = tpu.memref_slice %arg9[%run_scoped3A, %dma_start3A_148] : memref<4x128xi32, #tpu.memory_space<vmem>> -> memref<1x128xi32, #tpu.memory_space<vmem>>
        %dma_start3A_150 = tpu.memref_squeeze %dma_start3A_149 : memref<1x128xi32, #tpu.memory_space<vmem>> -> memref<128xi32, #tpu.memory_space<vmem>>
        %dma_start3A_151 = tpu.memref_slice %arg3[%mul3A_67] : memref<800000xi32, #tpu.memory_space<hbm>> -> memref<128xi32, #tpu.memory_space<hbm>>
        tpu.enqueue_dma source(%dma_start3A_151 : memref<128xi32, #tpu.memory_space<hbm>>) target(%dma_start3A_150 : memref<128xi32, #tpu.memory_space<vmem>>) target_semaphore(%run_scoped3A_143 : memref<!tpu.dma_semaphore, #tpu.memory_space<semaphore_mem>>)
        %dma_wait3A_152 = arith.constant 0 : i32
        %dma_wait3A_153 = tpu.memref_slice %arg9[%run_scoped3A, %dma_wait3A_152] : memref<4x128xi32, #tpu.memory_space<vmem>> -> memref<1x128xi32, #tpu.memory_space<vmem>>
        %dma_wait3A_154 = tpu.memref_squeeze %dma_wait3A_153 : memref<1x128xi32, #tpu.memory_space<vmem>> -> memref<128xi32, #tpu.memory_space<vmem>>
        %dma_wait3A_155 = tpu.memref_slice %arg3[%mul3A_67] : memref<800000xi32, #tpu.memory_space<hbm>> -> memref<128xi32, #tpu.memory_space<hbm>>
        %dma_wait3A_156 = arith.constant 0 : i32
        %dma_wait3A_157 = tpu.memref_slice %arg9[%run_scoped3A, %dma_wait3A_156] : memref<4x128xi32, #tpu.memory_space<vmem>> -> memref<1x128xi32, #tpu.memory_space<vmem>>
        %dma_wait3A_158 = tpu.memref_squeeze %dma_wait3A_157 : memref<1x128xi32, #tpu.memory_space<vmem>> -> memref<128xi32, #tpu.memory_space<vmem>>
        %dma_wait3A_159 = tpu.memref_slice %arg3[%mul3A_67] : memref<800000xi32, #tpu.memory_space<hbm>> -> memref<128xi32, #tpu.memory_space<hbm>>
        tpu.wait_dma2 semaphore(%run_scoped3A_143 : memref<!tpu.dma_semaphore, #tpu.memory_space<semaphore_mem>>) src(%dma_wait3A_159 : memref<128xi32, #tpu.memory_space<hbm>>) dst(%dma_wait3A_158 : memref<128xi32, #tpu.memory_space<vmem>>)
        tpu.yield
      }) : () -> ()
      %dma_start3A_86 = arith.constant 0 : i32
      %dma_start3A_87 = arith.constant 0 : i32
      %dma_start3A_88 = arith.constant 0 : i32
      %dma_start3A_89 = arith.constant 0 : i32
      %dma_start3A_90 = tpu.memref_slice %arg10[%dma_start3A_86, %dma_start3A_88, %dma_start3A_89] : memref<4x128x128xf32, #tpu.memory_space<vmem>> -> memref<1x128x128xf32, #tpu.memory_space<vmem>>
      %dma_start3A_91 = tpu.memref_squeeze %dma_start3A_90 : memref<1x128x128xf32, #tpu.memory_space<vmem>> -> memref<128x128xf32, #tpu.memory_space<vmem>>
      %dma_start3A_92 = arith.constant 0 : i32
      %dma_start3A_93 = tpu.memref_slice %arg9[%dma_start3A_87, %dma_start3A_92] : memref<4x128xi32, #tpu.memory_space<vmem>> -> memref<1x128xi32, #tpu.memory_space<vmem>>
      %dma_start3A_94 = tpu.memref_squeeze %dma_start3A_93 : memref<1x128xi32, #tpu.memory_space<vmem>> -> memref<128xi32, #tpu.memory_space<vmem>>
      %dma_start3A_95 = arith.constant 0 : i32
      %dma_start3A_96 = arith.constant 0 : i32
      %dma_start3A_97 = tpu.memref_slice %arg12[%dma_start3A_95, %dma_start3A_96] : memref<512x128xf32, #tpu.memory_space<vmem_shared>> -> memref<512x128xf32, #tpu.memory_space<vmem_shared>>
      tpu.enqueue_indirect_dma source(%dma_start3A_91 : memref<128x128xf32, #tpu.memory_space<vmem>>) target(%dma_start3A_97 : memref<512x128xf32, #tpu.memory_space<vmem_shared>>) offsets(%dma_start3A_94 : memref<128xi32, #tpu.memory_space<vmem>>) semaphore(%arg14 : memref<!tpu.dma_semaphore, #tpu.memory_space<semaphore_mem>>) {add = true}
      %scan3A = arith.constant 0 : i32
      %scan3A_98 = arith.constant 0 : i32
      %scan3A_99 = arith.constant 64 : i32
      %scan3A_100 = arith.addi %scan3A_98, %scan3A_99 : i32
      %scan3A_101 = arith.constant 1 : i32
      scf.for %scan3A_143 = %scan3A_98 to %scan3A_100 step %scan3A_101  : i32 {
        %mul3A_144 = arith.constant 2 : i32
        %mul3A_145 = arith.muli %mul3A_144, %scan3A_143 : i32
        %add3A_146 = arith.constant 0 : i32
        %add3A_147 = arith.addi %mul3A_145, %add3A_146 : i32
        %get3A = arith.constant 0 : i32
        %get3A_148 = arith.index_cast %get3A : i32 to index
        %get3A_149 = arith.index_cast %add3A_147 : i32 to index
        %get3A_150 = arith.constant 64 : index
        %get3A_151 = tpu.vector_load %arg10[%get3A_148, %get3A_149, %get3A_150] {strides = array<i32>} : memref<4x128x128xf32, #tpu.memory_space<vmem>>, vector<1x1x16xf32>,
        %get3A_152 = vector.shape_cast %get3A_151 : vector<1x1x16xf32> to vector<16xf32>
        %swap3A = arith.constant 0 : i32
        %swap3A_153 = arith.index_cast %swap3A : i32 to index
        %swap3A_154 = arith.index_cast %scan3A_143 : i32 to index
        %swap3A_155 = arith.constant 0 : index
        %swap3A_156 = tpu.vector_load %arg11[%swap3A_153, %swap3A_154, %swap3A_155] {strides = array<i32>} : memref<4x64x128xf32, #tpu.memory_space<vmem>>, vector<1x1x16xf32>,
        %swap3A_157 = vector.shape_cast %swap3A_156 : vector<1x1x16xf32> to vector<16xf32>
        %swap3A_158 = vector.shape_cast %get3A_152 : vector<16xf32> to vector<1x1x16xf32>
        tpu.vector_store %arg11[%swap3A_153, %swap3A_154, %swap3A_155], %swap3A_158 {strides = array<i32>} : memref<4x64x128xf32, #tpu.memory_space<vmem>>, vector<1x1x16xf32>,
        %mul3A_159 = arith.constant 2 : i32
        %mul3A_160 = arith.muli %mul3A_159, %scan3A_143 : i32
        %add3A_161 = arith.constant 0 : i32
        %add3A_162 = arith.addi %mul3A_160, %add3A_161 : i32
        %get3A_163 = arith.constant 0 : i32
        %get3A_164 = arith.index_cast %get3A_163 : i32 to index
        %get3A_165 = arith.index_cast %add3A_162 : i32 to index
        %get3A_166 = arith.constant 80 : index
        %get3A_167 = tpu.vector_load %arg10[%get3A_164, %get3A_165, %get3A_166] {strides = array<i32>} : memref<4x128x128xf32, #tpu.memory_space<vmem>>, vector<1x1x16xf32>,
        %get3A_168 = vector.shape_cast %get3A_167 : vector<1x1x16xf32> to vector<16xf32>
        %swap3A_169 = arith.constant 0 : i32
        %swap3A_170 = arith.index_cast %swap3A_169 : i32 to index
        %swap3A_171 = arith.index_cast %scan3A_143 : i32 to index
        %swap3A_172 = arith.constant 16 : index
        %swap3A_173 = tpu.vector_load %arg11[%swap3A_170, %swap3A_171, %swap3A_172] {strides = array<i32>} : memref<4x64x128xf32, #tpu.memory_space<vmem>>, vector<1x1x16xf32>,
        %swap3A_174 = vector.shape_cast %swap3A_173 : vector<1x1x16xf32> to vector<16xf32>
        %swap3A_175 = vector.shape_cast %get3A_168 : vector<16xf32> to vector<1x1x16xf32>
        tpu.vector_store %arg11[%swap3A_170, %swap3A_171, %swap3A_172], %swap3A_175 {strides = array<i32>} : memref<4x64x128xf32, #tpu.memory_space<vmem>>, vector<1x1x16xf32>,
        %mul3A_176 = arith.constant 2 : i32
        %mul3A_177 = arith.muli %mul3A_176, %scan3A_143 : i32
        %add3A_178 = arith.constant 0 : i32
        %add3A_179 = arith.addi %mul3A_177, %add3A_178 : i32
        %get3A_180 = arith.constant 0 : i32
        %get3A_181 = arith.index_cast %get3A_180 : i32 to index
        %get3A_182 = arith.index_cast %add3A_179 : i32 to index
        %get3A_183 = arith.constant 96 : index
        %get3A_184 = tpu.vector_load %arg10[%get3A_181, %get3A_182, %get3A_183] {strides = array<i32>} : memref<4x128x128xf32, #tpu.memory_space<vmem>>, vector<1x1x16xf32>,
        %get3A_185 = vector.shape_cast %get3A_184 : vector<1x1x16xf32> to vector<16xf32>
        %swap3A_186 = arith.constant 0 : i32
        %swap3A_187 = arith.index_cast %swap3A_186 : i32 to index
        %swap3A_188 = arith.index_cast %scan3A_143 : i32 to index
        %swap3A_189 = arith.constant 32 : index
        %swap3A_190 = tpu.vector_load %arg11[%swap3A_187, %swap3A_188, %swap3A_189] {strides = array<i32>} : memref<4x64x128xf32, #tpu.memory_space<vmem>>, vector<1x1x16xf32>,
        %swap3A_191 = vector.shape_cast %swap3A_190 : vector<1x1x16xf32> to vector<16xf32>
        %swap3A_192 = vector.shape_cast %get3A_185 : vector<16xf32> to vector<1x1x16xf32>
        tpu.vector_store %arg11[%swap3A_187, %swap3A_188, %swap3A_189], %swap3A_192 {strides = array<i32>} : memref<4x64x128xf32, #tpu.memory_space<vmem>>, vector<1x1x16xf32>,
        %mul3A_193 = arith.constant 2 : i32
        %mul3A_194 = arith.muli %mul3A_193, %scan3A_143 : i32
        %add3A_195 = arith.constant 0 : i32
        %add3A_196 = arith.addi %mul3A_194, %add3A_195 : i32
        %get3A_197 = arith.constant 0 : i32
        %get3A_198 = arith.index_cast %get3A_197 : i32 to index
        %get3A_199 = arith.index_cast %add3A_196 : i32 to index
        %get3A_200 = arith.constant 112 : index
        %get3A_201 = tpu.vector_load %arg10[%get3A_198, %get3A_199, %get3A_200] {strides = array<i32>} : memref<4x128x128xf32, #tpu.memory_space<vmem>>, vector<1x1x16xf32>,
        %get3A_202 = vector.shape_cast %get3A_201 : vector<1x1x16xf32> to vector<16xf32>
        %swap3A_203 = arith.constant 0 : i32
        %swap3A_204 = arith.index_cast %swap3A_203 : i32 to index
        %swap3A_205 = arith.index_cast %scan3A_143 : i32 to index
        %swap3A_206 = arith.constant 48 : index
        %swap3A_207 = tpu.vector_load %arg11[%swap3A_204, %swap3A_205, %swap3A_206] {strides = array<i32>} : memref<4x64x128xf32, #tpu.memory_space<vmem>>, vector<1x1x16xf32>,
        %swap3A_208 = vector.shape_cast %swap3A_207 : vector<1x1x16xf32> to vector<16xf32>
        %swap3A_209 = vector.shape_cast %get3A_202 : vector<16xf32> to vector<1x1x16xf32>
        tpu.vector_store %arg11[%swap3A_204, %swap3A_205, %swap3A_206], %swap3A_209 {strides = array<i32>} : memref<4x64x128xf32, #tpu.memory_space<vmem>>, vector<1x1x16xf32>,
        %mul3A_210 = arith.constant 2 : i32
        %mul3A_211 = arith.muli %mul3A_210, %scan3A_143 : i32
        %add3A_212 = arith.constant 1 : i32
        %add3A_213 = arith.addi %mul3A_211, %add3A_212 : i32
        %get3A_214 = arith.constant 0 : i32
        %get3A_215 = arith.index_cast %get3A_214 : i32 to index
        %get3A_216 = arith.index_cast %add3A_213 : i32 to index
        %get3A_217 = arith.constant 64 : index
        %get3A_218 = tpu.vector_load %arg10[%get3A_215, %get3A_216, %get3A_217] {strides = array<i32>} : memref<4x128x128xf32, #tpu.memory_space<vmem>>, vector<1x1x16xf32>,
        %get3A_219 = vector.shape_cast %get3A_218 : vector<1x1x16xf32> to vector<16xf32>
        %swap3A_220 = arith.constant 0 : i32
        %swap3A_221 = arith.index_cast %swap3A_220 : i32 to index
        %swap3A_222 = arith.index_cast %scan3A_143 : i32 to index
        %swap3A_223 = arith.constant 64 : index
        %swap3A_224 = tpu.vector_load %arg11[%swap3A_221, %swap3A_222, %swap3A_223] {strides = array<i32>} : memref<4x64x128xf32, #tpu.memory_space<vmem>>, vector<1x1x16xf32>,
        %swap3A_225 = vector.shape_cast %swap3A_224 : vector<1x1x16xf32> to vector<16xf32>
        %swap3A_226 = vector.shape_cast %get3A_219 : vector<16xf32> to vector<1x1x16xf32>
        tpu.vector_store %arg11[%swap3A_221, %swap3A_222, %swap3A_223], %swap3A_226 {strides = array<i32>} : memref<4x64x128xf32, #tpu.memory_space<vmem>>, vector<1x1x16xf32>,
        %mul3A_227 = arith.constant 2 : i32
        %mul3A_228 = arith.muli %mul3A_227, %scan3A_143 : i32
        %add3A_229 = arith.constant 1 : i32
        %add3A_230 = arith.addi %mul3A_228, %add3A_229 : i32
        %get3A_231 = arith.constant 0 : i32
        %get3A_232 = arith.index_cast %get3A_231 : i32 to index
        %get3A_233 = arith.index_cast %add3A_230 : i32 to index
        %get3A_234 = arith.constant 80 : index
        %get3A_235 = tpu.vector_load %arg10[%get3A_232, %get3A_233, %get3A_234] {strides = array<i32>} : memref<4x128x128xf32, #tpu.memory_space<vmem>>, vector<1x1x16xf32>,
        %get3A_236 = vector.shape_cast %get3A_235 : vector<1x1x16xf32> to vector<16xf32>
        %swap3A_237 = arith.constant 0 : i32
        %swap3A_238 = arith.index_cast %swap3A_237 : i32 to index
        %swap3A_239 = arith.index_cast %scan3A_143 : i32 to index
        %swap3A_240 = arith.constant 80 : index
        %swap3A_241 = tpu.vector_load %arg11[%swap3A_238, %swap3A_239, %swap3A_240] {strides = array<i32>} : memref<4x64x128xf32, #tpu.memory_space<vmem>>, vector<1x1x16xf32>,
        %swap3A_242 = vector.shape_cast %swap3A_241 : vector<1x1x16xf32> to vector<16xf32>
        %swap3A_243 = vector.shape_cast %get3A_236 : vector<16xf32> to vector<1x1x16xf32>
        tpu.vector_store %arg11[%swap3A_238, %swap3A_239, %swap3A_240], %swap3A_243 {strides = array<i32>} : memref<4x64x128xf32, #tpu.memory_space<vmem>>, vector<1x1x16xf32>,
        %mul3A_244 = arith.constant 2 : i32
        %mul3A_245 = arith.muli %mul3A_244, %scan3A_143 : i32
        %add3A_246 = arith.constant 1 : i32
        %add3A_247 = arith.addi %mul3A_245, %add3A_246 : i32
        %get3A_248 = arith.constant 0 : i32
        %get3A_249 = arith.index_cast %get3A_248 : i32 to index
        %get3A_250 = arith.index_cast %add3A_247 : i32 to index
        %get3A_251 = arith.constant 96 : index
        %get3A_252 = tpu.vector_load %arg10[%get3A_249, %get3A_250, %get3A_251] {strides = array<i32>} : memref<4x128x128xf32, #tpu.memory_space<vmem>>, vector<1x1x16xf32>,
        %get3A_253 = vector.shape_cast %get3A_252 : vector<1x1x16xf32> to vector<16xf32>
        %swap3A_254 = arith.constant 0 : i32
        %swap3A_255 = arith.index_cast %swap3A_254 : i32 to index
        %swap3A_256 = arith.index_cast %scan3A_143 : i32 to index
        %swap3A_257 = arith.constant 96 : index
        %swap3A_258 = tpu.vector_load %arg11[%swap3A_255, %swap3A_256, %swap3A_257] {strides = array<i32>} : memref<4x64x128xf32, #tpu.memory_space<vmem>>, vector<1x1x16xf32>,
        %swap3A_259 = vector.shape_cast %swap3A_258 : vector<1x1x16xf32> to vector<16xf32>
        %swap3A_260 = vector.shape_cast %get3A_253 : vector<16xf32> to vector<1x1x16xf32>
        tpu.vector_store %arg11[%swap3A_255, %swap3A_256, %swap3A_257], %swap3A_260 {strides = array<i32>} : memref<4x64x128xf32, #tpu.memory_space<vmem>>, vector<1x1x16xf32>,
        %mul3A_261 = arith.constant 2 : i32
        %mul3A_262 = arith.muli %mul3A_261, %scan3A_143 : i32
        %add3A_263 = arith.constant 1 : i32
        %add3A_264 = arith.addi %mul3A_262, %add3A_263 : i32
        %get3A_265 = arith.constant 0 : i32
        %get3A_266 = arith.index_cast %get3A_265 : i32 to index
        %get3A_267 = arith.index_cast %add3A_264 : i32 to index
        %get3A_268 = arith.constant 112 : index
        %get3A_269 = tpu.vector_load %arg10[%get3A_266, %get3A_267, %get3A_268] {strides = array<i32>} : memref<4x128x128xf32, #tpu.memory_space<vmem>>, vector<1x1x16xf32>,
        %get3A_270 = vector.shape_cast %get3A_269 : vector<1x1x16xf32> to vector<16xf32>
        %swap3A_271 = arith.constant 0 : i32
        %swap3A_272 = arith.index_cast %swap3A_271 : i32 to index
        %swap3A_273 = arith.index_cast %scan3A_143 : i32 to index
        %swap3A_274 = arith.constant 112 : index
        %swap3A_275 = tpu.vector_load %arg11[%swap3A_272, %swap3A_273, %swap3A_274] {strides = array<i32>} : memref<4x64x128xf32, #tpu.memory_space<vmem>>, vector<1x1x16xf32>,
        %swap3A_276 = vector.shape_cast %swap3A_275 : vector<1x1x16xf32> to vector<16xf32>
        %swap3A_277 = vector.shape_cast %get3A_270 : vector<16xf32> to vector<1x1x16xf32>
        tpu.vector_store %arg11[%swap3A_272, %swap3A_273, %swap3A_274], %swap3A_277 {strides = array<i32>} : memref<4x64x128xf32, #tpu.memory_space<vmem>>, vector<1x1x16xf32>,
      }
      %scan3A_102 = arith.constant 64 : i32
      %mul3A_103 = arith.constant 64 : i32
      %mul3A_104 = arith.muli %add3A_65, %mul3A_103 : i32
      %multiple_of3A = tpu.assume_multiple %mul3A_104, 8 : i32
      %dma_start3A_105 = arith.constant 0 : i32
      %dma_start3A_106 = arith.constant 0 : i32
      %dma_start3A_107 = arith.constant 0 : i32
      %dma_start3A_108 = tpu.memref_slice %arg11[%dma_start3A_105, %dma_start3A_106, %dma_start3A_107] : memref<4x64x128xf32, #tpu.memory_space<vmem>> -> memref<1x64x128xf32, #tpu.memory_space<vmem>>
      %dma_start3A_109 = tpu.memref_squeeze %dma_start3A_108 : memref<1x64x128xf32, #tpu.memory_space<vmem>> -> memref<64x128xf32, #tpu.memory_space<vmem>>
      %dma_start3A_110 = arith.constant 0 : i32
      %dma_start3A_111 = tpu.memref_slice %arg7[%multiple_of3A, %dma_start3A_110] : memref<400000x128xf32, #tpu.memory_space<hbm>> -> memref<64x128xf32, #tpu.memory_space<hbm>>
      %dma_start3A_112 = arith.constant 0 : i32
      %dma_start3A_113 = tpu.memref_slice %arg7[%multiple_of3A, %dma_start3A_112] : memref<400000x128xf32, #tpu.memory_space<hbm>> -> memref<64x128xf32, #tpu.memory_space<hbm>>
      %dma_start3A_114 = arith.constant 0 : i32
      %dma_start3A_115 = arith.constant 0 : i32
      %dma_start3A_116 = tpu.memref_slice %arg11[%dma_start3A_105, %dma_start3A_114, %dma_start3A_115] : memref<4x64x128xf32, #tpu.memory_space<vmem>> -> memref<1x64x128xf32, #tpu.memory_space<vmem>>
      %dma_start3A_117 = tpu.memref_squeeze %dma_start3A_116 : memref<1x64x128xf32, #tpu.memory_space<vmem>> -> memref<64x128xf32, #tpu.memory_space<vmem>>
      tpu.enqueue_dma source(%dma_start3A_117 : memref<64x128xf32, #tpu.memory_space<vmem>>) target(%dma_start3A_113 : memref<64x128xf32, #tpu.memory_space<hbm>>) target_semaphore(%arg15 : memref<!tpu.dma_semaphore, #tpu.memory_space<semaphore_mem>>)
      %dma_wait3A_118 = arith.constant 0 : i32
      %dma_wait3A_119 = arith.constant 0 : i32
      %dma_wait3A_120 = arith.constant 0 : i32
      %dma_wait3A_121 = tpu.memref_slice %arg11[%dma_wait3A_118, %dma_wait3A_119, %dma_wait3A_120] : memref<4x64x128xf32, #tpu.memory_space<vmem>> -> memref<1x64x128xf32, #tpu.memory_space<vmem>>
      %dma_wait3A_122 = tpu.memref_squeeze %dma_wait3A_121 : memref<1x64x128xf32, #tpu.memory_space<vmem>> -> memref<64x128xf32, #tpu.memory_space<vmem>>
      %dma_wait3A_123 = arith.constant 0 : i32
      %dma_wait3A_124 = tpu.memref_slice %arg7[%multiple_of3A, %dma_wait3A_123] : memref<400000x128xf32, #tpu.memory_space<hbm>> -> memref<64x128xf32, #tpu.memory_space<hbm>>
      %dma_wait3A_125 = arith.constant 0 : i32
      %dma_wait3A_126 = tpu.memref_slice %arg7[%multiple_of3A, %dma_wait3A_125] : memref<400000x128xf32, #tpu.memory_space<hbm>> -> memref<64x128xf32, #tpu.memory_space<hbm>>
      %dma_wait3A_127 = arith.constant 0 : i32
      %dma_wait3A_128 = arith.constant 0 : i32
      %dma_wait3A_129 = tpu.memref_slice %arg11[%dma_wait3A_118, %dma_wait3A_127, %dma_wait3A_128] : memref<4x64x128xf32, #tpu.memory_space<vmem>> -> memref<1x64x128xf32, #tpu.memory_space<vmem>>
      %dma_wait3A_130 = tpu.memref_squeeze %dma_wait3A_129 : memref<1x64x128xf32, #tpu.memory_space<vmem>> -> memref<64x128xf32, #tpu.memory_space<vmem>>
      tpu.wait_dma2 semaphore(%arg15 : memref<!tpu.dma_semaphore, #tpu.memory_space<semaphore_mem>>) src(%dma_wait3A_130 : memref<64x128xf32, #tpu.memory_space<vmem>>) dst(%dma_wait3A_126 : memref<64x128xf32, #tpu.memory_space<hbm>>)
      %dma_wait3A_131 = arith.constant 0 : i32
      %dma_wait3A_132 = arith.constant 0 : i32
      %dma_wait3A_133 = arith.constant 0 : i32
      %dma_wait3A_134 = arith.constant 0 : i32
      %dma_wait3A_135 = tpu.memref_slice %arg10[%dma_wait3A_131, %dma_wait3A_133, %dma_wait3A_134] : memref<4x128x128xf32, #tpu.memory_space<vmem>> -> memref<1x128x128xf32, #tpu.memory_space<vmem>>
      %dma_wait3A_136 = tpu.memref_squeeze %dma_wait3A_135 : memref<1x128x128xf32, #tpu.memory_space<vmem>> -> memref<128x128xf32, #tpu.memory_space<vmem>>
      %dma_wait3A_137 = arith.constant 0 : i32
      %dma_wait3A_138 = tpu.memref_slice %arg9[%dma_wait3A_132, %dma_wait3A_137] : memref<4x128xi32, #tpu.memory_space<vmem>> -> memref<1x128xi32, #tpu.memory_space<vmem>>
      %dma_wait3A_139 = tpu.memref_squeeze %dma_wait3A_138 : memref<1x128xi32, #tpu.memory_space<vmem>> -> memref<128xi32, #tpu.memory_space<vmem>>
      %dma_wait3A_140 = arith.constant 0 : i32
      %dma_wait3A_141 = arith.constant 0 : i32
      %dma_wait3A_142 = tpu.memref_slice %arg12[%dma_wait3A_140, %dma_wait3A_141] : memref<512x128xf32, #tpu.memory_space<vmem_shared>> -> memref<512x128xf32, #tpu.memory_space<vmem_shared>>
      tpu.wait_indirect_dma semaphore(%arg14 : memref<!tpu.dma_semaphore, #tpu.memory_space<semaphore_mem>>) src(%dma_wait3A_136 : memref<128x128xf32, #tpu.memory_space<vmem>>) dst(%dma_wait3A_142 : memref<512x128xf32, #tpu.memory_space<vmem_shared>>)
    } else {
    }
    %barrier3A_55 = arith.constant 0 : index
    tpu.barrier barrier_id(%barrier3A_55)
    %eq3A_56 = arith.constant 0 : i32
    %eq3A_57 = arith.cmpi eq, %arg1, %eq3A_56 : i32
    %convert_element_type3A_58 = arith.extui %eq3A_57 : i1 to i32
    %cond3A_59 = arith.constant 0 : i32
    %cond3A_60 = arith.cmpi ne, %convert_element_type3A_58, %cond3A_59 : i32
    scf.if %cond3A_60 {
      "tpu.region"() ({
        %run_scoped3A = tpu.sem_alloc : memref<!tpu.dma_semaphore, #tpu.memory_space<semaphore_mem>>
        %dma_start3A = arith.constant 0 : i32
        %dma_start3A_61 = arith.constant 0 : i32
        %dma_start3A_62 = tpu.memref_slice %arg6[%arg0, %dma_start3A, %dma_start3A_61] : memref<2x512x128xf32, #tpu.memory_space<hbm>> -> memref<1x512x128xf32, #tpu.memory_space<hbm>>
        %dma_start3A_63 = tpu.memref_squeeze %dma_start3A_62 : memref<1x512x128xf32, #tpu.memory_space<hbm>> -> memref<512x128xf32, #tpu.memory_space<hbm>>
        tpu.enqueue_dma source(%arg12 : memref<512x128xf32, #tpu.memory_space<vmem_shared>>) target(%dma_start3A_63 : memref<512x128xf32, #tpu.memory_space<hbm>>) target_semaphore(%run_scoped3A : memref<!tpu.dma_semaphore, #tpu.memory_space<semaphore_mem>>)
        %dma_wait3A = arith.constant 0 : i32
        %dma_wait3A_64 = arith.constant 0 : i32
        %dma_wait3A_65 = tpu.memref_slice %arg6[%arg0, %dma_wait3A, %dma_wait3A_64] : memref<2x512x128xf32, #tpu.memory_space<hbm>> -> memref<1x512x128xf32, #tpu.memory_space<hbm>>
        %dma_wait3A_66 = tpu.memref_squeeze %dma_wait3A_65 : memref<1x512x128xf32, #tpu.memory_space<hbm>> -> memref<512x128xf32, #tpu.memory_space<hbm>>
        tpu.wait_dma2 semaphore(%run_scoped3A : memref<!tpu.dma_semaphore, #tpu.memory_space<semaphore_mem>>) src(%arg12 : memref<512x128xf32, #tpu.memory_space<vmem_shared>>) dst(%dma_wait3A_66 : memref<512x128xf32, #tpu.memory_space<hbm>>)
        tpu.yield
      }) : () -> ()
    } else {
    }
    return
  }
}

module attributes {stable_mosaic.version = 14 : i64} {
  func.func @_tc0_body(%arg0: memref<1280x16xf32, #tpu.memory_space<vmem>>, %arg1: memref<112x128xf32, #tpu.memory_space<vmem>>, %arg2: memref<112x128xf32, #tpu.memory_space<vmem>>, %arg3: memref<128x64xf32, #tpu.memory_space<vmem>>, %arg4: memref<1280x64xf32, #tpu.memory_space<vmem>>, %arg5: memref<1280x128xf32, #tpu.memory_space<vmem>>) attributes {dimension_semantics = [], scalar_prefetch = 0 : i64, scratch_operands = 0 : i64, tpu.core_type = #tpu.core_type<tc>} {
    %broadcast_in_dim3A = arith.constant 0.000000e+00 : f32
    %broadcast_in_dim3A_0 = vector.broadcast %broadcast_in_dim3A : f32 to vector<72x128xf32>
    %get3A = arith.constant 0 : index
    %get3A_1 = arith.constant 0 : index
    %get3A_2 = vector.load %arg0[%get3A, %get3A_1] : memref<1280x16xf32, #tpu.memory_space<vmem>>, vector<56x16xf32>
    %get3A_3 = arith.constant 0 : index
    %get3A_4 = arith.constant 0 : index
    %get3A_5 = vector.load %arg1[%get3A_3, %get3A_4] : memref<112x128xf32, #tpu.memory_space<vmem>>, vector<16x128xf32>
    %dot_general3A = arith.constant dense<0.000000e+00> : vector<56x128xf32>
    %dot_general3A_6 = tpu.matmul %get3A_2, %get3A_5, %dot_general3A {dimension_numbers = #tpu.dot_dimension_numbers<[1], [0], [0], [1], [0, 0, 1, 1], [], []>, transpose_lhs_hint = false} : vector<56x16xf32>, vector<16x128xf32>, vector<56x128xf32> -> vector<56x128xf32>
    %get3A_7 = arith.constant 56 : index
    %get3A_8 = arith.constant 0 : index
    %get3A_9 = vector.load %arg0[%get3A_7, %get3A_8] : memref<1280x16xf32, #tpu.memory_space<vmem>>, vector<8x16xf32>
    %get3A_10 = arith.constant 16 : index
    %get3A_11 = arith.constant 0 : index
    %get3A_12 = vector.load %arg1[%get3A_10, %get3A_11] : memref<112x128xf32, #tpu.memory_space<vmem>>, vector<16x128xf32>
    %dot_general3A_13 = arith.constant dense<0.000000e+00> : vector<8x128xf32>
    %dot_general3A_14 = tpu.matmul %get3A_9, %get3A_12, %dot_general3A_13 {dimension_numbers = #tpu.dot_dimension_numbers<[1], [0], [0], [1], [0, 0, 1, 1], [], []>, transpose_lhs_hint = false} : vector<8x16xf32>, vector<16x128xf32>, vector<8x128xf32> -> vector<8x128xf32>
    %get3A_15 = arith.constant 64 : index
    %get3A_16 = arith.constant 0 : index
    %get3A_17 = vector.load %arg0[%get3A_15, %get3A_16] : memref<1280x16xf32, #tpu.memory_space<vmem>>, vector<32x16xf32>
    %get3A_18 = arith.constant 32 : index
    %get3A_19 = arith.constant 0 : index
    %get3A_20 = vector.load %arg1[%get3A_18, %get3A_19] : memref<112x128xf32, #tpu.memory_space<vmem>>, vector<16x128xf32>
    %dot_general3A_21 = arith.constant dense<0.000000e+00> : vector<32x128xf32>
    %dot_general3A_22 = tpu.matmul %get3A_17, %get3A_20, %dot_general3A_21 {dimension_numbers = #tpu.dot_dimension_numbers<[1], [0], [0], [1], [0, 0, 1, 1], [], []>, transpose_lhs_hint = false} : vector<32x16xf32>, vector<16x128xf32>, vector<32x128xf32> -> vector<32x128xf32>
    %get3A_23 = arith.constant 96 : index
    %get3A_24 = arith.constant 0 : index
    %get3A_25 = vector.load %arg0[%get3A_23, %get3A_24] : memref<1280x16xf32, #tpu.memory_space<vmem>>, vector<200x16xf32>
    %get3A_26 = arith.constant 48 : index
    %get3A_27 = arith.constant 0 : index
    %get3A_28 = vector.load %arg1[%get3A_26, %get3A_27] : memref<112x128xf32, #tpu.memory_space<vmem>>, vector<16x128xf32>
    %dot_general3A_29 = arith.constant dense<0.000000e+00> : vector<200x128xf32>
    %dot_general3A_30 = tpu.matmul %get3A_25, %get3A_28, %dot_general3A_29 {dimension_numbers = #tpu.dot_dimension_numbers<[1], [0], [0], [1], [0, 0, 1, 1], [], []>, transpose_lhs_hint = false} : vector<200x16xf32>, vector<16x128xf32>, vector<200x128xf32> -> vector<200x128xf32>
    %get3A_31 = arith.constant 296 : index
    %get3A_32 = arith.constant 0 : index
    %get3A_33 = vector.load %arg0[%get3A_31, %get3A_32] : memref<1280x16xf32, #tpu.memory_space<vmem>>, vector<304x16xf32>
    %get3A_34 = arith.constant 64 : index
    %get3A_35 = arith.constant 0 : index
    %get3A_36 = vector.load %arg1[%get3A_34, %get3A_35] : memref<112x128xf32, #tpu.memory_space<vmem>>, vector<16x128xf32>
    %dot_general3A_37 = arith.constant dense<0.000000e+00> : vector<304x128xf32>
    %dot_general3A_38 = tpu.matmul %get3A_33, %get3A_36, %dot_general3A_37 {dimension_numbers = #tpu.dot_dimension_numbers<[1], [0], [0], [1], [0, 0, 1, 1], [], []>, transpose_lhs_hint = false} : vector<304x16xf32>, vector<16x128xf32>, vector<304x128xf32> -> vector<304x128xf32>
    %get3A_39 = arith.constant 600 : index
    %get3A_40 = arith.constant 0 : index
    %get3A_41 = vector.load %arg0[%get3A_39, %get3A_40] : memref<1280x16xf32, #tpu.memory_space<vmem>>, vector<504x16xf32>
    %get3A_42 = arith.constant 80 : index
    %get3A_43 = arith.constant 0 : index
    %get3A_44 = vector.load %arg1[%get3A_42, %get3A_43] : memref<112x128xf32, #tpu.memory_space<vmem>>, vector<16x128xf32>
    %dot_general3A_45 = arith.constant dense<0.000000e+00> : vector<504x128xf32>
    %dot_general3A_46 = tpu.matmul %get3A_41, %get3A_44, %dot_general3A_45 {dimension_numbers = #tpu.dot_dimension_numbers<[1], [0], [0], [1], [0, 0, 1, 1], [], []>, transpose_lhs_hint = false} : vector<504x16xf32>, vector<16x128xf32>, vector<504x128xf32> -> vector<504x128xf32>
    %get3A_47 = arith.constant 1104 : index
    %get3A_48 = arith.constant 0 : index
    %get3A_49 = vector.load %arg0[%get3A_47, %get3A_48] : memref<1280x16xf32, #tpu.memory_space<vmem>>, vector<104x16xf32>
    %get3A_50 = arith.constant 96 : index
    %get3A_51 = arith.constant 0 : index
    %get3A_52 = vector.load %arg1[%get3A_50, %get3A_51] : memref<112x128xf32, #tpu.memory_space<vmem>>, vector<16x128xf32>
    %dot_general3A_53 = arith.constant dense<0.000000e+00> : vector<104x128xf32>
    %dot_general3A_54 = tpu.matmul %get3A_49, %get3A_52, %dot_general3A_53 {dimension_numbers = #tpu.dot_dimension_numbers<[1], [0], [0], [1], [0, 0, 1, 1], [], []>, transpose_lhs_hint = false} : vector<104x16xf32>, vector<16x128xf32>, vector<104x128xf32> -> vector<104x128xf32>
    %concatenate3A = tpu.concatenate %dot_general3A_6, %dot_general3A_14, %dot_general3A_22, %dot_general3A_30, %dot_general3A_38, %dot_general3A_46, %dot_general3A_54, %broadcast_in_dim3A_0 in 0 : vector<56x128xf32>, vector<8x128xf32>, vector<32x128xf32>, vector<200x128xf32>, vector<304x128xf32>, vector<504x128xf32>, vector<104x128xf32>, vector<72x128xf32> -> vector<1280x128xf32>
    %get3A_55 = arith.constant 0 : index
    %get3A_56 = arith.constant 0 : index
    %get3A_57 = vector.load %arg3[%get3A_55, %get3A_56] : memref<128x64xf32, #tpu.memory_space<vmem>>, vector<128x64xf32>
    %dot_general3A_58 = arith.constant dense<0.000000e+00> : vector<1280x64xf32>
    %dot_general3A_59 = tpu.matmul %concatenate3A, %get3A_57, %dot_general3A_58 {dimension_numbers = #tpu.dot_dimension_numbers<[1], [0], [0], [1], [0, 0, 1, 1], [], []>, transpose_lhs_hint = false} : vector<1280x128xf32>, vector<128x64xf32>, vector<1280x64xf32> -> vector<1280x64xf32>
    %swap3A = arith.constant 0 : index
    %swap3A_60 = arith.constant 0 : index
    %swap3A_61 = vector.load %arg4[%swap3A, %swap3A_60] : memref<1280x64xf32, #tpu.memory_space<vmem>>, vector<1280x64xf32>
    tpu.vector_store %arg4[%swap3A, %swap3A_60], %dot_general3A_59 {strides = array<i32>} : memref<1280x64xf32, #tpu.memory_space<vmem>>, vector<1280x64xf32>,
    %get3A_62 = arith.constant 0 : index
    %get3A_63 = arith.constant 0 : index
    %get3A_64 = vector.load %arg0[%get3A_62, %get3A_63] : memref<1280x16xf32, #tpu.memory_space<vmem>>, vector<56x16xf32>
    %get3A_65 = arith.constant 0 : index
    %get3A_66 = arith.constant 0 : index
    %get3A_67 = vector.load %arg2[%get3A_65, %get3A_66] : memref<112x128xf32, #tpu.memory_space<vmem>>, vector<16x128xf32>
    %dot_general3A_68 = arith.constant dense<0.000000e+00> : vector<56x128xf32>
    %dot_general3A_69 = tpu.matmul %get3A_64, %get3A_67, %dot_general3A_68 {dimension_numbers = #tpu.dot_dimension_numbers<[1], [0], [0], [1], [0, 0, 1, 1], [], []>, transpose_lhs_hint = false} : vector<56x16xf32>, vector<16x128xf32>, vector<56x128xf32> -> vector<56x128xf32>
    %get3A_70 = arith.constant 56 : index
    %get3A_71 = arith.constant 0 : index
    %get3A_72 = vector.load %arg0[%get3A_70, %get3A_71] : memref<1280x16xf32, #tpu.memory_space<vmem>>, vector<8x16xf32>
    %get3A_73 = arith.constant 16 : index
    %get3A_74 = arith.constant 0 : index
    %get3A_75 = vector.load %arg2[%get3A_73, %get3A_74] : memref<112x128xf32, #tpu.memory_space<vmem>>, vector<16x128xf32>
    %dot_general3A_76 = arith.constant dense<0.000000e+00> : vector<8x128xf32>
    %dot_general3A_77 = tpu.matmul %get3A_72, %get3A_75, %dot_general3A_76 {dimension_numbers = #tpu.dot_dimension_numbers<[1], [0], [0], [1], [0, 0, 1, 1], [], []>, transpose_lhs_hint = false} : vector<8x16xf32>, vector<16x128xf32>, vector<8x128xf32> -> vector<8x128xf32>
    %get3A_78 = arith.constant 64 : index
    %get3A_79 = arith.constant 0 : index
    %get3A_80 = vector.load %arg0[%get3A_78, %get3A_79] : memref<1280x16xf32, #tpu.memory_space<vmem>>, vector<32x16xf32>
    %get3A_81 = arith.constant 32 : index
    %get3A_82 = arith.constant 0 : index
    %get3A_83 = vector.load %arg2[%get3A_81, %get3A_82] : memref<112x128xf32, #tpu.memory_space<vmem>>, vector<16x128xf32>
    %dot_general3A_84 = arith.constant dense<0.000000e+00> : vector<32x128xf32>
    %dot_general3A_85 = tpu.matmul %get3A_80, %get3A_83, %dot_general3A_84 {dimension_numbers = #tpu.dot_dimension_numbers<[1], [0], [0], [1], [0, 0, 1, 1], [], []>, transpose_lhs_hint = false} : vector<32x16xf32>, vector<16x128xf32>, vector<32x128xf32> -> vector<32x128xf32>
    %get3A_86 = arith.constant 96 : index
    %get3A_87 = arith.constant 0 : index
    %get3A_88 = vector.load %arg0[%get3A_86, %get3A_87] : memref<1280x16xf32, #tpu.memory_space<vmem>>, vector<200x16xf32>
    %get3A_89 = arith.constant 48 : index
    %get3A_90 = arith.constant 0 : index
    %get3A_91 = vector.load %arg2[%get3A_89, %get3A_90] : memref<112x128xf32, #tpu.memory_space<vmem>>, vector<16x128xf32>
    %dot_general3A_92 = arith.constant dense<0.000000e+00> : vector<200x128xf32>
    %dot_general3A_93 = tpu.matmul %get3A_88, %get3A_91, %dot_general3A_92 {dimension_numbers = #tpu.dot_dimension_numbers<[1], [0], [0], [1], [0, 0, 1, 1], [], []>, transpose_lhs_hint = false} : vector<200x16xf32>, vector<16x128xf32>, vector<200x128xf32> -> vector<200x128xf32>
    %get3A_94 = arith.constant 296 : index
    %get3A_95 = arith.constant 0 : index
    %get3A_96 = vector.load %arg0[%get3A_94, %get3A_95] : memref<1280x16xf32, #tpu.memory_space<vmem>>, vector<304x16xf32>
    %get3A_97 = arith.constant 64 : index
    %get3A_98 = arith.constant 0 : index
    %get3A_99 = vector.load %arg2[%get3A_97, %get3A_98] : memref<112x128xf32, #tpu.memory_space<vmem>>, vector<16x128xf32>
    %dot_general3A_100 = arith.constant dense<0.000000e+00> : vector<304x128xf32>
    %dot_general3A_101 = tpu.matmul %get3A_96, %get3A_99, %dot_general3A_100 {dimension_numbers = #tpu.dot_dimension_numbers<[1], [0], [0], [1], [0, 0, 1, 1], [], []>, transpose_lhs_hint = false} : vector<304x16xf32>, vector<16x128xf32>, vector<304x128xf32> -> vector<304x128xf32>
    %get3A_102 = arith.constant 600 : index
    %get3A_103 = arith.constant 0 : index
    %get3A_104 = vector.load %arg0[%get3A_102, %get3A_103] : memref<1280x16xf32, #tpu.memory_space<vmem>>, vector<504x16xf32>
    %get3A_105 = arith.constant 80 : index
    %get3A_106 = arith.constant 0 : index
    %get3A_107 = vector.load %arg2[%get3A_105, %get3A_106] : memref<112x128xf32, #tpu.memory_space<vmem>>, vector<16x128xf32>
    %dot_general3A_108 = arith.constant dense<0.000000e+00> : vector<504x128xf32>
    %dot_general3A_109 = tpu.matmul %get3A_104, %get3A_107, %dot_general3A_108 {dimension_numbers = #tpu.dot_dimension_numbers<[1], [0], [0], [1], [0, 0, 1, 1], [], []>, transpose_lhs_hint = false} : vector<504x16xf32>, vector<16x128xf32>, vector<504x128xf32> -> vector<504x128xf32>
    %get3A_110 = arith.constant 1104 : index
    %get3A_111 = arith.constant 0 : index
    %get3A_112 = vector.load %arg0[%get3A_110, %get3A_111] : memref<1280x16xf32, #tpu.memory_space<vmem>>, vector<104x16xf32>
    %get3A_113 = arith.constant 96 : index
    %get3A_114 = arith.constant 0 : index
    %get3A_115 = vector.load %arg2[%get3A_113, %get3A_114] : memref<112x128xf32, #tpu.memory_space<vmem>>, vector<16x128xf32>
    %dot_general3A_116 = arith.constant dense<0.000000e+00> : vector<104x128xf32>
    %dot_general3A_117 = tpu.matmul %get3A_112, %get3A_115, %dot_general3A_116 {dimension_numbers = #tpu.dot_dimension_numbers<[1], [0], [0], [1], [0, 0, 1, 1], [], []>, transpose_lhs_hint = false} : vector<104x16xf32>, vector<16x128xf32>, vector<104x128xf32> -> vector<104x128xf32>
    %concatenate3A_118 = tpu.concatenate %dot_general3A_69, %dot_general3A_77, %dot_general3A_85, %dot_general3A_93, %dot_general3A_101, %dot_general3A_109, %dot_general3A_117, %broadcast_in_dim3A_0 in 0 : vector<56x128xf32>, vector<8x128xf32>, vector<32x128xf32>, vector<200x128xf32>, vector<304x128xf32>, vector<504x128xf32>, vector<104x128xf32>, vector<72x128xf32> -> vector<1280x128xf32>
    %swap3A_119 = arith.constant 0 : index
    %swap3A_120 = arith.constant 0 : index
    %swap3A_121 = vector.load %arg5[%swap3A_119, %swap3A_120] : memref<1280x128xf32, #tpu.memory_space<vmem>>, vector<1280x128xf32>
    tpu.vector_store %arg5[%swap3A_119, %swap3A_120], %concatenate3A_118 {strides = array<i32>} : memref<1280x128xf32, #tpu.memory_space<vmem>>, vector<1280x128xf32>,
    return
  }
}

module attributes {stable_mosaic.version = 14 : i64} {
  func.func @_tc1_body(%arg0: i32, %arg1: memref<2000x7xi32, #tpu.memory_space<vmem>>, %arg2: memref<2000x1xf32, #tpu.memory_space<vmem>>, %arg3: memref<1280x64xbf16, #tpu.memory_space<vmem>>, %arg4: memref<1280x128xbf16, #tpu.memory_space<vmem>>, %arg5: memref<1x64xf32, #tpu.memory_space<vmem>>, %arg6: memref<1x128xf32, #tpu.memory_space<vmem>>, %arg7: memref<1x128xf32, #tpu.memory_space<vmem>>, %arg8: memref<128x128xf32, #tpu.memory_space<vmem>>, %arg9: memref<1x128xf32, #tpu.memory_space<vmem>>, %arg10: memref<128x64xf32, #tpu.memory_space<vmem>>, %arg11: memref<2000x128xf32, #tpu.memory_space<vmem>>) attributes {dimension_semantics = [#tpu.dimension_semantics<arbitrary>], iteration_bounds = array<i64: 25>, scalar_prefetch = 0 : i64, scratch_operands = 0 : i64, tpu.core_type = #tpu.core_type<tc>, window_params = [{transform_indices = @transform_0, window_bounds = array<i64: 2000, 7>}, {transform_indices = @transform_1, window_bounds = array<i64: 2000, 1>}, {pipeline_mode = #tpu.pipeline_mode<synchronous>, transform_indices = @transform_2, window_bounds = array<i64: 1280, 64>}, {pipeline_mode = #tpu.pipeline_mode<synchronous>, transform_indices = @transform_3, window_bounds = array<i64: 1280, 128>}, {pipeline_mode = #tpu.pipeline_mode<synchronous>, transform_indices = @transform_4, window_bounds = array<i64: 1, 64>}, {pipeline_mode = #tpu.pipeline_mode<synchronous>, transform_indices = @transform_5, window_bounds = array<i64: 1, 128>}, {pipeline_mode = #tpu.pipeline_mode<synchronous>, transform_indices = @transform_6, window_bounds = array<i64: 1, 128>}, {pipeline_mode = #tpu.pipeline_mode<synchronous>, transform_indices = @transform_7, window_bounds = array<i64: 128, 128>}, {pipeline_mode = #tpu.pipeline_mode<synchronous>, transform_indices = @transform_8, window_bounds = array<i64: 1, 128>}, {pipeline_mode = #tpu.pipeline_mode<synchronous>, transform_indices = @transform_9, window_bounds = array<i64: 128, 64>}, {transform_indices = @transform_10, window_bounds = array<i64: 2000, 128>}]} {
    %get3A = arith.constant 0 : index
    %get3A_0 = arith.constant 0 : index
    %get3A_1 = vector.load %arg1[%get3A, %get3A_0] : memref<2000x7xi32, #tpu.memory_space<vmem>>, vector<2000x7xi32>
    %get3A_2 = arith.constant 0 : index
    %get3A_3 = arith.constant 0 : index
    %get3A_4 = vector.load %arg2[%get3A_2, %get3A_3] : memref<2000x1xf32, #tpu.memory_space<vmem>>, vector<2000x1xf32>
    %iota3A = tpu.iota {dimensions = array<i32: 1>} : vector<2000x1280xi32>
    %slice3A = vector.extract_strided_slice %get3A_1 {offsets = [0, 0], sizes = [2000, 1], strides = [1, 1]} : vector<2000x7xi32> to vector<2000x1xi32>
    %add3A = arith.constant 0 : i32
    %add3A_5 = vector.broadcast %add3A : i32 to vector<2000x1xi32>
    %add3A_6 = arith.addi %slice3A, %add3A_5 : vector<2000x1xi32>
    %eq3A = vector.broadcast %add3A_6 : vector<2000x1xi32> to vector<2000x1280xi32>
    %eq3A_7 = arith.cmpi eq, %iota3A, %eq3A : vector<2000x1280xi32>
    %slice3A_8 = vector.extract_strided_slice %get3A_1 {offsets = [0, 1], sizes = [2000, 1], strides = [1, 1]} : vector<2000x7xi32> to vector<2000x1xi32>
    %add3A_9 = arith.constant 56 : i32
    %add3A_10 = vector.broadcast %add3A_9 : i32 to vector<2000x1xi32>
    %add3A_11 = arith.addi %slice3A_8, %add3A_10 : vector<2000x1xi32>
    %eq3A_12 = vector.broadcast %add3A_11 : vector<2000x1xi32> to vector<2000x1280xi32>
    %eq3A_13 = arith.cmpi eq, %iota3A, %eq3A_12 : vector<2000x1280xi32>
    %or3A = arith.ori %eq3A_7, %eq3A_13 : vector<2000x1280xi1>
    %slice3A_14 = vector.extract_strided_slice %get3A_1 {offsets = [0, 2], sizes = [2000, 1], strides = [1, 1]} : vector<2000x7xi32> to vector<2000x1xi32>
    %add3A_15 = arith.constant 64 : i32
    %add3A_16 = vector.broadcast %add3A_15 : i32 to vector<2000x1xi32>
    %add3A_17 = arith.addi %slice3A_14, %add3A_16 : vector<2000x1xi32>
    %eq3A_18 = vector.broadcast %add3A_17 : vector<2000x1xi32> to vector<2000x1280xi32>
    %eq3A_19 = arith.cmpi eq, %iota3A, %eq3A_18 : vector<2000x1280xi32>
    %or3A_20 = arith.ori %or3A, %eq3A_19 : vector<2000x1280xi1>
    %slice3A_21 = vector.extract_strided_slice %get3A_1 {offsets = [0, 3], sizes = [2000, 1], strides = [1, 1]} : vector<2000x7xi32> to vector<2000x1xi32>
    %add3A_22 = arith.constant 96 : i32
    %add3A_23 = vector.broadcast %add3A_22 : i32 to vector<2000x1xi32>
    %add3A_24 = arith.addi %slice3A_21, %add3A_23 : vector<2000x1xi32>
    %eq3A_25 = vector.broadcast %add3A_24 : vector<2000x1xi32> to vector<2000x1280xi32>
    %eq3A_26 = arith.cmpi eq, %iota3A, %eq3A_25 : vector<2000x1280xi32>
    %or3A_27 = arith.ori %or3A_20, %eq3A_26 : vector<2000x1280xi1>
    %slice3A_28 = vector.extract_strided_slice %get3A_1 {offsets = [0, 4], sizes = [2000, 1], strides = [1, 1]} : vector<2000x7xi32> to vector<2000x1xi32>
    %add3A_29 = arith.constant 296 : i32
    %add3A_30 = vector.broadcast %add3A_29 : i32 to vector<2000x1xi32>
    %add3A_31 = arith.addi %slice3A_28, %add3A_30 : vector<2000x1xi32>
    %eq3A_32 = vector.broadcast %add3A_31 : vector<2000x1xi32> to vector<2000x1280xi32>
    %eq3A_33 = arith.cmpi eq, %iota3A, %eq3A_32 : vector<2000x1280xi32>
    %or3A_34 = arith.ori %or3A_27, %eq3A_33 : vector<2000x1280xi1>
    %slice3A_35 = vector.extract_strided_slice %get3A_1 {offsets = [0, 5], sizes = [2000, 1], strides = [1, 1]} : vector<2000x7xi32> to vector<2000x1xi32>
    %add3A_36 = arith.constant 600 : i32
    %add3A_37 = vector.broadcast %add3A_36 : i32 to vector<2000x1xi32>
    %add3A_38 = arith.addi %slice3A_35, %add3A_37 : vector<2000x1xi32>
    %eq3A_39 = vector.broadcast %add3A_38 : vector<2000x1xi32> to vector<2000x1280xi32>
    %eq3A_40 = arith.cmpi eq, %iota3A, %eq3A_39 : vector<2000x1280xi32>
    %or3A_41 = arith.ori %or3A_34, %eq3A_40 : vector<2000x1280xi1>
    %slice3A_42 = vector.extract_strided_slice %get3A_1 {offsets = [0, 6], sizes = [2000, 1], strides = [1, 1]} : vector<2000x7xi32> to vector<2000x1xi32>
    %add3A_43 = arith.constant 1104 : i32
    %add3A_44 = vector.broadcast %add3A_43 : i32 to vector<2000x1xi32>
    %add3A_45 = arith.addi %slice3A_42, %add3A_44 : vector<2000x1xi32>
    %eq3A_46 = vector.broadcast %add3A_45 : vector<2000x1xi32> to vector<2000x1280xi32>
    %eq3A_47 = arith.cmpi eq, %iota3A, %eq3A_46 : vector<2000x1280xi32>
    %or3A_48 = arith.ori %or3A_41, %eq3A_47 : vector<2000x1280xi1>
    %convert_element_type3A = arith.extui %or3A_48 : vector<2000x1280xi1> to vector<2000x1280xi32>
    %convert_element_type3A_49 = arith.sitofp %convert_element_type3A : vector<2000x1280xi32> to vector<2000x1280xf32>
    %convert_element_type3A_50 = arith.truncf %convert_element_type3A_49 : vector<2000x1280xf32> to vector<2000x1280xbf16>
    %get3A_51 = arith.constant 0 : index
    %get3A_52 = arith.constant 0 : index
    %get3A_53 = vector.load %arg3[%get3A_51, %get3A_52] : memref<1280x64xbf16, #tpu.memory_space<vmem>>, vector<1280x64xbf16>
    %dot_general3A = arith.constant dense<0.000000e+00> : vector<2000x64xf32>
    %dot_general3A_54 = tpu.matmul %convert_element_type3A_50, %get3A_53, %dot_general3A {dimension_numbers = #tpu.dot_dimension_numbers<[1], [0], [0], [1], [0, 0, 1, 1], [], []>, transpose_lhs_hint = false} : vector<2000x1280xbf16>, vector<1280x64xbf16>, vector<2000x64xf32> -> vector<2000x64xf32>
    %get3A_55 = arith.constant 0 : index
    %get3A_56 = arith.constant 0 : index
    %get3A_57 = vector.load %arg5[%get3A_55, %get3A_56] : memref<1x64xf32, #tpu.memory_space<vmem>>, vector<1x64xf32>
    %mul3A = vector.broadcast %get3A_4 : vector<2000x1xf32> to vector<2000x64xf32>
    %mul3A_58 = vector.broadcast %get3A_57 : vector<1x64xf32> to vector<2000x64xf32>
    %mul3A_59 = arith.mulf %mul3A, %mul3A_58 : vector<2000x64xf32>
    %add3A_60 = arith.addf %dot_general3A_54, %mul3A_59 : vector<2000x64xf32>
    %iota3A_61 = tpu.iota {dimensions = array<i32: 1>} : vector<2000x64xi32>
    %eq3A_62 = arith.constant 48 : i32
    %eq3A_63 = vector.broadcast %eq3A_62 : i32 to vector<2000x64xi32>
    %eq3A_64 = arith.cmpi eq, %iota3A_61, %eq3A_63 : vector<2000x64xi32>
    %jit3A = arith.constant 1.000000e+00 : f32
    %broadcast_in_dim3A = vector.broadcast %jit3A : f32 to vector<2000x64xf32>
    %select_n3A = arith.select %eq3A_64, %broadcast_in_dim3A, %add3A_60 : vector<2000x64xi1>, vector<2000x64xf32>
    %get3A_65 = arith.constant 0 : index
    %get3A_66 = arith.constant 0 : index
    %get3A_67 = vector.load %arg4[%get3A_65, %get3A_66] : memref<1280x128xbf16, #tpu.memory_space<vmem>>, vector<1280x128xbf16>
    %dot_general3A_68 = arith.constant dense<0.000000e+00> : vector<2000x128xf32>
    %dot_general3A_69 = tpu.matmul %convert_element_type3A_50, %get3A_67, %dot_general3A_68 {dimension_numbers = #tpu.dot_dimension_numbers<[1], [0], [0], [1], [0, 0, 1, 1], [], []>, transpose_lhs_hint = false} : vector<2000x1280xbf16>, vector<1280x128xbf16>, vector<2000x128xf32> -> vector<2000x128xf32>
    %get3A_70 = arith.constant 0 : index
    %get3A_71 = arith.constant 0 : index
    %get3A_72 = vector.load %arg6[%get3A_70, %get3A_71] : memref<1x128xf32, #tpu.memory_space<vmem>>, vector<1x128xf32>
    %mul3A_73 = vector.broadcast %get3A_4 : vector<2000x1xf32> to vector<2000x128xf32>
    %mul3A_74 = vector.broadcast %get3A_72 : vector<1x128xf32> to vector<2000x128xf32>
    %mul3A_75 = arith.mulf %mul3A_73, %mul3A_74 : vector<2000x128xf32>
    %add3A_76 = arith.addf %dot_general3A_69, %mul3A_75 : vector<2000x128xf32>
    %get3A_77 = arith.constant 0 : index
    %get3A_78 = arith.constant 0 : index
    %get3A_79 = vector.load %arg7[%get3A_77, %get3A_78] : memref<1x128xf32, #tpu.memory_space<vmem>>, vector<1x128xf32>
    %add3A_80 = vector.broadcast %get3A_79 : vector<1x128xf32> to vector<2000x128xf32>
    %add3A_81 = arith.addf %add3A_76, %add3A_80 : vector<2000x128xf32>
    %max3A = arith.constant 0.000000e+00 : f32
    %max3A_82 = vector.broadcast %max3A : f32 to vector<2000x128xf32>
    %max3A_83 = arith.maximumf %add3A_81, %max3A_82 : vector<2000x128xf32>
    %get3A_84 = arith.constant 0 : index
    %get3A_85 = arith.constant 0 : index
    %get3A_86 = vector.load %arg8[%get3A_84, %get3A_85] : memref<128x128xf32, #tpu.memory_space<vmem>>, vector<128x128xf32>
    %dot_general3A_87 = arith.constant dense<0.000000e+00> : vector<2000x128xf32>
    %dot_general3A_88 = tpu.matmul %max3A_83, %get3A_86, %dot_general3A_87 {dimension_numbers = #tpu.dot_dimension_numbers<[1], [0], [0], [1], [0, 0, 1, 1], [], []>, transpose_lhs_hint = false} : vector<2000x128xf32>, vector<128x128xf32>, vector<2000x128xf32> -> vector<2000x128xf32>
    %get3A_89 = arith.constant 0 : index
    %get3A_90 = arith.constant 0 : index
    %get3A_91 = vector.load %arg9[%get3A_89, %get3A_90] : memref<1x128xf32, #tpu.memory_space<vmem>>, vector<1x128xf32>
    %add3A_92 = vector.broadcast %get3A_91 : vector<1x128xf32> to vector<2000x128xf32>
    %add3A_93 = arith.addf %dot_general3A_88, %add3A_92 : vector<2000x128xf32>
    %max3A_94 = arith.constant 0.000000e+00 : f32
    %max3A_95 = vector.broadcast %max3A_94 : f32 to vector<2000x128xf32>
    %max3A_96 = arith.maximumf %add3A_93, %max3A_95 : vector<2000x128xf32>
    %get3A_97 = arith.constant 0 : index
    %get3A_98 = arith.constant 0 : index
    %get3A_99 = vector.load %arg10[%get3A_97, %get3A_98] : memref<128x64xf32, #tpu.memory_space<vmem>>, vector<128x64xf32>
    %dot_general3A_100 = arith.constant dense<0.000000e+00> : vector<2000x64xf32>
    %dot_general3A_101 = tpu.matmul %max3A_96, %get3A_99, %dot_general3A_100 {dimension_numbers = #tpu.dot_dimension_numbers<[1], [0], [0], [1], [0, 0, 1, 1], [], []>, transpose_lhs_hint = false} : vector<2000x128xf32>, vector<128x64xf32>, vector<2000x64xf32> -> vector<2000x64xf32>
    %swap3A = arith.constant 0 : index
    %swap3A_102 = arith.constant 0 : index
    %swap3A_103 = vector.load %arg11[%swap3A, %swap3A_102] : memref<2000x128xf32, #tpu.memory_space<vmem>>, vector<2000x64xf32>
    tpu.vector_store %arg11[%swap3A, %swap3A_102], %select_n3A {strides = array<i32>} : memref<2000x128xf32, #tpu.memory_space<vmem>>, vector<2000x64xf32>,
    %swap3A_104 = arith.constant 0 : index
    %swap3A_105 = arith.constant 64 : index
    %swap3A_106 = vector.load %arg11[%swap3A_104, %swap3A_105] : memref<2000x128xf32, #tpu.memory_space<vmem>>, vector<2000x64xf32>
    tpu.vector_store %arg11[%swap3A_104, %swap3A_105], %dot_general3A_101 {strides = array<i32>} : memref<2000x128xf32, #tpu.memory_space<vmem>>, vector<2000x64xf32>,
    return
  }
  func.func @transform_0(%arg0: i32) -> (i32, i32) {
    %c0_i32 = arith.constant 0 : i32
    %c0_i32_0 = arith.constant 0 : i32
    return %arg0, %c0_i32 : i32, i32
  }
  func.func @transform_1(%arg0: i32) -> (i32, i32) {
    %c0_i32 = arith.constant 0 : i32
    %c0_i32_0 = arith.constant 0 : i32
    return %arg0, %c0_i32 : i32, i32
  }
  func.func @transform_2(%arg0: i32) -> (i32, i32) {
    %c0_i32 = arith.constant 0 : i32
    %c0_i32_0 = arith.constant 0 : i32
    %c0_i32_1 = arith.constant 0 : i32
    return %c0_i32, %c0_i32_0 : i32, i32
  }
  func.func @transform_3(%arg0: i32) -> (i32, i32) {
    %c0_i32 = arith.constant 0 : i32
    %c0_i32_0 = arith.constant 0 : i32
    %c0_i32_1 = arith.constant 0 : i32
    return %c0_i32, %c0_i32_0 : i32, i32
  }
  func.func @transform_4(%arg0: i32) -> (i32, i32) {
    %c0_i32 = arith.constant 0 : i32
    %c0_i32_0 = arith.constant 0 : i32
    %c0_i32_1 = arith.constant 0 : i32
    return %c0_i32, %c0_i32_0 : i32, i32
  }
  func.func @transform_5(%arg0: i32) -> (i32, i32) {
    %c0_i32 = arith.constant 0 : i32
    %c0_i32_0 = arith.constant 0 : i32
    %c0_i32_1 = arith.constant 0 : i32
    return %c0_i32, %c0_i32_0 : i32, i32
  }
  func.func @transform_6(%arg0: i32) -> (i32, i32) {
    %c0_i32 = arith.constant 0 : i32
    %c0_i32_0 = arith.constant 0 : i32
    %c0_i32_1 = arith.constant 0 : i32
    return %c0_i32, %c0_i32_0 : i32, i32
  }
  func.func @transform_7(%arg0: i32) -> (i32, i32) {
    %c0_i32 = arith.constant 0 : i32
    %c0_i32_0 = arith.constant 0 : i32
    %c0_i32_1 = arith.constant 0 : i32
    return %c0_i32, %c0_i32_0 : i32, i32
  }
  func.func @transform_8(%arg0: i32) -> (i32, i32) {
    %c0_i32 = arith.constant 0 : i32
    %c0_i32_0 = arith.constant 0 : i32
    %c0_i32_1 = arith.constant 0 : i32
    return %c0_i32, %c0_i32_0 : i32, i32
  }
  func.func @transform_9(%arg0: i32) -> (i32, i32) {
    %c0_i32 = arith.constant 0 : i32
    %c0_i32_0 = arith.constant 0 : i32
    %c0_i32_1 = arith.constant 0 : i32
    return %c0_i32, %c0_i32_0 : i32, i32
  }
  func.func @transform_10(%arg0: i32) -> (i32, i32) {
    %c0_i32 = arith.constant 0 : i32
    %c0_i32_0 = arith.constant 0 : i32
    return %arg0, %c0_i32 : i32, i32
  }
}

module attributes {stable_mosaic.version = 14 : i64} {
  func.func @_tc2_body(%arg0: memref<2x512x128xf32, #tpu.memory_space<vmem>>, %arg1: memref<512x32xf32, #tpu.memory_space<vmem>>, %arg2: memref<32x16xf32, #tpu.memory_space<vmem>>, %arg3: memref<1x16xf32, #tpu.memory_space<vmem>>, %arg4: memref<16x64xf32, #tpu.memory_space<vmem>>, %arg5: memref<1x64xf32, #tpu.memory_space<vmem>>, %arg6: memref<64x64xf32, #tpu.memory_space<vmem>>, %arg7: memref<1x64xf32, #tpu.memory_space<vmem>>, %arg8: memref<512x64xf32, #tpu.memory_space<vmem>>) attributes {dimension_semantics = [], scalar_prefetch = 0 : i64, scratch_operands = 0 : i64, tpu.core_type = #tpu.core_type<tc>} {
    %get3A = arith.constant 0 : index
    %get3A_0 = arith.constant 0 : index
    %get3A_1 = arith.constant 0 : index
    %get3A_2 = vector.load %arg0[%get3A, %get3A_0, %get3A_1] : memref<2x512x128xf32, #tpu.memory_space<vmem>>, vector<1x512x128xf32>
    %get3A_3 = vector.shape_cast %get3A_2 : vector<1x512x128xf32> to vector<512x128xf32>
    %get3A_4 = arith.constant 1 : index
    %get3A_5 = arith.constant 0 : index
    %get3A_6 = arith.constant 0 : index
    %get3A_7 = vector.load %arg0[%get3A_4, %get3A_5, %get3A_6] : memref<2x512x128xf32, #tpu.memory_space<vmem>>, vector<1x512x128xf32>
    %get3A_8 = vector.shape_cast %get3A_7 : vector<1x512x128xf32> to vector<512x128xf32>
    %add3A = arith.addf %get3A_3, %get3A_8 : vector<512x128xf32>
    %slice3A = vector.extract_strided_slice %add3A {offsets = [0, 48], sizes = [512, 1], strides = [1, 1]} : vector<512x128xf32> to vector<512x1xf32>
    %max3A = arith.constant 1.000000e+00 : f32
    %max3A_9 = vector.broadcast %max3A : f32 to vector<512x1xf32>
    %max3A_10 = arith.maximumf %slice3A, %max3A_9 : vector<512x1xf32>
    %div3A = arith.constant 1.000000e+00 : f32
    %div3A_11 = vector.broadcast %div3A : f32 to vector<512x1xf32>
    %div3A_12 = arith.divf %div3A_11, %max3A_10 : vector<512x1xf32>
    %get3A_13 = arith.constant 0 : index
    %get3A_14 = arith.constant 0 : index
    %get3A_15 = vector.load %arg1[%get3A_13, %get3A_14] : memref<512x32xf32, #tpu.memory_space<vmem>>, vector<512x32xf32>
    %get3A_16 = arith.constant 0 : index
    %get3A_17 = arith.constant 0 : index
    %get3A_18 = vector.load %arg2[%get3A_16, %get3A_17] : memref<32x16xf32, #tpu.memory_space<vmem>>, vector<32x16xf32>
    %dot_general3A = arith.constant dense<0.000000e+00> : vector<512x16xf32>
    %dot_general3A_19 = tpu.matmul %get3A_15, %get3A_18, %dot_general3A {dimension_numbers = #tpu.dot_dimension_numbers<[1], [0], [0], [1], [0, 0, 1, 1], [], []>, transpose_lhs_hint = false} : vector<512x32xf32>, vector<32x16xf32>, vector<512x16xf32> -> vector<512x16xf32>
    %get3A_20 = arith.constant 0 : index
    %get3A_21 = arith.constant 0 : index
    %get3A_22 = vector.load %arg3[%get3A_20, %get3A_21] : memref<1x16xf32, #tpu.memory_space<vmem>>, vector<1x16xf32>
    %add3A_23 = vector.broadcast %get3A_22 : vector<1x16xf32> to vector<512x16xf32>
    %add3A_24 = arith.addf %dot_general3A_19, %add3A_23 : vector<512x16xf32>
    %get3A_25 = arith.constant 0 : index
    %get3A_26 = arith.constant 0 : index
    %get3A_27 = vector.load %arg4[%get3A_25, %get3A_26] : memref<16x64xf32, #tpu.memory_space<vmem>>, vector<16x64xf32>
    %dot_general3A_28 = arith.constant dense<0.000000e+00> : vector<512x64xf32>
    %dot_general3A_29 = tpu.matmul %add3A_24, %get3A_27, %dot_general3A_28 {dimension_numbers = #tpu.dot_dimension_numbers<[1], [0], [0], [1], [0, 0, 1, 1], [], []>, transpose_lhs_hint = false} : vector<512x16xf32>, vector<16x64xf32>, vector<512x64xf32> -> vector<512x64xf32>
    %slice3A_30 = vector.extract_strided_slice %add3A {offsets = [0, 0], sizes = [512, 64], strides = [1, 1]} : vector<512x128xf32> to vector<512x64xf32>
    %mul3A = vector.broadcast %div3A_12 : vector<512x1xf32> to vector<512x64xf32>
    %mul3A_31 = arith.mulf %slice3A_30, %mul3A : vector<512x64xf32>
    %add3A_32 = arith.addf %dot_general3A_29, %mul3A_31 : vector<512x64xf32>
    %get3A_33 = arith.constant 0 : index
    %get3A_34 = arith.constant 0 : index
    %get3A_35 = vector.load %arg5[%get3A_33, %get3A_34] : memref<1x64xf32, #tpu.memory_space<vmem>>, vector<1x64xf32>
    %add3A_36 = vector.broadcast %get3A_35 : vector<1x64xf32> to vector<512x64xf32>
    %add3A_37 = arith.addf %add3A_32, %add3A_36 : vector<512x64xf32>
    %max3A_38 = arith.constant 0.000000e+00 : f32
    %max3A_39 = vector.broadcast %max3A_38 : f32 to vector<512x64xf32>
    %max3A_40 = arith.maximumf %add3A_37, %max3A_39 : vector<512x64xf32>
    %get3A_41 = arith.constant 0 : index
    %get3A_42 = arith.constant 0 : index
    %get3A_43 = vector.load %arg6[%get3A_41, %get3A_42] : memref<64x64xf32, #tpu.memory_space<vmem>>, vector<64x64xf32>
    %dot_general3A_44 = arith.constant dense<0.000000e+00> : vector<512x64xf32>
    %dot_general3A_45 = tpu.matmul %max3A_40, %get3A_43, %dot_general3A_44 {dimension_numbers = #tpu.dot_dimension_numbers<[1], [0], [0], [1], [0, 0, 1, 1], [], []>, transpose_lhs_hint = false} : vector<512x64xf32>, vector<64x64xf32>, vector<512x64xf32> -> vector<512x64xf32>
    %get3A_46 = arith.constant 0 : index
    %get3A_47 = arith.constant 0 : index
    %get3A_48 = vector.load %arg7[%get3A_46, %get3A_47] : memref<1x64xf32, #tpu.memory_space<vmem>>, vector<1x64xf32>
    %add3A_49 = vector.broadcast %get3A_48 : vector<1x64xf32> to vector<512x64xf32>
    %add3A_50 = arith.addf %dot_general3A_45, %add3A_49 : vector<512x64xf32>
    %swap3A = arith.constant 0 : index
    %swap3A_51 = arith.constant 0 : index
    %swap3A_52 = vector.load %arg8[%swap3A, %swap3A_51] : memref<512x64xf32, #tpu.memory_space<vmem>>, vector<512x64xf32>
    tpu.vector_store %arg8[%swap3A, %swap3A_51], %add3A_50 {strides = array<i32>} : memref<512x64xf32, #tpu.memory_space<vmem>>, vector<512x64xf32>,
    return
  }
}

module attributes {stable_mosaic.version = 14 : i64} {
  func.func @_tc3_body(%arg0: i32, %arg1: memref<2000x128xf32, #tpu.memory_space<vmem>>, %arg2: memref<2000x2xi32, #tpu.memory_space<vmem>>, %arg3: memref<512x64xbf16, #tpu.memory_space<vmem>>, %arg4: memref<64x32xf32, #tpu.memory_space<vmem>>, %arg5: memref<1x32xf32, #tpu.memory_space<vmem>>, %arg6: memref<32x8xf32, #tpu.memory_space<vmem>>, %arg7: memref<32x8xf32, #tpu.memory_space<vmem>>, %arg8: memref<1x8xf32, #tpu.memory_space<vmem>>, %arg9: memref<2000x8xf32, #tpu.memory_space<vmem>>) attributes {dimension_semantics = [#tpu.dimension_semantics<arbitrary>], iteration_bounds = array<i64: 200>, scalar_prefetch = 0 : i64, scratch_operands = 0 : i64, tpu.core_type = #tpu.core_type<tc>, window_params = [{transform_indices = @transform_0, window_bounds = array<i64: 2000, 128>}, {transform_indices = @transform_1, window_bounds = array<i64: 2000, 2>}, {pipeline_mode = #tpu.pipeline_mode<synchronous>, transform_indices = @transform_2, window_bounds = array<i64: 512, 64>}, {pipeline_mode = #tpu.pipeline_mode<synchronous>, transform_indices = @transform_3, window_bounds = array<i64: 64, 32>}, {pipeline_mode = #tpu.pipeline_mode<synchronous>, transform_indices = @transform_4, window_bounds = array<i64: 1, 32>}, {pipeline_mode = #tpu.pipeline_mode<synchronous>, transform_indices = @transform_5, window_bounds = array<i64: 32, 8>}, {pipeline_mode = #tpu.pipeline_mode<synchronous>, transform_indices = @transform_6, window_bounds = array<i64: 32, 8>}, {pipeline_mode = #tpu.pipeline_mode<synchronous>, transform_indices = @transform_7, window_bounds = array<i64: 1, 8>}, {transform_indices = @transform_8, window_bounds = array<i64: 2000, 8>}]} {
    %get3A = arith.constant 0 : index
    %get3A_0 = arith.constant 0 : index
    %get3A_1 = vector.load %arg1[%get3A, %get3A_0] : memref<2000x128xf32, #tpu.memory_space<vmem>>, vector<2000x128xf32>
    %get3A_2 = arith.constant 0 : index
    %get3A_3 = arith.constant 0 : index
    %get3A_4 = vector.load %arg2[%get3A_2, %get3A_3] : memref<2000x2xi32, #tpu.memory_space<vmem>>, vector<2000x2xi32>
    %iota3A = tpu.iota {dimensions = array<i32: 1>} : vector<2000x512xi32>
    %slice3A = vector.extract_strided_slice %get3A_4 {offsets = [0, 0], sizes = [2000, 1], strides = [1, 1]} : vector<2000x2xi32> to vector<2000x1xi32>
    %eq3A = vector.broadcast %slice3A : vector<2000x1xi32> to vector<2000x512xi32>
    %eq3A_5 = arith.cmpi eq, %iota3A, %eq3A : vector<2000x512xi32>
    %jit3A = arith.constant 1.000000e+00 : f32
    %jit3A_6 = arith.constant 0.000000e+00 : f32
    %broadcast_in_dim3A = vector.broadcast %jit3A : f32 to vector<2000x512xf32>
    %broadcast_in_dim3A_7 = vector.broadcast %jit3A_6 : f32 to vector<2000x512xf32>
    %select_n3A = arith.select %eq3A_5, %broadcast_in_dim3A, %broadcast_in_dim3A_7 : vector<2000x512xi1>, vector<2000x512xf32>
    %convert_element_type3A = arith.truncf %select_n3A : vector<2000x512xf32> to vector<2000x512xbf16>
    %slice3A_8 = vector.extract_strided_slice %get3A_4 {offsets = [0, 1], sizes = [2000, 1], strides = [1, 1]} : vector<2000x2xi32> to vector<2000x1xi32>
    %eq3A_9 = vector.broadcast %slice3A_8 : vector<2000x1xi32> to vector<2000x512xi32>
    %eq3A_10 = arith.cmpi eq, %iota3A, %eq3A_9 : vector<2000x512xi32>
    %jit3A_11 = arith.constant 1.000000e+00 : f32
    %jit3A_12 = arith.constant 0.000000e+00 : f32
    %broadcast_in_dim3A_13 = vector.broadcast %jit3A_11 : f32 to vector<2000x512xf32>
    %broadcast_in_dim3A_14 = vector.broadcast %jit3A_12 : f32 to vector<2000x512xf32>
    %select_n3A_15 = arith.select %eq3A_10, %broadcast_in_dim3A_13, %broadcast_in_dim3A_14 : vector<2000x512xi1>, vector<2000x512xf32>
    %convert_element_type3A_16 = arith.truncf %select_n3A_15 : vector<2000x512xf32> to vector<2000x512xbf16>
    %get3A_17 = arith.constant 0 : index
    %get3A_18 = arith.constant 0 : index
    %get3A_19 = vector.load %arg3[%get3A_17, %get3A_18] : memref<512x64xbf16, #tpu.memory_space<vmem>>, vector<512x64xbf16>
    %dot_general3A = arith.constant dense<0.000000e+00> : vector<2000x64xf32>
    %dot_general3A_20 = tpu.matmul %convert_element_type3A, %get3A_19, %dot_general3A {dimension_numbers = #tpu.dot_dimension_numbers<[1], [0], [0], [1], [0, 0, 1, 1], [], []>, transpose_lhs_hint = false} : vector<2000x512xbf16>, vector<512x64xbf16>, vector<2000x64xf32> -> vector<2000x64xf32>
    %dot_general3A_21 = arith.constant dense<0.000000e+00> : vector<2000x64xf32>
    %dot_general3A_22 = tpu.matmul %convert_element_type3A_16, %get3A_19, %dot_general3A_21 {dimension_numbers = #tpu.dot_dimension_numbers<[1], [0], [0], [1], [0, 0, 1, 1], [], []>, transpose_lhs_hint = false} : vector<2000x512xbf16>, vector<512x64xbf16>, vector<2000x64xf32> -> vector<2000x64xf32>
    %slice3A_23 = vector.extract_strided_slice %get3A_1 {offsets = [0, 0], sizes = [2000, 64], strides = [1, 1]} : vector<2000x128xf32> to vector<2000x64xf32>
    %add3A = arith.addf %slice3A_23, %dot_general3A_20 : vector<2000x64xf32>
    %max3A = arith.constant 0.000000e+00 : f32
    %max3A_24 = vector.broadcast %max3A : f32 to vector<2000x64xf32>
    %max3A_25 = arith.maximumf %add3A, %max3A_24 : vector<2000x64xf32>
    %slice3A_26 = vector.extract_strided_slice %get3A_1 {offsets = [0, 64], sizes = [2000, 64], strides = [1, 1]} : vector<2000x128xf32> to vector<2000x64xf32>
    %add3A_27 = arith.addf %slice3A_26, %dot_general3A_22 : vector<2000x64xf32>
    %max3A_28 = arith.constant 0.000000e+00 : f32
    %max3A_29 = vector.broadcast %max3A_28 : f32 to vector<2000x64xf32>
    %max3A_30 = arith.maximumf %add3A_27, %max3A_29 : vector<2000x64xf32>
    %get3A_31 = arith.constant 0 : index
    %get3A_32 = arith.constant 0 : index
    %get3A_33 = vector.load %arg4[%get3A_31, %get3A_32] : memref<64x32xf32, #tpu.memory_space<vmem>>, vector<64x32xf32>
    %get3A_34 = arith.constant 0 : index
    %get3A_35 = arith.constant 0 : index
    %get3A_36 = vector.load %arg5[%get3A_34, %get3A_35] : memref<1x32xf32, #tpu.memory_space<vmem>>, vector<1x32xf32>
    %dot_general3A_37 = arith.constant dense<0.000000e+00> : vector<2000x32xf32>
    %dot_general3A_38 = tpu.matmul %max3A_25, %get3A_33, %dot_general3A_37 {dimension_numbers = #tpu.dot_dimension_numbers<[1], [0], [0], [1], [0, 0, 1, 1], [], []>, transpose_lhs_hint = false} : vector<2000x64xf32>, vector<64x32xf32>, vector<2000x32xf32> -> vector<2000x32xf32>
    %add3A_39 = vector.broadcast %get3A_36 : vector<1x32xf32> to vector<2000x32xf32>
    %add3A_40 = arith.addf %dot_general3A_38, %add3A_39 : vector<2000x32xf32>
    %max3A_41 = arith.constant 0.000000e+00 : f32
    %max3A_42 = vector.broadcast %max3A_41 : f32 to vector<2000x32xf32>
    %max3A_43 = arith.maximumf %add3A_40, %max3A_42 : vector<2000x32xf32>
    %dot_general3A_44 = arith.constant dense<0.000000e+00> : vector<2000x32xf32>
    %dot_general3A_45 = tpu.matmul %max3A_30, %get3A_33, %dot_general3A_44 {dimension_numbers = #tpu.dot_dimension_numbers<[1], [0], [0], [1], [0, 0, 1, 1], [], []>, transpose_lhs_hint = false} : vector<2000x64xf32>, vector<64x32xf32>, vector<2000x32xf32> -> vector<2000x32xf32>
    %add3A_46 = vector.broadcast %get3A_36 : vector<1x32xf32> to vector<2000x32xf32>
    %add3A_47 = arith.addf %dot_general3A_45, %add3A_46 : vector<2000x32xf32>
    %max3A_48 = arith.constant 0.000000e+00 : f32
    %max3A_49 = vector.broadcast %max3A_48 : f32 to vector<2000x32xf32>
    %max3A_50 = arith.maximumf %add3A_47, %max3A_49 : vector<2000x32xf32>
    %get3A_51 = arith.constant 0 : index
    %get3A_52 = arith.constant 0 : index
    %get3A_53 = vector.load %arg6[%get3A_51, %get3A_52] : memref<32x8xf32, #tpu.memory_space<vmem>>, vector<32x8xf32>
    %dot_general3A_54 = arith.constant dense<0.000000e+00> : vector<2000x8xf32>
    %dot_general3A_55 = tpu.matmul %max3A_43, %get3A_53, %dot_general3A_54 {dimension_numbers = #tpu.dot_dimension_numbers<[1], [0], [0], [1], [0, 0, 1, 1], [], []>, transpose_lhs_hint = false} : vector<2000x32xf32>, vector<32x8xf32>, vector<2000x8xf32> -> vector<2000x8xf32>
    %get3A_56 = arith.constant 0 : index
    %get3A_57 = arith.constant 0 : index
    %get3A_58 = vector.load %arg7[%get3A_56, %get3A_57] : memref<32x8xf32, #tpu.memory_space<vmem>>, vector<32x8xf32>
    %dot_general3A_59 = arith.constant dense<0.000000e+00> : vector<2000x8xf32>
    %dot_general3A_60 = tpu.matmul %max3A_50, %get3A_58, %dot_general3A_59 {dimension_numbers = #tpu.dot_dimension_numbers<[1], [0], [0], [1], [0, 0, 1, 1], [], []>, transpose_lhs_hint = false} : vector<2000x32xf32>, vector<32x8xf32>, vector<2000x8xf32> -> vector<2000x8xf32>
    %add3A_61 = arith.addf %dot_general3A_55, %dot_general3A_60 : vector<2000x8xf32>
    %get3A_62 = arith.constant 0 : index
    %get3A_63 = arith.constant 0 : index
    %get3A_64 = vector.load %arg8[%get3A_62, %get3A_63] : memref<1x8xf32, #tpu.memory_space<vmem>>, vector<1x8xf32>
    %add3A_65 = vector.broadcast %get3A_64 : vector<1x8xf32> to vector<2000x8xf32>
    %add3A_66 = arith.addf %add3A_61, %add3A_65 : vector<2000x8xf32>
    %swap3A = arith.constant 0 : index
    %swap3A_67 = arith.constant 0 : index
    %swap3A_68 = vector.load %arg9[%swap3A, %swap3A_67] : memref<2000x8xf32, #tpu.memory_space<vmem>>, vector<2000x8xf32>
    tpu.vector_store %arg9[%swap3A, %swap3A_67], %add3A_66 {strides = array<i32>} : memref<2000x8xf32, #tpu.memory_space<vmem>>, vector<2000x8xf32>,
    return
  }
  func.func @transform_0(%arg0: i32) -> (i32, i32) {
    %c0_i32 = arith.constant 0 : i32
    %c0_i32_0 = arith.constant 0 : i32
    return %arg0, %c0_i32 : i32, i32
  }
  func.func @transform_1(%arg0: i32) -> (i32, i32) {
    %c0_i32 = arith.constant 0 : i32
    %c0_i32_0 = arith.constant 0 : i32
    return %arg0, %c0_i32 : i32, i32
  }
  func.func @transform_2(%arg0: i32) -> (i32, i32) {
    %c0_i32 = arith.constant 0 : i32
    %c0_i32_0 = arith.constant 0 : i32
    %c0_i32_1 = arith.constant 0 : i32
    return %c0_i32, %c0_i32_0 : i32, i32
  }
  func.func @transform_3(%arg0: i32) -> (i32, i32) {
    %c0_i32 = arith.constant 0 : i32
    %c0_i32_0 = arith.constant 0 : i32
    %c0_i32_1 = arith.constant 0 : i32
    return %c0_i32, %c0_i32_0 : i32, i32
  }
  func.func @transform_4(%arg0: i32) -> (i32, i32) {
    %c0_i32 = arith.constant 0 : i32
    %c0_i32_0 = arith.constant 0 : i32
    %c0_i32_1 = arith.constant 0 : i32
    return %c0_i32, %c0_i32_0 : i32, i32
  }
  func.func @transform_5(%arg0: i32) -> (i32, i32) {
    %c0_i32 = arith.constant 0 : i32
    %c0_i32_0 = arith.constant 0 : i32
    %c0_i32_1 = arith.constant 0 : i32
    return %c0_i32, %c0_i32_0 : i32, i32
  }
  func.func @transform_6(%arg0: i32) -> (i32, i32) {
    %c0_i32 = arith.constant 0 : i32
    %c0_i32_0 = arith.constant 0 : i32
    %c0_i32_1 = arith.constant 0 : i32
    return %c0_i32, %c0_i32_0 : i32, i32
  }
  func.func @transform_7(%arg0: i32) -> (i32, i32) {
    %c0_i32 = arith.constant 0 : i32
    %c0_i32_0 = arith.constant 0 : i32
    %c0_i32_1 = arith.constant 0 : i32
    return %c0_i32, %c0_i32_0 : i32, i32
  }
  func.func @transform_8(%arg0: i32) -> (i32, i32) {
    %c0_i32 = arith.constant 0 : i32
    %c0_i32_0 = arith.constant 0 : i32
    return %arg0, %c0_i32 : i32, i32
  }
}

</mosaic_0001>

<sc_bundles>
// kernel: kernel.7.cloned.1.call-start
scs
__scs_entry_jumppad:
0x0: {  	(pc) =	sbr.rel $0x88, $3  }
0x1: {  	(tag) =	ssettag $0x0;
	lr =	simm.s32 $0x1  }
0x2: {  	[smem:$0x3F84] =	sst lr;
	_ =	strace $0xD0000000  }
0x3: {  	_ = 	snop  }
0x4: {  	_ = 	snop  }
0x5: {  	_ = 	snop  }
0x6: {  	_ = 	snop  }
0x7: {  	_ = 	snop  }
__scs_overlays_trampoline_lowered:
0x8: {  	[smem:$0x3F93] =	sst s0  }
0x9: {  	[smem:$0x3F94] =	sst s1  }
0xa: {  	[smem:$0x3F95] =	sst s2  }
0xb: {  	[smem:$0x3F96] =	sst s3  }
0xc: {  	[smem:$0x3F97] =	sst s4  }
0xd: {  	[smem:$0x3F98] =	sst s5  }
0xe: {  	[smem:$0x3F99] =	sst s6  }
0xf: {  	[smem:$0x3F9A] =	sst s7  }
0x10: {  	[smem:$0x3F9B] =	sst s8  }
0x11: {  	[smem:$0x3F9C] =	sst s9;
	s0 =	simm.s32 @!p0 $0x0  }
0x12: {  	s1 =	sld [smem:$0x3F82];
	s0 =	simm.s32 @p0 $0x1  }
0x13: {  	[smem:$0x3F9D] =	sst s0;
	s0 =	simm.s32 @!p1 $0x0  }
0x14: {  	s2 =	sld [smem:$0x3F81];
	s0 =	simm.s32 @p1 $0x1  }
0x15: {  	[smem:$0x3F9E] =	sst s0;
	s0 =	simm.s32 @!p2 $0x0  }
0x16: {  	s3 =	sld [smem:$0x3FDB];
	s0 =	simm.s32 @p2 $0x1  }
0x17: {  	s4 =	simm.s32 $0x1BF5;
	[smem:$0x3FA0] =	sst s0  }
0x18: {  	s0 =	sld [smem:$0x3F83];
	_ =	swait.ge [sflag:s4], $0x0  }
0x19: {  	s7 =	sld [smem:$0x3F84]  }
0x1a: {  	s8 =	sadd.s32 $0xFFFFE003, lr  }
0x1b: {  	s9 =	sadd.s32 $0xFFFFFEF7, lr;
	s5 =	simm.s32 $0xFFFFFFFF;
	p2 =	slt.u32 s8, $0xFFFFF086  }
0x1c: {  	p1 =	slt.u32 s9, $0xF7A;
	s5 =	simm.s32 @!p2 $0x0  }
0x1d: {  	s5 =	simm.s32 @p1 $0x1;
	p0 =	seq.s32 s7, s2  }
0x1e: {  	s7 =	smul.u32 @!p0 $0xF7A, s2;
	p2 =	seq.s32 @!p0 s5, $0x0  }
0x1f: {  	s9 =	smul.u32 $0xF7A, s1;
	s8 =	simm.s32 @!p0 $0x1BF5;
	p2 =	por !p2, p0  }
0x20: {  	[sflag:s8] =	ssyncset.s32 @!p0 $0xFFFFF086;
	s6 =	sadd.s32 @!p0 s3, s7;
	s7 =	simm.s32 @!p0 $0x108  }
0x21: {  	s3 =	sadd.s32 s3, s9;
	s6 =	sadd.s32 @!p0 $0x88, s6;
	s7 =	simm.s32 @p2 $0x1082  }
0x22: {  	[simem:s7], [sflag:s8] =	dma.local @!p0 [hbm:s6], $0xF7A  }
0x23: {  	s9 =	sor.u32 $0xD0000000, s2;
	s6 =	simm.s32 $0x108;
	_ =	swait.ge @!p0 [sflag:s8], $0x0  }
0x24: {  	s3 =	sadd.s32 $0x88, s3;
	s6 =	simm.s32 @!p1 $0x1082;
	[sflag:s4] =	ssyncset.s32 $0xFFFFF086  }
0x25: {  	[simem:s6], [sflag:s4] =	dma.local [hbm:s3], $0xF7A  }
0x26: {  	[smem:$0x3F84] =	sst s1;
	(tag) =	ssettag s2;
	_ =	strace s9  }
0x27: {  	s1 =	sld [smem:$0x3F94]  }
0x28: {  	s2 =	sld [smem:$0x3F95]  }
0x29: {  	s4 =	sld [smem:$0x3F97]  }
0x2a: {  	p0 =	seq.s32 s5, $0x0;
	s5 =	sld [smem:$0x3F98]  }
0x2b: {  	s6 =	sld [smem:$0x3F99]  }
0x2c: {  	s7 =	sld [smem:$0x3F9A]  }
0x2d: {  	s3 =	simm.s32 $0x108;
	s8 =	sld [smem:$0x3F9B]  }
0x2e: {  	s3 =	simm.s32 @!p0 $0x1082;
	s9 =	sld [smem:$0x3F9C]  }
0x2f: {  	lr =	sadd.s32 s0, s3;
	s0 =	sld [smem:$0x3F93]  }
0x30: {  	s3 =	sld [smem:$0x3F96]  }
0x31: {  	[smem:$0x3F9F] =	sst s10  }
0x32: {  	s10 =	sld [smem:$0x3F9D];
	_ =	sdelay $0x3  }
0x33: {  	p0 =	seq.s32 s10, $0x1;
	s10 =	sld [smem:$0x3F9F];
	_ =	sdelay $0x3  }
0x34: {  	[smem:$0x3F9F] =	sst s10  }
0x35: {  	s10 =	sld [smem:$0x3F9E];
	_ =	sdelay $0x3  }
0x36: {  	p1 =	seq.s32 s10, $0x1;
	s10 =	sld [smem:$0x3F9F];
	_ =	sdelay $0x3  }
0x37: {  	[smem:$0x3F9F] =	sst s10  }
0x38: {  	s10 =	sld [smem:$0x3FA0]  }
0x39: {  	_ = 	snop;
	(pc) =	sbr.ind lr, $3  }
0x3a: {  	_ = 	snop  }
0x3b: {  	_ = 	snop  }
0x3c: {  	p2 =	seq.s32 s10, $0x1;
	s10 =	sld [smem:$0x3F9F]  }
0x3d: {  	_ =	shalt  }
0x3e: {  	_ =	shalt  }
0x3f: {  	_ =	shalt  }
0x40: {  	_ =	shalt  }
0x41: {  	_ =	shalt  }
0x42: {  	_ =	shalt  }
0x43: {  	_ =	shalt  }
0x44: {  	_ =	shalt  }
0x45: {  	_ =	shalt  }
0x46: {  	_ =	shalt  }
0x47: {  	_ =	shalt  }
0x48: {  	_ =	shalt  }
0x49: {  	_ =	shalt  }
0x4a: {  	_ =	shalt  }
0x4b: {  	_ =	shalt  }
0x4c: {  	_ =	shalt  }
0x4d: {  	_ =	shalt  }
0x4e: {  	_ =	shalt  }
0x4f: {  	_ =	shalt  }
0x50: {  	_ =	shalt  }
0x51: {  	_ =	shalt  }
0x52: {  	_ =	shalt  }
0x53: {  	_ =	shalt  }
0x54: {  	_ =	shalt  }
0x55: {  	_ =	shalt  }
0x56: {  	_ =	shalt  }
0x57: {  	_ =	shalt  }
0x58: {  	_ =	shalt  }
0x59: {  	_ =	shalt  }
0x5a: {  	_ =	shalt  }
0x5b: {  	_ =	shalt  }
0x5c: {  	_ =	shalt  }
0x5d: {  	_ =	shalt  }
0x5e: {  	_ =	shalt  }
0x5f: {  	_ =	shalt  }
0x60: {  	_ =	shalt  }
0x61: {  	_ =	shalt  }
0x62: {  	_ =	shalt  }
0x63: {  	_ =	shalt  }
0x64: {  	_ =	shalt  }
0x65: {  	_ =	shalt  }
0x66: {  	_ =	shalt  }
0x67: {  	_ =	shalt  }
0x68: {  	_ =	shalt  }
0x69: {  	_ =	shalt  }
0x6a: {  	_ =	shalt  }
0x6b: {  	_ =	shalt  }
0x6c: {  	_ =	shalt  }
0x6d: {  	_ =	shalt  }
0x6e: {  	_ =	shalt  }
0x6f: {  	_ =	shalt  }
0x70: {  	_ =	shalt  }
0x71: {  	_ =	shalt  }
0x72: {  	_ =	shalt  }
0x73: {  	_ =	shalt  }
0x74: {  	_ =	shalt  }
0x75: {  	_ =	shalt  }
0x76: {  	_ =	shalt  }
0x77: {  	_ =	shalt  }
0x78: {  	_ =	shalt  }
0x79: {  	_ =	shalt  }
0x7a: {  	_ =	shalt  }
0x7b: {  	_ =	shalt  }
0x7c: {  	_ =	shalt  }
0x7d: {  	_ =	shalt  }
0x7e: {  	_ =	shalt  }
0x7f: {  	_ =	shalt  }
0x80: {  	_ =	shalt  }
0x81: {  	_ =	shalt  }
0x82: {  	_ =	shalt  }
0x83: {  	_ =	shalt  }
0x84: {  	_ =	shalt  }
0x85: {  	_ =	shalt  }
0x86: {  	_ =	shalt  }
0x87: {  	_ =	shalt  }
.Lfunc_end0:
.L_simem_size_0:
called_computation_lowered:
.L_overlay_start_0:
0x88: {  	s2 =	sld [smem:$0x3FD9]  }
0x89: {  	s3 =	sld [smem:$0x3FFE];
	_ =	sdelay $0x1  }
0x8a: {  	s1 =	srdreg.scid  }
0x8b: {  	s0 =	sand.u32 $0x1, s1  }
0x8c: {  	s17 =	sshll.u32 s0, $0xA;
	s2 =	sadd.s32 s3, s2  }
0x8d: {  	s2 =	sadd.s32 s2, s17  }
0x8e: {  	[smem:$0x3FAB] =	sst s2  }
0x8f: {  	_ = 	snop  }
0x90: {  	s2 =	sld [smem:$0x3FC9]  }
0x91: {  	s18 =	sld [smem:$0x3FC8]  }
0x92: {  	s4 =	sld [smem:$0x3FD0];
	(tm) =	ssettm $0x1  }
0x93: {  	s5 =	sld [smem:$0x3FFB];
	_ =	sdelay $0x3  }
0x94: {  	_ =	strace s5  }
0x95: {  	s5 =	sld [smem:$0x3FFC];
	_ =	sdelay $0x3  }
0x96: {  	_ =	strace s5  }
0x97: {  	s5 =	sld [smem:$0x3FFD];
	_ =	sdelay $0x3  }
0x98: {  	_ =	strace s5  }
0x99: {  	_ =	strace $0x8FFFFFFF  }
0x9a: {  	s19 =	sld [smem:$0x3FDB];
	_ =	sdelay $0x1  }
0x9b: {  	s6 =	simm.s32 $_scs_section_size  }
0x9c: {  	s7 =	simm.s32 $_size__tile_overlayer_lowered;
	s8 =	simm.s32 $_tile_overlayer_lowered  }
0x9d: {  	s22 =	simm.s32 $0x1BFF;
	s21 =	sshll.u32 s8, $0x1;
	s5 =	sadd.s32 s6, s19  }
0x9e: {  	s9 =	simm.s32 $0x0;
	s20 =	sshll.u32 s7, $0x1;
	s7 =	sadd.s32 s21, s5  }
0x9f: {  	[timem:s9], [sflag:s22] =	dma.local [hbm:s7], s20  }
0xa0: {  	_ =	swait.ge [sflag:s22], s20  }
0xa1: {  	s6 =	ssub.s32 $0x0, s20;
	[sflag:s22] =	ssyncset.done $0x0  }
0xa2: {  	[sflag:s22] =	ssyncadd.s32 s6;
	_ =	sdelay $0x1  }
0xa3: {  	s23 =	simm.s32 $0x1B8B  }
0xa4: {  	_ =	swait.ge [sflag:s23], $0x1  }
0xa5: {  	[sflag:s23] =	ssyncset.done $0x0  }
0xa6: {  	s25 =	simm.s32 $0x1B8E;
	s24 =	sld [smem:$0x3FFE];
	[sflag:s23] =	ssyncadd.s32 $0xFFFFFFFF  }
0xa7: {  	s26 =	simm.s32 $execute0_lowered;
	[smem:$0x3FD2] =	sst s25  }
0xa8: {  	s7 =	sshll.u32 s26, $0x1;
	_ =	strace $0x80000046;
	[dreg:$0x1] =	wrdreg $0xFFFFFFFF  }
0xa9: {  	s28 =	simm.s32 $_size_execute0_lowered;
	s5 =	sadd.s32 s5, s7;
	[dreg:$0x0] =	wrdreg $0x0  }
0xaa: {  	s7 =	sshll.u32 s28, $0x1;
	[dreg:$0x2] =	wrdreg s5  }
0xab: {  	[dreg:$0x3] =	wrdreg s7  }
0xac: {  	[dreg:$0x4] =	wrdreg $0xC0  }
0xad: {  	_ =	task [dreg:s9], $0x5FFFF  }
0xae: {  	[dreg:$0x1] =	wrdreg $0xFFFFFFFF  }
0xaf: {  	[dreg:$0x0] =	wrdreg $0x60  }
0xb0: {  	[dreg:$0x2] =	wrdreg s2  }
0xb1: {  	[dreg:$0x3] =	wrdreg s18  }
0xb2: {  	[dreg:$0x4] =	wrdreg s24  }
0xb3: {  	[dreg:$0x5] =	wrdreg s4  }
0xb4: {  	[dreg:$0x6] =	wrdreg $0x184000  }
0xb5: {  	[dreg:$0x7] =	wrdreg $0x9  }
0xb6: {  	_ =	task.clear_ibuf [dreg:s9], $0x8FFFF;
	_ =	strace $0x90000046  }
0xb7: {  	s29 =	simm.s32 $0x9;
	_ =	strace $0x80000048  }
0xb8: {  	_ =	swait.ge [sflag:s29], $0x1  }
0xb9: {  	[sflag:s29] =	ssyncadd.s32 $0xFFFFFFFF  }
0xba: {  	_ =	strace $0x90000048  }
0xbb: {  	_ =	sfence  }
0xbc: {  	s30 =	sld [smem:$0x0];
	_ =	sdelay $0x2  }
0xbd: {  	s31 =	sshll.u32 s1, $0xD;
	s1 =	sshrl.u32 s1, $0x2  }
0xbe: {  	s3 =	sand.u32 $0x4000, s31;
	s1 =	sadd.s32 s1, s30  }
0xbf: {  	s0 =	sor.u32 s3, s0;
	s1 =	sshll.u32 s1, $0x11  }
0xc0: {  	s0 =	sor.u32 s1, s0  }
0xc1: {  	s0 =	sadd.s32 $0x8F2B, s0  }
0xc2: {  	[sflag:s0] =	ssyncadd.remote.s32 $0x1  }
0xc3: {  	_ =	sfence.sel $0xFFFF  }
0xc4: {  	[dreg:$0x0] =	wrdreg $0xFFFFFFFF;
	(pc) =	sbr.abs _section_cstart, $3  }
0xc5: {  	[dreg:$0x1] =	wrdreg $0xFFFFFFFF  }
0xc6: {  	_ =	task.clear_ibuf [dreg:s9], $0x2FFFF;
	_ =	strace $0x9FFFFFFF  }
0xc7: {  	(tm) =	ssettm $0x7FFFFFFF  }
tec
execute0_lowered:
.L_overlay_start_1:
0x0: {  	(tag) =	ssettag $0x1  }
0x1: {  	s16 =	rddreg [dreg:$0x0]  }
0x2: {  	s17 =	rddreg [dreg:$0x1]  }
0x3: {  	s0 =	rddreg [dreg:$0x2]  }
0x4: {  	s1 =	rddreg [dreg:$0x3]  }
0x5: {  	s3 =	rddreg [dreg:$0x4];
	s2 =	simm.s32 $0x0;
	s5 =	srdreg.scid  }
0x6: {  	s7 =	stileid.u32;
	s11 =	simm.s32 $0xC4;
	s28 =	simm.s32 $0x180  }
0x7: {  	s29 =	simm.s32 $0xC400;
	s30 =	simm.s32 $0x200;
	s31 =	simm.s32 $0x280  }
0x8: {  	[smem:$0x7FF] =	sst s2;
	s10 =	sand.u32 $0x1, s5;
	s21 =	sshll.u32 s7, $0x1  }
0x9: {  	p0 =	slt.u32 s7, $0x5;
	s5 =	sadd.s32 $0x188C00, s0;
	s23 =	sadd.s32 $0x2000, s0  }
0xa: {  	_ =	strace $0x80000047;
	s6 =	sor.u32 s10, s21;
	s11 =	simm.s32 @!p0 $0xC3  }
0xb: {  	s9 =	ssub.s32 $0x2, s10;
	[dreg:$0x6] =	wrdreg s23;
	s10 =	sshll.u32 s10, $0xD  }
0xc: {  	p0 =	sne.s32 s7, $0x0;
	s8 =	smul.u32 $0xC3, s6;
	s6 =	smin.u32 s6, $0xA  }
0xd: {  	s22 =	sand.u32 $0xC4, s11;
	s12 =	sshrl.u32 s9, $0x1;
	s1 =	sadd.s32 s1, s10  }
0xe: {  	s10 =	simm.s32 $0x2;
	[dreg:$0x10] =	wrdreg s1;
	s6 =	sadd.s32 s6, s8  }
0xf: {  	s8 =	sadd.s32 $0x24C200, s0;
	s0 =	ssub.s32 s9, s12;
	s9 =	sshrl.u32 s11, $0x2  }
0x10: {  	s11 =	sand.u32 $0x3, s11;
	s13 =	sadd.s32 s22, s6;
	s0 =	smax.u32 s0, $0x1  }
0x11: {  	p1 =	seq.s32 s11, $0x0;
	p2 =	seq.s32 s11, $0x1;
	p3 =	sne.s32 s11, $0x3  }
0x12: {  	s11 =	simm.s32 $0x3;
	s24 =	sshll.u32 s13, $0x4;
	s14 =	sshll.u32 s13, $0xA  }
0x13: {  	s15 =	sadd.s32 $0x1, s13;
	[dreg:$0x11] =	wrdreg s0;
	s0 =	simm.s32 $0x300  }
0x14: {  	s13 =	sadd.s32 $0x2, s13;
	s12 =	sand.u32 $0x1FFFFFF0, s24;
	s2 =	sand.u32 $0x1FFFFC00, s14  }
0x15: {  	s4 =	sshll.u32 s15, $0x4;
	s19 =	sshll.u32 s15, $0xA;
	s20 =	sshll.u32 s13, $0x4  }
0x16: {  	s15 =	simm.s32 $0x16400;
	s25 =	sadd.s32 s16, s12;
	s26 =	sadd.s32 s17, s12  }
0x17: {  	s12 =	sadd.s32 s8, s2;
	s14 =	sand.u32 $0x1FFFFFF0, s4;
	[dreg:$0x7] =	wrdreg s25  }
0x18: {  	s22 =	sand.u32 $0x1FFFFC00, s19;
	s23 =	sand.u32 $0x1FFFFFF0, s20;
	[dreg:$0x8] =	wrdreg s26  }
0x19: {  	s2 =	smov.u32 s16;
	[dreg:$0x9] =	wrdreg s12;
	s18 =	sadd.s32 s16, s14  }
0x1a: {  	s21 =	sadd.s32 s17, s14;
	s24 =	sadd.s32 s8, s22;
	s4 =	sadd.s32 s16, s23  }
0x1b: {  	s25 =	sshll.u32 s13, $0xA;
	s26 =	sadd.s32 s17, s23;
	[dreg:$0xa] =	wrdreg s18  }
0x1c: {  	s22 =	simm.s32 $0x80;
	s23 =	simm.s32 $0x400;
	[dreg:$0xb] =	wrdreg s21  }
0x1d: {  	s16 =	simm.s32 $0x380;
	s13 =	simm.s32 $0x12400;
	[dreg:$0xc] =	wrdreg s24  }
.Ltmp0:
0x1e: {  	s14 =	simm.s32 $0x14400;
	[dreg:$0xd] =	wrdreg s4;
	(pc) =	sbr.rel .LBB2_1-.Ltmp0, $4  }
0x1f: {  	s4 =	smov.u32 s17;
	[dreg:$0xe] =	wrdreg s26;
	s12 =	sand.u32 $0x1FFFFC00, s25  }
0x20: {  	s21 =	simm.s32 $0x4;
	s24 =	simm.s32 $0x4400;
	s25 =	simm.s32 $0x100  }
0x21: {  	s26 =	simm.s32 $0x8400;
	s17 =	simm.s32 $0x1;
	s12 =	sadd.s32 s8, s12  }
0x22: {  	s18 =	simm.s32 $0x10400;
	[dreg:$0xf] =	wrdreg s12;
	s12 =	simm.s32 $0x0  }
.LBB2_21:
0x23: {  	[bflag:$0x0] =	sbarrier.arrive $0xFFFF  }
0x24: {  	s7 =	rddreg [dreg:$0x10]  }
0x25: {  	s1 =	simm.s32 @!p0 $0x1C04;
	s19 =	rddreg [dreg:$0x13]  }
0x26: {  	[hbm:s7], [sflag:s1] =	dma.local @!p0 [spmem:s19], $0x2000  }
0x27: {  	s1 =	simm.s32 @!p0 $0x4  }
0x28: {  	_ =	swait.ge @!p0 [sflag:s1], $0x2000  }
0x29: {  	s12 =	sadd.s32 $0x1, s12;
	s20 =	rddreg [dreg:$0x11]  }
0x2a: {  	p4 =	sne.s32 s12, s20  }
.Ltmp1:
0x2b: {  	_ = 	snop;
	(pc) =	sbr.rel @!p4 .LBB2_22-.Ltmp1, $3  }
0x2c: {  	_ =	sdelay $0x1  }
0x2d: {  	[sflag:s1] =	ssyncset.done @!p0 $0x0  }
0x2e: {  	[sflag:s1] =	ssyncadd.s32 @!p0 $0xFFFFE000  }
.LBB2_1:
0x2f: {  	[dreg:$0x12] =	wrdreg s12  }
0x30: {  	s12 =	sshrl.u32 @!p0 s3, $0x3;
	s7 =	rddreg [dreg:$0x6]  }
0x31: {  	s1 =	simm.s32 @!p0 $0x1C04;
	[dreg:$0x13] =	wrdreg s12  }
0x32: {  	[spmem:s12], [sflag:s1] =	dma.local @!p0 [hbm:s7], $0x2000  }
0x33: {  	s1 =	simm.s32 @!p0 $0x4  }
0x34: {  	_ =	swait.ge @!p0 [sflag:s1], $0x2000  }
0x35: {  	[sflag:s1] =	ssyncset.done @!p0 $0x0  }
0x36: {  	[sflag:s1] =	ssyncadd.s32 @!p0 $0xFFFFE000  }
0x37: {  	s19 =	simm.s32 $0x0;
	[bflag:$0x0] =	sbarrier.arrive $0xFFFF  }
.LBB2_2:
0x38: {  	s1 =	sshll.u32 s19, $0x2  }
0x39: {  	s20 =	sadd.s32 s6, s1  }
0x3a: {  	s1 =	sshll.u32 s20, $0x4  }
0x3b: {  	s1 =	sand.u32 $0x1FFFFFF0, s1  }
0x3c: {  	s12 =	simm.s32 $0x0;
	s7 =	sadd.s32 s2, s1  }
0x3d: {  	[tilespmem:s12], [sflag:$0x4] =	stream.linear.gather [hbm4b:s7+s12], $0x200, $0x38;
	[tilespmem:$0x19400] =	vst v63  }
0x3e: {  	_ =	swait.ge [sflag:s21], $0x200  }
0x3f: {  	[sflag:s21] =	ssyncset.done $0x0  }
0x40: {  	[sflag:s21] =	ssyncadd.s32 $0xFFFFFE00  }
0x41: {  	[tilespmem:s23], [sflag:$0x1] =	stream.indirect.gather [hbm4b:s5+s22], $0x80, s12, s22, $0xb8;
	[tilespmem:$0x19400] =	vst v63  }
0x42: {  	_ = 	snop  }
0x43: {  	[tilespmem:s24], [sflag:$0x1] =	stream.indirect.gather [hbm4b:s5+s22], $0x80, s22, s22, $0xb8;
	[tilespmem:$0x19400] =	vst v63  }
0x44: {  	_ = 	snop  }
0x45: {  	[tilespmem:s26], [sflag:$0x1] =	stream.indirect.gather [hbm4b:s5+s22], $0x80, s25, s22, $0xb8;
	[tilespmem:$0x19400] =	vst v63  }
0x46: {  	_ = 	snop  }
0x47: {  	[tilespmem:s29], [sflag:$0x1] =	stream.indirect.gather [hbm4b:s5+s22], $0x80, s28, s22, $0xb8;
	[tilespmem:$0x19400] =	vst v63  }
0x48: {  	s1 =	sadd.s32 s4, s1  }
0x49: {  	[tilespmem:s30], [sflag:$0x4] =	stream.linear.gather [hbm4b:s1+s12], $0x80, $0x38;
	[tilespmem:$0x19400] =	vst v63  }
0x4a: {  	_ =	swait.ge [sflag:s21], $0x80  }
0x4b: {  	[sflag:s21] =	ssyncset.done $0x0  }
0x4c: {  	s7 =	sadd.s32 $0x10, s1;
	[sflag:s21] =	ssyncadd.s32 $0xFFFFFF80  }
0x4d: {  	[tilespmem:s31], [sflag:$0x4] =	stream.linear.gather [hbm4b:s7+s12], $0x80, $0x38;
	[tilespmem:$0x19400] =	vst v63  }
0x4e: {  	_ =	swait.ge [sflag:s21], $0x80  }
0x4f: {  	[sflag:s21] =	ssyncset.done $0x0  }
0x50: {  	s7 =	sadd.s32 $0x20, s1;
	[sflag:s21] =	ssyncadd.s32 $0xFFFFFF80  }
0x51: {  	[tilespmem:s0], [sflag:$0x4] =	stream.linear.gather [hbm4b:s7+s12], $0x80, $0x38;
	[tilespmem:$0x19400] =	vst v63  }
0x52: {  	_ =	swait.ge [sflag:s21], $0x80  }
0x53: {  	[sflag:s21] =	ssyncset.done $0x0  }
0x54: {  	s1 =	sadd.s32 $0x30, s1;
	[sflag:s21] =	ssyncadd.s32 $0xFFFFFF80  }
0x55: {  	[tilespmem:s16], [sflag:$0x4] =	stream.linear.gather [hbm4b:s1+s12], $0x80, $0x38;
	[tilespmem:$0x19400] =	vst v63  }
0x56: {  	_ =	swait.ge [sflag:s21], $0x80  }
0x57: {  	[sflag:s21] =	ssyncset.done $0x0  }
0x58: {  	[sflag:s21] =	ssyncadd.s32 $0xFFFFFF80  }
0x59: {  	_ =	swait.ge [sflag:s17], $0x4000  }
0x5a: {  	[sflag:s17] =	ssyncset.done $0x0  }
0x5b: {  	s12 =	simm.s32 $0x0;
	[sflag:s17] =	ssyncadd.s32 $0xFFFFC000  }
0x5c: {  	[spmem:s3] =	stream.indirect.scatter.add.f32 [tilespmem:s23], [sflag:$0x2], $0x80, s30, s22, $0xb8;
	[tilespmem:$0x19400] =	vst v63  }
0x5d: {  	v0 =	vld [tilespmem:s12+$0x440];
	_ =	sdelay $0x3  }
0x5e: {  	s7 =	simm.s32 $0x10440  }
0x5f: {  	[tilespmem:s7+$0xFFFFFFC0] =	vst v0  }
0x60: {  	v0 =	vld [tilespmem:s12+$0x450];
	_ =	sdelay $0x4  }
0x61: {  	[tilespmem:s7+$0xFFFFFFD0] =	vst v0  }
0x62: {  	v0 =	vld [tilespmem:s12+$0x460];
	_ =	sdelay $0x4  }
0x63: {  	[tilespmem:s7+$0xFFFFFFE0] =	vst v0  }
0x64: {  	v0 =	vld [tilespmem:s12+$0x470];
	_ =	sdelay $0x4  }
0x65: {  	[tilespmem:s7+$0xFFFFFFF0] =	vst v0  }
0x66: {  	v0 =	vld [tilespmem:s12+$0x4C0];
	_ =	sdelay $0x4  }
0x67: {  	[tilespmem:s7+$0x0] =	vst v0  }
0x68: {  	v0 =	vld [tilespmem:s12+$0x4D0];
	_ =	sdelay $0x4  }
0x69: {  	[tilespmem:s7+$0x10] =	vst v0  }
0x6a: {  	v0 =	vld [tilespmem:s12+$0x4E0];
	_ =	sdelay $0x4  }
0x6b: {  	[tilespmem:s7+$0x20] =	vst v0  }
0x6c: {  	v0 =	vld [tilespmem:s12+$0x4F0];
	_ =	sdelay $0x4  }
0x6d: {  	s1 =	simm.s32 $0x800;
	s12 =	simm.s32 $0x100;
	[tilespmem:s7+$0x30] =	vst v0  }
.LBB2_3:
0x6e: {  	p4 =	sne.s32 s1, $0xFC00;
	v0 =	vld [tilespmem:s12+$0x440];
	_ =	sdelay $0x3  }
0x6f: {  	s7 =	sadd.s32 $0x80, s7  }
0x70: {  	[tilespmem:s7+$0xFFFFFFC0] =	vst v0  }
0x71: {  	v0 =	vld [tilespmem:s12+$0x450];
	_ =	sdelay $0x4  }
0x72: {  	[tilespmem:s7+$0xFFFFFFD0] =	vst v0  }
0x73: {  	v0 =	vld [tilespmem:s12+$0x460];
	_ =	sdelay $0x4  }
0x74: {  	[tilespmem:s7+$0xFFFFFFE0] =	vst v0  }
0x75: {  	v0 =	vld [tilespmem:s12+$0x470];
	_ =	sdelay $0x4  }
0x76: {  	[tilespmem:s7+$0xFFFFFFF0] =	vst v0  }
0x77: {  	v0 =	vld [tilespmem:s12+$0x4C0];
	_ =	sdelay $0x4  }
0x78: {  	[tilespmem:s7+$0x0] =	vst v0  }
0x79: {  	v0 =	vld [tilespmem:s12+$0x4D0];
	_ =	sdelay $0x4  }
0x7a: {  	[tilespmem:s7+$0x10] =	vst v0  }
0x7b: {  	v0 =	vld [tilespmem:s12+$0x4E0];
	_ =	sdelay $0x4  }
0x7c: {  	[tilespmem:s7+$0x20] =	vst v0  }
0x7d: {  	v0 =	vld [tilespmem:s12+$0x4F0]  }
.Ltmp2:
0x7e: {  	(pc) =	sbr.rel @p4 .LBB2_3-.Ltmp2, $2  }
0x7f: {  	_ =	sdelay $0x2  }
0x80: {  	s12 =	sshra.s32 s1, $0x2;
	s1 =	sadd.s32 $0x400, s1;
	[tilespmem:s7+$0x30] =	vst v0  }
0x81: {  	v0 =	vld [tilespmem:s12+$0x440];
	_ =	sdelay $0x3  }
0x82: {  	s1 =	sadd.s32 $0x80, s7  }
0x83: {  	[tilespmem:s1+$0xFFFFFFC0] =	vst v0  }
0x84: {  	v0 =	vld [tilespmem:s12+$0x450];
	_ =	sdelay $0x4  }
0x85: {  	[tilespmem:s1+$0xFFFFFFD0] =	vst v0  }
0x86: {  	v0 =	vld [tilespmem:s12+$0x460];
	_ =	sdelay $0x4  }
0x87: {  	[tilespmem:s1+$0xFFFFFFE0] =	vst v0  }
0x88: {  	v0 =	vld [tilespmem:s12+$0x470];
	_ =	sdelay $0x4  }
0x89: {  	[tilespmem:s1+$0xFFFFFFF0] =	vst v0  }
0x8a: {  	v0 =	vld [tilespmem:s12+$0x4C0];
	_ =	sdelay $0x4  }
0x8b: {  	[tilespmem:s1+$0x0] =	vst v0  }
0x8c: {  	v0 =	vld [tilespmem:s12+$0x4D0];
	_ =	sdelay $0x4  }
0x8d: {  	[tilespmem:s1+$0x10] =	vst v0  }
0x8e: {  	v0 =	vld [tilespmem:s12+$0x4E0];
	_ =	sdelay $0x4  }
0x8f: {  	[tilespmem:s1+$0x20] =	vst v0  }
0x90: {  	v0 =	vld [tilespmem:s12+$0x4F0];
	_ =	sdelay $0x2  }
0x91: {  	s12 =	sshll.u32 s20, $0xA  }
0x92: {  	s7 =	sand.u32 $0x1FFFFC00, s12  }
0x93: {  	s12 =	simm.s32 $0x0;
	s7 =	sadd.s32 s8, s7;
	[tilespmem:s1+$0x30] =	vst v0  }
0x94: {  	[hbm4b:s7+s12] =	stream.linear.scatter [tilespmem:s18], [sflag:$0x3], $0x2000, $0x38;
	[tilespmem:$0x19400] =	vst v63  }
0x95: {  	_ =	swait.ge [sflag:s17], $0x4000  }
0x96: {  	[sflag:s17] =	ssyncset.done $0x0  }
0x97: {  	s12 =	simm.s32 $0x0;
	[sflag:s17] =	ssyncadd.s32 $0xFFFFC000  }
0x98: {  	[spmem:s3] =	stream.indirect.scatter.add.f32 [tilespmem:s24], [sflag:$0x2], $0x80, s31, s22, $0xb8;
	[tilespmem:$0x19400] =	vst v63  }
0x99: {  	v63 =	vld [tilespmem:s12+$0x4440];
	_ =	sdelay $0x3  }
0x9a: {  	s7 =	simm.s32 $0x12470  }
0x9b: {  	[tilespmem:s7+$0xFFFFFF90] =	vst v63  }
0x9c: {  	v0 =	vld [tilespmem:s12+$0x4450];
	_ =	sdelay $0x4  }
0x9d: {  	[tilespmem:s7+$0xFFFFFFA0] =	vst v0  }
0x9e: {  	v0 =	vld [tilespmem:s12+$0x4460];
	_ =	sdelay $0x4  }
0x9f: {  	[tilespmem:s7+$0xFFFFFFB0] =	vst v0  }
0xa0: {  	v0 =	vld [tilespmem:s12+$0x4470];
	_ =	sdelay $0x4  }
0xa1: {  	[tilespmem:s7+$0xFFFFFFC0] =	vst v0  }
0xa2: {  	v0 =	vld [tilespmem:s12+$0x44C0];
	_ =	sdelay $0x4  }
0xa3: {  	[tilespmem:s7+$0xFFFFFFD0] =	vst v0  }
0xa4: {  	v0 =	vld [tilespmem:s12+$0x44D0];
	_ =	sdelay $0x4  }
0xa5: {  	[tilespmem:s7+$0xFFFFFFE0] =	vst v0  }
0xa6: {  	v0 =	vld [tilespmem:s12+$0x44E0];
	_ =	sdelay $0x4  }
0xa7: {  	[tilespmem:s7+$0xFFFFFFF0] =	vst v0  }
0xa8: {  	v0 =	vld [tilespmem:s12+$0x44F0];
	_ =	sdelay $0x4  }
0xa9: {  	s1 =	simm.s32 $0x800;
	s12 =	simm.s32 $0x100;
	[tilespmem:s7+$0x0] =	vst v0  }
.LBB2_5:
0xaa: {  	p4 =	sne.s32 s1, $0xFC00;
	v0 =	vld [tilespmem:s12+$0x4440];
	_ =	sdelay $0x3  }
0xab: {  	s7 =	sadd.s32 $0x80, s7  }
0xac: {  	[tilespmem:s7+$0xFFFFFF90] =	vst v0  }
0xad: {  	v0 =	vld [tilespmem:s12+$0x4450];
	_ =	sdelay $0x4  }
0xae: {  	[tilespmem:s7+$0xFFFFFFA0] =	vst v0  }
0xaf: {  	v0 =	vld [tilespmem:s12+$0x4460];
	_ =	sdelay $0x4  }
0xb0: {  	[tilespmem:s7+$0xFFFFFFB0] =	vst v0  }
0xb1: {  	v0 =	vld [tilespmem:s12+$0x4470];
	_ =	sdelay $0x4  }
0xb2: {  	[tilespmem:s7+$0xFFFFFFC0] =	vst v0  }
0xb3: {  	v0 =	vld [tilespmem:s12+$0x44C0];
	_ =	sdelay $0x4  }
0xb4: {  	[tilespmem:s7+$0xFFFFFFD0] =	vst v0  }
0xb5: {  	v0 =	vld [tilespmem:s12+$0x44D0];
	_ =	sdelay $0x4  }
0xb6: {  	[tilespmem:s7+$0xFFFFFFE0] =	vst v0  }
0xb7: {  	v0 =	vld [tilespmem:s12+$0x44E0];
	_ =	sdelay $0x4  }
0xb8: {  	[tilespmem:s7+$0xFFFFFFF0] =	vst v0  }
0xb9: {  	v0 =	vld [tilespmem:s12+$0x44F0]  }
.Ltmp3:
0xba: {  	(pc) =	sbr.rel @p4 .LBB2_5-.Ltmp3, $2  }
0xbb: {  	_ =	sdelay $0x2  }
0xbc: {  	s12 =	sshra.s32 s1, $0x2;
	s1 =	sadd.s32 $0x400, s1;
	[tilespmem:s7+$0x0] =	vst v0  }
0xbd: {  	v0 =	vld [tilespmem:s12+$0x4440];
	_ =	sdelay $0x3  }
0xbe: {  	s1 =	sadd.s32 $0x80, s7  }
0xbf: {  	[tilespmem:s1+$0xFFFFFF90] =	vst v0  }
0xc0: {  	v0 =	vld [tilespmem:s12+$0x4450];
	_ =	sdelay $0x4  }
0xc1: {  	[tilespmem:s1+$0xFFFFFFA0] =	vst v0  }
0xc2: {  	v0 =	vld [tilespmem:s12+$0x4460];
	_ =	sdelay $0x4  }
0xc3: {  	[tilespmem:s1+$0xFFFFFFB0] =	vst v0  }
0xc4: {  	v0 =	vld [tilespmem:s12+$0x4470];
	_ =	sdelay $0x4  }
0xc5: {  	[tilespmem:s1+$0xFFFFFFC0] =	vst v0  }
0xc6: {  	v0 =	vld [tilespmem:s12+$0x44C0];
	_ =	sdelay $0x4  }
0xc7: {  	[tilespmem:s1+$0xFFFFFFD0] =	vst v0  }
0xc8: {  	v0 =	vld [tilespmem:s12+$0x44D0];
	_ =	sdelay $0x4  }
0xc9: {  	[tilespmem:s1+$0xFFFFFFE0] =	vst v0  }
0xca: {  	v0 =	vld [tilespmem:s12+$0x44E0];
	_ =	sdelay $0x4  }
0xcb: {  	[tilespmem:s1+$0xFFFFFFF0] =	vst v0  }
0xcc: {  	v0 =	vld [tilespmem:s12+$0x44F0];
	_ =	sdelay $0x1  }
0xcd: {  	s20 =	sshll.u32 s20, $0xD  }
0xce: {  	s7 =	sshrl.u32 s20, $0x3  }
0xcf: {  	s20 =	sadd.s32 s8, s7  }
0xd0: {  	s7 =	sadd.s32 $0x400, s20;
	s12 =	simm.s32 $0x0;
	[tilespmem:s1+$0x0] =	vst v0  }
0xd1: {  	[hbm4b:s7+s12] =	stream.linear.scatter [tilespmem:s13], [sflag:$0x3], $0x2000, $0x38;
	[tilespmem:$0x19400] =	vst v63  }
0xd2: {  	_ =	swait.ge [sflag:s17], $0x4000  }
0xd3: {  	[sflag:s17] =	ssyncset.done $0x0  }
0xd4: {  	s12 =	simm.s32 $0x0;
	[sflag:s17] =	ssyncadd.s32 $0xFFFFC000  }
0xd5: {  	[spmem:s3] =	stream.indirect.scatter.add.f32 [tilespmem:s26], [sflag:$0x2], $0x80, s0, s22, $0xb8;
	[tilespmem:$0x19400] =	vst v63  }
0xd6: {  	v63 =	vld [tilespmem:s12+$0x8440];
	_ =	sdelay $0x3  }
0xd7: {  	s7 =	simm.s32 $0x14400  }
0xd8: {  	[tilespmem:s7+$0x0] =	vst v63  }
0xd9: {  	v0 =	vld [tilespmem:s12+$0x8450];
	_ =	sdelay $0x4  }
0xda: {  	[tilespmem:s7+$0x10] =	vst v0  }
0xdb: {  	v0 =	vld [tilespmem:s12+$0x8460];
	_ =	sdelay $0x4  }
0xdc: {  	[tilespmem:s7+$0x20] =	vst v0  }
0xdd: {  	v0 =	vld [tilespmem:s12+$0x8470];
	_ =	sdelay $0x4  }
0xde: {  	[tilespmem:s7+$0x30] =	vst v0  }
0xdf: {  	v0 =	vld [tilespmem:s12+$0x84C0];
	_ =	sdelay $0x4  }
0xe0: {  	[tilespmem:s7+$0x40] =	vst v0  }
0xe1: {  	v0 =	vld [tilespmem:s12+$0x84D0];
	_ =	sdelay $0x4  }
0xe2: {  	[tilespmem:s7+$0x50] =	vst v0  }
0xe3: {  	v0 =	vld [tilespmem:s12+$0x84E0];
	_ =	sdelay $0x4  }
0xe4: {  	[tilespmem:s7+$0x60] =	vst v0  }
0xe5: {  	v0 =	vld [tilespmem:s12+$0x84F0];
	_ =	sdelay $0x4  }
0xe6: {  	s1 =	simm.s32 $0x800;
	s12 =	simm.s32 $0x100;
	[tilespmem:s7+$0x70] =	vst v0  }
.LBB2_7:
0xe7: {  	p4 =	sne.s32 s1, $0xFC00;
	v0 =	vld [tilespmem:s12+$0x8440];
	_ =	sdelay $0x3  }
0xe8: {  	s7 =	sadd.s32 $0x80, s7  }
0xe9: {  	[tilespmem:s7+$0x0] =	vst v0  }
0xea: {  	v0 =	vld [tilespmem:s12+$0x8450];
	_ =	sdelay $0x4  }
0xeb: {  	[tilespmem:s7+$0x10] =	vst v0  }
0xec: {  	v0 =	vld [tilespmem:s12+$0x8460];
	_ =	sdelay $0x4  }
0xed: {  	[tilespmem:s7+$0x20] =	vst v0  }
0xee: {  	v0 =	vld [tilespmem:s12+$0x8470];
	_ =	sdelay $0x4  }
0xef: {  	[tilespmem:s7+$0x30] =	vst v0  }
0xf0: {  	v0 =	vld [tilespmem:s12+$0x84C0];
	_ =	sdelay $0x4  }
0xf1: {  	[tilespmem:s7+$0x40] =	vst v0  }
0xf2: {  	v0 =	vld [tilespmem:s12+$0x84D0];
	_ =	sdelay $0x4  }
0xf3: {  	[tilespmem:s7+$0x50] =	vst v0  }
0xf4: {  	v0 =	vld [tilespmem:s12+$0x84E0];
	_ =	sdelay $0x4  }
0xf5: {  	[tilespmem:s7+$0x60] =	vst v0  }
0xf6: {  	v0 =	vld [tilespmem:s12+$0x84F0]  }
.Ltmp4:
0xf7: {  	(pc) =	sbr.rel @p4 .LBB2_7-.Ltmp4, $2  }
0xf8: {  	_ =	sdelay $0x2  }
0xf9: {  	s12 =	sshra.s32 s1, $0x2;
	s1 =	sadd.s32 $0x400, s1;
	[tilespmem:s7+$0x70] =	vst v0  }
0xfa: {  	v0 =	vld [tilespmem:s12+$0x8440];
	_ =	sdelay $0x3  }
0xfb: {  	s1 =	sadd.s32 $0x80, s7  }
0xfc: {  	[tilespmem:s1+$0x0] =	vst v0  }
0xfd: {  	v0 =	vld [tilespmem:s12+$0x8450];
	_ =	sdelay $0x4  }
0xfe: {  	[tilespmem:s1+$0x10] =	vst v0  }
0xff: {  	v0 =	vld [tilespmem:s12+$0x8460];
	_ =	sdelay $0x4  }
0x100: {  	[tilespmem:s1+$0x20] =	vst v0  }
0x101: {  	v0 =	vld [tilespmem:s12+$0x8470];
	_ =	sdelay $0x4  }
0x102: {  	[tilespmem:s1+$0x30] =	vst v0  }
0x103: {  	v0 =	vld [tilespmem:s12+$0x84C0];
	_ =	sdelay $0x4  }
0x104: {  	[tilespmem:s1+$0x40] =	vst v0  }
0x105: {  	v0 =	vld [tilespmem:s12+$0x84D0];
	_ =	sdelay $0x4  }
0x106: {  	[tilespmem:s1+$0x50] =	vst v0  }
0x107: {  	v0 =	vld [tilespmem:s12+$0x84E0];
	_ =	sdelay $0x4  }
0x108: {  	[tilespmem:s1+$0x60] =	vst v0  }
0x109: {  	v0 =	vld [tilespmem:s12+$0x84F0];
	_ =	sdelay $0x4  }
0x10a: {  	s7 =	sadd.s32 $0x800, s20;
	s12 =	simm.s32 $0x0;
	[tilespmem:s1+$0x70] =	vst v0  }
0x10b: {  	[hbm4b:s7+s12] =	stream.linear.scatter [tilespmem:s14], [sflag:$0x3], $0x2000, $0x38;
	[tilespmem:$0x19400] =	vst v63  }
0x10c: {  	_ =	swait.ge [sflag:s17], $0x4000  }
0x10d: {  	[sflag:s17] =	ssyncset.done $0x0  }
0x10e: {  	s12 =	simm.s32 $0x0;
	[sflag:s17] =	ssyncadd.s32 $0xFFFFC000  }
0x10f: {  	[spmem:s3] =	stream.indirect.scatter.add.f32 [tilespmem:s29], [sflag:$0x2], $0x80, s16, s22, $0xb8;
	[tilespmem:$0x19400] =	vst v63  }
0x110: {  	v63 =	vld [tilespmem:s12+$0xC440];
	_ =	sdelay $0x3  }
0x111: {  	s7 =	simm.s32 $0x16400  }
0x112: {  	[tilespmem:s7+$0x0] =	vst v63  }
0x113: {  	v0 =	vld [tilespmem:s12+$0xC450];
	_ =	sdelay $0x4  }
0x114: {  	[tilespmem:s7+$0x10] =	vst v0  }
0x115: {  	v0 =	vld [tilespmem:s12+$0xC460];
	_ =	sdelay $0x4  }
0x116: {  	[tilespmem:s7+$0x20] =	vst v0  }
0x117: {  	v0 =	vld [tilespmem:s12+$0xC470];
	_ =	sdelay $0x4  }
0x118: {  	[tilespmem:s7+$0x30] =	vst v0  }
0x119: {  	v0 =	vld [tilespmem:s12+$0xC4C0];
	_ =	sdelay $0x4  }
0x11a: {  	[tilespmem:s7+$0x40] =	vst v0  }
0x11b: {  	v0 =	vld [tilespmem:s12+$0xC4D0];
	_ =	sdelay $0x4  }
0x11c: {  	[tilespmem:s7+$0x50] =	vst v0  }
0x11d: {  	v0 =	vld [tilespmem:s12+$0xC4E0];
	_ =	sdelay $0x4  }
0x11e: {  	[tilespmem:s7+$0x60] =	vst v0  }
0x11f: {  	v0 =	vld [tilespmem:s12+$0xC4F0];
	_ =	sdelay $0x4  }
0x120: {  	s1 =	simm.s32 $0x800;
	s12 =	simm.s32 $0x100;
	[tilespmem:s7+$0x70] =	vst v0  }
.LBB2_9:
0x121: {  	p4 =	sne.s32 s1, $0xFC00;
	v0 =	vld [tilespmem:s12+$0xC440];
	_ =	sdelay $0x3  }
0x122: {  	s7 =	sadd.s32 $0x80, s7  }
0x123: {  	[tilespmem:s7+$0x0] =	vst v0  }
0x124: {  	v0 =	vld [tilespmem:s12+$0xC450];
	_ =	sdelay $0x4  }
0x125: {  	[tilespmem:s7+$0x10] =	vst v0  }
0x126: {  	v0 =	vld [tilespmem:s12+$0xC460];
	_ =	sdelay $0x4  }
0x127: {  	[tilespmem:s7+$0x20] =	vst v0  }
0x128: {  	v0 =	vld [tilespmem:s12+$0xC470];
	_ =	sdelay $0x4  }
0x129: {  	[tilespmem:s7+$0x30] =	vst v0  }
0x12a: {  	v0 =	vld [tilespmem:s12+$0xC4C0];
	_ =	sdelay $0x4  }
0x12b: {  	[tilespmem:s7+$0x40] =	vst v0  }
0x12c: {  	v0 =	vld [tilespmem:s12+$0xC4D0];
	_ =	sdelay $0x4  }
0x12d: {  	[tilespmem:s7+$0x50] =	vst v0  }
0x12e: {  	v0 =	vld [tilespmem:s12+$0xC4E0];
	_ =	sdelay $0x4  }
0x12f: {  	[tilespmem:s7+$0x60] =	vst v0  }
0x130: {  	v0 =	vld [tilespmem:s12+$0xC4F0]  }
.Ltmp5:
0x131: {  	(pc) =	sbr.rel @p4 .LBB2_9-.Ltmp5, $2  }
0x132: {  	_ =	sdelay $0x2  }
0x133: {  	s12 =	sshra.s32 s1, $0x2;
	s1 =	sadd.s32 $0x400, s1;
	[tilespmem:s7+$0x70] =	vst v0  }
0x134: {  	v0 =	vld [tilespmem:s12+$0xC440];
	_ =	sdelay $0x3  }
0x135: {  	s1 =	sadd.s32 $0x80, s7  }
0x136: {  	[tilespmem:s1+$0x0] =	vst v0  }
0x137: {  	v0 =	vld [tilespmem:s12+$0xC450];
	_ =	sdelay $0x4  }
0x138: {  	[tilespmem:s1+$0x10] =	vst v0  }
0x139: {  	v0 =	vld [tilespmem:s12+$0xC460];
	_ =	sdelay $0x4  }
0x13a: {  	[tilespmem:s1+$0x20] =	vst v0  }
0x13b: {  	v0 =	vld [tilespmem:s12+$0xC470];
	_ =	sdelay $0x4  }
0x13c: {  	[tilespmem:s1+$0x30] =	vst v0  }
0x13d: {  	v0 =	vld [tilespmem:s12+$0xC4C0];
	_ =	sdelay $0x4  }
0x13e: {  	[tilespmem:s1+$0x40] =	vst v0  }
0x13f: {  	v0 =	vld [tilespmem:s12+$0xC4D0];
	_ =	sdelay $0x4  }
0x140: {  	[tilespmem:s1+$0x50] =	vst v0  }
0x141: {  	v0 =	vld [tilespmem:s12+$0xC4E0];
	_ =	sdelay $0x4  }
0x142: {  	[tilespmem:s1+$0x60] =	vst v0  }
0x143: {  	v0 =	vld [tilespmem:s12+$0xC4F0];
	_ =	sdelay $0x4  }
0x144: {  	s12 =	sadd.s32 $0xC00, s20;
	s20 =	simm.s32 $0x0;
	[tilespmem:s1+$0x70] =	vst v0  }
0x145: {  	[hbm4b:s12+s20] =	stream.linear.scatter [tilespmem:s15], [sflag:$0x3], $0x2000, $0x38;
	[tilespmem:$0x19400] =	vst v63  }
0x146: {  	_ =	swait.ge [sflag:s10], $0x4000  }
0x147: {  	[sflag:s10] =	ssyncset.done $0x0  }
0x148: {  	[sflag:s10] =	ssyncadd.s32 $0xFFFFC000  }
0x149: {  	_ =	swait.ge [sflag:s10], $0x4000  }
0x14a: {  	[sflag:s10] =	ssyncset.done $0x0  }
0x14b: {  	[sflag:s10] =	ssyncadd.s32 $0xFFFFC000  }
0x14c: {  	_ =	swait.ge [sflag:s10], $0x4000  }
0x14d: {  	[sflag:s10] =	ssyncset.done $0x0  }
0x14e: {  	[sflag:s10] =	ssyncadd.s32 $0xFFFFC000  }
0x14f: {  	_ =	swait.ge [sflag:s10], $0x4000  }
0x150: {  	[sflag:s10] =	ssyncset.done $0x0  }
0x151: {  	[sflag:s10] =	ssyncadd.s32 $0xFFFFC000  }
0x152: {  	_ =	swait.ge [sflag:s11], $0x2000  }
0x153: {  	[sflag:s11] =	ssyncset.done $0x0  }
0x154: {  	[sflag:s11] =	ssyncadd.s32 $0xFFFFE000  }
0x155: {  	_ =	swait.ge [sflag:s11], $0x2000  }
0x156: {  	[sflag:s11] =	ssyncset.done $0x0  }
0x157: {  	s19 =	sadd.s32 $0x1, s19;
	[sflag:s11] =	ssyncadd.s32 $0xFFFFE000  }
0x158: {  	p4 =	sne.s32 s19, s9;
	_ =	swait.ge [sflag:s11], $0x2000  }
.Ltmp6:
0x159: {  	[sflag:s11] =	ssyncset.done $0x0;
	(pc) =	sbr.rel @p4 .LBB2_2-.Ltmp6, $4  }
0x15a: {  	[sflag:s11] =	ssyncadd.s32 $0xFFFFE000  }
0x15b: {  	_ =	swait.ge [sflag:s11], $0x2000  }
0x15c: {  	[sflag:s11] =	ssyncset.done $0x0  }
0x15d: {  	[sflag:s11] =	ssyncadd.s32 $0xFFFFE000  }
.Ltmp7:
0x15e: {  	(pc) =	sbr.rel @p1 .LBB2_21-.Ltmp7, $2  }
0x15f: {  	_ =	sdelay $0x2  }
0x160: {  	s12 =	rddreg [dreg:$0x12]  }
0x161: {  	s1 =	simm.s32 $0x0;
	s7 =	rddreg [dreg:$0x7]  }
0x162: {  	[tilespmem:s1], [sflag:$0x4] =	stream.linear.gather [hbm4b:s7+s1], $0x80, $0x38;
	[tilespmem:$0x19400] =	vst v63  }
0x163: {  	_ =	swait.ge [sflag:s21], $0x80  }
0x164: {  	[sflag:s21] =	ssyncset.done $0x0  }
0x165: {  	[sflag:s21] =	ssyncadd.s32 $0xFFFFFF80  }
0x166: {  	[tilespmem:s23], [sflag:$0x1] =	stream.indirect.gather [hbm4b:s5+s22], $0x80, s1, s22, $0xb8;
	[tilespmem:$0x19400] =	vst v63  }
0x167: {  	_ =	swait.ge [sflag:s17], $0x4000  }
0x168: {  	[sflag:s17] =	ssyncset.done $0x0  }
0x169: {  	s19 =	rddreg [dreg:$0x8];
	[sflag:s17] =	ssyncadd.s32 $0xFFFFC000  }
0x16a: {  	[tilespmem:s30], [sflag:$0x4] =	stream.linear.gather [hbm4b:s19+s1], $0x80, $0x38;
	[tilespmem:$0x19400] =	vst v63  }
0x16b: {  	_ =	swait.ge [sflag:s21], $0x80  }
0x16c: {  	[sflag:s21] =	ssyncset.done $0x0  }
0x16d: {  	s20 =	simm.s32 $0x0;
	[sflag:s21] =	ssyncadd.s32 $0xFFFFFF80  }
0x16e: {  	[spmem:s3] =	stream.indirect.scatter.add.f32 [tilespmem:s23], [sflag:$0x2], $0x80, s30, s22, $0xb8;
	[tilespmem:$0x19400] =	vst v63  }
0x16f: {  	v0 =	vld [tilespmem:s20+$0x440];
	_ =	sdelay $0x3  }
0x170: {  	s7 =	simm.s32 $0x10440  }
0x171: {  	[tilespmem:s7+$0xFFFFFFC0] =	vst v0  }
0x172: {  	v0 =	vld [tilespmem:s20+$0x450];
	_ =	sdelay $0x4  }
0x173: {  	[tilespmem:s7+$0xFFFFFFD0] =	vst v0  }
0x174: {  	v0 =	vld [tilespmem:s20+$0x460];
	_ =	sdelay $0x4  }
0x175: {  	[tilespmem:s7+$0xFFFFFFE0] =	vst v0  }
0x176: {  	v0 =	vld [tilespmem:s20+$0x470];
	_ =	sdelay $0x4  }
0x177: {  	[tilespmem:s7+$0xFFFFFFF0] =	vst v0  }
0x178: {  	v0 =	vld [tilespmem:s20+$0x4C0];
	_ =	sdelay $0x4  }
0x179: {  	[tilespmem:s7+$0x0] =	vst v0  }
0x17a: {  	v0 =	vld [tilespmem:s20+$0x4D0];
	_ =	sdelay $0x4  }
0x17b: {  	[tilespmem:s7+$0x10] =	vst v0  }
0x17c: {  	v0 =	vld [tilespmem:s20+$0x4E0];
	_ =	sdelay $0x4  }
0x17d: {  	[tilespmem:s7+$0x20] =	vst v0  }
0x17e: {  	v0 =	vld [tilespmem:s20+$0x4F0];
	_ =	sdelay $0x4  }
0x17f: {  	s12 =	simm.s32 $0x100;
	s1 =	simm.s32 $0x800;
	[tilespmem:s7+$0x30] =	vst v0  }
.LBB2_13:
0x180: {  	p4 =	sne.s32 s1, $0xFC00;
	v0 =	vld [tilespmem:s12+$0x440];
	_ =	sdelay $0x3  }
0x181: {  	s7 =	sadd.s32 $0x80, s7  }
0x182: {  	[tilespmem:s7+$0xFFFFFFC0] =	vst v0  }
0x183: {  	v0 =	vld [tilespmem:s12+$0x450];
	_ =	sdelay $0x4  }
0x184: {  	[tilespmem:s7+$0xFFFFFFD0] =	vst v0  }
0x185: {  	v0 =	vld [tilespmem:s12+$0x460];
	_ =	sdelay $0x4  }
0x186: {  	[tilespmem:s7+$0xFFFFFFE0] =	vst v0  }
0x187: {  	v0 =	vld [tilespmem:s12+$0x470];
	_ =	sdelay $0x4  }
0x188: {  	[tilespmem:s7+$0xFFFFFFF0] =	vst v0  }
0x189: {  	v0 =	vld [tilespmem:s12+$0x4C0];
	_ =	sdelay $0x4  }
0x18a: {  	[tilespmem:s7+$0x0] =	vst v0  }
0x18b: {  	v0 =	vld [tilespmem:s12+$0x4D0];
	_ =	sdelay $0x4  }
0x18c: {  	[tilespmem:s7+$0x10] =	vst v0  }
0x18d: {  	v0 =	vld [tilespmem:s12+$0x4E0];
	_ =	sdelay $0x4  }
0x18e: {  	[tilespmem:s7+$0x20] =	vst v0  }
0x18f: {  	v0 =	vld [tilespmem:s12+$0x4F0]  }
.Ltmp8:
0x190: {  	(pc) =	sbr.rel @p4 .LBB2_13-.Ltmp8, $2  }
0x191: {  	_ =	sdelay $0x2  }
0x192: {  	s12 =	sshra.s32 s1, $0x2;
	s1 =	sadd.s32 $0x400, s1;
	[tilespmem:s7+$0x30] =	vst v0  }
0x193: {  	v0 =	vld [tilespmem:s12+$0x440];
	_ =	sdelay $0x3  }
0x194: {  	s1 =	sadd.s32 $0x80, s7  }
0x195: {  	[tilespmem:s1+$0xFFFFFFC0] =	vst v0  }
0x196: {  	v0 =	vld [tilespmem:s12+$0x450];
	_ =	sdelay $0x4  }
0x197: {  	[tilespmem:s1+$0xFFFFFFD0] =	vst v0  }
0x198: {  	v0 =	vld [tilespmem:s12+$0x460];
	_ =	sdelay $0x4  }
0x199: {  	[tilespmem:s1+$0xFFFFFFE0] =	vst v0  }
0x19a: {  	v0 =	vld [tilespmem:s12+$0x470];
	_ =	sdelay $0x4  }
0x19b: {  	[tilespmem:s1+$0xFFFFFFF0] =	vst v0  }
0x19c: {  	v0 =	vld [tilespmem:s12+$0x4C0];
	_ =	sdelay $0x4  }
0x19d: {  	[tilespmem:s1+$0x0] =	vst v0  }
0x19e: {  	v0 =	vld [tilespmem:s12+$0x4D0];
	_ =	sdelay $0x4  }
0x19f: {  	[tilespmem:s1+$0x10] =	vst v0  }
0x1a0: {  	v0 =	vld [tilespmem:s12+$0x4E0];
	_ =	sdelay $0x4  }
0x1a1: {  	[tilespmem:s1+$0x20] =	vst v0  }
0x1a2: {  	v0 =	vld [tilespmem:s12+$0x4F0];
	_ =	sdelay $0x4  }
0x1a3: {  	s19 =	simm.s32 $0x0;
	s20 =	rddreg [dreg:$0x9];
	[tilespmem:s1+$0x30] =	vst v0  }
0x1a4: {  	[hbm4b:s20+s19] =	stream.linear.scatter [tilespmem:s18], [sflag:$0x3], $0x2000, $0x38;
	[tilespmem:$0x19400] =	vst v63  }
0x1a5: {  	_ =	swait.ge [sflag:s11], $0x2000  }
.Ltmp9:
0x1a6: {  	[sflag:s11] =	ssyncset.done $0x0;
	(pc) =	sbr.rel @p2 .LBB2_21-.Ltmp9, $4  }
0x1a7: {  	[sflag:s11] =	ssyncadd.s32 $0xFFFFE000  }
0x1a8: {  	_ =	swait.ge [sflag:s10], $0x4000  }
0x1a9: {  	[sflag:s10] =	ssyncset.done $0x0  }
0x1aa: {  	s12 =	rddreg [dreg:$0x12];
	[sflag:s10] =	ssyncadd.s32 $0xFFFFC000  }
0x1ab: {  	s1 =	simm.s32 $0x0;
	s7 =	rddreg [dreg:$0xa]  }
0x1ac: {  	[tilespmem:s1], [sflag:$0x4] =	stream.linear.gather [hbm4b:s7+s1], $0x80, $0x38;
	[tilespmem:$0x19400] =	vst v63  }
0x1ad: {  	_ =	swait.ge [sflag:s21], $0x80  }
0x1ae: {  	[sflag:s21] =	ssyncset.done $0x0  }
0x1af: {  	[sflag:s21] =	ssyncadd.s32 $0xFFFFFF80  }
0x1b0: {  	[tilespmem:s23], [sflag:$0x1] =	stream.indirect.gather [hbm4b:s5+s22], $0x80, s1, s22, $0xb8;
	[tilespmem:$0x19400] =	vst v63  }
0x1b1: {  	_ =	swait.ge [sflag:s17], $0x4000  }
0x1b2: {  	[sflag:s17] =	ssyncset.done $0x0  }
0x1b3: {  	s19 =	rddreg [dreg:$0xb];
	[sflag:s17] =	ssyncadd.s32 $0xFFFFC000  }
0x1b4: {  	[tilespmem:s30], [sflag:$0x4] =	stream.linear.gather [hbm4b:s19+s1], $0x80, $0x38;
	[tilespmem:$0x19400] =	vst v63  }
0x1b5: {  	_ =	swait.ge [sflag:s21], $0x80  }
0x1b6: {  	[sflag:s21] =	ssyncset.done $0x0  }
0x1b7: {  	s20 =	simm.s32 $0x0;
	[sflag:s21] =	ssyncadd.s32 $0xFFFFFF80  }
0x1b8: {  	[spmem:s3] =	stream.indirect.scatter.add.f32 [tilespmem:s23], [sflag:$0x2], $0x80, s30, s22, $0xb8;
	[tilespmem:$0x19400] =	vst v63  }
0x1b9: {  	v0 =	vld [tilespmem:s20+$0x440];
	_ =	sdelay $0x3  }
0x1ba: {  	s7 =	simm.s32 $0x10440  }
0x1bb: {  	[tilespmem:s7+$0xFFFFFFC0] =	vst v0  }
0x1bc: {  	v0 =	vld [tilespmem:s20+$0x450];
	_ =	sdelay $0x4  }
0x1bd: {  	[tilespmem:s7+$0xFFFFFFD0] =	vst v0  }
0x1be: {  	v0 =	vld [tilespmem:s20+$0x460];
	_ =	sdelay $0x4  }
0x1bf: {  	[tilespmem:s7+$0xFFFFFFE0] =	vst v0  }
0x1c0: {  	v0 =	vld [tilespmem:s20+$0x470];
	_ =	sdelay $0x4  }
0x1c1: {  	[tilespmem:s7+$0xFFFFFFF0] =	vst v0  }
0x1c2: {  	v0 =	vld [tilespmem:s20+$0x4C0];
	_ =	sdelay $0x4  }
0x1c3: {  	[tilespmem:s7+$0x0] =	vst v0  }
0x1c4: {  	v0 =	vld [tilespmem:s20+$0x4D0];
	_ =	sdelay $0x4  }
0x1c5: {  	[tilespmem:s7+$0x10] =	vst v0  }
0x1c6: {  	v0 =	vld [tilespmem:s20+$0x4E0];
	_ =	sdelay $0x4  }
0x1c7: {  	[tilespmem:s7+$0x20] =	vst v0  }
0x1c8: {  	v0 =	vld [tilespmem:s20+$0x4F0];
	_ =	sdelay $0x4  }
0x1c9: {  	s12 =	simm.s32 $0x100;
	s1 =	simm.s32 $0x800;
	[tilespmem:s7+$0x30] =	vst v0  }
.LBB2_16:
0x1ca: {  	p4 =	sne.s32 s1, $0xFC00;
	v0 =	vld [tilespmem:s12+$0x440];
	_ =	sdelay $0x3  }
0x1cb: {  	s7 =	sadd.s32 $0x80, s7  }
0x1cc: {  	[tilespmem:s7+$0xFFFFFFC0] =	vst v0  }
0x1cd: {  	v0 =	vld [tilespmem:s12+$0x450];
	_ =	sdelay $0x4  }
0x1ce: {  	[tilespmem:s7+$0xFFFFFFD0] =	vst v0  }
0x1cf: {  	v0 =	vld [tilespmem:s12+$0x460];
	_ =	sdelay $0x4  }
0x1d0: {  	[tilespmem:s7+$0xFFFFFFE0] =	vst v0  }
0x1d1: {  	v0 =	vld [tilespmem:s12+$0x470];
	_ =	sdelay $0x4  }
0x1d2: {  	[tilespmem:s7+$0xFFFFFFF0] =	vst v0  }
0x1d3: {  	v0 =	vld [tilespmem:s12+$0x4C0];
	_ =	sdelay $0x4  }
0x1d4: {  	[tilespmem:s7+$0x0] =	vst v0  }
0x1d5: {  	v0 =	vld [tilespmem:s12+$0x4D0];
	_ =	sdelay $0x4  }
0x1d6: {  	[tilespmem:s7+$0x10] =	vst v0  }
0x1d7: {  	v0 =	vld [tilespmem:s12+$0x4E0];
	_ =	sdelay $0x4  }
0x1d8: {  	[tilespmem:s7+$0x20] =	vst v0  }
0x1d9: {  	v0 =	vld [tilespmem:s12+$0x4F0]  }
.Ltmp10:
0x1da: {  	(pc) =	sbr.rel @p4 .LBB2_16-.Ltmp10, $2  }
0x1db: {  	_ =	sdelay $0x2  }
0x1dc: {  	s12 =	sshra.s32 s1, $0x2;
	s1 =	sadd.s32 $0x400, s1;
	[tilespmem:s7+$0x30] =	vst v0  }
0x1dd: {  	v0 =	vld [tilespmem:s12+$0x440];
	_ =	sdelay $0x3  }
0x1de: {  	s1 =	sadd.s32 $0x80, s7  }
0x1df: {  	[tilespmem:s1+$0xFFFFFFC0] =	vst v0  }
0x1e0: {  	v0 =	vld [tilespmem:s12+$0x450];
	_ =	sdelay $0x4  }
0x1e1: {  	[tilespmem:s1+$0xFFFFFFD0] =	vst v0  }
0x1e2: {  	v0 =	vld [tilespmem:s12+$0x460];
	_ =	sdelay $0x4  }
0x1e3: {  	[tilespmem:s1+$0xFFFFFFE0] =	vst v0  }
0x1e4: {  	v0 =	vld [tilespmem:s12+$0x470];
	_ =	sdelay $0x4  }
0x1e5: {  	[tilespmem:s1+$0xFFFFFFF0] =	vst v0  }
0x1e6: {  	v0 =	vld [tilespmem:s12+$0x4C0];
	_ =	sdelay $0x4  }
0x1e7: {  	[tilespmem:s1+$0x0] =	vst v0  }
0x1e8: {  	v0 =	vld [tilespmem:s12+$0x4D0];
	_ =	sdelay $0x4  }
0x1e9: {  	[tilespmem:s1+$0x10] =	vst v0  }
0x1ea: {  	v0 =	vld [tilespmem:s12+$0x4E0];
	_ =	sdelay $0x4  }
0x1eb: {  	[tilespmem:s1+$0x20] =	vst v0  }
0x1ec: {  	v0 =	vld [tilespmem:s12+$0x4F0];
	_ =	sdelay $0x4  }
0x1ed: {  	s19 =	simm.s32 $0x0;
	s20 =	rddreg [dreg:$0xc];
	[tilespmem:s1+$0x30] =	vst v0  }
0x1ee: {  	[hbm4b:s20+s19] =	stream.linear.scatter [tilespmem:s18], [sflag:$0x3], $0x2000, $0x38;
	[tilespmem:$0x19400] =	vst v63  }
0x1ef: {  	_ =	swait.ge [sflag:s11], $0x2000  }
.Ltmp11:
0x1f0: {  	[sflag:s11] =	ssyncset.done $0x0;
	(pc) =	sbr.rel @p3 .LBB2_21-.Ltmp11, $4  }
0x1f1: {  	[sflag:s11] =	ssyncadd.s32 $0xFFFFE000  }
0x1f2: {  	_ =	swait.ge [sflag:s10], $0x4000  }
0x1f3: {  	[sflag:s10] =	ssyncset.done $0x0  }
0x1f4: {  	s12 =	rddreg [dreg:$0x12];
	[sflag:s10] =	ssyncadd.s32 $0xFFFFC000  }
0x1f5: {  	s1 =	simm.s32 $0x0;
	s7 =	rddreg [dreg:$0xd]  }
0x1f6: {  	[tilespmem:s1], [sflag:$0x4] =	stream.linear.gather [hbm4b:s7+s1], $0x80, $0x38;
	[tilespmem:$0x19400] =	vst v63  }
0x1f7: {  	_ =	swait.ge [sflag:s21], $0x80  }
0x1f8: {  	[sflag:s21] =	ssyncset.done $0x0  }
0x1f9: {  	[sflag:s21] =	ssyncadd.s32 $0xFFFFFF80  }
0x1fa: {  	[tilespmem:s23], [sflag:$0x1] =	stream.indirect.gather [hbm4b:s5+s22], $0x80, s1, s22, $0xb8;
	[tilespmem:$0x19400] =	vst v63  }
0x1fb: {  	_ =	swait.ge [sflag:s17], $0x4000  }
0x1fc: {  	[sflag:s17] =	ssyncset.done $0x0  }
0x1fd: {  	s19 =	rddreg [dreg:$0xe];
	[sflag:s17] =	ssyncadd.s32 $0xFFFFC000  }
0x1fe: {  	[tilespmem:s30], [sflag:$0x4] =	stream.linear.gather [hbm4b:s19+s1], $0x80, $0x38;
	[tilespmem:$0x19400] =	vst v63  }
0x1ff: {  	_ =	swait.ge [sflag:s21], $0x80  }
0x200: {  	[sflag:s21] =	ssyncset.done $0x0  }
0x201: {  	s20 =	simm.s32 $0x0;
	[sflag:s21] =	ssyncadd.s32 $0xFFFFFF80  }
0x202: {  	[spmem:s3] =	stream.indirect.scatter.add.f32 [tilespmem:s23], [sflag:$0x2], $0x80, s30, s22, $0xb8;
	[tilespmem:$0x19400] =	vst v63  }
0x203: {  	v0 =	vld [tilespmem:s20+$0x440];
	_ =	sdelay $0x3  }
0x204: {  	s7 =	simm.s32 $0x10440  }
0x205: {  	[tilespmem:s7+$0xFFFFFFC0] =	vst v0  }
0x206: {  	v0 =	vld [tilespmem:s20+$0x450];
	_ =	sdelay $0x4  }
0x207: {  	[tilespmem:s7+$0xFFFFFFD0] =	vst v0  }
0x208: {  	v0 =	vld [tilespmem:s20+$0x460];
	_ =	sdelay $0x4  }
0x209: {  	[tilespmem:s7+$0xFFFFFFE0] =	vst v0  }
0x20a: {  	v0 =	vld [tilespmem:s20+$0x470];
	_ =	sdelay $0x4  }
0x20b: {  	[tilespmem:s7+$0xFFFFFFF0] =	vst v0  }
0x20c: {  	v0 =	vld [tilespmem:s20+$0x4C0];
	_ =	sdelay $0x4  }
0x20d: {  	[tilespmem:s7+$0x0] =	vst v0  }
0x20e: {  	v0 =	vld [tilespmem:s20+$0x4D0];
	_ =	sdelay $0x4  }
0x20f: {  	[tilespmem:s7+$0x10] =	vst v0  }
0x210: {  	v0 =	vld [tilespmem:s20+$0x4E0];
	_ =	sdelay $0x4  }
0x211: {  	[tilespmem:s7+$0x20] =	vst v0  }
0x212: {  	v0 =	vld [tilespmem:s20+$0x4F0];
	_ =	sdelay $0x4  }
0x213: {  	s12 =	simm.s32 $0x100;
	s1 =	simm.s32 $0x800;
	[tilespmem:s7+$0x30] =	vst v0  }
.LBB2_19:
0x214: {  	p4 =	sne.s32 s1, $0xFC00;
	v0 =	vld [tilespmem:s12+$0x440];
	_ =	sdelay $0x3  }
0x215: {  	s7 =	sadd.s32 $0x80, s7  }
0x216: {  	[tilespmem:s7+$0xFFFFFFC0] =	vst v0  }
0x217: {  	v0 =	vld [tilespmem:s12+$0x450];
	_ =	sdelay $0x4  }
0x218: {  	[tilespmem:s7+$0xFFFFFFD0] =	vst v0  }
0x219: {  	v0 =	vld [tilespmem:s12+$0x460];
	_ =	sdelay $0x4  }
0x21a: {  	[tilespmem:s7+$0xFFFFFFE0] =	vst v0  }
0x21b: {  	v0 =	vld [tilespmem:s12+$0x470];
	_ =	sdelay $0x4  }
0x21c: {  	[tilespmem:s7+$0xFFFFFFF0] =	vst v0  }
0x21d: {  	v0 =	vld [tilespmem:s12+$0x4C0];
	_ =	sdelay $0x4  }
0x21e: {  	[tilespmem:s7+$0x0] =	vst v0  }
0x21f: {  	v0 =	vld [tilespmem:s12+$0x4D0];
	_ =	sdelay $0x4  }
0x220: {  	[tilespmem:s7+$0x10] =	vst v0  }
0x221: {  	v0 =	vld [tilespmem:s12+$0x4E0];
	_ =	sdelay $0x4  }
0x222: {  	[tilespmem:s7+$0x20] =	vst v0  }
0x223: {  	v0 =	vld [tilespmem:s12+$0x4F0]  }
.Ltmp12:
0x224: {  	(pc) =	sbr.rel @p4 .LBB2_19-.Ltmp12, $2  }
0x225: {  	_ =	sdelay $0x2  }
0x226: {  	s12 =	sshra.s32 s1, $0x2;
	s1 =	sadd.s32 $0x400, s1;
	[tilespmem:s7+$0x30] =	vst v0  }
0x227: {  	v0 =	vld [tilespmem:s12+$0x440];
	_ =	sdelay $0x3  }
0x228: {  	s1 =	sadd.s32 $0x80, s7  }
0x229: {  	[tilespmem:s1+$0xFFFFFFC0] =	vst v0  }
0x22a: {  	v0 =	vld [tilespmem:s12+$0x450];
	_ =	sdelay $0x4  }
0x22b: {  	[tilespmem:s1+$0xFFFFFFD0] =	vst v0  }
0x22c: {  	v0 =	vld [tilespmem:s12+$0x460];
	_ =	sdelay $0x4  }
0x22d: {  	[tilespmem:s1+$0xFFFFFFE0] =	vst v0  }
0x22e: {  	v0 =	vld [tilespmem:s12+$0x470];
	_ =	sdelay $0x4  }
0x22f: {  	[tilespmem:s1+$0xFFFFFFF0] =	vst v0  }
0x230: {  	v0 =	vld [tilespmem:s12+$0x4C0];
	_ =	sdelay $0x4  }
0x231: {  	[tilespmem:s1+$0x0] =	vst v0  }
0x232: {  	v0 =	vld [tilespmem:s12+$0x4D0];
	_ =	sdelay $0x4  }
0x233: {  	[tilespmem:s1+$0x10] =	vst v0  }
0x234: {  	v0 =	vld [tilespmem:s12+$0x4E0];
	_ =	sdelay $0x4  }
0x235: {  	[tilespmem:s1+$0x20] =	vst v0  }
0x236: {  	v0 =	vld [tilespmem:s12+$0x4F0];
	_ =	sdelay $0x4  }
0x237: {  	s19 =	simm.s32 $0x0;
	s20 =	rddreg [dreg:$0xf];
	[tilespmem:s1+$0x30] =	vst v0  }
0x238: {  	[hbm4b:s20+s19] =	stream.linear.scatter [tilespmem:s18], [sflag:$0x3], $0x2000, $0x38;
	[tilespmem:$0x19400] =	vst v63  }
0x239: {  	_ =	swait.ge [sflag:s11], $0x2000  }
.Ltmp13:
0x23a: {  	[sflag:s11] =	ssyncset.done $0x0;
	(pc) =	sbr.rel .LBB2_21-.Ltmp13, $4  }
0x23b: {  	[sflag:s11] =	ssyncadd.s32 $0xFFFFE000  }
0x23c: {  	_ =	swait.ge [sflag:s10], $0x4000  }
0x23d: {  	[sflag:s10] =	ssyncset.done $0x0  }
0x23e: {  	s12 =	rddreg [dreg:$0x12];
	[sflag:s10] =	ssyncadd.s32 $0xFFFFC000  }
.LBB2_22:
0x23f: {  	_ =	sfence.sel $0x180000  }
0x240: {  	[bflag:$0x0] =	sbarrier.arrive $0xFFFF  }
0x241: {  	_ =	strace $0x90000047  }
0x242: {  	[bflag:$0x2] =	sbarrier.arrive $0xFFFF  }
0x243: {  	s0 =	rddreg [dreg:$0x5]  }
0x244: {  	s0 =	sadd.s32 @!p0 $0x100000, s0  }
0x245: {  	[sflag:s0] =	ssyncadd.tile.s32 @!p0 $0x1;
	_ =	shalt  }
.Lfunc_end2:
_tile_overlayer_lowered:
.L_overlay_start_2:
0x246: {  	(tag) =	ssettag $0x2  }
0x247: {  	s0 =	rddreg [dreg:$0x0];
	s2 =	stileid.u32  }
0x248: {  	s1 =	rddreg [dreg:$0x1];
	p0 =	sne.s32 s2, $0x0  }
0x249: {  	s3 =	rddreg [dreg:$0x2];
	[bflag:$0x3] =	sbarrier.arrive $0xFFFF;
	s2 =	simm.s32 @!p0 $0x1C04  }
0x24a: {  	[timem:s3], [sflag:s2] =	dma.local @!p0 [hbm:s0], s1  }
0x24b: {  	s0 =	simm.s32 @!p0 $0x4  }
0x24c: {  	_ =	swait.ge @!p0 [sflag:s0], s1  }
0x24d: {  	s1 =	ssub.s32 @!p0 $0x0, s1;
	[sflag:s0] =	ssyncset.done @!p0 $0x0  }
0x24e: {  	[sflag:s0] =	ssyncadd.s32 @!p0 s1  }
0x24f: {  	[bflag:$0x3] =	sbarrier.arrive $0xFFFF  }
0x250: {  	_ =	shalt  }

</sc_bundles>
